<compile_context>
chip_gen: v7x
topology: tpu7x:2x2x1
jax: 0.10.2.dev20260603
libtpu: 0.0.44.dev20260713+nightly
codegen_flags: <defaults>
</compile_context>

<pallas_src>
import functools
import jax
import jax.numpy as jnp
from jax import lax
from jax.experimental import pallas as pl
from jax.experimental.pallas import tpu as pltpu
from jax.experimental.pallas import tpu_sc as plsc

N = 10000
E = 320000
D = 128

NC = 2
NS = 16
NW = NC * NS
K = 128
W_CHUNKS = 80
EPW = W_CHUNKS * K
NPAD = 10240
NPW = NPAD // NS
ZR = 16

_MESH = plsc.VectorSubcoreMesh(core_axis_name="c", subcore_axis_name="s")


def _zero_shared(acc, zbuf, sub):

    def zero_row(r, carry):
        for cc in range(D // 16):
            zbuf[r, pl.ds(cc * 16, 16)] = jnp.zeros((16,), jnp.float32)
        return carry

    lax.fori_loop(0, ZR, zero_row, 0)
    for j in range(NPW // ZR):
        pltpu.sync_copy(zbuf, acc.at[pl.ds(sub * NPW + j * ZR, ZR)])


def _deg_body(dst_hbm, out_hbm, idx_v, ones_v, zbuf, acc):
    core = lax.axis_index("c")
    sub = lax.axis_index("s")
    wid = core * NS + sub

    def ones_row(r, carry):
        for cc in range(D // 16):
            ones_v[r, pl.ds(cc * 16, 16)] = jnp.ones((16,), jnp.float32)
        return carry

    lax.fori_loop(0, K, ones_row, 0)
    _zero_shared(acc, zbuf, sub)
    plsc.subcore_barrier()

    pltpu.sync_copy(dst_hbm.at[wid], idx_v)

    def chunk(j, carry):
        pltpu.sync_copy(ones_v, acc.at[idx_v.at[j]], add=True)
        return carry

    lax.fori_loop(0, W_CHUNKS, chunk, 0)
    plsc.subcore_barrier()
    pltpu.sync_copy(acc.at[pl.ds(sub * NPW, NPW)], out_hbm.at[core, sub])


@functools.partial(
    pl.kernel,
    out_type=jax.ShapeDtypeStruct((NC, NS, NPW, D), jnp.float32),
    mesh=_MESH,
    scratch_types=[
        pltpu.VMEM((W_CHUNKS, K), jnp.int32),
        pltpu.VMEM((K, D), jnp.float32),
        pltpu.VMEM((ZR, D), jnp.float32),
        pltpu.VMEM_SHARED((NPAD, D), jnp.float32),
    ],
)
def _deg_kernel(dst_hbm, out_hbm, idx_v, ones_v, zbuf, acc):
    _deg_body(dst_hbm, out_hbm, idx_v, ones_v, zbuf, acc)


def _edge_body(g_hbm, src_hbm, dst_hbm, out_hbm,
               sidx_v, didx_v, rows_v, zbuf, acc, sem):
    core = lax.axis_index("c")
    sub = lax.axis_index("s")
    wid = core * NS + sub

    _zero_shared(acc, zbuf, sub)
    plsc.subcore_barrier()

    pltpu.sync_copy(src_hbm.at[wid], sidx_v)
    pltpu.sync_copy(dst_hbm.at[wid], didx_v)

    def chunk(j, carry):
        pltpu.async_copy(g_hbm.at[sidx_v.at[j]], rows_v, sem).wait()
        pltpu.sync_copy(rows_v, acc.at[didx_v.at[j]], add=True)
        return carry

    lax.fori_loop(0, W_CHUNKS, chunk, 0)
    plsc.subcore_barrier()
    pltpu.sync_copy(acc.at[pl.ds(sub * NPW, NPW)], out_hbm.at[core, sub])


@functools.partial(
    pl.kernel,
    out_type=jax.ShapeDtypeStruct((NC, NS, NPW, D), jnp.float32),
    mesh=_MESH,
    scratch_types=[
        pltpu.VMEM((W_CHUNKS, K), jnp.int32),
        pltpu.VMEM((W_CHUNKS, K), jnp.int32),
        pltpu.VMEM((K, D), jnp.float32),
        pltpu.VMEM((ZR, D), jnp.float32),
        pltpu.VMEM_SHARED((NPAD, D), jnp.float32),
        pltpu.SemaphoreType.DMA,
    ],
)
def _edge_kernel(g_hbm, src_hbm, dst_hbm, out_hbm,
                 sidx_v, didx_v, rows_v, zbuf, acc, sem):
    _edge_body(g_hbm, src_hbm, dst_hbm, out_hbm,
               sidx_v, didx_v, rows_v, zbuf, acc, sem)



BR = 1000


def _mm_body(x_ref, w_ref, out_ref):
    out_ref[...] = jnp.dot(x_ref[...], w_ref[...],
                           preferred_element_type=jnp.float32)


def _tc_mm(x, w):
    return pl.pallas_call(
        _mm_body,
        grid=(N // BR,),
        in_specs=[
            pl.BlockSpec((BR, D), lambda i: (i, 0)),
            pl.BlockSpec((D, D), lambda i: (0, 0)),
        ],
        out_specs=pl.BlockSpec((BR, D), lambda i: (i, 0)),
        out_shape=jax.ShapeDtypeStruct((N, D), jnp.float32),
    )(x, w)


def _scale_body(d0_ref, d1_ref, h_ref, dinv_ref, g1_ref):
    deg = d0_ref[...] + d1_ref[...] + 1.0
    dinv = lax.rsqrt(jnp.maximum(deg, 1.0))
    dinv_ref[...] = dinv
    g1_ref[...] = h_ref[...] * dinv


def _tc_scale(deg, h):
    return pl.pallas_call(
        _scale_body,
        grid=(N // BR,),
        in_specs=[
            pl.BlockSpec((BR, D), lambda i: (i, 0)),
            pl.BlockSpec((BR, D), lambda i: (i, 0)),
            pl.BlockSpec((BR, D), lambda i: (i, 0)),
        ],
        out_specs=[
            pl.BlockSpec((BR, D), lambda i: (i, 0)),
            pl.BlockSpec((BR, D), lambda i: (i, 0)),
        ],
        out_shape=[
            jax.ShapeDtypeStruct((N, D), jnp.float32),
            jax.ShapeDtypeStruct((N, D), jnp.float32),
        ],
    )(deg[0], deg[1], h)


def _tc2_body(p0_ref, p1_ref, g_ref, dinv_ref, b_ref, w_ref, out_ref):
    agg = p0_ref[...] + p1_ref[...] + g_ref[...]
    xn = jax.nn.relu(agg * dinv_ref[...] + b_ref[...])
    h = jnp.dot(xn, w_ref[...], preferred_element_type=jnp.float32)
    out_ref[...] = h * dinv_ref[...]


def _tc3_body(p0_ref, p1_ref, g_ref, dinv_ref, b_ref, w_ref, b3_ref, out_ref):
    agg = p0_ref[...] + p1_ref[...] + g_ref[...]
    xn = jax.nn.relu(agg * dinv_ref[...] + b_ref[...])
    h = jnp.dot(xn, w_ref[...], preferred_element_type=jnp.float32)
    out_ref[...] = h + b3_ref[...]


def _tc_stage2(p, g, dinv, b, w):
    return pl.pallas_call(
        _tc2_body,
        grid=(N // BR,),
        in_specs=[
            pl.BlockSpec((BR, D), lambda i: (i, 0)),
            pl.BlockSpec((BR, D), lambda i: (i, 0)),
            pl.BlockSpec((BR, D), lambda i: (i, 0)),
            pl.BlockSpec((BR, D), lambda i: (i, 0)),
            pl.BlockSpec((1, D), lambda i: (0, 0)),
            pl.BlockSpec((D, D), lambda i: (0, 0)),
        ],
        out_specs=pl.BlockSpec((BR, D), lambda i: (i, 0)),
        out_shape=jax.ShapeDtypeStruct((N, D), jnp.float32),
    )(p[0], p[1], g, dinv, b.reshape(1, D), w)


def _tc_stage3(p, g, dinv, b, w, b3):
    return pl.pallas_call(
        _tc3_body,
        grid=(N // BR,),
        in_specs=[
            pl.BlockSpec((BR, D), lambda i: (i, 0)),
            pl.BlockSpec((BR, D), lambda i: (i, 0)),
            pl.BlockSpec((BR, D), lambda i: (i, 0)),
            pl.BlockSpec((BR, D), lambda i: (i, 0)),
            pl.BlockSpec((1, D), lambda i: (0, 0)),
            pl.BlockSpec((D, D), lambda i: (0, 0)),
            pl.BlockSpec((1, D), lambda i: (0, 0)),
        ],
        out_specs=pl.BlockSpec((BR, D), lambda i: (i, 0)),
        out_shape=jax.ShapeDtypeStruct((N, D), jnp.float32),
    )(p[0], p[1], g, dinv, b.reshape(1, D), w, b3.reshape(1, D))


@jax.jit
def kernel(x, edge_index, W1, b1, W2, b2, W3, b3):
    pad_per_w = EPW - E // NW
    pad_dst = N + (jnp.arange(NW * pad_per_w, dtype=jnp.int32)
                   % (NPAD - N)).reshape(NW, pad_per_w)
    src = jnp.concatenate(
        [edge_index[0].reshape(NW, E // NW),
         jnp.zeros((NW, pad_per_w), jnp.int32)], axis=1
    ).reshape(NW, W_CHUNKS, K)
    dst = jnp.concatenate(
        [edge_index[1].reshape(NW, E // NW), pad_dst], axis=1
    ).reshape(NW, W_CHUNKS, K)

    deg = _deg_kernel(dst).reshape(NC, NPAD, D)
    h1 = _tc_mm(x, W1)
    dinv, g1 = _tc_scale(deg, h1)
    p1 = _edge_kernel(g1, src, dst).reshape(NC, NPAD, D)
    g2 = _tc_stage2(p1, g1, dinv, b1, W2)
    p2 = _edge_kernel(g2, src, dst).reshape(NC, NPAD, D)
    return _tc_stage3(p2, g2, dinv, b2, W3, b3)

# --- scband reference (transcript-rebuilt; emitter-appended) ---
"""Pipeline reference for scband-homogeneous-gnn-68401649156706 (READ-ONLY COPY).

The authoritative reference and input builder live on the scoring server;
editing this copy changes nothing except your own understanding.
"""

import jax, jax.numpy as jnp
import numpy as np

N = 10000
E = 320000
D_IN = 128
HID = 128
D_OUT = 128


def gcn_conv(x, edge_index, W, b):
    num_nodes = x.shape[0]
    loop = jnp.arange(num_nodes, dtype=edge_index.dtype)
    src = jnp.concatenate([edge_index[0], loop])
    dst = jnp.concatenate([edge_index[1], loop])
    h = x @ W
    ones = jnp.ones(src.shape[0], dtype=h.dtype)
    deg = jax.ops.segment_sum(ones, dst, num_segments=num_nodes)
    dinv = jax.lax.rsqrt(jnp.maximum(deg, 1.0))
    norm = dinv[src] * dinv[dst]
    msgs = h[src] * norm[:, None]
    out = jax.ops.segment_sum(msgs, dst, num_segments=num_nodes)
    return out + b


def setup_inputs(seed: int = 0):
    key = jax.random.key(seed)
    ks = jax.random.split(key, 8)
    x = jax.random.normal(ks[0], (N, D_IN), dtype=jnp.float32)
    edge_index = jax.random.randint(ks[1], (2, E), 0, N, dtype=jnp.int32)
    W1 = jax.random.normal(ks[2], (D_IN, HID), dtype=jnp.float32) * (1.0 / np.sqrt(D_IN))
    b1 = jnp.zeros((HID,), dtype=jnp.float32)
    W2 = jax.random.normal(ks[3], (HID, HID), dtype=jnp.float32) * (1.0 / np.sqrt(HID))
    b2 = jnp.zeros((HID,), dtype=jnp.float32)
    W3 = jax.random.normal(ks[4], (HID, D_OUT), dtype=jnp.float32) * (1.0 / np.sqrt(HID))
    b3 = jnp.zeros((D_OUT,), dtype=jnp.float32)
    return {"x": x, "edge_index": edge_index, "W1": W1, "b1": b1, "W2": W2, "b2": b2, "W3": W3, "b3": b3}


def reference(x, edge_index, W1, b1, W2, b2, W3, b3):
    h = jax.nn.relu(gcn_conv(x, edge_index, W1, b1))
    h = jax.nn.relu(gcn_conv(h, edge_index, W2, b2))
    return h @ W3 + b3

if __name__ == "__main__":
    import jax
    _d = setup_inputs()
    print(jax.jit(kernel)(*tuple(_d.values())))

</pallas_src>

<mosaic_0001>
#map = affine_map<(d0, d1) -> (0, 0)>
#map1 = affine_map<(d0, d1) -> (0, 0, 0)>
#map2 = affine_map<(d0, d1) -> (0, 0, 0, 0)>
module attributes {stable_mosaic.version = 14 : i64} {
  func.func @_edge_kernel(%arg0: i32, %arg1: i32, %arg2: memref<10000x128xf32, #tpu.memory_space<hbm>>, %arg3: memref<32x80x128xi32, #tpu.memory_space<hbm>>, %arg4: memref<32x80x128xi32, #tpu.memory_space<hbm>>, %arg5: memref<2x16x640x128xf32, #tpu.memory_space<hbm>>, %arg6: memref<80x128xi32, #tpu.memory_space<vmem>>, %arg7: memref<80x128xi32, #tpu.memory_space<vmem>>, %arg8: memref<128x128xf32, #tpu.memory_space<vmem>>, %arg9: memref<16x128xf32, #tpu.memory_space<vmem>>, %arg10: memref<10240x128xf32, #tpu.memory_space<vmem_shared>>, %arg11: memref<!tpu.dma_semaphore, #tpu.memory_space<semaphore_mem>>) attributes {dimension_semantics = [#tpu.dimension_semantics<core_parallel>, #tpu.dimension_semantics<subcore_parallel>], iteration_bounds = array<i64: 2, 16>, scalar_prefetch = 0 : i64, scratch_operands = 6 : i64, tpu.core_type = #tpu.core_type<sc_vector_subcore>, window_params = [{transform_indices = #map}, {transform_indices = #map1}, {transform_indices = #map1}, {transform_indices = #map2}]} {
    %mul3A = arith.constant 16 : i32
    %mul3A_0 = arith.muli %arg0, %mul3A : i32
    %add3A = arith.addi %mul3A_0, %arg1 : i32
    %scan3A = arith.constant 0 : i32
    %scan3A_1 = arith.constant 0 : i32
    %scan3A_2 = arith.constant 16 : i32
    %scan3A_3 = arith.addi %scan3A_1, %scan3A_2 : i32
    %scan3A_4 = arith.constant 1 : i32
    scf.for %scan3A_175 = %scan3A_1 to %scan3A_3 step %scan3A_4  : i32 {
      %broadcast_in_dim3A = arith.constant 0.000000e+00 : f32
      %broadcast_in_dim3A_176 = vector.broadcast %broadcast_in_dim3A : f32 to vector<16xf32>
      %swap3A = arith.index_cast %scan3A_175 : i32 to index
      %swap3A_177 = arith.constant 0 : index
      %swap3A_178 = tpu.vector_load %arg9[%swap3A, %swap3A_177] {strides = array<i32>} : memref<16x128xf32, #tpu.memory_space<vmem>>, vector<1x16xf32>,
      %swap3A_179 = vector.shape_cast %swap3A_178 : vector<1x16xf32> to vector<16xf32>
      %swap3A_180 = vector.shape_cast %broadcast_in_dim3A_176 : vector<16xf32> to vector<1x16xf32>
      tpu.vector_store %arg9[%swap3A, %swap3A_177], %swap3A_180 {strides = array<i32>} : memref<16x128xf32, #tpu.memory_space<vmem>>, vector<1x16xf32>,
      %broadcast_in_dim3A_181 = arith.constant 0.000000e+00 : f32
      %broadcast_in_dim3A_182 = vector.broadcast %broadcast_in_dim3A_181 : f32 to vector<16xf32>
      %swap3A_183 = arith.index_cast %scan3A_175 : i32 to index
      %swap3A_184 = arith.constant 16 : index
      %swap3A_185 = tpu.vector_load %arg9[%swap3A_183, %swap3A_184] {strides = array<i32>} : memref<16x128xf32, #tpu.memory_space<vmem>>, vector<1x16xf32>,
      %swap3A_186 = vector.shape_cast %swap3A_185 : vector<1x16xf32> to vector<16xf32>
      %swap3A_187 = vector.shape_cast %broadcast_in_dim3A_182 : vector<16xf32> to vector<1x16xf32>
      tpu.vector_store %arg9[%swap3A_183, %swap3A_184], %swap3A_187 {strides = array<i32>} : memref<16x128xf32, #tpu.memory_space<vmem>>, vector<1x16xf32>,
      %broadcast_in_dim3A_188 = arith.constant 0.000000e+00 : f32
      %broadcast_in_dim3A_189 = vector.broadcast %broadcast_in_dim3A_188 : f32 to vector<16xf32>
      %swap3A_190 = arith.index_cast %scan3A_175 : i32 to index
      %swap3A_191 = arith.constant 32 : index
      %swap3A_192 = tpu.vector_load %arg9[%swap3A_190, %swap3A_191] {strides = array<i32>} : memref<16x128xf32, #tpu.memory_space<vmem>>, vector<1x16xf32>,
      %swap3A_193 = vector.shape_cast %swap3A_192 : vector<1x16xf32> to vector<16xf32>
      %swap3A_194 = vector.shape_cast %broadcast_in_dim3A_189 : vector<16xf32> to vector<1x16xf32>
      tpu.vector_store %arg9[%swap3A_190, %swap3A_191], %swap3A_194 {strides = array<i32>} : memref<16x128xf32, #tpu.memory_space<vmem>>, vector<1x16xf32>,
      %broadcast_in_dim3A_195 = arith.constant 0.000000e+00 : f32
      %broadcast_in_dim3A_196 = vector.broadcast %broadcast_in_dim3A_195 : f32 to vector<16xf32>
      %swap3A_197 = arith.index_cast %scan3A_175 : i32 to index
      %swap3A_198 = arith.constant 48 : index
      %swap3A_199 = tpu.vector_load %arg9[%swap3A_197, %swap3A_198] {strides = array<i32>} : memref<16x128xf32, #tpu.memory_space<vmem>>, vector<1x16xf32>,
      %swap3A_200 = vector.shape_cast %swap3A_199 : vector<1x16xf32> to vector<16xf32>
      %swap3A_201 = vector.shape_cast %broadcast_in_dim3A_196 : vector<16xf32> to vector<1x16xf32>
      tpu.vector_store %arg9[%swap3A_197, %swap3A_198], %swap3A_201 {strides = array<i32>} : memref<16x128xf32, #tpu.memory_space<vmem>>, vector<1x16xf32>,
      %broadcast_in_dim3A_202 = arith.constant 0.000000e+00 : f32
      %broadcast_in_dim3A_203 = vector.broadcast %broadcast_in_dim3A_202 : f32 to vector<16xf32>
      %swap3A_204 = arith.index_cast %scan3A_175 : i32 to index
      %swap3A_205 = arith.constant 64 : index
      %swap3A_206 = tpu.vector_load %arg9[%swap3A_204, %swap3A_205] {strides = array<i32>} : memref<16x128xf32, #tpu.memory_space<vmem>>, vector<1x16xf32>,
      %swap3A_207 = vector.shape_cast %swap3A_206 : vector<1x16xf32> to vector<16xf32>
      %swap3A_208 = vector.shape_cast %broadcast_in_dim3A_203 : vector<16xf32> to vector<1x16xf32>
      tpu.vector_store %arg9[%swap3A_204, %swap3A_205], %swap3A_208 {strides = array<i32>} : memref<16x128xf32, #tpu.memory_space<vmem>>, vector<1x16xf32>,
      %broadcast_in_dim3A_209 = arith.constant 0.000000e+00 : f32
      %broadcast_in_dim3A_210 = vector.broadcast %broadcast_in_dim3A_209 : f32 to vector<16xf32>
      %swap3A_211 = arith.index_cast %scan3A_175 : i32 to index
      %swap3A_212 = arith.constant 80 : index
      %swap3A_213 = tpu.vector_load %arg9[%swap3A_211, %swap3A_212] {strides = array<i32>} : memref<16x128xf32, #tpu.memory_space<vmem>>, vector<1x16xf32>,
      %swap3A_214 = vector.shape_cast %swap3A_213 : vector<1x16xf32> to vector<16xf32>
      %swap3A_215 = vector.shape_cast %broadcast_in_dim3A_210 : vector<16xf32> to vector<1x16xf32>
      tpu.vector_store %arg9[%swap3A_211, %swap3A_212], %swap3A_215 {strides = array<i32>} : memref<16x128xf32, #tpu.memory_space<vmem>>, vector<1x16xf32>,
      %broadcast_in_dim3A_216 = arith.constant 0.000000e+00 : f32
      %broadcast_in_dim3A_217 = vector.broadcast %broadcast_in_dim3A_216 : f32 to vector<16xf32>
      %swap3A_218 = arith.index_cast %scan3A_175 : i32 to index
      %swap3A_219 = arith.constant 96 : index
      %swap3A_220 = tpu.vector_load %arg9[%swap3A_218, %swap3A_219] {strides = array<i32>} : memref<16x128xf32, #tpu.memory_space<vmem>>, vector<1x16xf32>,
      %swap3A_221 = vector.shape_cast %swap3A_220 : vector<1x16xf32> to vector<16xf32>
      %swap3A_222 = vector.shape_cast %broadcast_in_dim3A_217 : vector<16xf32> to vector<1x16xf32>
      tpu.vector_store %arg9[%swap3A_218, %swap3A_219], %swap3A_222 {strides = array<i32>} : memref<16x128xf32, #tpu.memory_space<vmem>>, vector<1x16xf32>,
      %broadcast_in_dim3A_223 = arith.constant 0.000000e+00 : f32
      %broadcast_in_dim3A_224 = vector.broadcast %broadcast_in_dim3A_223 : f32 to vector<16xf32>
      %swap3A_225 = arith.index_cast %scan3A_175 : i32 to index
      %swap3A_226 = arith.constant 112 : index
      %swap3A_227 = tpu.vector_load %arg9[%swap3A_225, %swap3A_226] {strides = array<i32>} : memref<16x128xf32, #tpu.memory_space<vmem>>, vector<1x16xf32>,
      %swap3A_228 = vector.shape_cast %swap3A_227 : vector<1x16xf32> to vector<16xf32>
      %swap3A_229 = vector.shape_cast %broadcast_in_dim3A_224 : vector<16xf32> to vector<1x16xf32>
      tpu.vector_store %arg9[%swap3A_225, %swap3A_226], %swap3A_229 {strides = array<i32>} : memref<16x128xf32, #tpu.memory_space<vmem>>, vector<1x16xf32>,
    }
    %scan3A_5 = arith.constant 16 : i32
    %mul3A_6 = arith.constant 640 : i32
    %mul3A_7 = arith.muli %arg1, %mul3A_6 : i32
    %add3A_8 = arith.constant 0 : i32
    %add3A_9 = arith.addi %mul3A_7, %add3A_8 : i32
    "tpu.region"() ({
      %run_scoped3A = tpu.sem_alloc : memref<!tpu.dma_semaphore, #tpu.memory_space<semaphore_mem>>
      %dma_start3A = arith.constant 0 : i32
      %dma_start3A_175 = tpu.memref_slice %arg10[%add3A_9, %dma_start3A] : memref<10240x128xf32, #tpu.memory_space<vmem_shared>> -> memref<16x128xf32, #tpu.memory_space<vmem_shared>>
      %dma_start3A_176 = arith.constant 0 : i32
      %dma_start3A_177 = tpu.memref_slice %arg10[%add3A_9, %dma_start3A_176] : memref<10240x128xf32, #tpu.memory_space<vmem_shared>> -> memref<16x128xf32, #tpu.memory_space<vmem_shared>>
      tpu.enqueue_dma source(%arg9 : memref<16x128xf32, #tpu.memory_space<vmem>>) target(%dma_start3A_177 : memref<16x128xf32, #tpu.memory_space<vmem_shared>>) target_semaphore(%run_scoped3A : memref<!tpu.dma_semaphore, #tpu.memory_space<semaphore_mem>>)
      %dma_wait3A = arith.constant 0 : i32
      %dma_wait3A_178 = tpu.memref_slice %arg10[%add3A_9, %dma_wait3A] : memref<10240x128xf32, #tpu.memory_space<vmem_shared>> -> memref<16x128xf32, #tpu.memory_space<vmem_shared>>
      %dma_wait3A_179 = arith.constant 0 : i32
      %dma_wait3A_180 = tpu.memref_slice %arg10[%add3A_9, %dma_wait3A_179] : memref<10240x128xf32, #tpu.memory_space<vmem_shared>> -> memref<16x128xf32, #tpu.memory_space<vmem_shared>>
      tpu.wait_dma2 semaphore(%run_scoped3A : memref<!tpu.dma_semaphore, #tpu.memory_space<semaphore_mem>>) src(%arg9 : memref<16x128xf32, #tpu.memory_space<vmem>>) dst(%dma_wait3A_180 : memref<16x128xf32, #tpu.memory_space<vmem_shared>>)
      tpu.yield
    }) : () -> ()
    %mul3A_10 = arith.constant 640 : i32
    %mul3A_11 = arith.muli %arg1, %mul3A_10 : i32
    %add3A_12 = arith.constant 16 : i32
    %add3A_13 = arith.addi %mul3A_11, %add3A_12 : i32
    "tpu.region"() ({
      %run_scoped3A = tpu.sem_alloc : memref<!tpu.dma_semaphore, #tpu.memory_space<semaphore_mem>>
      %dma_start3A = arith.constant 0 : i32
      %dma_start3A_175 = tpu.memref_slice %arg10[%add3A_13, %dma_start3A] : memref<10240x128xf32, #tpu.memory_space<vmem_shared>> -> memref<16x128xf32, #tpu.memory_space<vmem_shared>>
      %dma_start3A_176 = arith.constant 0 : i32
      %dma_start3A_177 = tpu.memref_slice %arg10[%add3A_13, %dma_start3A_176] : memref<10240x128xf32, #tpu.memory_space<vmem_shared>> -> memref<16x128xf32, #tpu.memory_space<vmem_shared>>
      tpu.enqueue_dma source(%arg9 : memref<16x128xf32, #tpu.memory_space<vmem>>) target(%dma_start3A_177 : memref<16x128xf32, #tpu.memory_space<vmem_shared>>) target_semaphore(%run_scoped3A : memref<!tpu.dma_semaphore, #tpu.memory_space<semaphore_mem>>)
      %dma_wait3A = arith.constant 0 : i32
      %dma_wait3A_178 = tpu.memref_slice %arg10[%add3A_13, %dma_wait3A] : memref<10240x128xf32, #tpu.memory_space<vmem_shared>> -> memref<16x128xf32, #tpu.memory_space<vmem_shared>>
      %dma_wait3A_179 = arith.constant 0 : i32
      %dma_wait3A_180 = tpu.memref_slice %arg10[%add3A_13, %dma_wait3A_179] : memref<10240x128xf32, #tpu.memory_space<vmem_shared>> -> memref<16x128xf32, #tpu.memory_space<vmem_shared>>
      tpu.wait_dma2 semaphore(%run_scoped3A : memref<!tpu.dma_semaphore, #tpu.memory_space<semaphore_mem>>) src(%arg9 : memref<16x128xf32, #tpu.memory_space<vmem>>) dst(%dma_wait3A_180 : memref<16x128xf32, #tpu.memory_space<vmem_shared>>)
      tpu.yield
    }) : () -> ()
    %mul3A_14 = arith.constant 640 : i32
    %mul3A_15 = arith.muli %arg1, %mul3A_14 : i32
    %add3A_16 = arith.constant 32 : i32
    %add3A_17 = arith.addi %mul3A_15, %add3A_16 : i32
    "tpu.region"() ({
      %run_scoped3A = tpu.sem_alloc : memref<!tpu.dma_semaphore, #tpu.memory_space<semaphore_mem>>
      %dma_start3A = arith.constant 0 : i32
      %dma_start3A_175 = tpu.memref_slice %arg10[%add3A_17, %dma_start3A] : memref<10240x128xf32, #tpu.memory_space<vmem_shared>> -> memref<16x128xf32, #tpu.memory_space<vmem_shared>>
      %dma_start3A_176 = arith.constant 0 : i32
      %dma_start3A_177 = tpu.memref_slice %arg10[%add3A_17, %dma_start3A_176] : memref<10240x128xf32, #tpu.memory_space<vmem_shared>> -> memref<16x128xf32, #tpu.memory_space<vmem_shared>>
      tpu.enqueue_dma source(%arg9 : memref<16x128xf32, #tpu.memory_space<vmem>>) target(%dma_start3A_177 : memref<16x128xf32, #tpu.memory_space<vmem_shared>>) target_semaphore(%run_scoped3A : memref<!tpu.dma_semaphore, #tpu.memory_space<semaphore_mem>>)
      %dma_wait3A = arith.constant 0 : i32
      %dma_wait3A_178 = tpu.memref_slice %arg10[%add3A_17, %dma_wait3A] : memref<10240x128xf32, #tpu.memory_space<vmem_shared>> -> memref<16x128xf32, #tpu.memory_space<vmem_shared>>
      %dma_wait3A_179 = arith.constant 0 : i32
      %dma_wait3A_180 = tpu.memref_slice %arg10[%add3A_17, %dma_wait3A_179] : memref<10240x128xf32, #tpu.memory_space<vmem_shared>> -> memref<16x128xf32, #tpu.memory_space<vmem_shared>>
      tpu.wait_dma2 semaphore(%run_scoped3A : memref<!tpu.dma_semaphore, #tpu.memory_space<semaphore_mem>>) src(%arg9 : memref<16x128xf32, #tpu.memory_space<vmem>>) dst(%dma_wait3A_180 : memref<16x128xf32, #tpu.memory_space<vmem_shared>>)
      tpu.yield
    }) : () -> ()
    %mul3A_18 = arith.constant 640 : i32
    %mul3A_19 = arith.muli %arg1, %mul3A_18 : i32
    %add3A_20 = arith.constant 48 : i32
    %add3A_21 = arith.addi %mul3A_19, %add3A_20 : i32
    "tpu.region"() ({
      %run_scoped3A = tpu.sem_alloc : memref<!tpu.dma_semaphore, #tpu.memory_space<semaphore_mem>>
      %dma_start3A = arith.constant 0 : i32
      %dma_start3A_175 = tpu.memref_slice %arg10[%add3A_21, %dma_start3A] : memref<10240x128xf32, #tpu.memory_space<vmem_shared>> -> memref<16x128xf32, #tpu.memory_space<vmem_shared>>
      %dma_start3A_176 = arith.constant 0 : i32
      %dma_start3A_177 = tpu.memref_slice %arg10[%add3A_21, %dma_start3A_176] : memref<10240x128xf32, #tpu.memory_space<vmem_shared>> -> memref<16x128xf32, #tpu.memory_space<vmem_shared>>
      tpu.enqueue_dma source(%arg9 : memref<16x128xf32, #tpu.memory_space<vmem>>) target(%dma_start3A_177 : memref<16x128xf32, #tpu.memory_space<vmem_shared>>) target_semaphore(%run_scoped3A : memref<!tpu.dma_semaphore, #tpu.memory_space<semaphore_mem>>)
      %dma_wait3A = arith.constant 0 : i32
      %dma_wait3A_178 = tpu.memref_slice %arg10[%add3A_21, %dma_wait3A] : memref<10240x128xf32, #tpu.memory_space<vmem_shared>> -> memref<16x128xf32, #tpu.memory_space<vmem_shared>>
      %dma_wait3A_179 = arith.constant 0 : i32
      %dma_wait3A_180 = tpu.memref_slice %arg10[%add3A_21, %dma_wait3A_179] : memref<10240x128xf32, #tpu.memory_space<vmem_shared>> -> memref<16x128xf32, #tpu.memory_space<vmem_shared>>
      tpu.wait_dma2 semaphore(%run_scoped3A : memref<!tpu.dma_semaphore, #tpu.memory_space<semaphore_mem>>) src(%arg9 : memref<16x128xf32, #tpu.memory_space<vmem>>) dst(%dma_wait3A_180 : memref<16x128xf32, #tpu.memory_space<vmem_shared>>)
      tpu.yield
    }) : () -> ()
    %mul3A_22 = arith.constant 640 : i32
    %mul3A_23 = arith.muli %arg1, %mul3A_22 : i32
    %add3A_24 = arith.constant 64 : i32
    %add3A_25 = arith.addi %mul3A_23, %add3A_24 : i32
    "tpu.region"() ({
      %run_scoped3A = tpu.sem_alloc : memref<!tpu.dma_semaphore, #tpu.memory_space<semaphore_mem>>
      %dma_start3A = arith.constant 0 : i32
      %dma_start3A_175 = tpu.memref_slice %arg10[%add3A_25, %dma_start3A] : memref<10240x128xf32, #tpu.memory_space<vmem_shared>> -> memref<16x128xf32, #tpu.memory_space<vmem_shared>>
      %dma_start3A_176 = arith.constant 0 : i32
      %dma_start3A_177 = tpu.memref_slice %arg10[%add3A_25, %dma_start3A_176] : memref<10240x128xf32, #tpu.memory_space<vmem_shared>> -> memref<16x128xf32, #tpu.memory_space<vmem_shared>>
      tpu.enqueue_dma source(%arg9 : memref<16x128xf32, #tpu.memory_space<vmem>>) target(%dma_start3A_177 : memref<16x128xf32, #tpu.memory_space<vmem_shared>>) target_semaphore(%run_scoped3A : memref<!tpu.dma_semaphore, #tpu.memory_space<semaphore_mem>>)
      %dma_wait3A = arith.constant 0 : i32
      %dma_wait3A_178 = tpu.memref_slice %arg10[%add3A_25, %dma_wait3A] : memref<10240x128xf32, #tpu.memory_space<vmem_shared>> -> memref<16x128xf32, #tpu.memory_space<vmem_shared>>
      %dma_wait3A_179 = arith.constant 0 : i32
      %dma_wait3A_180 = tpu.memref_slice %arg10[%add3A_25, %dma_wait3A_179] : memref<10240x128xf32, #tpu.memory_space<vmem_shared>> -> memref<16x128xf32, #tpu.memory_space<vmem_shared>>
      tpu.wait_dma2 semaphore(%run_scoped3A : memref<!tpu.dma_semaphore, #tpu.memory_space<semaphore_mem>>) src(%arg9 : memref<16x128xf32, #tpu.memory_space<vmem>>) dst(%dma_wait3A_180 : memref<16x128xf32, #tpu.memory_space<vmem_shared>>)
      tpu.yield
    }) : () -> ()
    %mul3A_26 = arith.constant 640 : i32
    %mul3A_27 = arith.muli %arg1, %mul3A_26 : i32
    %add3A_28 = arith.constant 80 : i32
    %add3A_29 = arith.addi %mul3A_27, %add3A_28 : i32
    "tpu.region"() ({
      %run_scoped3A = tpu.sem_alloc : memref<!tpu.dma_semaphore, #tpu.memory_space<semaphore_mem>>
      %dma_start3A = arith.constant 0 : i32
      %dma_start3A_175 = tpu.memref_slice %arg10[%add3A_29, %dma_start3A] : memref<10240x128xf32, #tpu.memory_space<vmem_shared>> -> memref<16x128xf32, #tpu.memory_space<vmem_shared>>
      %dma_start3A_176 = arith.constant 0 : i32
      %dma_start3A_177 = tpu.memref_slice %arg10[%add3A_29, %dma_start3A_176] : memref<10240x128xf32, #tpu.memory_space<vmem_shared>> -> memref<16x128xf32, #tpu.memory_space<vmem_shared>>
      tpu.enqueue_dma source(%arg9 : memref<16x128xf32, #tpu.memory_space<vmem>>) target(%dma_start3A_177 : memref<16x128xf32, #tpu.memory_space<vmem_shared>>) target_semaphore(%run_scoped3A : memref<!tpu.dma_semaphore, #tpu.memory_space<semaphore_mem>>)
      %dma_wait3A = arith.constant 0 : i32
      %dma_wait3A_178 = tpu.memref_slice %arg10[%add3A_29, %dma_wait3A] : memref<10240x128xf32, #tpu.memory_space<vmem_shared>> -> memref<16x128xf32, #tpu.memory_space<vmem_shared>>
      %dma_wait3A_179 = arith.constant 0 : i32
      %dma_wait3A_180 = tpu.memref_slice %arg10[%add3A_29, %dma_wait3A_179] : memref<10240x128xf32, #tpu.memory_space<vmem_shared>> -> memref<16x128xf32, #tpu.memory_space<vmem_shared>>
      tpu.wait_dma2 semaphore(%run_scoped3A : memref<!tpu.dma_semaphore, #tpu.memory_space<semaphore_mem>>) src(%arg9 : memref<16x128xf32, #tpu.memory_space<vmem>>) dst(%dma_wait3A_180 : memref<16x128xf32, #tpu.memory_space<vmem_shared>>)
      tpu.yield
    }) : () -> ()
    %mul3A_30 = arith.constant 640 : i32
    %mul3A_31 = arith.muli %arg1, %mul3A_30 : i32
    %add3A_32 = arith.constant 96 : i32
    %add3A_33 = arith.addi %mul3A_31, %add3A_32 : i32
    "tpu.region"() ({
      %run_scoped3A = tpu.sem_alloc : memref<!tpu.dma_semaphore, #tpu.memory_space<semaphore_mem>>
      %dma_start3A = arith.constant 0 : i32
      %dma_start3A_175 = tpu.memref_slice %arg10[%add3A_33, %dma_start3A] : memref<10240x128xf32, #tpu.memory_space<vmem_shared>> -> memref<16x128xf32, #tpu.memory_space<vmem_shared>>
      %dma_start3A_176 = arith.constant 0 : i32
      %dma_start3A_177 = tpu.memref_slice %arg10[%add3A_33, %dma_start3A_176] : memref<10240x128xf32, #tpu.memory_space<vmem_shared>> -> memref<16x128xf32, #tpu.memory_space<vmem_shared>>
      tpu.enqueue_dma source(%arg9 : memref<16x128xf32, #tpu.memory_space<vmem>>) target(%dma_start3A_177 : memref<16x128xf32, #tpu.memory_space<vmem_shared>>) target_semaphore(%run_scoped3A : memref<!tpu.dma_semaphore, #tpu.memory_space<semaphore_mem>>)
      %dma_wait3A = arith.constant 0 : i32
      %dma_wait3A_178 = tpu.memref_slice %arg10[%add3A_33, %dma_wait3A] : memref<10240x128xf32, #tpu.memory_space<vmem_shared>> -> memref<16x128xf32, #tpu.memory_space<vmem_shared>>
      %dma_wait3A_179 = arith.constant 0 : i32
      %dma_wait3A_180 = tpu.memref_slice %arg10[%add3A_33, %dma_wait3A_179] : memref<10240x128xf32, #tpu.memory_space<vmem_shared>> -> memref<16x128xf32, #tpu.memory_space<vmem_shared>>
      tpu.wait_dma2 semaphore(%run_scoped3A : memref<!tpu.dma_semaphore, #tpu.memory_space<semaphore_mem>>) src(%arg9 : memref<16x128xf32, #tpu.memory_space<vmem>>) dst(%dma_wait3A_180 : memref<16x128xf32, #tpu.memory_space<vmem_shared>>)
      tpu.yield
    }) : () -> ()
    %mul3A_34 = arith.constant 640 : i32
    %mul3A_35 = arith.muli %arg1, %mul3A_34 : i32
    %add3A_36 = arith.constant 112 : i32
    %add3A_37 = arith.addi %mul3A_35, %add3A_36 : i32
    "tpu.region"() ({
      %run_scoped3A = tpu.sem_alloc : memref<!tpu.dma_semaphore, #tpu.memory_space<semaphore_mem>>
      %dma_start3A = arith.constant 0 : i32
      %dma_start3A_175 = tpu.memref_slice %arg10[%add3A_37, %dma_start3A] : memref<10240x128xf32, #tpu.memory_space<vmem_shared>> -> memref<16x128xf32, #tpu.memory_space<vmem_shared>>
      %dma_start3A_176 = arith.constant 0 : i32
      %dma_start3A_177 = tpu.memref_slice %arg10[%add3A_37, %dma_start3A_176] : memref<10240x128xf32, #tpu.memory_space<vmem_shared>> -> memref<16x128xf32, #tpu.memory_space<vmem_shared>>
      tpu.enqueue_dma source(%arg9 : memref<16x128xf32, #tpu.memory_space<vmem>>) target(%dma_start3A_177 : memref<16x128xf32, #tpu.memory_space<vmem_shared>>) target_semaphore(%run_scoped3A : memref<!tpu.dma_semaphore, #tpu.memory_space<semaphore_mem>>)
      %dma_wait3A = arith.constant 0 : i32
      %dma_wait3A_178 = tpu.memref_slice %arg10[%add3A_37, %dma_wait3A] : memref<10240x128xf32, #tpu.memory_space<vmem_shared>> -> memref<16x128xf32, #tpu.memory_space<vmem_shared>>
      %dma_wait3A_179 = arith.constant 0 : i32
      %dma_wait3A_180 = tpu.memref_slice %arg10[%add3A_37, %dma_wait3A_179] : memref<10240x128xf32, #tpu.memory_space<vmem_shared>> -> memref<16x128xf32, #tpu.memory_space<vmem_shared>>
      tpu.wait_dma2 semaphore(%run_scoped3A : memref<!tpu.dma_semaphore, #tpu.memory_space<semaphore_mem>>) src(%arg9 : memref<16x128xf32, #tpu.memory_space<vmem>>) dst(%dma_wait3A_180 : memref<16x128xf32, #tpu.memory_space<vmem_shared>>)
      tpu.yield
    }) : () -> ()
    %mul3A_38 = arith.constant 640 : i32
    %mul3A_39 = arith.muli %arg1, %mul3A_38 : i32
    %add3A_40 = arith.constant 128 : i32
    %add3A_41 = arith.addi %mul3A_39, %add3A_40 : i32
    "tpu.region"() ({
      %run_scoped3A = tpu.sem_alloc : memref<!tpu.dma_semaphore, #tpu.memory_space<semaphore_mem>>
      %dma_start3A = arith.constant 0 : i32
      %dma_start3A_175 = tpu.memref_slice %arg10[%add3A_41, %dma_start3A] : memref<10240x128xf32, #tpu.memory_space<vmem_shared>> -> memref<16x128xf32, #tpu.memory_space<vmem_shared>>
      %dma_start3A_176 = arith.constant 0 : i32
      %dma_start3A_177 = tpu.memref_slice %arg10[%add3A_41, %dma_start3A_176] : memref<10240x128xf32, #tpu.memory_space<vmem_shared>> -> memref<16x128xf32, #tpu.memory_space<vmem_shared>>
      tpu.enqueue_dma source(%arg9 : memref<16x128xf32, #tpu.memory_space<vmem>>) target(%dma_start3A_177 : memref<16x128xf32, #tpu.memory_space<vmem_shared>>) target_semaphore(%run_scoped3A : memref<!tpu.dma_semaphore, #tpu.memory_space<semaphore_mem>>)
      %dma_wait3A = arith.constant 0 : i32
      %dma_wait3A_178 = tpu.memref_slice %arg10[%add3A_41, %dma_wait3A] : memref<10240x128xf32, #tpu.memory_space<vmem_shared>> -> memref<16x128xf32, #tpu.memory_space<vmem_shared>>
      %dma_wait3A_179 = arith.constant 0 : i32
      %dma_wait3A_180 = tpu.memref_slice %arg10[%add3A_41, %dma_wait3A_179] : memref<10240x128xf32, #tpu.memory_space<vmem_shared>> -> memref<16x128xf32, #tpu.memory_space<vmem_shared>>
      tpu.wait_dma2 semaphore(%run_scoped3A : memref<!tpu.dma_semaphore, #tpu.memory_space<semaphore_mem>>) src(%arg9 : memref<16x128xf32, #tpu.memory_space<vmem>>) dst(%dma_wait3A_180 : memref<16x128xf32, #tpu.memory_space<vmem_shared>>)
      tpu.yield
    }) : () -> ()
    %mul3A_42 = arith.constant 640 : i32
    %mul3A_43 = arith.muli %arg1, %mul3A_42 : i32
    %add3A_44 = arith.constant 144 : i32
    %add3A_45 = arith.addi %mul3A_43, %add3A_44 : i32
    "tpu.region"() ({
      %run_scoped3A = tpu.sem_alloc : memref<!tpu.dma_semaphore, #tpu.memory_space<semaphore_mem>>
      %dma_start3A = arith.constant 0 : i32
      %dma_start3A_175 = tpu.memref_slice %arg10[%add3A_45, %dma_start3A] : memref<10240x128xf32, #tpu.memory_space<vmem_shared>> -> memref<16x128xf32, #tpu.memory_space<vmem_shared>>
      %dma_start3A_176 = arith.constant 0 : i32
      %dma_start3A_177 = tpu.memref_slice %arg10[%add3A_45, %dma_start3A_176] : memref<10240x128xf32, #tpu.memory_space<vmem_shared>> -> memref<16x128xf32, #tpu.memory_space<vmem_shared>>
      tpu.enqueue_dma source(%arg9 : memref<16x128xf32, #tpu.memory_space<vmem>>) target(%dma_start3A_177 : memref<16x128xf32, #tpu.memory_space<vmem_shared>>) target_semaphore(%run_scoped3A : memref<!tpu.dma_semaphore, #tpu.memory_space<semaphore_mem>>)
      %dma_wait3A = arith.constant 0 : i32
      %dma_wait3A_178 = tpu.memref_slice %arg10[%add3A_45, %dma_wait3A] : memref<10240x128xf32, #tpu.memory_space<vmem_shared>> -> memref<16x128xf32, #tpu.memory_space<vmem_shared>>
      %dma_wait3A_179 = arith.constant 0 : i32
      %dma_wait3A_180 = tpu.memref_slice %arg10[%add3A_45, %dma_wait3A_179] : memref<10240x128xf32, #tpu.memory_space<vmem_shared>> -> memref<16x128xf32, #tpu.memory_space<vmem_shared>>
      tpu.wait_dma2 semaphore(%run_scoped3A : memref<!tpu.dma_semaphore, #tpu.memory_space<semaphore_mem>>) src(%arg9 : memref<16x128xf32, #tpu.memory_space<vmem>>) dst(%dma_wait3A_180 : memref<16x128xf32, #tpu.memory_space<vmem_shared>>)
      tpu.yield
    }) : () -> ()
    %mul3A_46 = arith.constant 640 : i32
    %mul3A_47 = arith.muli %arg1, %mul3A_46 : i32
    %add3A_48 = arith.constant 160 : i32
    %add3A_49 = arith.addi %mul3A_47, %add3A_48 : i32
    "tpu.region"() ({
      %run_scoped3A = tpu.sem_alloc : memref<!tpu.dma_semaphore, #tpu.memory_space<semaphore_mem>>
      %dma_start3A = arith.constant 0 : i32
      %dma_start3A_175 = tpu.memref_slice %arg10[%add3A_49, %dma_start3A] : memref<10240x128xf32, #tpu.memory_space<vmem_shared>> -> memref<16x128xf32, #tpu.memory_space<vmem_shared>>
      %dma_start3A_176 = arith.constant 0 : i32
      %dma_start3A_177 = tpu.memref_slice %arg10[%add3A_49, %dma_start3A_176] : memref<10240x128xf32, #tpu.memory_space<vmem_shared>> -> memref<16x128xf32, #tpu.memory_space<vmem_shared>>
      tpu.enqueue_dma source(%arg9 : memref<16x128xf32, #tpu.memory_space<vmem>>) target(%dma_start3A_177 : memref<16x128xf32, #tpu.memory_space<vmem_shared>>) target_semaphore(%run_scoped3A : memref<!tpu.dma_semaphore, #tpu.memory_space<semaphore_mem>>)
      %dma_wait3A = arith.constant 0 : i32
      %dma_wait3A_178 = tpu.memref_slice %arg10[%add3A_49, %dma_wait3A] : memref<10240x128xf32, #tpu.memory_space<vmem_shared>> -> memref<16x128xf32, #tpu.memory_space<vmem_shared>>
      %dma_wait3A_179 = arith.constant 0 : i32
      %dma_wait3A_180 = tpu.memref_slice %arg10[%add3A_49, %dma_wait3A_179] : memref<10240x128xf32, #tpu.memory_space<vmem_shared>> -> memref<16x128xf32, #tpu.memory_space<vmem_shared>>
      tpu.wait_dma2 semaphore(%run_scoped3A : memref<!tpu.dma_semaphore, #tpu.memory_space<semaphore_mem>>) src(%arg9 : memref<16x128xf32, #tpu.memory_space<vmem>>) dst(%dma_wait3A_180 : memref<16x128xf32, #tpu.memory_space<vmem_shared>>)
      tpu.yield
    }) : () -> ()
    %mul3A_50 = arith.constant 640 : i32
    %mul3A_51 = arith.muli %arg1, %mul3A_50 : i32
    %add3A_52 = arith.constant 176 : i32
    %add3A_53 = arith.addi %mul3A_51, %add3A_52 : i32
    "tpu.region"() ({
      %run_scoped3A = tpu.sem_alloc : memref<!tpu.dma_semaphore, #tpu.memory_space<semaphore_mem>>
      %dma_start3A = arith.constant 0 : i32
      %dma_start3A_175 = tpu.memref_slice %arg10[%add3A_53, %dma_start3A] : memref<10240x128xf32, #tpu.memory_space<vmem_shared>> -> memref<16x128xf32, #tpu.memory_space<vmem_shared>>
      %dma_start3A_176 = arith.constant 0 : i32
      %dma_start3A_177 = tpu.memref_slice %arg10[%add3A_53, %dma_start3A_176] : memref<10240x128xf32, #tpu.memory_space<vmem_shared>> -> memref<16x128xf32, #tpu.memory_space<vmem_shared>>
      tpu.enqueue_dma source(%arg9 : memref<16x128xf32, #tpu.memory_space<vmem>>) target(%dma_start3A_177 : memref<16x128xf32, #tpu.memory_space<vmem_shared>>) target_semaphore(%run_scoped3A : memref<!tpu.dma_semaphore, #tpu.memory_space<semaphore_mem>>)
      %dma_wait3A = arith.constant 0 : i32
      %dma_wait3A_178 = tpu.memref_slice %arg10[%add3A_53, %dma_wait3A] : memref<10240x128xf32, #tpu.memory_space<vmem_shared>> -> memref<16x128xf32, #tpu.memory_space<vmem_shared>>
      %dma_wait3A_179 = arith.constant 0 : i32
      %dma_wait3A_180 = tpu.memref_slice %arg10[%add3A_53, %dma_wait3A_179] : memref<10240x128xf32, #tpu.memory_space<vmem_shared>> -> memref<16x128xf32, #tpu.memory_space<vmem_shared>>
      tpu.wait_dma2 semaphore(%run_scoped3A : memref<!tpu.dma_semaphore, #tpu.memory_space<semaphore_mem>>) src(%arg9 : memref<16x128xf32, #tpu.memory_space<vmem>>) dst(%dma_wait3A_180 : memref<16x128xf32, #tpu.memory_space<vmem_shared>>)
      tpu.yield
    }) : () -> ()
    %mul3A_54 = arith.constant 640 : i32
    %mul3A_55 = arith.muli %arg1, %mul3A_54 : i32
    %add3A_56 = arith.constant 192 : i32
    %add3A_57 = arith.addi %mul3A_55, %add3A_56 : i32
    "tpu.region"() ({
      %run_scoped3A = tpu.sem_alloc : memref<!tpu.dma_semaphore, #tpu.memory_space<semaphore_mem>>
      %dma_start3A = arith.constant 0 : i32
      %dma_start3A_175 = tpu.memref_slice %arg10[%add3A_57, %dma_start3A] : memref<10240x128xf32, #tpu.memory_space<vmem_shared>> -> memref<16x128xf32, #tpu.memory_space<vmem_shared>>
      %dma_start3A_176 = arith.constant 0 : i32
      %dma_start3A_177 = tpu.memref_slice %arg10[%add3A_57, %dma_start3A_176] : memref<10240x128xf32, #tpu.memory_space<vmem_shared>> -> memref<16x128xf32, #tpu.memory_space<vmem_shared>>
      tpu.enqueue_dma source(%arg9 : memref<16x128xf32, #tpu.memory_space<vmem>>) target(%dma_start3A_177 : memref<16x128xf32, #tpu.memory_space<vmem_shared>>) target_semaphore(%run_scoped3A : memref<!tpu.dma_semaphore, #tpu.memory_space<semaphore_mem>>)
      %dma_wait3A = arith.constant 0 : i32
      %dma_wait3A_178 = tpu.memref_slice %arg10[%add3A_57, %dma_wait3A] : memref<10240x128xf32, #tpu.memory_space<vmem_shared>> -> memref<16x128xf32, #tpu.memory_space<vmem_shared>>
      %dma_wait3A_179 = arith.constant 0 : i32
      %dma_wait3A_180 = tpu.memref_slice %arg10[%add3A_57, %dma_wait3A_179] : memref<10240x128xf32, #tpu.memory_space<vmem_shared>> -> memref<16x128xf32, #tpu.memory_space<vmem_shared>>
      tpu.wait_dma2 semaphore(%run_scoped3A : memref<!tpu.dma_semaphore, #tpu.memory_space<semaphore_mem>>) src(%arg9 : memref<16x128xf32, #tpu.memory_space<vmem>>) dst(%dma_wait3A_180 : memref<16x128xf32, #tpu.memory_space<vmem_shared>>)
      tpu.yield
    }) : () -> ()
    %mul3A_58 = arith.constant 640 : i32
    %mul3A_59 = arith.muli %arg1, %mul3A_58 : i32
    %add3A_60 = arith.constant 208 : i32
    %add3A_61 = arith.addi %mul3A_59, %add3A_60 : i32
    "tpu.region"() ({
      %run_scoped3A = tpu.sem_alloc : memref<!tpu.dma_semaphore, #tpu.memory_space<semaphore_mem>>
      %dma_start3A = arith.constant 0 : i32
      %dma_start3A_175 = tpu.memref_slice %arg10[%add3A_61, %dma_start3A] : memref<10240x128xf32, #tpu.memory_space<vmem_shared>> -> memref<16x128xf32, #tpu.memory_space<vmem_shared>>
      %dma_start3A_176 = arith.constant 0 : i32
      %dma_start3A_177 = tpu.memref_slice %arg10[%add3A_61, %dma_start3A_176] : memref<10240x128xf32, #tpu.memory_space<vmem_shared>> -> memref<16x128xf32, #tpu.memory_space<vmem_shared>>
      tpu.enqueue_dma source(%arg9 : memref<16x128xf32, #tpu.memory_space<vmem>>) target(%dma_start3A_177 : memref<16x128xf32, #tpu.memory_space<vmem_shared>>) target_semaphore(%run_scoped3A : memref<!tpu.dma_semaphore, #tpu.memory_space<semaphore_mem>>)
      %dma_wait3A = arith.constant 0 : i32
      %dma_wait3A_178 = tpu.memref_slice %arg10[%add3A_61, %dma_wait3A] : memref<10240x128xf32, #tpu.memory_space<vmem_shared>> -> memref<16x128xf32, #tpu.memory_space<vmem_shared>>
      %dma_wait3A_179 = arith.constant 0 : i32
      %dma_wait3A_180 = tpu.memref_slice %arg10[%add3A_61, %dma_wait3A_179] : memref<10240x128xf32, #tpu.memory_space<vmem_shared>> -> memref<16x128xf32, #tpu.memory_space<vmem_shared>>
      tpu.wait_dma2 semaphore(%run_scoped3A : memref<!tpu.dma_semaphore, #tpu.memory_space<semaphore_mem>>) src(%arg9 : memref<16x128xf32, #tpu.memory_space<vmem>>) dst(%dma_wait3A_180 : memref<16x128xf32, #tpu.memory_space<vmem_shared>>)
      tpu.yield
    }) : () -> ()
    %mul3A_62 = arith.constant 640 : i32
    %mul3A_63 = arith.muli %arg1, %mul3A_62 : i32
    %add3A_64 = arith.constant 224 : i32
    %add3A_65 = arith.addi %mul3A_63, %add3A_64 : i32
    "tpu.region"() ({
      %run_scoped3A = tpu.sem_alloc : memref<!tpu.dma_semaphore, #tpu.memory_space<semaphore_mem>>
      %dma_start3A = arith.constant 0 : i32
      %dma_start3A_175 = tpu.memref_slice %arg10[%add3A_65, %dma_start3A] : memref<10240x128xf32, #tpu.memory_space<vmem_shared>> -> memref<16x128xf32, #tpu.memory_space<vmem_shared>>
      %dma_start3A_176 = arith.constant 0 : i32
      %dma_start3A_177 = tpu.memref_slice %arg10[%add3A_65, %dma_start3A_176] : memref<10240x128xf32, #tpu.memory_space<vmem_shared>> -> memref<16x128xf32, #tpu.memory_space<vmem_shared>>
      tpu.enqueue_dma source(%arg9 : memref<16x128xf32, #tpu.memory_space<vmem>>) target(%dma_start3A_177 : memref<16x128xf32, #tpu.memory_space<vmem_shared>>) target_semaphore(%run_scoped3A : memref<!tpu.dma_semaphore, #tpu.memory_space<semaphore_mem>>)
      %dma_wait3A = arith.constant 0 : i32
      %dma_wait3A_178 = tpu.memref_slice %arg10[%add3A_65, %dma_wait3A] : memref<10240x128xf32, #tpu.memory_space<vmem_shared>> -> memref<16x128xf32, #tpu.memory_space<vmem_shared>>
      %dma_wait3A_179 = arith.constant 0 : i32
      %dma_wait3A_180 = tpu.memref_slice %arg10[%add3A_65, %dma_wait3A_179] : memref<10240x128xf32, #tpu.memory_space<vmem_shared>> -> memref<16x128xf32, #tpu.memory_space<vmem_shared>>
      tpu.wait_dma2 semaphore(%run_scoped3A : memref<!tpu.dma_semaphore, #tpu.memory_space<semaphore_mem>>) src(%arg9 : memref<16x128xf32, #tpu.memory_space<vmem>>) dst(%dma_wait3A_180 : memref<16x128xf32, #tpu.memory_space<vmem_shared>>)
      tpu.yield
    }) : () -> ()
    %mul3A_66 = arith.constant 640 : i32
    %mul3A_67 = arith.muli %arg1, %mul3A_66 : i32
    %add3A_68 = arith.constant 240 : i32
    %add3A_69 = arith.addi %mul3A_67, %add3A_68 : i32
    "tpu.region"() ({
      %run_scoped3A = tpu.sem_alloc : memref<!tpu.dma_semaphore, #tpu.memory_space<semaphore_mem>>
      %dma_start3A = arith.constant 0 : i32
      %dma_start3A_175 = tpu.memref_slice %arg10[%add3A_69, %dma_start3A] : memref<10240x128xf32, #tpu.memory_space<vmem_shared>> -> memref<16x128xf32, #tpu.memory_space<vmem_shared>>
      %dma_start3A_176 = arith.constant 0 : i32
      %dma_start3A_177 = tpu.memref_slice %arg10[%add3A_69, %dma_start3A_176] : memref<10240x128xf32, #tpu.memory_space<vmem_shared>> -> memref<16x128xf32, #tpu.memory_space<vmem_shared>>
      tpu.enqueue_dma source(%arg9 : memref<16x128xf32, #tpu.memory_space<vmem>>) target(%dma_start3A_177 : memref<16x128xf32, #tpu.memory_space<vmem_shared>>) target_semaphore(%run_scoped3A : memref<!tpu.dma_semaphore, #tpu.memory_space<semaphore_mem>>)
      %dma_wait3A = arith.constant 0 : i32
      %dma_wait3A_178 = tpu.memref_slice %arg10[%add3A_69, %dma_wait3A] : memref<10240x128xf32, #tpu.memory_space<vmem_shared>> -> memref<16x128xf32, #tpu.memory_space<vmem_shared>>
      %dma_wait3A_179 = arith.constant 0 : i32
      %dma_wait3A_180 = tpu.memref_slice %arg10[%add3A_69, %dma_wait3A_179] : memref<10240x128xf32, #tpu.memory_space<vmem_shared>> -> memref<16x128xf32, #tpu.memory_space<vmem_shared>>
      tpu.wait_dma2 semaphore(%run_scoped3A : memref<!tpu.dma_semaphore, #tpu.memory_space<semaphore_mem>>) src(%arg9 : memref<16x128xf32, #tpu.memory_space<vmem>>) dst(%dma_wait3A_180 : memref<16x128xf32, #tpu.memory_space<vmem_shared>>)
      tpu.yield
    }) : () -> ()
    %mul3A_70 = arith.constant 640 : i32
    %mul3A_71 = arith.muli %arg1, %mul3A_70 : i32
    %add3A_72 = arith.constant 256 : i32
    %add3A_73 = arith.addi %mul3A_71, %add3A_72 : i32
    "tpu.region"() ({
      %run_scoped3A = tpu.sem_alloc : memref<!tpu.dma_semaphore, #tpu.memory_space<semaphore_mem>>
      %dma_start3A = arith.constant 0 : i32
      %dma_start3A_175 = tpu.memref_slice %arg10[%add3A_73, %dma_start3A] : memref<10240x128xf32, #tpu.memory_space<vmem_shared>> -> memref<16x128xf32, #tpu.memory_space<vmem_shared>>
      %dma_start3A_176 = arith.constant 0 : i32
      %dma_start3A_177 = tpu.memref_slice %arg10[%add3A_73, %dma_start3A_176] : memref<10240x128xf32, #tpu.memory_space<vmem_shared>> -> memref<16x128xf32, #tpu.memory_space<vmem_shared>>
      tpu.enqueue_dma source(%arg9 : memref<16x128xf32, #tpu.memory_space<vmem>>) target(%dma_start3A_177 : memref<16x128xf32, #tpu.memory_space<vmem_shared>>) target_semaphore(%run_scoped3A : memref<!tpu.dma_semaphore, #tpu.memory_space<semaphore_mem>>)
      %dma_wait3A = arith.constant 0 : i32
      %dma_wait3A_178 = tpu.memref_slice %arg10[%add3A_73, %dma_wait3A] : memref<10240x128xf32, #tpu.memory_space<vmem_shared>> -> memref<16x128xf32, #tpu.memory_space<vmem_shared>>
      %dma_wait3A_179 = arith.constant 0 : i32
      %dma_wait3A_180 = tpu.memref_slice %arg10[%add3A_73, %dma_wait3A_179] : memref<10240x128xf32, #tpu.memory_space<vmem_shared>> -> memref<16x128xf32, #tpu.memory_space<vmem_shared>>
      tpu.wait_dma2 semaphore(%run_scoped3A : memref<!tpu.dma_semaphore, #tpu.memory_space<semaphore_mem>>) src(%arg9 : memref<16x128xf32, #tpu.memory_space<vmem>>) dst(%dma_wait3A_180 : memref<16x128xf32, #tpu.memory_space<vmem_shared>>)
      tpu.yield
    }) : () -> ()
    %mul3A_74 = arith.constant 640 : i32
    %mul3A_75 = arith.muli %arg1, %mul3A_74 : i32
    %add3A_76 = arith.constant 272 : i32
    %add3A_77 = arith.addi %mul3A_75, %add3A_76 : i32
    "tpu.region"() ({
      %run_scoped3A = tpu.sem_alloc : memref<!tpu.dma_semaphore, #tpu.memory_space<semaphore_mem>>
      %dma_start3A = arith.constant 0 : i32
      %dma_start3A_175 = tpu.memref_slice %arg10[%add3A_77, %dma_start3A] : memref<10240x128xf32, #tpu.memory_space<vmem_shared>> -> memref<16x128xf32, #tpu.memory_space<vmem_shared>>
      %dma_start3A_176 = arith.constant 0 : i32
      %dma_start3A_177 = tpu.memref_slice %arg10[%add3A_77, %dma_start3A_176] : memref<10240x128xf32, #tpu.memory_space<vmem_shared>> -> memref<16x128xf32, #tpu.memory_space<vmem_shared>>
      tpu.enqueue_dma source(%arg9 : memref<16x128xf32, #tpu.memory_space<vmem>>) target(%dma_start3A_177 : memref<16x128xf32, #tpu.memory_space<vmem_shared>>) target_semaphore(%run_scoped3A : memref<!tpu.dma_semaphore, #tpu.memory_space<semaphore_mem>>)
      %dma_wait3A = arith.constant 0 : i32
      %dma_wait3A_178 = tpu.memref_slice %arg10[%add3A_77, %dma_wait3A] : memref<10240x128xf32, #tpu.memory_space<vmem_shared>> -> memref<16x128xf32, #tpu.memory_space<vmem_shared>>
      %dma_wait3A_179 = arith.constant 0 : i32
      %dma_wait3A_180 = tpu.memref_slice %arg10[%add3A_77, %dma_wait3A_179] : memref<10240x128xf32, #tpu.memory_space<vmem_shared>> -> memref<16x128xf32, #tpu.memory_space<vmem_shared>>
      tpu.wait_dma2 semaphore(%run_scoped3A : memref<!tpu.dma_semaphore, #tpu.memory_space<semaphore_mem>>) src(%arg9 : memref<16x128xf32, #tpu.memory_space<vmem>>) dst(%dma_wait3A_180 : memref<16x128xf32, #tpu.memory_space<vmem_shared>>)
      tpu.yield
    }) : () -> ()
    %mul3A_78 = arith.constant 640 : i32
    %mul3A_79 = arith.muli %arg1, %mul3A_78 : i32
    %add3A_80 = arith.constant 288 : i32
    %add3A_81 = arith.addi %mul3A_79, %add3A_80 : i32
    "tpu.region"() ({
      %run_scoped3A = tpu.sem_alloc : memref<!tpu.dma_semaphore, #tpu.memory_space<semaphore_mem>>
      %dma_start3A = arith.constant 0 : i32
      %dma_start3A_175 = tpu.memref_slice %arg10[%add3A_81, %dma_start3A] : memref<10240x128xf32, #tpu.memory_space<vmem_shared>> -> memref<16x128xf32, #tpu.memory_space<vmem_shared>>
      %dma_start3A_176 = arith.constant 0 : i32
      %dma_start3A_177 = tpu.memref_slice %arg10[%add3A_81, %dma_start3A_176] : memref<10240x128xf32, #tpu.memory_space<vmem_shared>> -> memref<16x128xf32, #tpu.memory_space<vmem_shared>>
      tpu.enqueue_dma source(%arg9 : memref<16x128xf32, #tpu.memory_space<vmem>>) target(%dma_start3A_177 : memref<16x128xf32, #tpu.memory_space<vmem_shared>>) target_semaphore(%run_scoped3A : memref<!tpu.dma_semaphore, #tpu.memory_space<semaphore_mem>>)
      %dma_wait3A = arith.constant 0 : i32
      %dma_wait3A_178 = tpu.memref_slice %arg10[%add3A_81, %dma_wait3A] : memref<10240x128xf32, #tpu.memory_space<vmem_shared>> -> memref<16x128xf32, #tpu.memory_space<vmem_shared>>
      %dma_wait3A_179 = arith.constant 0 : i32
      %dma_wait3A_180 = tpu.memref_slice %arg10[%add3A_81, %dma_wait3A_179] : memref<10240x128xf32, #tpu.memory_space<vmem_shared>> -> memref<16x128xf32, #tpu.memory_space<vmem_shared>>
      tpu.wait_dma2 semaphore(%run_scoped3A : memref<!tpu.dma_semaphore, #tpu.memory_space<semaphore_mem>>) src(%arg9 : memref<16x128xf32, #tpu.memory_space<vmem>>) dst(%dma_wait3A_180 : memref<16x128xf32, #tpu.memory_space<vmem_shared>>)
      tpu.yield
    }) : () -> ()
    %mul3A_82 = arith.constant 640 : i32
    %mul3A_83 = arith.muli %arg1, %mul3A_82 : i32
    %add3A_84 = arith.constant 304 : i32
    %add3A_85 = arith.addi %mul3A_83, %add3A_84 : i32
    "tpu.region"() ({
      %run_scoped3A = tpu.sem_alloc : memref<!tpu.dma_semaphore, #tpu.memory_space<semaphore_mem>>
      %dma_start3A = arith.constant 0 : i32
      %dma_start3A_175 = tpu.memref_slice %arg10[%add3A_85, %dma_start3A] : memref<10240x128xf32, #tpu.memory_space<vmem_shared>> -> memref<16x128xf32, #tpu.memory_space<vmem_shared>>
      %dma_start3A_176 = arith.constant 0 : i32
      %dma_start3A_177 = tpu.memref_slice %arg10[%add3A_85, %dma_start3A_176] : memref<10240x128xf32, #tpu.memory_space<vmem_shared>> -> memref<16x128xf32, #tpu.memory_space<vmem_shared>>
      tpu.enqueue_dma source(%arg9 : memref<16x128xf32, #tpu.memory_space<vmem>>) target(%dma_start3A_177 : memref<16x128xf32, #tpu.memory_space<vmem_shared>>) target_semaphore(%run_scoped3A : memref<!tpu.dma_semaphore, #tpu.memory_space<semaphore_mem>>)
      %dma_wait3A = arith.constant 0 : i32
      %dma_wait3A_178 = tpu.memref_slice %arg10[%add3A_85, %dma_wait3A] : memref<10240x128xf32, #tpu.memory_space<vmem_shared>> -> memref<16x128xf32, #tpu.memory_space<vmem_shared>>
      %dma_wait3A_179 = arith.constant 0 : i32
      %dma_wait3A_180 = tpu.memref_slice %arg10[%add3A_85, %dma_wait3A_179] : memref<10240x128xf32, #tpu.memory_space<vmem_shared>> -> memref<16x128xf32, #tpu.memory_space<vmem_shared>>
      tpu.wait_dma2 semaphore(%run_scoped3A : memref<!tpu.dma_semaphore, #tpu.memory_space<semaphore_mem>>) src(%arg9 : memref<16x128xf32, #tpu.memory_space<vmem>>) dst(%dma_wait3A_180 : memref<16x128xf32, #tpu.memory_space<vmem_shared>>)
      tpu.yield
    }) : () -> ()
    %mul3A_86 = arith.constant 640 : i32
    %mul3A_87 = arith.muli %arg1, %mul3A_86 : i32
    %add3A_88 = arith.constant 320 : i32
    %add3A_89 = arith.addi %mul3A_87, %add3A_88 : i32
    "tpu.region"() ({
      %run_scoped3A = tpu.sem_alloc : memref<!tpu.dma_semaphore, #tpu.memory_space<semaphore_mem>>
      %dma_start3A = arith.constant 0 : i32
      %dma_start3A_175 = tpu.memref_slice %arg10[%add3A_89, %dma_start3A] : memref<10240x128xf32, #tpu.memory_space<vmem_shared>> -> memref<16x128xf32, #tpu.memory_space<vmem_shared>>
      %dma_start3A_176 = arith.constant 0 : i32
      %dma_start3A_177 = tpu.memref_slice %arg10[%add3A_89, %dma_start3A_176] : memref<10240x128xf32, #tpu.memory_space<vmem_shared>> -> memref<16x128xf32, #tpu.memory_space<vmem_shared>>
      tpu.enqueue_dma source(%arg9 : memref<16x128xf32, #tpu.memory_space<vmem>>) target(%dma_start3A_177 : memref<16x128xf32, #tpu.memory_space<vmem_shared>>) target_semaphore(%run_scoped3A : memref<!tpu.dma_semaphore, #tpu.memory_space<semaphore_mem>>)
      %dma_wait3A = arith.constant 0 : i32
      %dma_wait3A_178 = tpu.memref_slice %arg10[%add3A_89, %dma_wait3A] : memref<10240x128xf32, #tpu.memory_space<vmem_shared>> -> memref<16x128xf32, #tpu.memory_space<vmem_shared>>
      %dma_wait3A_179 = arith.constant 0 : i32
      %dma_wait3A_180 = tpu.memref_slice %arg10[%add3A_89, %dma_wait3A_179] : memref<10240x128xf32, #tpu.memory_space<vmem_shared>> -> memref<16x128xf32, #tpu.memory_space<vmem_shared>>
      tpu.wait_dma2 semaphore(%run_scoped3A : memref<!tpu.dma_semaphore, #tpu.memory_space<semaphore_mem>>) src(%arg9 : memref<16x128xf32, #tpu.memory_space<vmem>>) dst(%dma_wait3A_180 : memref<16x128xf32, #tpu.memory_space<vmem_shared>>)
      tpu.yield
    }) : () -> ()
    %mul3A_90 = arith.constant 640 : i32
    %mul3A_91 = arith.muli %arg1, %mul3A_90 : i32
    %add3A_92 = arith.constant 336 : i32
    %add3A_93 = arith.addi %mul3A_91, %add3A_92 : i32
    "tpu.region"() ({
      %run_scoped3A = tpu.sem_alloc : memref<!tpu.dma_semaphore, #tpu.memory_space<semaphore_mem>>
      %dma_start3A = arith.constant 0 : i32
      %dma_start3A_175 = tpu.memref_slice %arg10[%add3A_93, %dma_start3A] : memref<10240x128xf32, #tpu.memory_space<vmem_shared>> -> memref<16x128xf32, #tpu.memory_space<vmem_shared>>
      %dma_start3A_176 = arith.constant 0 : i32
      %dma_start3A_177 = tpu.memref_slice %arg10[%add3A_93, %dma_start3A_176] : memref<10240x128xf32, #tpu.memory_space<vmem_shared>> -> memref<16x128xf32, #tpu.memory_space<vmem_shared>>
      tpu.enqueue_dma source(%arg9 : memref<16x128xf32, #tpu.memory_space<vmem>>) target(%dma_start3A_177 : memref<16x128xf32, #tpu.memory_space<vmem_shared>>) target_semaphore(%run_scoped3A : memref<!tpu.dma_semaphore, #tpu.memory_space<semaphore_mem>>)
      %dma_wait3A = arith.constant 0 : i32
      %dma_wait3A_178 = tpu.memref_slice %arg10[%add3A_93, %dma_wait3A] : memref<10240x128xf32, #tpu.memory_space<vmem_shared>> -> memref<16x128xf32, #tpu.memory_space<vmem_shared>>
      %dma_wait3A_179 = arith.constant 0 : i32
      %dma_wait3A_180 = tpu.memref_slice %arg10[%add3A_93, %dma_wait3A_179] : memref<10240x128xf32, #tpu.memory_space<vmem_shared>> -> memref<16x128xf32, #tpu.memory_space<vmem_shared>>
      tpu.wait_dma2 semaphore(%run_scoped3A : memref<!tpu.dma_semaphore, #tpu.memory_space<semaphore_mem>>) src(%arg9 : memref<16x128xf32, #tpu.memory_space<vmem>>) dst(%dma_wait3A_180 : memref<16x128xf32, #tpu.memory_space<vmem_shared>>)
      tpu.yield
    }) : () -> ()
    %mul3A_94 = arith.constant 640 : i32
    %mul3A_95 = arith.muli %arg1, %mul3A_94 : i32
    %add3A_96 = arith.constant 352 : i32
    %add3A_97 = arith.addi %mul3A_95, %add3A_96 : i32
    "tpu.region"() ({
      %run_scoped3A = tpu.sem_alloc : memref<!tpu.dma_semaphore, #tpu.memory_space<semaphore_mem>>
      %dma_start3A = arith.constant 0 : i32
      %dma_start3A_175 = tpu.memref_slice %arg10[%add3A_97, %dma_start3A] : memref<10240x128xf32, #tpu.memory_space<vmem_shared>> -> memref<16x128xf32, #tpu.memory_space<vmem_shared>>
      %dma_start3A_176 = arith.constant 0 : i32
      %dma_start3A_177 = tpu.memref_slice %arg10[%add3A_97, %dma_start3A_176] : memref<10240x128xf32, #tpu.memory_space<vmem_shared>> -> memref<16x128xf32, #tpu.memory_space<vmem_shared>>
      tpu.enqueue_dma source(%arg9 : memref<16x128xf32, #tpu.memory_space<vmem>>) target(%dma_start3A_177 : memref<16x128xf32, #tpu.memory_space<vmem_shared>>) target_semaphore(%run_scoped3A : memref<!tpu.dma_semaphore, #tpu.memory_space<semaphore_mem>>)
      %dma_wait3A = arith.constant 0 : i32
      %dma_wait3A_178 = tpu.memref_slice %arg10[%add3A_97, %dma_wait3A] : memref<10240x128xf32, #tpu.memory_space<vmem_shared>> -> memref<16x128xf32, #tpu.memory_space<vmem_shared>>
      %dma_wait3A_179 = arith.constant 0 : i32
      %dma_wait3A_180 = tpu.memref_slice %arg10[%add3A_97, %dma_wait3A_179] : memref<10240x128xf32, #tpu.memory_space<vmem_shared>> -> memref<16x128xf32, #tpu.memory_space<vmem_shared>>
      tpu.wait_dma2 semaphore(%run_scoped3A : memref<!tpu.dma_semaphore, #tpu.memory_space<semaphore_mem>>) src(%arg9 : memref<16x128xf32, #tpu.memory_space<vmem>>) dst(%dma_wait3A_180 : memref<16x128xf32, #tpu.memory_space<vmem_shared>>)
      tpu.yield
    }) : () -> ()
    %mul3A_98 = arith.constant 640 : i32
    %mul3A_99 = arith.muli %arg1, %mul3A_98 : i32
    %add3A_100 = arith.constant 368 : i32
    %add3A_101 = arith.addi %mul3A_99, %add3A_100 : i32
    "tpu.region"() ({
      %run_scoped3A = tpu.sem_alloc : memref<!tpu.dma_semaphore, #tpu.memory_space<semaphore_mem>>
      %dma_start3A = arith.constant 0 : i32
      %dma_start3A_175 = tpu.memref_slice %arg10[%add3A_101, %dma_start3A] : memref<10240x128xf32, #tpu.memory_space<vmem_shared>> -> memref<16x128xf32, #tpu.memory_space<vmem_shared>>
      %dma_start3A_176 = arith.constant 0 : i32
      %dma_start3A_177 = tpu.memref_slice %arg10[%add3A_101, %dma_start3A_176] : memref<10240x128xf32, #tpu.memory_space<vmem_shared>> -> memref<16x128xf32, #tpu.memory_space<vmem_shared>>
      tpu.enqueue_dma source(%arg9 : memref<16x128xf32, #tpu.memory_space<vmem>>) target(%dma_start3A_177 : memref<16x128xf32, #tpu.memory_space<vmem_shared>>) target_semaphore(%run_scoped3A : memref<!tpu.dma_semaphore, #tpu.memory_space<semaphore_mem>>)
      %dma_wait3A = arith.constant 0 : i32
      %dma_wait3A_178 = tpu.memref_slice %arg10[%add3A_101, %dma_wait3A] : memref<10240x128xf32, #tpu.memory_space<vmem_shared>> -> memref<16x128xf32, #tpu.memory_space<vmem_shared>>
      %dma_wait3A_179 = arith.constant 0 : i32
      %dma_wait3A_180 = tpu.memref_slice %arg10[%add3A_101, %dma_wait3A_179] : memref<10240x128xf32, #tpu.memory_space<vmem_shared>> -> memref<16x128xf32, #tpu.memory_space<vmem_shared>>
      tpu.wait_dma2 semaphore(%run_scoped3A : memref<!tpu.dma_semaphore, #tpu.memory_space<semaphore_mem>>) src(%arg9 : memref<16x128xf32, #tpu.memory_space<vmem>>) dst(%dma_wait3A_180 : memref<16x128xf32, #tpu.memory_space<vmem_shared>>)
      tpu.yield
    }) : () -> ()
    %mul3A_102 = arith.constant 640 : i32
    %mul3A_103 = arith.muli %arg1, %mul3A_102 : i32
    %add3A_104 = arith.constant 384 : i32
    %add3A_105 = arith.addi %mul3A_103, %add3A_104 : i32
    "tpu.region"() ({
      %run_scoped3A = tpu.sem_alloc : memref<!tpu.dma_semaphore, #tpu.memory_space<semaphore_mem>>
      %dma_start3A = arith.constant 0 : i32
      %dma_start3A_175 = tpu.memref_slice %arg10[%add3A_105, %dma_start3A] : memref<10240x128xf32, #tpu.memory_space<vmem_shared>> -> memref<16x128xf32, #tpu.memory_space<vmem_shared>>
      %dma_start3A_176 = arith.constant 0 : i32
      %dma_start3A_177 = tpu.memref_slice %arg10[%add3A_105, %dma_start3A_176] : memref<10240x128xf32, #tpu.memory_space<vmem_shared>> -> memref<16x128xf32, #tpu.memory_space<vmem_shared>>
      tpu.enqueue_dma source(%arg9 : memref<16x128xf32, #tpu.memory_space<vmem>>) target(%dma_start3A_177 : memref<16x128xf32, #tpu.memory_space<vmem_shared>>) target_semaphore(%run_scoped3A : memref<!tpu.dma_semaphore, #tpu.memory_space<semaphore_mem>>)
      %dma_wait3A = arith.constant 0 : i32
      %dma_wait3A_178 = tpu.memref_slice %arg10[%add3A_105, %dma_wait3A] : memref<10240x128xf32, #tpu.memory_space<vmem_shared>> -> memref<16x128xf32, #tpu.memory_space<vmem_shared>>
      %dma_wait3A_179 = arith.constant 0 : i32
      %dma_wait3A_180 = tpu.memref_slice %arg10[%add3A_105, %dma_wait3A_179] : memref<10240x128xf32, #tpu.memory_space<vmem_shared>> -> memref<16x128xf32, #tpu.memory_space<vmem_shared>>
      tpu.wait_dma2 semaphore(%run_scoped3A : memref<!tpu.dma_semaphore, #tpu.memory_space<semaphore_mem>>) src(%arg9 : memref<16x128xf32, #tpu.memory_space<vmem>>) dst(%dma_wait3A_180 : memref<16x128xf32, #tpu.memory_space<vmem_shared>>)
      tpu.yield
    }) : () -> ()
    %mul3A_106 = arith.constant 640 : i32
    %mul3A_107 = arith.muli %arg1, %mul3A_106 : i32
    %add3A_108 = arith.constant 400 : i32
    %add3A_109 = arith.addi %mul3A_107, %add3A_108 : i32
    "tpu.region"() ({
      %run_scoped3A = tpu.sem_alloc : memref<!tpu.dma_semaphore, #tpu.memory_space<semaphore_mem>>
      %dma_start3A = arith.constant 0 : i32
      %dma_start3A_175 = tpu.memref_slice %arg10[%add3A_109, %dma_start3A] : memref<10240x128xf32, #tpu.memory_space<vmem_shared>> -> memref<16x128xf32, #tpu.memory_space<vmem_shared>>
      %dma_start3A_176 = arith.constant 0 : i32
      %dma_start3A_177 = tpu.memref_slice %arg10[%add3A_109, %dma_start3A_176] : memref<10240x128xf32, #tpu.memory_space<vmem_shared>> -> memref<16x128xf32, #tpu.memory_space<vmem_shared>>
      tpu.enqueue_dma source(%arg9 : memref<16x128xf32, #tpu.memory_space<vmem>>) target(%dma_start3A_177 : memref<16x128xf32, #tpu.memory_space<vmem_shared>>) target_semaphore(%run_scoped3A : memref<!tpu.dma_semaphore, #tpu.memory_space<semaphore_mem>>)
      %dma_wait3A = arith.constant 0 : i32
      %dma_wait3A_178 = tpu.memref_slice %arg10[%add3A_109, %dma_wait3A] : memref<10240x128xf32, #tpu.memory_space<vmem_shared>> -> memref<16x128xf32, #tpu.memory_space<vmem_shared>>
      %dma_wait3A_179 = arith.constant 0 : i32
      %dma_wait3A_180 = tpu.memref_slice %arg10[%add3A_109, %dma_wait3A_179] : memref<10240x128xf32, #tpu.memory_space<vmem_shared>> -> memref<16x128xf32, #tpu.memory_space<vmem_shared>>
      tpu.wait_dma2 semaphore(%run_scoped3A : memref<!tpu.dma_semaphore, #tpu.memory_space<semaphore_mem>>) src(%arg9 : memref<16x128xf32, #tpu.memory_space<vmem>>) dst(%dma_wait3A_180 : memref<16x128xf32, #tpu.memory_space<vmem_shared>>)
      tpu.yield
    }) : () -> ()
    %mul3A_110 = arith.constant 640 : i32
    %mul3A_111 = arith.muli %arg1, %mul3A_110 : i32
    %add3A_112 = arith.constant 416 : i32
    %add3A_113 = arith.addi %mul3A_111, %add3A_112 : i32
    "tpu.region"() ({
      %run_scoped3A = tpu.sem_alloc : memref<!tpu.dma_semaphore, #tpu.memory_space<semaphore_mem>>
      %dma_start3A = arith.constant 0 : i32
      %dma_start3A_175 = tpu.memref_slice %arg10[%add3A_113, %dma_start3A] : memref<10240x128xf32, #tpu.memory_space<vmem_shared>> -> memref<16x128xf32, #tpu.memory_space<vmem_shared>>
      %dma_start3A_176 = arith.constant 0 : i32
      %dma_start3A_177 = tpu.memref_slice %arg10[%add3A_113, %dma_start3A_176] : memref<10240x128xf32, #tpu.memory_space<vmem_shared>> -> memref<16x128xf32, #tpu.memory_space<vmem_shared>>
      tpu.enqueue_dma source(%arg9 : memref<16x128xf32, #tpu.memory_space<vmem>>) target(%dma_start3A_177 : memref<16x128xf32, #tpu.memory_space<vmem_shared>>) target_semaphore(%run_scoped3A : memref<!tpu.dma_semaphore, #tpu.memory_space<semaphore_mem>>)
      %dma_wait3A = arith.constant 0 : i32
      %dma_wait3A_178 = tpu.memref_slice %arg10[%add3A_113, %dma_wait3A] : memref<10240x128xf32, #tpu.memory_space<vmem_shared>> -> memref<16x128xf32, #tpu.memory_space<vmem_shared>>
      %dma_wait3A_179 = arith.constant 0 : i32
      %dma_wait3A_180 = tpu.memref_slice %arg10[%add3A_113, %dma_wait3A_179] : memref<10240x128xf32, #tpu.memory_space<vmem_shared>> -> memref<16x128xf32, #tpu.memory_space<vmem_shared>>
      tpu.wait_dma2 semaphore(%run_scoped3A : memref<!tpu.dma_semaphore, #tpu.memory_space<semaphore_mem>>) src(%arg9 : memref<16x128xf32, #tpu.memory_space<vmem>>) dst(%dma_wait3A_180 : memref<16x128xf32, #tpu.memory_space<vmem_shared>>)
      tpu.yield
    }) : () -> ()
    %mul3A_114 = arith.constant 640 : i32
    %mul3A_115 = arith.muli %arg1, %mul3A_114 : i32
    %add3A_116 = arith.constant 432 : i32
    %add3A_117 = arith.addi %mul3A_115, %add3A_116 : i32
    "tpu.region"() ({
      %run_scoped3A = tpu.sem_alloc : memref<!tpu.dma_semaphore, #tpu.memory_space<semaphore_mem>>
      %dma_start3A = arith.constant 0 : i32
      %dma_start3A_175 = tpu.memref_slice %arg10[%add3A_117, %dma_start3A] : memref<10240x128xf32, #tpu.memory_space<vmem_shared>> -> memref<16x128xf32, #tpu.memory_space<vmem_shared>>
      %dma_start3A_176 = arith.constant 0 : i32
      %dma_start3A_177 = tpu.memref_slice %arg10[%add3A_117, %dma_start3A_176] : memref<10240x128xf32, #tpu.memory_space<vmem_shared>> -> memref<16x128xf32, #tpu.memory_space<vmem_shared>>
      tpu.enqueue_dma source(%arg9 : memref<16x128xf32, #tpu.memory_space<vmem>>) target(%dma_start3A_177 : memref<16x128xf32, #tpu.memory_space<vmem_shared>>) target_semaphore(%run_scoped3A : memref<!tpu.dma_semaphore, #tpu.memory_space<semaphore_mem>>)
      %dma_wait3A = arith.constant 0 : i32
      %dma_wait3A_178 = tpu.memref_slice %arg10[%add3A_117, %dma_wait3A] : memref<10240x128xf32, #tpu.memory_space<vmem_shared>> -> memref<16x128xf32, #tpu.memory_space<vmem_shared>>
      %dma_wait3A_179 = arith.constant 0 : i32
      %dma_wait3A_180 = tpu.memref_slice %arg10[%add3A_117, %dma_wait3A_179] : memref<10240x128xf32, #tpu.memory_space<vmem_shared>> -> memref<16x128xf32, #tpu.memory_space<vmem_shared>>
      tpu.wait_dma2 semaphore(%run_scoped3A : memref<!tpu.dma_semaphore, #tpu.memory_space<semaphore_mem>>) src(%arg9 : memref<16x128xf32, #tpu.memory_space<vmem>>) dst(%dma_wait3A_180 : memref<16x128xf32, #tpu.memory_space<vmem_shared>>)
      tpu.yield
    }) : () -> ()
    %mul3A_118 = arith.constant 640 : i32
    %mul3A_119 = arith.muli %arg1, %mul3A_118 : i32
    %add3A_120 = arith.constant 448 : i32
    %add3A_121 = arith.addi %mul3A_119, %add3A_120 : i32
    "tpu.region"() ({
      %run_scoped3A = tpu.sem_alloc : memref<!tpu.dma_semaphore, #tpu.memory_space<semaphore_mem>>
      %dma_start3A = arith.constant 0 : i32
      %dma_start3A_175 = tpu.memref_slice %arg10[%add3A_121, %dma_start3A] : memref<10240x128xf32, #tpu.memory_space<vmem_shared>> -> memref<16x128xf32, #tpu.memory_space<vmem_shared>>
      %dma_start3A_176 = arith.constant 0 : i32
      %dma_start3A_177 = tpu.memref_slice %arg10[%add3A_121, %dma_start3A_176] : memref<10240x128xf32, #tpu.memory_space<vmem_shared>> -> memref<16x128xf32, #tpu.memory_space<vmem_shared>>
      tpu.enqueue_dma source(%arg9 : memref<16x128xf32, #tpu.memory_space<vmem>>) target(%dma_start3A_177 : memref<16x128xf32, #tpu.memory_space<vmem_shared>>) target_semaphore(%run_scoped3A : memref<!tpu.dma_semaphore, #tpu.memory_space<semaphore_mem>>)
      %dma_wait3A = arith.constant 0 : i32
      %dma_wait3A_178 = tpu.memref_slice %arg10[%add3A_121, %dma_wait3A] : memref<10240x128xf32, #tpu.memory_space<vmem_shared>> -> memref<16x128xf32, #tpu.memory_space<vmem_shared>>
      %dma_wait3A_179 = arith.constant 0 : i32
      %dma_wait3A_180 = tpu.memref_slice %arg10[%add3A_121, %dma_wait3A_179] : memref<10240x128xf32, #tpu.memory_space<vmem_shared>> -> memref<16x128xf32, #tpu.memory_space<vmem_shared>>
      tpu.wait_dma2 semaphore(%run_scoped3A : memref<!tpu.dma_semaphore, #tpu.memory_space<semaphore_mem>>) src(%arg9 : memref<16x128xf32, #tpu.memory_space<vmem>>) dst(%dma_wait3A_180 : memref<16x128xf32, #tpu.memory_space<vmem_shared>>)
      tpu.yield
    }) : () -> ()
    %mul3A_122 = arith.constant 640 : i32
    %mul3A_123 = arith.muli %arg1, %mul3A_122 : i32
    %add3A_124 = arith.constant 464 : i32
    %add3A_125 = arith.addi %mul3A_123, %add3A_124 : i32
    "tpu.region"() ({
      %run_scoped3A = tpu.sem_alloc : memref<!tpu.dma_semaphore, #tpu.memory_space<semaphore_mem>>
      %dma_start3A = arith.constant 0 : i32
      %dma_start3A_175 = tpu.memref_slice %arg10[%add3A_125, %dma_start3A] : memref<10240x128xf32, #tpu.memory_space<vmem_shared>> -> memref<16x128xf32, #tpu.memory_space<vmem_shared>>
      %dma_start3A_176 = arith.constant 0 : i32
      %dma_start3A_177 = tpu.memref_slice %arg10[%add3A_125, %dma_start3A_176] : memref<10240x128xf32, #tpu.memory_space<vmem_shared>> -> memref<16x128xf32, #tpu.memory_space<vmem_shared>>
      tpu.enqueue_dma source(%arg9 : memref<16x128xf32, #tpu.memory_space<vmem>>) target(%dma_start3A_177 : memref<16x128xf32, #tpu.memory_space<vmem_shared>>) target_semaphore(%run_scoped3A : memref<!tpu.dma_semaphore, #tpu.memory_space<semaphore_mem>>)
      %dma_wait3A = arith.constant 0 : i32
      %dma_wait3A_178 = tpu.memref_slice %arg10[%add3A_125, %dma_wait3A] : memref<10240x128xf32, #tpu.memory_space<vmem_shared>> -> memref<16x128xf32, #tpu.memory_space<vmem_shared>>
      %dma_wait3A_179 = arith.constant 0 : i32
      %dma_wait3A_180 = tpu.memref_slice %arg10[%add3A_125, %dma_wait3A_179] : memref<10240x128xf32, #tpu.memory_space<vmem_shared>> -> memref<16x128xf32, #tpu.memory_space<vmem_shared>>
      tpu.wait_dma2 semaphore(%run_scoped3A : memref<!tpu.dma_semaphore, #tpu.memory_space<semaphore_mem>>) src(%arg9 : memref<16x128xf32, #tpu.memory_space<vmem>>) dst(%dma_wait3A_180 : memref<16x128xf32, #tpu.memory_space<vmem_shared>>)
      tpu.yield
    }) : () -> ()
    %mul3A_126 = arith.constant 640 : i32
    %mul3A_127 = arith.muli %arg1, %mul3A_126 : i32
    %add3A_128 = arith.constant 480 : i32
    %add3A_129 = arith.addi %mul3A_127, %add3A_128 : i32
    "tpu.region"() ({
      %run_scoped3A = tpu.sem_alloc : memref<!tpu.dma_semaphore, #tpu.memory_space<semaphore_mem>>
      %dma_start3A = arith.constant 0 : i32
      %dma_start3A_175 = tpu.memref_slice %arg10[%add3A_129, %dma_start3A] : memref<10240x128xf32, #tpu.memory_space<vmem_shared>> -> memref<16x128xf32, #tpu.memory_space<vmem_shared>>
      %dma_start3A_176 = arith.constant 0 : i32
      %dma_start3A_177 = tpu.memref_slice %arg10[%add3A_129, %dma_start3A_176] : memref<10240x128xf32, #tpu.memory_space<vmem_shared>> -> memref<16x128xf32, #tpu.memory_space<vmem_shared>>
      tpu.enqueue_dma source(%arg9 : memref<16x128xf32, #tpu.memory_space<vmem>>) target(%dma_start3A_177 : memref<16x128xf32, #tpu.memory_space<vmem_shared>>) target_semaphore(%run_scoped3A : memref<!tpu.dma_semaphore, #tpu.memory_space<semaphore_mem>>)
      %dma_wait3A = arith.constant 0 : i32
      %dma_wait3A_178 = tpu.memref_slice %arg10[%add3A_129, %dma_wait3A] : memref<10240x128xf32, #tpu.memory_space<vmem_shared>> -> memref<16x128xf32, #tpu.memory_space<vmem_shared>>
      %dma_wait3A_179 = arith.constant 0 : i32
      %dma_wait3A_180 = tpu.memref_slice %arg10[%add3A_129, %dma_wait3A_179] : memref<10240x128xf32, #tpu.memory_space<vmem_shared>> -> memref<16x128xf32, #tpu.memory_space<vmem_shared>>
      tpu.wait_dma2 semaphore(%run_scoped3A : memref<!tpu.dma_semaphore, #tpu.memory_space<semaphore_mem>>) src(%arg9 : memref<16x128xf32, #tpu.memory_space<vmem>>) dst(%dma_wait3A_180 : memref<16x128xf32, #tpu.memory_space<vmem_shared>>)
      tpu.yield
    }) : () -> ()
    %mul3A_130 = arith.constant 640 : i32
    %mul3A_131 = arith.muli %arg1, %mul3A_130 : i32
    %add3A_132 = arith.constant 496 : i32
    %add3A_133 = arith.addi %mul3A_131, %add3A_132 : i32
    "tpu.region"() ({
      %run_scoped3A = tpu.sem_alloc : memref<!tpu.dma_semaphore, #tpu.memory_space<semaphore_mem>>
      %dma_start3A = arith.constant 0 : i32
      %dma_start3A_175 = tpu.memref_slice %arg10[%add3A_133, %dma_start3A] : memref<10240x128xf32, #tpu.memory_space<vmem_shared>> -> memref<16x128xf32, #tpu.memory_space<vmem_shared>>
      %dma_start3A_176 = arith.constant 0 : i32
      %dma_start3A_177 = tpu.memref_slice %arg10[%add3A_133, %dma_start3A_176] : memref<10240x128xf32, #tpu.memory_space<vmem_shared>> -> memref<16x128xf32, #tpu.memory_space<vmem_shared>>
      tpu.enqueue_dma source(%arg9 : memref<16x128xf32, #tpu.memory_space<vmem>>) target(%dma_start3A_177 : memref<16x128xf32, #tpu.memory_space<vmem_shared>>) target_semaphore(%run_scoped3A : memref<!tpu.dma_semaphore, #tpu.memory_space<semaphore_mem>>)
      %dma_wait3A = arith.constant 0 : i32
      %dma_wait3A_178 = tpu.memref_slice %arg10[%add3A_133, %dma_wait3A] : memref<10240x128xf32, #tpu.memory_space<vmem_shared>> -> memref<16x128xf32, #tpu.memory_space<vmem_shared>>
      %dma_wait3A_179 = arith.constant 0 : i32
      %dma_wait3A_180 = tpu.memref_slice %arg10[%add3A_133, %dma_wait3A_179] : memref<10240x128xf32, #tpu.memory_space<vmem_shared>> -> memref<16x128xf32, #tpu.memory_space<vmem_shared>>
      tpu.wait_dma2 semaphore(%run_scoped3A : memref<!tpu.dma_semaphore, #tpu.memory_space<semaphore_mem>>) src(%arg9 : memref<16x128xf32, #tpu.memory_space<vmem>>) dst(%dma_wait3A_180 : memref<16x128xf32, #tpu.memory_space<vmem_shared>>)
      tpu.yield
    }) : () -> ()
    %mul3A_134 = arith.constant 640 : i32
    %mul3A_135 = arith.muli %arg1, %mul3A_134 : i32
    %add3A_136 = arith.constant 512 : i32
    %add3A_137 = arith.addi %mul3A_135, %add3A_136 : i32
    "tpu.region"() ({
      %run_scoped3A = tpu.sem_alloc : memref<!tpu.dma_semaphore, #tpu.memory_space<semaphore_mem>>
      %dma_start3A = arith.constant 0 : i32
      %dma_start3A_175 = tpu.memref_slice %arg10[%add3A_137, %dma_start3A] : memref<10240x128xf32, #tpu.memory_space<vmem_shared>> -> memref<16x128xf32, #tpu.memory_space<vmem_shared>>
      %dma_start3A_176 = arith.constant 0 : i32
      %dma_start3A_177 = tpu.memref_slice %arg10[%add3A_137, %dma_start3A_176] : memref<10240x128xf32, #tpu.memory_space<vmem_shared>> -> memref<16x128xf32, #tpu.memory_space<vmem_shared>>
      tpu.enqueue_dma source(%arg9 : memref<16x128xf32, #tpu.memory_space<vmem>>) target(%dma_start3A_177 : memref<16x128xf32, #tpu.memory_space<vmem_shared>>) target_semaphore(%run_scoped3A : memref<!tpu.dma_semaphore, #tpu.memory_space<semaphore_mem>>)
      %dma_wait3A = arith.constant 0 : i32
      %dma_wait3A_178 = tpu.memref_slice %arg10[%add3A_137, %dma_wait3A] : memref<10240x128xf32, #tpu.memory_space<vmem_shared>> -> memref<16x128xf32, #tpu.memory_space<vmem_shared>>
      %dma_wait3A_179 = arith.constant 0 : i32
      %dma_wait3A_180 = tpu.memref_slice %arg10[%add3A_137, %dma_wait3A_179] : memref<10240x128xf32, #tpu.memory_space<vmem_shared>> -> memref<16x128xf32, #tpu.memory_space<vmem_shared>>
      tpu.wait_dma2 semaphore(%run_scoped3A : memref<!tpu.dma_semaphore, #tpu.memory_space<semaphore_mem>>) src(%arg9 : memref<16x128xf32, #tpu.memory_space<vmem>>) dst(%dma_wait3A_180 : memref<16x128xf32, #tpu.memory_space<vmem_shared>>)
      tpu.yield
    }) : () -> ()
    %mul3A_138 = arith.constant 640 : i32
    %mul3A_139 = arith.muli %arg1, %mul3A_138 : i32
    %add3A_140 = arith.constant 528 : i32
    %add3A_141 = arith.addi %mul3A_139, %add3A_140 : i32
    "tpu.region"() ({
      %run_scoped3A = tpu.sem_alloc : memref<!tpu.dma_semaphore, #tpu.memory_space<semaphore_mem>>
      %dma_start3A = arith.constant 0 : i32
      %dma_start3A_175 = tpu.memref_slice %arg10[%add3A_141, %dma_start3A] : memref<10240x128xf32, #tpu.memory_space<vmem_shared>> -> memref<16x128xf32, #tpu.memory_space<vmem_shared>>
      %dma_start3A_176 = arith.constant 0 : i32
      %dma_start3A_177 = tpu.memref_slice %arg10[%add3A_141, %dma_start3A_176] : memref<10240x128xf32, #tpu.memory_space<vmem_shared>> -> memref<16x128xf32, #tpu.memory_space<vmem_shared>>
      tpu.enqueue_dma source(%arg9 : memref<16x128xf32, #tpu.memory_space<vmem>>) target(%dma_start3A_177 : memref<16x128xf32, #tpu.memory_space<vmem_shared>>) target_semaphore(%run_scoped3A : memref<!tpu.dma_semaphore, #tpu.memory_space<semaphore_mem>>)
      %dma_wait3A = arith.constant 0 : i32
      %dma_wait3A_178 = tpu.memref_slice %arg10[%add3A_141, %dma_wait3A] : memref<10240x128xf32, #tpu.memory_space<vmem_shared>> -> memref<16x128xf32, #tpu.memory_space<vmem_shared>>
      %dma_wait3A_179 = arith.constant 0 : i32
      %dma_wait3A_180 = tpu.memref_slice %arg10[%add3A_141, %dma_wait3A_179] : memref<10240x128xf32, #tpu.memory_space<vmem_shared>> -> memref<16x128xf32, #tpu.memory_space<vmem_shared>>
      tpu.wait_dma2 semaphore(%run_scoped3A : memref<!tpu.dma_semaphore, #tpu.memory_space<semaphore_mem>>) src(%arg9 : memref<16x128xf32, #tpu.memory_space<vmem>>) dst(%dma_wait3A_180 : memref<16x128xf32, #tpu.memory_space<vmem_shared>>)
      tpu.yield
    }) : () -> ()
    %mul3A_142 = arith.constant 640 : i32
    %mul3A_143 = arith.muli %arg1, %mul3A_142 : i32
    %add3A_144 = arith.constant 544 : i32
    %add3A_145 = arith.addi %mul3A_143, %add3A_144 : i32
    "tpu.region"() ({
      %run_scoped3A = tpu.sem_alloc : memref<!tpu.dma_semaphore, #tpu.memory_space<semaphore_mem>>
      %dma_start3A = arith.constant 0 : i32
      %dma_start3A_175 = tpu.memref_slice %arg10[%add3A_145, %dma_start3A] : memref<10240x128xf32, #tpu.memory_space<vmem_shared>> -> memref<16x128xf32, #tpu.memory_space<vmem_shared>>
      %dma_start3A_176 = arith.constant 0 : i32
      %dma_start3A_177 = tpu.memref_slice %arg10[%add3A_145, %dma_start3A_176] : memref<10240x128xf32, #tpu.memory_space<vmem_shared>> -> memref<16x128xf32, #tpu.memory_space<vmem_shared>>
      tpu.enqueue_dma source(%arg9 : memref<16x128xf32, #tpu.memory_space<vmem>>) target(%dma_start3A_177 : memref<16x128xf32, #tpu.memory_space<vmem_shared>>) target_semaphore(%run_scoped3A : memref<!tpu.dma_semaphore, #tpu.memory_space<semaphore_mem>>)
      %dma_wait3A = arith.constant 0 : i32
      %dma_wait3A_178 = tpu.memref_slice %arg10[%add3A_145, %dma_wait3A] : memref<10240x128xf32, #tpu.memory_space<vmem_shared>> -> memref<16x128xf32, #tpu.memory_space<vmem_shared>>
      %dma_wait3A_179 = arith.constant 0 : i32
      %dma_wait3A_180 = tpu.memref_slice %arg10[%add3A_145, %dma_wait3A_179] : memref<10240x128xf32, #tpu.memory_space<vmem_shared>> -> memref<16x128xf32, #tpu.memory_space<vmem_shared>>
      tpu.wait_dma2 semaphore(%run_scoped3A : memref<!tpu.dma_semaphore, #tpu.memory_space<semaphore_mem>>) src(%arg9 : memref<16x128xf32, #tpu.memory_space<vmem>>) dst(%dma_wait3A_180 : memref<16x128xf32, #tpu.memory_space<vmem_shared>>)
      tpu.yield
    }) : () -> ()
    %mul3A_146 = arith.constant 640 : i32
    %mul3A_147 = arith.muli %arg1, %mul3A_146 : i32
    %add3A_148 = arith.constant 560 : i32
    %add3A_149 = arith.addi %mul3A_147, %add3A_148 : i32
    "tpu.region"() ({
      %run_scoped3A = tpu.sem_alloc : memref<!tpu.dma_semaphore, #tpu.memory_space<semaphore_mem>>
      %dma_start3A = arith.constant 0 : i32
      %dma_start3A_175 = tpu.memref_slice %arg10[%add3A_149, %dma_start3A] : memref<10240x128xf32, #tpu.memory_space<vmem_shared>> -> memref<16x128xf32, #tpu.memory_space<vmem_shared>>
      %dma_start3A_176 = arith.constant 0 : i32
      %dma_start3A_177 = tpu.memref_slice %arg10[%add3A_149, %dma_start3A_176] : memref<10240x128xf32, #tpu.memory_space<vmem_shared>> -> memref<16x128xf32, #tpu.memory_space<vmem_shared>>
      tpu.enqueue_dma source(%arg9 : memref<16x128xf32, #tpu.memory_space<vmem>>) target(%dma_start3A_177 : memref<16x128xf32, #tpu.memory_space<vmem_shared>>) target_semaphore(%run_scoped3A : memref<!tpu.dma_semaphore, #tpu.memory_space<semaphore_mem>>)
      %dma_wait3A = arith.constant 0 : i32
      %dma_wait3A_178 = tpu.memref_slice %arg10[%add3A_149, %dma_wait3A] : memref<10240x128xf32, #tpu.memory_space<vmem_shared>> -> memref<16x128xf32, #tpu.memory_space<vmem_shared>>
      %dma_wait3A_179 = arith.constant 0 : i32
      %dma_wait3A_180 = tpu.memref_slice %arg10[%add3A_149, %dma_wait3A_179] : memref<10240x128xf32, #tpu.memory_space<vmem_shared>> -> memref<16x128xf32, #tpu.memory_space<vmem_shared>>
      tpu.wait_dma2 semaphore(%run_scoped3A : memref<!tpu.dma_semaphore, #tpu.memory_space<semaphore_mem>>) src(%arg9 : memref<16x128xf32, #tpu.memory_space<vmem>>) dst(%dma_wait3A_180 : memref<16x128xf32, #tpu.memory_space<vmem_shared>>)
      tpu.yield
    }) : () -> ()
    %mul3A_150 = arith.constant 640 : i32
    %mul3A_151 = arith.muli %arg1, %mul3A_150 : i32
    %add3A_152 = arith.constant 576 : i32
    %add3A_153 = arith.addi %mul3A_151, %add3A_152 : i32
    "tpu.region"() ({
      %run_scoped3A = tpu.sem_alloc : memref<!tpu.dma_semaphore, #tpu.memory_space<semaphore_mem>>
      %dma_start3A = arith.constant 0 : i32
      %dma_start3A_175 = tpu.memref_slice %arg10[%add3A_153, %dma_start3A] : memref<10240x128xf32, #tpu.memory_space<vmem_shared>> -> memref<16x128xf32, #tpu.memory_space<vmem_shared>>
      %dma_start3A_176 = arith.constant 0 : i32
      %dma_start3A_177 = tpu.memref_slice %arg10[%add3A_153, %dma_start3A_176] : memref<10240x128xf32, #tpu.memory_space<vmem_shared>> -> memref<16x128xf32, #tpu.memory_space<vmem_shared>>
      tpu.enqueue_dma source(%arg9 : memref<16x128xf32, #tpu.memory_space<vmem>>) target(%dma_start3A_177 : memref<16x128xf32, #tpu.memory_space<vmem_shared>>) target_semaphore(%run_scoped3A : memref<!tpu.dma_semaphore, #tpu.memory_space<semaphore_mem>>)
      %dma_wait3A = arith.constant 0 : i32
      %dma_wait3A_178 = tpu.memref_slice %arg10[%add3A_153, %dma_wait3A] : memref<10240x128xf32, #tpu.memory_space<vmem_shared>> -> memref<16x128xf32, #tpu.memory_space<vmem_shared>>
      %dma_wait3A_179 = arith.constant 0 : i32
      %dma_wait3A_180 = tpu.memref_slice %arg10[%add3A_153, %dma_wait3A_179] : memref<10240x128xf32, #tpu.memory_space<vmem_shared>> -> memref<16x128xf32, #tpu.memory_space<vmem_shared>>
      tpu.wait_dma2 semaphore(%run_scoped3A : memref<!tpu.dma_semaphore, #tpu.memory_space<semaphore_mem>>) src(%arg9 : memref<16x128xf32, #tpu.memory_space<vmem>>) dst(%dma_wait3A_180 : memref<16x128xf32, #tpu.memory_space<vmem_shared>>)
      tpu.yield
    }) : () -> ()
    %mul3A_154 = arith.constant 640 : i32
    %mul3A_155 = arith.muli %arg1, %mul3A_154 : i32
    %add3A_156 = arith.constant 592 : i32
    %add3A_157 = arith.addi %mul3A_155, %add3A_156 : i32
    "tpu.region"() ({
      %run_scoped3A = tpu.sem_alloc : memref<!tpu.dma_semaphore, #tpu.memory_space<semaphore_mem>>
      %dma_start3A = arith.constant 0 : i32
      %dma_start3A_175 = tpu.memref_slice %arg10[%add3A_157, %dma_start3A] : memref<10240x128xf32, #tpu.memory_space<vmem_shared>> -> memref<16x128xf32, #tpu.memory_space<vmem_shared>>
      %dma_start3A_176 = arith.constant 0 : i32
      %dma_start3A_177 = tpu.memref_slice %arg10[%add3A_157, %dma_start3A_176] : memref<10240x128xf32, #tpu.memory_space<vmem_shared>> -> memref<16x128xf32, #tpu.memory_space<vmem_shared>>
      tpu.enqueue_dma source(%arg9 : memref<16x128xf32, #tpu.memory_space<vmem>>) target(%dma_start3A_177 : memref<16x128xf32, #tpu.memory_space<vmem_shared>>) target_semaphore(%run_scoped3A : memref<!tpu.dma_semaphore, #tpu.memory_space<semaphore_mem>>)
      %dma_wait3A = arith.constant 0 : i32
      %dma_wait3A_178 = tpu.memref_slice %arg10[%add3A_157, %dma_wait3A] : memref<10240x128xf32, #tpu.memory_space<vmem_shared>> -> memref<16x128xf32, #tpu.memory_space<vmem_shared>>
      %dma_wait3A_179 = arith.constant 0 : i32
      %dma_wait3A_180 = tpu.memref_slice %arg10[%add3A_157, %dma_wait3A_179] : memref<10240x128xf32, #tpu.memory_space<vmem_shared>> -> memref<16x128xf32, #tpu.memory_space<vmem_shared>>
      tpu.wait_dma2 semaphore(%run_scoped3A : memref<!tpu.dma_semaphore, #tpu.memory_space<semaphore_mem>>) src(%arg9 : memref<16x128xf32, #tpu.memory_space<vmem>>) dst(%dma_wait3A_180 : memref<16x128xf32, #tpu.memory_space<vmem_shared>>)
      tpu.yield
    }) : () -> ()
    %mul3A_158 = arith.constant 640 : i32
    %mul3A_159 = arith.muli %arg1, %mul3A_158 : i32
    %add3A_160 = arith.constant 608 : i32
    %add3A_161 = arith.addi %mul3A_159, %add3A_160 : i32
    "tpu.region"() ({
      %run_scoped3A = tpu.sem_alloc : memref<!tpu.dma_semaphore, #tpu.memory_space<semaphore_mem>>
      %dma_start3A = arith.constant 0 : i32
      %dma_start3A_175 = tpu.memref_slice %arg10[%add3A_161, %dma_start3A] : memref<10240x128xf32, #tpu.memory_space<vmem_shared>> -> memref<16x128xf32, #tpu.memory_space<vmem_shared>>
      %dma_start3A_176 = arith.constant 0 : i32
      %dma_start3A_177 = tpu.memref_slice %arg10[%add3A_161, %dma_start3A_176] : memref<10240x128xf32, #tpu.memory_space<vmem_shared>> -> memref<16x128xf32, #tpu.memory_space<vmem_shared>>
      tpu.enqueue_dma source(%arg9 : memref<16x128xf32, #tpu.memory_space<vmem>>) target(%dma_start3A_177 : memref<16x128xf32, #tpu.memory_space<vmem_shared>>) target_semaphore(%run_scoped3A : memref<!tpu.dma_semaphore, #tpu.memory_space<semaphore_mem>>)
      %dma_wait3A = arith.constant 0 : i32
      %dma_wait3A_178 = tpu.memref_slice %arg10[%add3A_161, %dma_wait3A] : memref<10240x128xf32, #tpu.memory_space<vmem_shared>> -> memref<16x128xf32, #tpu.memory_space<vmem_shared>>
      %dma_wait3A_179 = arith.constant 0 : i32
      %dma_wait3A_180 = tpu.memref_slice %arg10[%add3A_161, %dma_wait3A_179] : memref<10240x128xf32, #tpu.memory_space<vmem_shared>> -> memref<16x128xf32, #tpu.memory_space<vmem_shared>>
      tpu.wait_dma2 semaphore(%run_scoped3A : memref<!tpu.dma_semaphore, #tpu.memory_space<semaphore_mem>>) src(%arg9 : memref<16x128xf32, #tpu.memory_space<vmem>>) dst(%dma_wait3A_180 : memref<16x128xf32, #tpu.memory_space<vmem_shared>>)
      tpu.yield
    }) : () -> ()
    %mul3A_162 = arith.constant 640 : i32
    %mul3A_163 = arith.muli %arg1, %mul3A_162 : i32
    %add3A_164 = arith.constant 624 : i32
    %add3A_165 = arith.addi %mul3A_163, %add3A_164 : i32
    "tpu.region"() ({
      %run_scoped3A = tpu.sem_alloc : memref<!tpu.dma_semaphore, #tpu.memory_space<semaphore_mem>>
      %dma_start3A = arith.constant 0 : i32
      %dma_start3A_175 = tpu.memref_slice %arg10[%add3A_165, %dma_start3A] : memref<10240x128xf32, #tpu.memory_space<vmem_shared>> -> memref<16x128xf32, #tpu.memory_space<vmem_shared>>
      %dma_start3A_176 = arith.constant 0 : i32
      %dma_start3A_177 = tpu.memref_slice %arg10[%add3A_165, %dma_start3A_176] : memref<10240x128xf32, #tpu.memory_space<vmem_shared>> -> memref<16x128xf32, #tpu.memory_space<vmem_shared>>
      tpu.enqueue_dma source(%arg9 : memref<16x128xf32, #tpu.memory_space<vmem>>) target(%dma_start3A_177 : memref<16x128xf32, #tpu.memory_space<vmem_shared>>) target_semaphore(%run_scoped3A : memref<!tpu.dma_semaphore, #tpu.memory_space<semaphore_mem>>)
      %dma_wait3A = arith.constant 0 : i32
      %dma_wait3A_178 = tpu.memref_slice %arg10[%add3A_165, %dma_wait3A] : memref<10240x128xf32, #tpu.memory_space<vmem_shared>> -> memref<16x128xf32, #tpu.memory_space<vmem_shared>>
      %dma_wait3A_179 = arith.constant 0 : i32
      %dma_wait3A_180 = tpu.memref_slice %arg10[%add3A_165, %dma_wait3A_179] : memref<10240x128xf32, #tpu.memory_space<vmem_shared>> -> memref<16x128xf32, #tpu.memory_space<vmem_shared>>
      tpu.wait_dma2 semaphore(%run_scoped3A : memref<!tpu.dma_semaphore, #tpu.memory_space<semaphore_mem>>) src(%arg9 : memref<16x128xf32, #tpu.memory_space<vmem>>) dst(%dma_wait3A_180 : memref<16x128xf32, #tpu.memory_space<vmem_shared>>)
      tpu.yield
    }) : () -> ()
    %barrier3A = arith.constant 0 : index
    tpu.barrier barrier_id(%barrier3A)
    "tpu.region"() ({
      %run_scoped3A = tpu.sem_alloc : memref<!tpu.dma_semaphore, #tpu.memory_space<semaphore_mem>>
      %dma_start3A = arith.constant 0 : i32
      %dma_start3A_175 = arith.constant 0 : i32
      %dma_start3A_176 = tpu.memref_slice %arg3[%add3A, %dma_start3A, %dma_start3A_175] : memref<32x80x128xi32, #tpu.memory_space<hbm>> -> memref<1x80x128xi32, #tpu.memory_space<hbm>>
      %dma_start3A_177 = tpu.memref_squeeze %dma_start3A_176 : memref<1x80x128xi32, #tpu.memory_space<hbm>> -> memref<80x128xi32, #tpu.memory_space<hbm>>
      %dma_start3A_178 = arith.constant 0 : i32
      %dma_start3A_179 = arith.constant 0 : i32
      %dma_start3A_180 = tpu.memref_slice %arg3[%add3A, %dma_start3A_178, %dma_start3A_179] : memref<32x80x128xi32, #tpu.memory_space<hbm>> -> memref<1x80x128xi32, #tpu.memory_space<hbm>>
      %dma_start3A_181 = tpu.memref_squeeze %dma_start3A_180 : memref<1x80x128xi32, #tpu.memory_space<hbm>> -> memref<80x128xi32, #tpu.memory_space<hbm>>
      tpu.enqueue_dma source(%dma_start3A_181 : memref<80x128xi32, #tpu.memory_space<hbm>>) target(%arg6 : memref<80x128xi32, #tpu.memory_space<vmem>>) target_semaphore(%run_scoped3A : memref<!tpu.dma_semaphore, #tpu.memory_space<semaphore_mem>>)
      %dma_wait3A = arith.constant 0 : i32
      %dma_wait3A_182 = arith.constant 0 : i32
      %dma_wait3A_183 = tpu.memref_slice %arg3[%add3A, %dma_wait3A, %dma_wait3A_182] : memref<32x80x128xi32, #tpu.memory_space<hbm>> -> memref<1x80x128xi32, #tpu.memory_space<hbm>>
      %dma_wait3A_184 = tpu.memref_squeeze %dma_wait3A_183 : memref<1x80x128xi32, #tpu.memory_space<hbm>> -> memref<80x128xi32, #tpu.memory_space<hbm>>
      %dma_wait3A_185 = arith.constant 0 : i32
      %dma_wait3A_186 = arith.constant 0 : i32
      %dma_wait3A_187 = tpu.memref_slice %arg3[%add3A, %dma_wait3A_185, %dma_wait3A_186] : memref<32x80x128xi32, #tpu.memory_space<hbm>> -> memref<1x80x128xi32, #tpu.memory_space<hbm>>
      %dma_wait3A_188 = tpu.memref_squeeze %dma_wait3A_187 : memref<1x80x128xi32, #tpu.memory_space<hbm>> -> memref<80x128xi32, #tpu.memory_space<hbm>>
      tpu.wait_dma2 semaphore(%run_scoped3A : memref<!tpu.dma_semaphore, #tpu.memory_space<semaphore_mem>>) src(%dma_wait3A_188 : memref<80x128xi32, #tpu.memory_space<hbm>>) dst(%arg6 : memref<80x128xi32, #tpu.memory_space<vmem>>)
      tpu.yield
    }) : () -> ()
    "tpu.region"() ({
      %run_scoped3A = tpu.sem_alloc : memref<!tpu.dma_semaphore, #tpu.memory_space<semaphore_mem>>
      %dma_start3A = arith.constant 0 : i32
      %dma_start3A_175 = arith.constant 0 : i32
      %dma_start3A_176 = tpu.memref_slice %arg4[%add3A, %dma_start3A, %dma_start3A_175] : memref<32x80x128xi32, #tpu.memory_space<hbm>> -> memref<1x80x128xi32, #tpu.memory_space<hbm>>
      %dma_start3A_177 = tpu.memref_squeeze %dma_start3A_176 : memref<1x80x128xi32, #tpu.memory_space<hbm>> -> memref<80x128xi32, #tpu.memory_space<hbm>>
      %dma_start3A_178 = arith.constant 0 : i32
      %dma_start3A_179 = arith.constant 0 : i32
      %dma_start3A_180 = tpu.memref_slice %arg4[%add3A, %dma_start3A_178, %dma_start3A_179] : memref<32x80x128xi32, #tpu.memory_space<hbm>> -> memref<1x80x128xi32, #tpu.memory_space<hbm>>
      %dma_start3A_181 = tpu.memref_squeeze %dma_start3A_180 : memref<1x80x128xi32, #tpu.memory_space<hbm>> -> memref<80x128xi32, #tpu.memory_space<hbm>>
      tpu.enqueue_dma source(%dma_start3A_181 : memref<80x128xi32, #tpu.memory_space<hbm>>) target(%arg7 : memref<80x128xi32, #tpu.memory_space<vmem>>) target_semaphore(%run_scoped3A : memref<!tpu.dma_semaphore, #tpu.memory_space<semaphore_mem>>)
      %dma_wait3A = arith.constant 0 : i32
      %dma_wait3A_182 = arith.constant 0 : i32
      %dma_wait3A_183 = tpu.memref_slice %arg4[%add3A, %dma_wait3A, %dma_wait3A_182] : memref<32x80x128xi32, #tpu.memory_space<hbm>> -> memref<1x80x128xi32, #tpu.memory_space<hbm>>
      %dma_wait3A_184 = tpu.memref_squeeze %dma_wait3A_183 : memref<1x80x128xi32, #tpu.memory_space<hbm>> -> memref<80x128xi32, #tpu.memory_space<hbm>>
      %dma_wait3A_185 = arith.constant 0 : i32
      %dma_wait3A_186 = arith.constant 0 : i32
      %dma_wait3A_187 = tpu.memref_slice %arg4[%add3A, %dma_wait3A_185, %dma_wait3A_186] : memref<32x80x128xi32, #tpu.memory_space<hbm>> -> memref<1x80x128xi32, #tpu.memory_space<hbm>>
      %dma_wait3A_188 = tpu.memref_squeeze %dma_wait3A_187 : memref<1x80x128xi32, #tpu.memory_space<hbm>> -> memref<80x128xi32, #tpu.memory_space<hbm>>
      tpu.wait_dma2 semaphore(%run_scoped3A : memref<!tpu.dma_semaphore, #tpu.memory_space<semaphore_mem>>) src(%dma_wait3A_188 : memref<80x128xi32, #tpu.memory_space<hbm>>) dst(%arg7 : memref<80x128xi32, #tpu.memory_space<vmem>>)
      tpu.yield
    }) : () -> ()
    %scan3A_166 = arith.constant 0 : i32
    %scan3A_167 = arith.constant 0 : i32
    %scan3A_168 = arith.constant 80 : i32
    %scan3A_169 = arith.addi %scan3A_167, %scan3A_168 : i32
    %scan3A_170 = arith.constant 1 : i32
    scf.for %scan3A_175 = %scan3A_167 to %scan3A_169 step %scan3A_170  : i32 {
      %dma_start3A = arith.constant 0 : i32
      %dma_start3A_176 = tpu.memref_slice %arg6[%scan3A_175, %dma_start3A] : memref<80x128xi32, #tpu.memory_space<vmem>> -> memref<1x128xi32, #tpu.memory_space<vmem>>
      %dma_start3A_177 = tpu.memref_squeeze %dma_start3A_176 : memref<1x128xi32, #tpu.memory_space<vmem>> -> memref<128xi32, #tpu.memory_space<vmem>>
      %dma_start3A_178 = arith.constant 0 : i32
      %dma_start3A_179 = arith.constant 0 : i32
      %dma_start3A_180 = tpu.memref_slice %arg2[%dma_start3A_178, %dma_start3A_179] : memref<10000x128xf32, #tpu.memory_space<hbm>> -> memref<10000x128xf32, #tpu.memory_space<hbm>>
      tpu.enqueue_indirect_dma source(%dma_start3A_180 : memref<10000x128xf32, #tpu.memory_space<hbm>>) target(%arg8 : memref<128x128xf32, #tpu.memory_space<vmem>>) offsets(%dma_start3A_177 : memref<128xi32, #tpu.memory_space<vmem>>) semaphore(%arg11 : memref<!tpu.dma_semaphore, #tpu.memory_space<semaphore_mem>>)
      %dma_wait3A = arith.constant 0 : i32
      %dma_wait3A_181 = tpu.memref_slice %arg6[%scan3A_175, %dma_wait3A] : memref<80x128xi32, #tpu.memory_space<vmem>> -> memref<1x128xi32, #tpu.memory_space<vmem>>
      %dma_wait3A_182 = tpu.memref_squeeze %dma_wait3A_181 : memref<1x128xi32, #tpu.memory_space<vmem>> -> memref<128xi32, #tpu.memory_space<vmem>>
      %dma_wait3A_183 = arith.constant 0 : i32
      %dma_wait3A_184 = arith.constant 0 : i32
      %dma_wait3A_185 = tpu.memref_slice %arg2[%dma_wait3A_183, %dma_wait3A_184] : memref<10000x128xf32, #tpu.memory_space<hbm>> -> memref<10000x128xf32, #tpu.memory_space<hbm>>
      tpu.wait_indirect_dma semaphore(%arg11 : memref<!tpu.dma_semaphore, #tpu.memory_space<semaphore_mem>>) src(%dma_wait3A_185 : memref<10000x128xf32, #tpu.memory_space<hbm>>) dst(%arg8 : memref<128x128xf32, #tpu.memory_space<vmem>>)
      "tpu.region"() ({
        %run_scoped3A = tpu.sem_alloc : memref<!tpu.dma_semaphore, #tpu.memory_space<semaphore_mem>>
        %dma_start3A_186 = arith.constant 0 : i32
        %dma_start3A_187 = tpu.memref_slice %arg7[%scan3A_175, %dma_start3A_186] : memref<80x128xi32, #tpu.memory_space<vmem>> -> memref<1x128xi32, #tpu.memory_space<vmem>>
        %dma_start3A_188 = tpu.memref_squeeze %dma_start3A_187 : memref<1x128xi32, #tpu.memory_space<vmem>> -> memref<128xi32, #tpu.memory_space<vmem>>
        %dma_start3A_189 = arith.constant 0 : i32
        %dma_start3A_190 = arith.constant 0 : i32
        %dma_start3A_191 = tpu.memref_slice %arg10[%dma_start3A_189, %dma_start3A_190] : memref<10240x128xf32, #tpu.memory_space<vmem_shared>> -> memref<10240x128xf32, #tpu.memory_space<vmem_shared>>
        tpu.enqueue_indirect_dma source(%arg8 : memref<128x128xf32, #tpu.memory_space<vmem>>) target(%dma_start3A_191 : memref<10240x128xf32, #tpu.memory_space<vmem_shared>>) offsets(%dma_start3A_188 : memref<128xi32, #tpu.memory_space<vmem>>) semaphore(%run_scoped3A : memref<!tpu.dma_semaphore, #tpu.memory_space<semaphore_mem>>) {add = true}
        %dma_wait3A_192 = arith.constant 0 : i32
        %dma_wait3A_193 = tpu.memref_slice %arg7[%scan3A_175, %dma_wait3A_192] : memref<80x128xi32, #tpu.memory_space<vmem>> -> memref<1x128xi32, #tpu.memory_space<vmem>>
        %dma_wait3A_194 = tpu.memref_squeeze %dma_wait3A_193 : memref<1x128xi32, #tpu.memory_space<vmem>> -> memref<128xi32, #tpu.memory_space<vmem>>
        %dma_wait3A_195 = arith.constant 0 : i32
        %dma_wait3A_196 = arith.constant 0 : i32
        %dma_wait3A_197 = tpu.memref_slice %arg10[%dma_wait3A_195, %dma_wait3A_196] : memref<10240x128xf32, #tpu.memory_space<vmem_shared>> -> memref<10240x128xf32, #tpu.memory_space<vmem_shared>>
        tpu.wait_indirect_dma semaphore(%run_scoped3A : memref<!tpu.dma_semaphore, #tpu.memory_space<semaphore_mem>>) src(%arg8 : memref<128x128xf32, #tpu.memory_space<vmem>>) dst(%dma_wait3A_197 : memref<10240x128xf32, #tpu.memory_space<vmem_shared>>)
        tpu.yield
      }) : () -> ()
    }
    %scan3A_171 = arith.constant 80 : i32
    %barrier3A_172 = arith.constant 0 : index
    tpu.barrier barrier_id(%barrier3A_172)
    %mul3A_173 = arith.constant 640 : i32
    %mul3A_174 = arith.muli %arg1, %mul3A_173 : i32
    "tpu.region"() ({
      %run_scoped3A = tpu.sem_alloc : memref<!tpu.dma_semaphore, #tpu.memory_space<semaphore_mem>>
      %dma_start3A = arith.constant 0 : i32
      %dma_start3A_175 = arith.constant 0 : i32
      %dma_start3A_176 = tpu.memref_slice %arg5[%arg0, %arg1, %dma_start3A, %dma_start3A_175] : memref<2x16x640x128xf32, #tpu.memory_space<hbm>> -> memref<1x1x640x128xf32, #tpu.memory_space<hbm>>
      %dma_start3A_177 = tpu.memref_squeeze %dma_start3A_176 : memref<1x1x640x128xf32, #tpu.memory_space<hbm>> -> memref<640x128xf32, #tpu.memory_space<hbm>>
      %dma_start3A_178 = arith.constant 0 : i32
      %dma_start3A_179 = tpu.memref_slice %arg10[%mul3A_174, %dma_start3A_178] : memref<10240x128xf32, #tpu.memory_space<vmem_shared>> -> memref<640x128xf32, #tpu.memory_space<vmem_shared>>
      tpu.enqueue_dma source(%dma_start3A_179 : memref<640x128xf32, #tpu.memory_space<vmem_shared>>) target(%dma_start3A_177 : memref<640x128xf32, #tpu.memory_space<hbm>>) target_semaphore(%run_scoped3A : memref<!tpu.dma_semaphore, #tpu.memory_space<semaphore_mem>>)
      %dma_wait3A = arith.constant 0 : i32
      %dma_wait3A_180 = arith.constant 0 : i32
      %dma_wait3A_181 = tpu.memref_slice %arg5[%arg0, %arg1, %dma_wait3A, %dma_wait3A_180] : memref<2x16x640x128xf32, #tpu.memory_space<hbm>> -> memref<1x1x640x128xf32, #tpu.memory_space<hbm>>
      %dma_wait3A_182 = tpu.memref_squeeze %dma_wait3A_181 : memref<1x1x640x128xf32, #tpu.memory_space<hbm>> -> memref<640x128xf32, #tpu.memory_space<hbm>>
      %dma_wait3A_183 = arith.constant 0 : i32
      %dma_wait3A_184 = tpu.memref_slice %arg10[%mul3A_174, %dma_wait3A_183] : memref<10240x128xf32, #tpu.memory_space<vmem_shared>> -> memref<640x128xf32, #tpu.memory_space<vmem_shared>>
      tpu.wait_dma2 semaphore(%run_scoped3A : memref<!tpu.dma_semaphore, #tpu.memory_space<semaphore_mem>>) src(%dma_wait3A_184 : memref<640x128xf32, #tpu.memory_space<vmem_shared>>) dst(%dma_wait3A_182 : memref<640x128xf32, #tpu.memory_space<hbm>>)
      tpu.yield
    }) : () -> ()
    return
  }
}

#map = affine_map<(d0, d1) -> (0, 0, 0)>
#map1 = affine_map<(d0, d1) -> (0, 0, 0, 0)>
module attributes {stable_mosaic.version = 14 : i64} {
  func.func @_deg_kernel(%arg0: i32, %arg1: i32, %arg2: memref<32x80x128xi32, #tpu.memory_space<hbm>>, %arg3: memref<2x16x640x128xf32, #tpu.memory_space<hbm>>, %arg4: memref<80x128xi32, #tpu.memory_space<vmem>>, %arg5: memref<128x128xf32, #tpu.memory_space<vmem>>, %arg6: memref<16x128xf32, #tpu.memory_space<vmem>>, %arg7: memref<10240x128xf32, #tpu.memory_space<vmem_shared>>) attributes {dimension_semantics = [#tpu.dimension_semantics<core_parallel>, #tpu.dimension_semantics<subcore_parallel>], iteration_bounds = array<i64: 2, 16>, scalar_prefetch = 0 : i64, scratch_operands = 4 : i64, tpu.core_type = #tpu.core_type<sc_vector_subcore>, window_params = [{transform_indices = #map}, {transform_indices = #map1}]} {
    %mul3A = arith.constant 16 : i32
    %mul3A_0 = arith.muli %arg0, %mul3A : i32
    %add3A = arith.addi %mul3A_0, %arg1 : i32
    %scan3A = arith.constant 0 : i32
    %scan3A_1 = arith.constant 0 : i32
    %scan3A_2 = arith.constant 128 : i32
    %scan3A_3 = arith.addi %scan3A_1, %scan3A_2 : i32
    %scan3A_4 = arith.constant 1 : i32
    scf.for %scan3A_181 = %scan3A_1 to %scan3A_3 step %scan3A_4  : i32 {
      %broadcast_in_dim3A = arith.constant 1.000000e+00 : f32
      %broadcast_in_dim3A_182 = vector.broadcast %broadcast_in_dim3A : f32 to vector<16xf32>
      %swap3A = arith.index_cast %scan3A_181 : i32 to index
      %swap3A_183 = arith.constant 0 : index
      %swap3A_184 = tpu.vector_load %arg5[%swap3A, %swap3A_183] {strides = array<i32>} : memref<128x128xf32, #tpu.memory_space<vmem>>, vector<1x16xf32>,
      %swap3A_185 = vector.shape_cast %swap3A_184 : vector<1x16xf32> to vector<16xf32>
      %swap3A_186 = vector.shape_cast %broadcast_in_dim3A_182 : vector<16xf32> to vector<1x16xf32>
      tpu.vector_store %arg5[%swap3A, %swap3A_183], %swap3A_186 {strides = array<i32>} : memref<128x128xf32, #tpu.memory_space<vmem>>, vector<1x16xf32>,
      %broadcast_in_dim3A_187 = arith.constant 1.000000e+00 : f32
      %broadcast_in_dim3A_188 = vector.broadcast %broadcast_in_dim3A_187 : f32 to vector<16xf32>
      %swap3A_189 = arith.index_cast %scan3A_181 : i32 to index
      %swap3A_190 = arith.constant 16 : index
      %swap3A_191 = tpu.vector_load %arg5[%swap3A_189, %swap3A_190] {strides = array<i32>} : memref<128x128xf32, #tpu.memory_space<vmem>>, vector<1x16xf32>,
      %swap3A_192 = vector.shape_cast %swap3A_191 : vector<1x16xf32> to vector<16xf32>
      %swap3A_193 = vector.shape_cast %broadcast_in_dim3A_188 : vector<16xf32> to vector<1x16xf32>
      tpu.vector_store %arg5[%swap3A_189, %swap3A_190], %swap3A_193 {strides = array<i32>} : memref<128x128xf32, #tpu.memory_space<vmem>>, vector<1x16xf32>,
      %broadcast_in_dim3A_194 = arith.constant 1.000000e+00 : f32
      %broadcast_in_dim3A_195 = vector.broadcast %broadcast_in_dim3A_194 : f32 to vector<16xf32>
      %swap3A_196 = arith.index_cast %scan3A_181 : i32 to index
      %swap3A_197 = arith.constant 32 : index
      %swap3A_198 = tpu.vector_load %arg5[%swap3A_196, %swap3A_197] {strides = array<i32>} : memref<128x128xf32, #tpu.memory_space<vmem>>, vector<1x16xf32>,
      %swap3A_199 = vector.shape_cast %swap3A_198 : vector<1x16xf32> to vector<16xf32>
      %swap3A_200 = vector.shape_cast %broadcast_in_dim3A_195 : vector<16xf32> to vector<1x16xf32>
      tpu.vector_store %arg5[%swap3A_196, %swap3A_197], %swap3A_200 {strides = array<i32>} : memref<128x128xf32, #tpu.memory_space<vmem>>, vector<1x16xf32>,
      %broadcast_in_dim3A_201 = arith.constant 1.000000e+00 : f32
      %broadcast_in_dim3A_202 = vector.broadcast %broadcast_in_dim3A_201 : f32 to vector<16xf32>
      %swap3A_203 = arith.index_cast %scan3A_181 : i32 to index
      %swap3A_204 = arith.constant 48 : index
      %swap3A_205 = tpu.vector_load %arg5[%swap3A_203, %swap3A_204] {strides = array<i32>} : memref<128x128xf32, #tpu.memory_space<vmem>>, vector<1x16xf32>,
      %swap3A_206 = vector.shape_cast %swap3A_205 : vector<1x16xf32> to vector<16xf32>
      %swap3A_207 = vector.shape_cast %broadcast_in_dim3A_202 : vector<16xf32> to vector<1x16xf32>
      tpu.vector_store %arg5[%swap3A_203, %swap3A_204], %swap3A_207 {strides = array<i32>} : memref<128x128xf32, #tpu.memory_space<vmem>>, vector<1x16xf32>,
      %broadcast_in_dim3A_208 = arith.constant 1.000000e+00 : f32
      %broadcast_in_dim3A_209 = vector.broadcast %broadcast_in_dim3A_208 : f32 to vector<16xf32>
      %swap3A_210 = arith.index_cast %scan3A_181 : i32 to index
      %swap3A_211 = arith.constant 64 : index
      %swap3A_212 = tpu.vector_load %arg5[%swap3A_210, %swap3A_211] {strides = array<i32>} : memref<128x128xf32, #tpu.memory_space<vmem>>, vector<1x16xf32>,
      %swap3A_213 = vector.shape_cast %swap3A_212 : vector<1x16xf32> to vector<16xf32>
      %swap3A_214 = vector.shape_cast %broadcast_in_dim3A_209 : vector<16xf32> to vector<1x16xf32>
      tpu.vector_store %arg5[%swap3A_210, %swap3A_211], %swap3A_214 {strides = array<i32>} : memref<128x128xf32, #tpu.memory_space<vmem>>, vector<1x16xf32>,
      %broadcast_in_dim3A_215 = arith.constant 1.000000e+00 : f32
      %broadcast_in_dim3A_216 = vector.broadcast %broadcast_in_dim3A_215 : f32 to vector<16xf32>
      %swap3A_217 = arith.index_cast %scan3A_181 : i32 to index
      %swap3A_218 = arith.constant 80 : index
      %swap3A_219 = tpu.vector_load %arg5[%swap3A_217, %swap3A_218] {strides = array<i32>} : memref<128x128xf32, #tpu.memory_space<vmem>>, vector<1x16xf32>,
      %swap3A_220 = vector.shape_cast %swap3A_219 : vector<1x16xf32> to vector<16xf32>
      %swap3A_221 = vector.shape_cast %broadcast_in_dim3A_216 : vector<16xf32> to vector<1x16xf32>
      tpu.vector_store %arg5[%swap3A_217, %swap3A_218], %swap3A_221 {strides = array<i32>} : memref<128x128xf32, #tpu.memory_space<vmem>>, vector<1x16xf32>,
      %broadcast_in_dim3A_222 = arith.constant 1.000000e+00 : f32
      %broadcast_in_dim3A_223 = vector.broadcast %broadcast_in_dim3A_222 : f32 to vector<16xf32>
      %swap3A_224 = arith.index_cast %scan3A_181 : i32 to index
      %swap3A_225 = arith.constant 96 : index
      %swap3A_226 = tpu.vector_load %arg5[%swap3A_224, %swap3A_225] {strides = array<i32>} : memref<128x128xf32, #tpu.memory_space<vmem>>, vector<1x16xf32>,
      %swap3A_227 = vector.shape_cast %swap3A_226 : vector<1x16xf32> to vector<16xf32>
      %swap3A_228 = vector.shape_cast %broadcast_in_dim3A_223 : vector<16xf32> to vector<1x16xf32>
      tpu.vector_store %arg5[%swap3A_224, %swap3A_225], %swap3A_228 {strides = array<i32>} : memref<128x128xf32, #tpu.memory_space<vmem>>, vector<1x16xf32>,
      %broadcast_in_dim3A_229 = arith.constant 1.000000e+00 : f32
      %broadcast_in_dim3A_230 = vector.broadcast %broadcast_in_dim3A_229 : f32 to vector<16xf32>
      %swap3A_231 = arith.index_cast %scan3A_181 : i32 to index
      %swap3A_232 = arith.constant 112 : index
      %swap3A_233 = tpu.vector_load %arg5[%swap3A_231, %swap3A_232] {strides = array<i32>} : memref<128x128xf32, #tpu.memory_space<vmem>>, vector<1x16xf32>,
      %swap3A_234 = vector.shape_cast %swap3A_233 : vector<1x16xf32> to vector<16xf32>
      %swap3A_235 = vector.shape_cast %broadcast_in_dim3A_230 : vector<16xf32> to vector<1x16xf32>
      tpu.vector_store %arg5[%swap3A_231, %swap3A_232], %swap3A_235 {strides = array<i32>} : memref<128x128xf32, #tpu.memory_space<vmem>>, vector<1x16xf32>,
    }
    %scan3A_5 = arith.constant 128 : i32
    %scan3A_6 = arith.constant 0 : i32
    %scan3A_7 = arith.constant 0 : i32
    %scan3A_8 = arith.constant 16 : i32
    %scan3A_9 = arith.addi %scan3A_7, %scan3A_8 : i32
    %scan3A_10 = arith.constant 1 : i32
    scf.for %scan3A_181 = %scan3A_7 to %scan3A_9 step %scan3A_10  : i32 {
      %broadcast_in_dim3A = arith.constant 0.000000e+00 : f32
      %broadcast_in_dim3A_182 = vector.broadcast %broadcast_in_dim3A : f32 to vector<16xf32>
      %swap3A = arith.index_cast %scan3A_181 : i32 to index
      %swap3A_183 = arith.constant 0 : index
      %swap3A_184 = tpu.vector_load %arg6[%swap3A, %swap3A_183] {strides = array<i32>} : memref<16x128xf32, #tpu.memory_space<vmem>>, vector<1x16xf32>,
      %swap3A_185 = vector.shape_cast %swap3A_184 : vector<1x16xf32> to vector<16xf32>
      %swap3A_186 = vector.shape_cast %broadcast_in_dim3A_182 : vector<16xf32> to vector<1x16xf32>
      tpu.vector_store %arg6[%swap3A, %swap3A_183], %swap3A_186 {strides = array<i32>} : memref<16x128xf32, #tpu.memory_space<vmem>>, vector<1x16xf32>,
      %broadcast_in_dim3A_187 = arith.constant 0.000000e+00 : f32
      %broadcast_in_dim3A_188 = vector.broadcast %broadcast_in_dim3A_187 : f32 to vector<16xf32>
      %swap3A_189 = arith.index_cast %scan3A_181 : i32 to index
      %swap3A_190 = arith.constant 16 : index
      %swap3A_191 = tpu.vector_load %arg6[%swap3A_189, %swap3A_190] {strides = array<i32>} : memref<16x128xf32, #tpu.memory_space<vmem>>, vector<1x16xf32>,
      %swap3A_192 = vector.shape_cast %swap3A_191 : vector<1x16xf32> to vector<16xf32>
      %swap3A_193 = vector.shape_cast %broadcast_in_dim3A_188 : vector<16xf32> to vector<1x16xf32>
      tpu.vector_store %arg6[%swap3A_189, %swap3A_190], %swap3A_193 {strides = array<i32>} : memref<16x128xf32, #tpu.memory_space<vmem>>, vector<1x16xf32>,
      %broadcast_in_dim3A_194 = arith.constant 0.000000e+00 : f32
      %broadcast_in_dim3A_195 = vector.broadcast %broadcast_in_dim3A_194 : f32 to vector<16xf32>
      %swap3A_196 = arith.index_cast %scan3A_181 : i32 to index
      %swap3A_197 = arith.constant 32 : index
      %swap3A_198 = tpu.vector_load %arg6[%swap3A_196, %swap3A_197] {strides = array<i32>} : memref<16x128xf32, #tpu.memory_space<vmem>>, vector<1x16xf32>,
      %swap3A_199 = vector.shape_cast %swap3A_198 : vector<1x16xf32> to vector<16xf32>
      %swap3A_200 = vector.shape_cast %broadcast_in_dim3A_195 : vector<16xf32> to vector<1x16xf32>
      tpu.vector_store %arg6[%swap3A_196, %swap3A_197], %swap3A_200 {strides = array<i32>} : memref<16x128xf32, #tpu.memory_space<vmem>>, vector<1x16xf32>,
      %broadcast_in_dim3A_201 = arith.constant 0.000000e+00 : f32
      %broadcast_in_dim3A_202 = vector.broadcast %broadcast_in_dim3A_201 : f32 to vector<16xf32>
      %swap3A_203 = arith.index_cast %scan3A_181 : i32 to index
      %swap3A_204 = arith.constant 48 : index
      %swap3A_205 = tpu.vector_load %arg6[%swap3A_203, %swap3A_204] {strides = array<i32>} : memref<16x128xf32, #tpu.memory_space<vmem>>, vector<1x16xf32>,
      %swap3A_206 = vector.shape_cast %swap3A_205 : vector<1x16xf32> to vector<16xf32>
      %swap3A_207 = vector.shape_cast %broadcast_in_dim3A_202 : vector<16xf32> to vector<1x16xf32>
      tpu.vector_store %arg6[%swap3A_203, %swap3A_204], %swap3A_207 {strides = array<i32>} : memref<16x128xf32, #tpu.memory_space<vmem>>, vector<1x16xf32>,
      %broadcast_in_dim3A_208 = arith.constant 0.000000e+00 : f32
      %broadcast_in_dim3A_209 = vector.broadcast %broadcast_in_dim3A_208 : f32 to vector<16xf32>
      %swap3A_210 = arith.index_cast %scan3A_181 : i32 to index
      %swap3A_211 = arith.constant 64 : index
      %swap3A_212 = tpu.vector_load %arg6[%swap3A_210, %swap3A_211] {strides = array<i32>} : memref<16x128xf32, #tpu.memory_space<vmem>>, vector<1x16xf32>,
      %swap3A_213 = vector.shape_cast %swap3A_212 : vector<1x16xf32> to vector<16xf32>
      %swap3A_214 = vector.shape_cast %broadcast_in_dim3A_209 : vector<16xf32> to vector<1x16xf32>
      tpu.vector_store %arg6[%swap3A_210, %swap3A_211], %swap3A_214 {strides = array<i32>} : memref<16x128xf32, #tpu.memory_space<vmem>>, vector<1x16xf32>,
      %broadcast_in_dim3A_215 = arith.constant 0.000000e+00 : f32
      %broadcast_in_dim3A_216 = vector.broadcast %broadcast_in_dim3A_215 : f32 to vector<16xf32>
      %swap3A_217 = arith.index_cast %scan3A_181 : i32 to index
      %swap3A_218 = arith.constant 80 : index
      %swap3A_219 = tpu.vector_load %arg6[%swap3A_217, %swap3A_218] {strides = array<i32>} : memref<16x128xf32, #tpu.memory_space<vmem>>, vector<1x16xf32>,
      %swap3A_220 = vector.shape_cast %swap3A_219 : vector<1x16xf32> to vector<16xf32>
      %swap3A_221 = vector.shape_cast %broadcast_in_dim3A_216 : vector<16xf32> to vector<1x16xf32>
      tpu.vector_store %arg6[%swap3A_217, %swap3A_218], %swap3A_221 {strides = array<i32>} : memref<16x128xf32, #tpu.memory_space<vmem>>, vector<1x16xf32>,
      %broadcast_in_dim3A_222 = arith.constant 0.000000e+00 : f32
      %broadcast_in_dim3A_223 = vector.broadcast %broadcast_in_dim3A_222 : f32 to vector<16xf32>
      %swap3A_224 = arith.index_cast %scan3A_181 : i32 to index
      %swap3A_225 = arith.constant 96 : index
      %swap3A_226 = tpu.vector_load %arg6[%swap3A_224, %swap3A_225] {strides = array<i32>} : memref<16x128xf32, #tpu.memory_space<vmem>>, vector<1x16xf32>,
      %swap3A_227 = vector.shape_cast %swap3A_226 : vector<1x16xf32> to vector<16xf32>
      %swap3A_228 = vector.shape_cast %broadcast_in_dim3A_223 : vector<16xf32> to vector<1x16xf32>
      tpu.vector_store %arg6[%swap3A_224, %swap3A_225], %swap3A_228 {strides = array<i32>} : memref<16x128xf32, #tpu.memory_space<vmem>>, vector<1x16xf32>,
      %broadcast_in_dim3A_229 = arith.constant 0.000000e+00 : f32
      %broadcast_in_dim3A_230 = vector.broadcast %broadcast_in_dim3A_229 : f32 to vector<16xf32>
      %swap3A_231 = arith.index_cast %scan3A_181 : i32 to index
      %swap3A_232 = arith.constant 112 : index
      %swap3A_233 = tpu.vector_load %arg6[%swap3A_231, %swap3A_232] {strides = array<i32>} : memref<16x128xf32, #tpu.memory_space<vmem>>, vector<1x16xf32>,
      %swap3A_234 = vector.shape_cast %swap3A_233 : vector<1x16xf32> to vector<16xf32>
      %swap3A_235 = vector.shape_cast %broadcast_in_dim3A_230 : vector<16xf32> to vector<1x16xf32>
      tpu.vector_store %arg6[%swap3A_231, %swap3A_232], %swap3A_235 {strides = array<i32>} : memref<16x128xf32, #tpu.memory_space<vmem>>, vector<1x16xf32>,
    }
    %scan3A_11 = arith.constant 16 : i32
    %mul3A_12 = arith.constant 640 : i32
    %mul3A_13 = arith.muli %arg1, %mul3A_12 : i32
    %add3A_14 = arith.constant 0 : i32
    %add3A_15 = arith.addi %mul3A_13, %add3A_14 : i32
    "tpu.region"() ({
      %run_scoped3A = tpu.sem_alloc : memref<!tpu.dma_semaphore, #tpu.memory_space<semaphore_mem>>
      %dma_start3A = arith.constant 0 : i32
      %dma_start3A_181 = tpu.memref_slice %arg7[%add3A_15, %dma_start3A] : memref<10240x128xf32, #tpu.memory_space<vmem_shared>> -> memref<16x128xf32, #tpu.memory_space<vmem_shared>>
      %dma_start3A_182 = arith.constant 0 : i32
      %dma_start3A_183 = tpu.memref_slice %arg7[%add3A_15, %dma_start3A_182] : memref<10240x128xf32, #tpu.memory_space<vmem_shared>> -> memref<16x128xf32, #tpu.memory_space<vmem_shared>>
      tpu.enqueue_dma source(%arg6 : memref<16x128xf32, #tpu.memory_space<vmem>>) target(%dma_start3A_183 : memref<16x128xf32, #tpu.memory_space<vmem_shared>>) target_semaphore(%run_scoped3A : memref<!tpu.dma_semaphore, #tpu.memory_space<semaphore_mem>>)
      %dma_wait3A = arith.constant 0 : i32
      %dma_wait3A_184 = tpu.memref_slice %arg7[%add3A_15, %dma_wait3A] : memref<10240x128xf32, #tpu.memory_space<vmem_shared>> -> memref<16x128xf32, #tpu.memory_space<vmem_shared>>
      %dma_wait3A_185 = arith.constant 0 : i32
      %dma_wait3A_186 = tpu.memref_slice %arg7[%add3A_15, %dma_wait3A_185] : memref<10240x128xf32, #tpu.memory_space<vmem_shared>> -> memref<16x128xf32, #tpu.memory_space<vmem_shared>>
      tpu.wait_dma2 semaphore(%run_scoped3A : memref<!tpu.dma_semaphore, #tpu.memory_space<semaphore_mem>>) src(%arg6 : memref<16x128xf32, #tpu.memory_space<vmem>>) dst(%dma_wait3A_186 : memref<16x128xf32, #tpu.memory_space<vmem_shared>>)
      tpu.yield
    }) : () -> ()
    %mul3A_16 = arith.constant 640 : i32
    %mul3A_17 = arith.muli %arg1, %mul3A_16 : i32
    %add3A_18 = arith.constant 16 : i32
    %add3A_19 = arith.addi %mul3A_17, %add3A_18 : i32
    "tpu.region"() ({
      %run_scoped3A = tpu.sem_alloc : memref<!tpu.dma_semaphore, #tpu.memory_space<semaphore_mem>>
      %dma_start3A = arith.constant 0 : i32
      %dma_start3A_181 = tpu.memref_slice %arg7[%add3A_19, %dma_start3A] : memref<10240x128xf32, #tpu.memory_space<vmem_shared>> -> memref<16x128xf32, #tpu.memory_space<vmem_shared>>
      %dma_start3A_182 = arith.constant 0 : i32
      %dma_start3A_183 = tpu.memref_slice %arg7[%add3A_19, %dma_start3A_182] : memref<10240x128xf32, #tpu.memory_space<vmem_shared>> -> memref<16x128xf32, #tpu.memory_space<vmem_shared>>
      tpu.enqueue_dma source(%arg6 : memref<16x128xf32, #tpu.memory_space<vmem>>) target(%dma_start3A_183 : memref<16x128xf32, #tpu.memory_space<vmem_shared>>) target_semaphore(%run_scoped3A : memref<!tpu.dma_semaphore, #tpu.memory_space<semaphore_mem>>)
      %dma_wait3A = arith.constant 0 : i32
      %dma_wait3A_184 = tpu.memref_slice %arg7[%add3A_19, %dma_wait3A] : memref<10240x128xf32, #tpu.memory_space<vmem_shared>> -> memref<16x128xf32, #tpu.memory_space<vmem_shared>>
      %dma_wait3A_185 = arith.constant 0 : i32
      %dma_wait3A_186 = tpu.memref_slice %arg7[%add3A_19, %dma_wait3A_185] : memref<10240x128xf32, #tpu.memory_space<vmem_shared>> -> memref<16x128xf32, #tpu.memory_space<vmem_shared>>
      tpu.wait_dma2 semaphore(%run_scoped3A : memref<!tpu.dma_semaphore, #tpu.memory_space<semaphore_mem>>) src(%arg6 : memref<16x128xf32, #tpu.memory_space<vmem>>) dst(%dma_wait3A_186 : memref<16x128xf32, #tpu.memory_space<vmem_shared>>)
      tpu.yield
    }) : () -> ()
    %mul3A_20 = arith.constant 640 : i32
    %mul3A_21 = arith.muli %arg1, %mul3A_20 : i32
    %add3A_22 = arith.constant 32 : i32
    %add3A_23 = arith.addi %mul3A_21, %add3A_22 : i32
    "tpu.region"() ({
      %run_scoped3A = tpu.sem_alloc : memref<!tpu.dma_semaphore, #tpu.memory_space<semaphore_mem>>
      %dma_start3A = arith.constant 0 : i32
      %dma_start3A_181 = tpu.memref_slice %arg7[%add3A_23, %dma_start3A] : memref<10240x128xf32, #tpu.memory_space<vmem_shared>> -> memref<16x128xf32, #tpu.memory_space<vmem_shared>>
      %dma_start3A_182 = arith.constant 0 : i32
      %dma_start3A_183 = tpu.memref_slice %arg7[%add3A_23, %dma_start3A_182] : memref<10240x128xf32, #tpu.memory_space<vmem_shared>> -> memref<16x128xf32, #tpu.memory_space<vmem_shared>>
      tpu.enqueue_dma source(%arg6 : memref<16x128xf32, #tpu.memory_space<vmem>>) target(%dma_start3A_183 : memref<16x128xf32, #tpu.memory_space<vmem_shared>>) target_semaphore(%run_scoped3A : memref<!tpu.dma_semaphore, #tpu.memory_space<semaphore_mem>>)
      %dma_wait3A = arith.constant 0 : i32
      %dma_wait3A_184 = tpu.memref_slice %arg7[%add3A_23, %dma_wait3A] : memref<10240x128xf32, #tpu.memory_space<vmem_shared>> -> memref<16x128xf32, #tpu.memory_space<vmem_shared>>
      %dma_wait3A_185 = arith.constant 0 : i32
      %dma_wait3A_186 = tpu.memref_slice %arg7[%add3A_23, %dma_wait3A_185] : memref<10240x128xf32, #tpu.memory_space<vmem_shared>> -> memref<16x128xf32, #tpu.memory_space<vmem_shared>>
      tpu.wait_dma2 semaphore(%run_scoped3A : memref<!tpu.dma_semaphore, #tpu.memory_space<semaphore_mem>>) src(%arg6 : memref<16x128xf32, #tpu.memory_space<vmem>>) dst(%dma_wait3A_186 : memref<16x128xf32, #tpu.memory_space<vmem_shared>>)
      tpu.yield
    }) : () -> ()
    %mul3A_24 = arith.constant 640 : i32
    %mul3A_25 = arith.muli %arg1, %mul3A_24 : i32
    %add3A_26 = arith.constant 48 : i32
    %add3A_27 = arith.addi %mul3A_25, %add3A_26 : i32
    "tpu.region"() ({
      %run_scoped3A = tpu.sem_alloc : memref<!tpu.dma_semaphore, #tpu.memory_space<semaphore_mem>>
      %dma_start3A = arith.constant 0 : i32
      %dma_start3A_181 = tpu.memref_slice %arg7[%add3A_27, %dma_start3A] : memref<10240x128xf32, #tpu.memory_space<vmem_shared>> -> memref<16x128xf32, #tpu.memory_space<vmem_shared>>
      %dma_start3A_182 = arith.constant 0 : i32
      %dma_start3A_183 = tpu.memref_slice %arg7[%add3A_27, %dma_start3A_182] : memref<10240x128xf32, #tpu.memory_space<vmem_shared>> -> memref<16x128xf32, #tpu.memory_space<vmem_shared>>
      tpu.enqueue_dma source(%arg6 : memref<16x128xf32, #tpu.memory_space<vmem>>) target(%dma_start3A_183 : memref<16x128xf32, #tpu.memory_space<vmem_shared>>) target_semaphore(%run_scoped3A : memref<!tpu.dma_semaphore, #tpu.memory_space<semaphore_mem>>)
      %dma_wait3A = arith.constant 0 : i32
      %dma_wait3A_184 = tpu.memref_slice %arg7[%add3A_27, %dma_wait3A] : memref<10240x128xf32, #tpu.memory_space<vmem_shared>> -> memref<16x128xf32, #tpu.memory_space<vmem_shared>>
      %dma_wait3A_185 = arith.constant 0 : i32
      %dma_wait3A_186 = tpu.memref_slice %arg7[%add3A_27, %dma_wait3A_185] : memref<10240x128xf32, #tpu.memory_space<vmem_shared>> -> memref<16x128xf32, #tpu.memory_space<vmem_shared>>
      tpu.wait_dma2 semaphore(%run_scoped3A : memref<!tpu.dma_semaphore, #tpu.memory_space<semaphore_mem>>) src(%arg6 : memref<16x128xf32, #tpu.memory_space<vmem>>) dst(%dma_wait3A_186 : memref<16x128xf32, #tpu.memory_space<vmem_shared>>)
      tpu.yield
    }) : () -> ()
    %mul3A_28 = arith.constant 640 : i32
    %mul3A_29 = arith.muli %arg1, %mul3A_28 : i32
    %add3A_30 = arith.constant 64 : i32
    %add3A_31 = arith.addi %mul3A_29, %add3A_30 : i32
    "tpu.region"() ({
      %run_scoped3A = tpu.sem_alloc : memref<!tpu.dma_semaphore, #tpu.memory_space<semaphore_mem>>
      %dma_start3A = arith.constant 0 : i32
      %dma_start3A_181 = tpu.memref_slice %arg7[%add3A_31, %dma_start3A] : memref<10240x128xf32, #tpu.memory_space<vmem_shared>> -> memref<16x128xf32, #tpu.memory_space<vmem_shared>>
      %dma_start3A_182 = arith.constant 0 : i32
      %dma_start3A_183 = tpu.memref_slice %arg7[%add3A_31, %dma_start3A_182] : memref<10240x128xf32, #tpu.memory_space<vmem_shared>> -> memref<16x128xf32, #tpu.memory_space<vmem_shared>>
      tpu.enqueue_dma source(%arg6 : memref<16x128xf32, #tpu.memory_space<vmem>>) target(%dma_start3A_183 : memref<16x128xf32, #tpu.memory_space<vmem_shared>>) target_semaphore(%run_scoped3A : memref<!tpu.dma_semaphore, #tpu.memory_space<semaphore_mem>>)
      %dma_wait3A = arith.constant 0 : i32
      %dma_wait3A_184 = tpu.memref_slice %arg7[%add3A_31, %dma_wait3A] : memref<10240x128xf32, #tpu.memory_space<vmem_shared>> -> memref<16x128xf32, #tpu.memory_space<vmem_shared>>
      %dma_wait3A_185 = arith.constant 0 : i32
      %dma_wait3A_186 = tpu.memref_slice %arg7[%add3A_31, %dma_wait3A_185] : memref<10240x128xf32, #tpu.memory_space<vmem_shared>> -> memref<16x128xf32, #tpu.memory_space<vmem_shared>>
      tpu.wait_dma2 semaphore(%run_scoped3A : memref<!tpu.dma_semaphore, #tpu.memory_space<semaphore_mem>>) src(%arg6 : memref<16x128xf32, #tpu.memory_space<vmem>>) dst(%dma_wait3A_186 : memref<16x128xf32, #tpu.memory_space<vmem_shared>>)
      tpu.yield
    }) : () -> ()
    %mul3A_32 = arith.constant 640 : i32
    %mul3A_33 = arith.muli %arg1, %mul3A_32 : i32
    %add3A_34 = arith.constant 80 : i32
    %add3A_35 = arith.addi %mul3A_33, %add3A_34 : i32
    "tpu.region"() ({
      %run_scoped3A = tpu.sem_alloc : memref<!tpu.dma_semaphore, #tpu.memory_space<semaphore_mem>>
      %dma_start3A = arith.constant 0 : i32
      %dma_start3A_181 = tpu.memref_slice %arg7[%add3A_35, %dma_start3A] : memref<10240x128xf32, #tpu.memory_space<vmem_shared>> -> memref<16x128xf32, #tpu.memory_space<vmem_shared>>
      %dma_start3A_182 = arith.constant 0 : i32
      %dma_start3A_183 = tpu.memref_slice %arg7[%add3A_35, %dma_start3A_182] : memref<10240x128xf32, #tpu.memory_space<vmem_shared>> -> memref<16x128xf32, #tpu.memory_space<vmem_shared>>
      tpu.enqueue_dma source(%arg6 : memref<16x128xf32, #tpu.memory_space<vmem>>) target(%dma_start3A_183 : memref<16x128xf32, #tpu.memory_space<vmem_shared>>) target_semaphore(%run_scoped3A : memref<!tpu.dma_semaphore, #tpu.memory_space<semaphore_mem>>)
      %dma_wait3A = arith.constant 0 : i32
      %dma_wait3A_184 = tpu.memref_slice %arg7[%add3A_35, %dma_wait3A] : memref<10240x128xf32, #tpu.memory_space<vmem_shared>> -> memref<16x128xf32, #tpu.memory_space<vmem_shared>>
      %dma_wait3A_185 = arith.constant 0 : i32
      %dma_wait3A_186 = tpu.memref_slice %arg7[%add3A_35, %dma_wait3A_185] : memref<10240x128xf32, #tpu.memory_space<vmem_shared>> -> memref<16x128xf32, #tpu.memory_space<vmem_shared>>
      tpu.wait_dma2 semaphore(%run_scoped3A : memref<!tpu.dma_semaphore, #tpu.memory_space<semaphore_mem>>) src(%arg6 : memref<16x128xf32, #tpu.memory_space<vmem>>) dst(%dma_wait3A_186 : memref<16x128xf32, #tpu.memory_space<vmem_shared>>)
      tpu.yield
    }) : () -> ()
    %mul3A_36 = arith.constant 640 : i32
    %mul3A_37 = arith.muli %arg1, %mul3A_36 : i32
    %add3A_38 = arith.constant 96 : i32
    %add3A_39 = arith.addi %mul3A_37, %add3A_38 : i32
    "tpu.region"() ({
      %run_scoped3A = tpu.sem_alloc : memref<!tpu.dma_semaphore, #tpu.memory_space<semaphore_mem>>
      %dma_start3A = arith.constant 0 : i32
      %dma_start3A_181 = tpu.memref_slice %arg7[%add3A_39, %dma_start3A] : memref<10240x128xf32, #tpu.memory_space<vmem_shared>> -> memref<16x128xf32, #tpu.memory_space<vmem_shared>>
      %dma_start3A_182 = arith.constant 0 : i32
      %dma_start3A_183 = tpu.memref_slice %arg7[%add3A_39, %dma_start3A_182] : memref<10240x128xf32, #tpu.memory_space<vmem_shared>> -> memref<16x128xf32, #tpu.memory_space<vmem_shared>>
      tpu.enqueue_dma source(%arg6 : memref<16x128xf32, #tpu.memory_space<vmem>>) target(%dma_start3A_183 : memref<16x128xf32, #tpu.memory_space<vmem_shared>>) target_semaphore(%run_scoped3A : memref<!tpu.dma_semaphore, #tpu.memory_space<semaphore_mem>>)
      %dma_wait3A = arith.constant 0 : i32
      %dma_wait3A_184 = tpu.memref_slice %arg7[%add3A_39, %dma_wait3A] : memref<10240x128xf32, #tpu.memory_space<vmem_shared>> -> memref<16x128xf32, #tpu.memory_space<vmem_shared>>
      %dma_wait3A_185 = arith.constant 0 : i32
      %dma_wait3A_186 = tpu.memref_slice %arg7[%add3A_39, %dma_wait3A_185] : memref<10240x128xf32, #tpu.memory_space<vmem_shared>> -> memref<16x128xf32, #tpu.memory_space<vmem_shared>>
      tpu.wait_dma2 semaphore(%run_scoped3A : memref<!tpu.dma_semaphore, #tpu.memory_space<semaphore_mem>>) src(%arg6 : memref<16x128xf32, #tpu.memory_space<vmem>>) dst(%dma_wait3A_186 : memref<16x128xf32, #tpu.memory_space<vmem_shared>>)
      tpu.yield
    }) : () -> ()
    %mul3A_40 = arith.constant 640 : i32
    %mul3A_41 = arith.muli %arg1, %mul3A_40 : i32
    %add3A_42 = arith.constant 112 : i32
    %add3A_43 = arith.addi %mul3A_41, %add3A_42 : i32
    "tpu.region"() ({
      %run_scoped3A = tpu.sem_alloc : memref<!tpu.dma_semaphore, #tpu.memory_space<semaphore_mem>>
      %dma_start3A = arith.constant 0 : i32
      %dma_start3A_181 = tpu.memref_slice %arg7[%add3A_43, %dma_start3A] : memref<10240x128xf32, #tpu.memory_space<vmem_shared>> -> memref<16x128xf32, #tpu.memory_space<vmem_shared>>
      %dma_start3A_182 = arith.constant 0 : i32
      %dma_start3A_183 = tpu.memref_slice %arg7[%add3A_43, %dma_start3A_182] : memref<10240x128xf32, #tpu.memory_space<vmem_shared>> -> memref<16x128xf32, #tpu.memory_space<vmem_shared>>
      tpu.enqueue_dma source(%arg6 : memref<16x128xf32, #tpu.memory_space<vmem>>) target(%dma_start3A_183 : memref<16x128xf32, #tpu.memory_space<vmem_shared>>) target_semaphore(%run_scoped3A : memref<!tpu.dma_semaphore, #tpu.memory_space<semaphore_mem>>)
      %dma_wait3A = arith.constant 0 : i32
      %dma_wait3A_184 = tpu.memref_slice %arg7[%add3A_43, %dma_wait3A] : memref<10240x128xf32, #tpu.memory_space<vmem_shared>> -> memref<16x128xf32, #tpu.memory_space<vmem_shared>>
      %dma_wait3A_185 = arith.constant 0 : i32
      %dma_wait3A_186 = tpu.memref_slice %arg7[%add3A_43, %dma_wait3A_185] : memref<10240x128xf32, #tpu.memory_space<vmem_shared>> -> memref<16x128xf32, #tpu.memory_space<vmem_shared>>
      tpu.wait_dma2 semaphore(%run_scoped3A : memref<!tpu.dma_semaphore, #tpu.memory_space<semaphore_mem>>) src(%arg6 : memref<16x128xf32, #tpu.memory_space<vmem>>) dst(%dma_wait3A_186 : memref<16x128xf32, #tpu.memory_space<vmem_shared>>)
      tpu.yield
    }) : () -> ()
    %mul3A_44 = arith.constant 640 : i32
    %mul3A_45 = arith.muli %arg1, %mul3A_44 : i32
    %add3A_46 = arith.constant 128 : i32
    %add3A_47 = arith.addi %mul3A_45, %add3A_46 : i32
    "tpu.region"() ({
      %run_scoped3A = tpu.sem_alloc : memref<!tpu.dma_semaphore, #tpu.memory_space<semaphore_mem>>
      %dma_start3A = arith.constant 0 : i32
      %dma_start3A_181 = tpu.memref_slice %arg7[%add3A_47, %dma_start3A] : memref<10240x128xf32, #tpu.memory_space<vmem_shared>> -> memref<16x128xf32, #tpu.memory_space<vmem_shared>>
      %dma_start3A_182 = arith.constant 0 : i32
      %dma_start3A_183 = tpu.memref_slice %arg7[%add3A_47, %dma_start3A_182] : memref<10240x128xf32, #tpu.memory_space<vmem_shared>> -> memref<16x128xf32, #tpu.memory_space<vmem_shared>>
      tpu.enqueue_dma source(%arg6 : memref<16x128xf32, #tpu.memory_space<vmem>>) target(%dma_start3A_183 : memref<16x128xf32, #tpu.memory_space<vmem_shared>>) target_semaphore(%run_scoped3A : memref<!tpu.dma_semaphore, #tpu.memory_space<semaphore_mem>>)
      %dma_wait3A = arith.constant 0 : i32
      %dma_wait3A_184 = tpu.memref_slice %arg7[%add3A_47, %dma_wait3A] : memref<10240x128xf32, #tpu.memory_space<vmem_shared>> -> memref<16x128xf32, #tpu.memory_space<vmem_shared>>
      %dma_wait3A_185 = arith.constant 0 : i32
      %dma_wait3A_186 = tpu.memref_slice %arg7[%add3A_47, %dma_wait3A_185] : memref<10240x128xf32, #tpu.memory_space<vmem_shared>> -> memref<16x128xf32, #tpu.memory_space<vmem_shared>>
      tpu.wait_dma2 semaphore(%run_scoped3A : memref<!tpu.dma_semaphore, #tpu.memory_space<semaphore_mem>>) src(%arg6 : memref<16x128xf32, #tpu.memory_space<vmem>>) dst(%dma_wait3A_186 : memref<16x128xf32, #tpu.memory_space<vmem_shared>>)
      tpu.yield
    }) : () -> ()
    %mul3A_48 = arith.constant 640 : i32
    %mul3A_49 = arith.muli %arg1, %mul3A_48 : i32
    %add3A_50 = arith.constant 144 : i32
    %add3A_51 = arith.addi %mul3A_49, %add3A_50 : i32
    "tpu.region"() ({
      %run_scoped3A = tpu.sem_alloc : memref<!tpu.dma_semaphore, #tpu.memory_space<semaphore_mem>>
      %dma_start3A = arith.constant 0 : i32
      %dma_start3A_181 = tpu.memref_slice %arg7[%add3A_51, %dma_start3A] : memref<10240x128xf32, #tpu.memory_space<vmem_shared>> -> memref<16x128xf32, #tpu.memory_space<vmem_shared>>
      %dma_start3A_182 = arith.constant 0 : i32
      %dma_start3A_183 = tpu.memref_slice %arg7[%add3A_51, %dma_start3A_182] : memref<10240x128xf32, #tpu.memory_space<vmem_shared>> -> memref<16x128xf32, #tpu.memory_space<vmem_shared>>
      tpu.enqueue_dma source(%arg6 : memref<16x128xf32, #tpu.memory_space<vmem>>) target(%dma_start3A_183 : memref<16x128xf32, #tpu.memory_space<vmem_shared>>) target_semaphore(%run_scoped3A : memref<!tpu.dma_semaphore, #tpu.memory_space<semaphore_mem>>)
      %dma_wait3A = arith.constant 0 : i32
      %dma_wait3A_184 = tpu.memref_slice %arg7[%add3A_51, %dma_wait3A] : memref<10240x128xf32, #tpu.memory_space<vmem_shared>> -> memref<16x128xf32, #tpu.memory_space<vmem_shared>>
      %dma_wait3A_185 = arith.constant 0 : i32
      %dma_wait3A_186 = tpu.memref_slice %arg7[%add3A_51, %dma_wait3A_185] : memref<10240x128xf32, #tpu.memory_space<vmem_shared>> -> memref<16x128xf32, #tpu.memory_space<vmem_shared>>
      tpu.wait_dma2 semaphore(%run_scoped3A : memref<!tpu.dma_semaphore, #tpu.memory_space<semaphore_mem>>) src(%arg6 : memref<16x128xf32, #tpu.memory_space<vmem>>) dst(%dma_wait3A_186 : memref<16x128xf32, #tpu.memory_space<vmem_shared>>)
      tpu.yield
    }) : () -> ()
    %mul3A_52 = arith.constant 640 : i32
    %mul3A_53 = arith.muli %arg1, %mul3A_52 : i32
    %add3A_54 = arith.constant 160 : i32
    %add3A_55 = arith.addi %mul3A_53, %add3A_54 : i32
    "tpu.region"() ({
      %run_scoped3A = tpu.sem_alloc : memref<!tpu.dma_semaphore, #tpu.memory_space<semaphore_mem>>
      %dma_start3A = arith.constant 0 : i32
      %dma_start3A_181 = tpu.memref_slice %arg7[%add3A_55, %dma_start3A] : memref<10240x128xf32, #tpu.memory_space<vmem_shared>> -> memref<16x128xf32, #tpu.memory_space<vmem_shared>>
      %dma_start3A_182 = arith.constant 0 : i32
      %dma_start3A_183 = tpu.memref_slice %arg7[%add3A_55, %dma_start3A_182] : memref<10240x128xf32, #tpu.memory_space<vmem_shared>> -> memref<16x128xf32, #tpu.memory_space<vmem_shared>>
      tpu.enqueue_dma source(%arg6 : memref<16x128xf32, #tpu.memory_space<vmem>>) target(%dma_start3A_183 : memref<16x128xf32, #tpu.memory_space<vmem_shared>>) target_semaphore(%run_scoped3A : memref<!tpu.dma_semaphore, #tpu.memory_space<semaphore_mem>>)
      %dma_wait3A = arith.constant 0 : i32
      %dma_wait3A_184 = tpu.memref_slice %arg7[%add3A_55, %dma_wait3A] : memref<10240x128xf32, #tpu.memory_space<vmem_shared>> -> memref<16x128xf32, #tpu.memory_space<vmem_shared>>
      %dma_wait3A_185 = arith.constant 0 : i32
      %dma_wait3A_186 = tpu.memref_slice %arg7[%add3A_55, %dma_wait3A_185] : memref<10240x128xf32, #tpu.memory_space<vmem_shared>> -> memref<16x128xf32, #tpu.memory_space<vmem_shared>>
      tpu.wait_dma2 semaphore(%run_scoped3A : memref<!tpu.dma_semaphore, #tpu.memory_space<semaphore_mem>>) src(%arg6 : memref<16x128xf32, #tpu.memory_space<vmem>>) dst(%dma_wait3A_186 : memref<16x128xf32, #tpu.memory_space<vmem_shared>>)
      tpu.yield
    }) : () -> ()
    %mul3A_56 = arith.constant 640 : i32
    %mul3A_57 = arith.muli %arg1, %mul3A_56 : i32
    %add3A_58 = arith.constant 176 : i32
    %add3A_59 = arith.addi %mul3A_57, %add3A_58 : i32
    "tpu.region"() ({
      %run_scoped3A = tpu.sem_alloc : memref<!tpu.dma_semaphore, #tpu.memory_space<semaphore_mem>>
      %dma_start3A = arith.constant 0 : i32
      %dma_start3A_181 = tpu.memref_slice %arg7[%add3A_59, %dma_start3A] : memref<10240x128xf32, #tpu.memory_space<vmem_shared>> -> memref<16x128xf32, #tpu.memory_space<vmem_shared>>
      %dma_start3A_182 = arith.constant 0 : i32
      %dma_start3A_183 = tpu.memref_slice %arg7[%add3A_59, %dma_start3A_182] : memref<10240x128xf32, #tpu.memory_space<vmem_shared>> -> memref<16x128xf32, #tpu.memory_space<vmem_shared>>
      tpu.enqueue_dma source(%arg6 : memref<16x128xf32, #tpu.memory_space<vmem>>) target(%dma_start3A_183 : memref<16x128xf32, #tpu.memory_space<vmem_shared>>) target_semaphore(%run_scoped3A : memref<!tpu.dma_semaphore, #tpu.memory_space<semaphore_mem>>)
      %dma_wait3A = arith.constant 0 : i32
      %dma_wait3A_184 = tpu.memref_slice %arg7[%add3A_59, %dma_wait3A] : memref<10240x128xf32, #tpu.memory_space<vmem_shared>> -> memref<16x128xf32, #tpu.memory_space<vmem_shared>>
      %dma_wait3A_185 = arith.constant 0 : i32
      %dma_wait3A_186 = tpu.memref_slice %arg7[%add3A_59, %dma_wait3A_185] : memref<10240x128xf32, #tpu.memory_space<vmem_shared>> -> memref<16x128xf32, #tpu.memory_space<vmem_shared>>
      tpu.wait_dma2 semaphore(%run_scoped3A : memref<!tpu.dma_semaphore, #tpu.memory_space<semaphore_mem>>) src(%arg6 : memref<16x128xf32, #tpu.memory_space<vmem>>) dst(%dma_wait3A_186 : memref<16x128xf32, #tpu.memory_space<vmem_shared>>)
      tpu.yield
    }) : () -> ()
    %mul3A_60 = arith.constant 640 : i32
    %mul3A_61 = arith.muli %arg1, %mul3A_60 : i32
    %add3A_62 = arith.constant 192 : i32
    %add3A_63 = arith.addi %mul3A_61, %add3A_62 : i32
    "tpu.region"() ({
      %run_scoped3A = tpu.sem_alloc : memref<!tpu.dma_semaphore, #tpu.memory_space<semaphore_mem>>
      %dma_start3A = arith.constant 0 : i32
      %dma_start3A_181 = tpu.memref_slice %arg7[%add3A_63, %dma_start3A] : memref<10240x128xf32, #tpu.memory_space<vmem_shared>> -> memref<16x128xf32, #tpu.memory_space<vmem_shared>>
      %dma_start3A_182 = arith.constant 0 : i32
      %dma_start3A_183 = tpu.memref_slice %arg7[%add3A_63, %dma_start3A_182] : memref<10240x128xf32, #tpu.memory_space<vmem_shared>> -> memref<16x128xf32, #tpu.memory_space<vmem_shared>>
      tpu.enqueue_dma source(%arg6 : memref<16x128xf32, #tpu.memory_space<vmem>>) target(%dma_start3A_183 : memref<16x128xf32, #tpu.memory_space<vmem_shared>>) target_semaphore(%run_scoped3A : memref<!tpu.dma_semaphore, #tpu.memory_space<semaphore_mem>>)
      %dma_wait3A = arith.constant 0 : i32
      %dma_wait3A_184 = tpu.memref_slice %arg7[%add3A_63, %dma_wait3A] : memref<10240x128xf32, #tpu.memory_space<vmem_shared>> -> memref<16x128xf32, #tpu.memory_space<vmem_shared>>
      %dma_wait3A_185 = arith.constant 0 : i32
      %dma_wait3A_186 = tpu.memref_slice %arg7[%add3A_63, %dma_wait3A_185] : memref<10240x128xf32, #tpu.memory_space<vmem_shared>> -> memref<16x128xf32, #tpu.memory_space<vmem_shared>>
      tpu.wait_dma2 semaphore(%run_scoped3A : memref<!tpu.dma_semaphore, #tpu.memory_space<semaphore_mem>>) src(%arg6 : memref<16x128xf32, #tpu.memory_space<vmem>>) dst(%dma_wait3A_186 : memref<16x128xf32, #tpu.memory_space<vmem_shared>>)
      tpu.yield
    }) : () -> ()
    %mul3A_64 = arith.constant 640 : i32
    %mul3A_65 = arith.muli %arg1, %mul3A_64 : i32
    %add3A_66 = arith.constant 208 : i32
    %add3A_67 = arith.addi %mul3A_65, %add3A_66 : i32
    "tpu.region"() ({
      %run_scoped3A = tpu.sem_alloc : memref<!tpu.dma_semaphore, #tpu.memory_space<semaphore_mem>>
      %dma_start3A = arith.constant 0 : i32
      %dma_start3A_181 = tpu.memref_slice %arg7[%add3A_67, %dma_start3A] : memref<10240x128xf32, #tpu.memory_space<vmem_shared>> -> memref<16x128xf32, #tpu.memory_space<vmem_shared>>
      %dma_start3A_182 = arith.constant 0 : i32
      %dma_start3A_183 = tpu.memref_slice %arg7[%add3A_67, %dma_start3A_182] : memref<10240x128xf32, #tpu.memory_space<vmem_shared>> -> memref<16x128xf32, #tpu.memory_space<vmem_shared>>
      tpu.enqueue_dma source(%arg6 : memref<16x128xf32, #tpu.memory_space<vmem>>) target(%dma_start3A_183 : memref<16x128xf32, #tpu.memory_space<vmem_shared>>) target_semaphore(%run_scoped3A : memref<!tpu.dma_semaphore, #tpu.memory_space<semaphore_mem>>)
      %dma_wait3A = arith.constant 0 : i32
      %dma_wait3A_184 = tpu.memref_slice %arg7[%add3A_67, %dma_wait3A] : memref<10240x128xf32, #tpu.memory_space<vmem_shared>> -> memref<16x128xf32, #tpu.memory_space<vmem_shared>>
      %dma_wait3A_185 = arith.constant 0 : i32
      %dma_wait3A_186 = tpu.memref_slice %arg7[%add3A_67, %dma_wait3A_185] : memref<10240x128xf32, #tpu.memory_space<vmem_shared>> -> memref<16x128xf32, #tpu.memory_space<vmem_shared>>
      tpu.wait_dma2 semaphore(%run_scoped3A : memref<!tpu.dma_semaphore, #tpu.memory_space<semaphore_mem>>) src(%arg6 : memref<16x128xf32, #tpu.memory_space<vmem>>) dst(%dma_wait3A_186 : memref<16x128xf32, #tpu.memory_space<vmem_shared>>)
      tpu.yield
    }) : () -> ()
    %mul3A_68 = arith.constant 640 : i32
    %mul3A_69 = arith.muli %arg1, %mul3A_68 : i32
    %add3A_70 = arith.constant 224 : i32
    %add3A_71 = arith.addi %mul3A_69, %add3A_70 : i32
    "tpu.region"() ({
      %run_scoped3A = tpu.sem_alloc : memref<!tpu.dma_semaphore, #tpu.memory_space<semaphore_mem>>
      %dma_start3A = arith.constant 0 : i32
      %dma_start3A_181 = tpu.memref_slice %arg7[%add3A_71, %dma_start3A] : memref<10240x128xf32, #tpu.memory_space<vmem_shared>> -> memref<16x128xf32, #tpu.memory_space<vmem_shared>>
      %dma_start3A_182 = arith.constant 0 : i32
      %dma_start3A_183 = tpu.memref_slice %arg7[%add3A_71, %dma_start3A_182] : memref<10240x128xf32, #tpu.memory_space<vmem_shared>> -> memref<16x128xf32, #tpu.memory_space<vmem_shared>>
      tpu.enqueue_dma source(%arg6 : memref<16x128xf32, #tpu.memory_space<vmem>>) target(%dma_start3A_183 : memref<16x128xf32, #tpu.memory_space<vmem_shared>>) target_semaphore(%run_scoped3A : memref<!tpu.dma_semaphore, #tpu.memory_space<semaphore_mem>>)
      %dma_wait3A = arith.constant 0 : i32
      %dma_wait3A_184 = tpu.memref_slice %arg7[%add3A_71, %dma_wait3A] : memref<10240x128xf32, #tpu.memory_space<vmem_shared>> -> memref<16x128xf32, #tpu.memory_space<vmem_shared>>
      %dma_wait3A_185 = arith.constant 0 : i32
      %dma_wait3A_186 = tpu.memref_slice %arg7[%add3A_71, %dma_wait3A_185] : memref<10240x128xf32, #tpu.memory_space<vmem_shared>> -> memref<16x128xf32, #tpu.memory_space<vmem_shared>>
      tpu.wait_dma2 semaphore(%run_scoped3A : memref<!tpu.dma_semaphore, #tpu.memory_space<semaphore_mem>>) src(%arg6 : memref<16x128xf32, #tpu.memory_space<vmem>>) dst(%dma_wait3A_186 : memref<16x128xf32, #tpu.memory_space<vmem_shared>>)
      tpu.yield
    }) : () -> ()
    %mul3A_72 = arith.constant 640 : i32
    %mul3A_73 = arith.muli %arg1, %mul3A_72 : i32
    %add3A_74 = arith.constant 240 : i32
    %add3A_75 = arith.addi %mul3A_73, %add3A_74 : i32
    "tpu.region"() ({
      %run_scoped3A = tpu.sem_alloc : memref<!tpu.dma_semaphore, #tpu.memory_space<semaphore_mem>>
      %dma_start3A = arith.constant 0 : i32
      %dma_start3A_181 = tpu.memref_slice %arg7[%add3A_75, %dma_start3A] : memref<10240x128xf32, #tpu.memory_space<vmem_shared>> -> memref<16x128xf32, #tpu.memory_space<vmem_shared>>
      %dma_start3A_182 = arith.constant 0 : i32
      %dma_start3A_183 = tpu.memref_slice %arg7[%add3A_75, %dma_start3A_182] : memref<10240x128xf32, #tpu.memory_space<vmem_shared>> -> memref<16x128xf32, #tpu.memory_space<vmem_shared>>
      tpu.enqueue_dma source(%arg6 : memref<16x128xf32, #tpu.memory_space<vmem>>) target(%dma_start3A_183 : memref<16x128xf32, #tpu.memory_space<vmem_shared>>) target_semaphore(%run_scoped3A : memref<!tpu.dma_semaphore, #tpu.memory_space<semaphore_mem>>)
      %dma_wait3A = arith.constant 0 : i32
      %dma_wait3A_184 = tpu.memref_slice %arg7[%add3A_75, %dma_wait3A] : memref<10240x128xf32, #tpu.memory_space<vmem_shared>> -> memref<16x128xf32, #tpu.memory_space<vmem_shared>>
      %dma_wait3A_185 = arith.constant 0 : i32
      %dma_wait3A_186 = tpu.memref_slice %arg7[%add3A_75, %dma_wait3A_185] : memref<10240x128xf32, #tpu.memory_space<vmem_shared>> -> memref<16x128xf32, #tpu.memory_space<vmem_shared>>
      tpu.wait_dma2 semaphore(%run_scoped3A : memref<!tpu.dma_semaphore, #tpu.memory_space<semaphore_mem>>) src(%arg6 : memref<16x128xf32, #tpu.memory_space<vmem>>) dst(%dma_wait3A_186 : memref<16x128xf32, #tpu.memory_space<vmem_shared>>)
      tpu.yield
    }) : () -> ()
    %mul3A_76 = arith.constant 640 : i32
    %mul3A_77 = arith.muli %arg1, %mul3A_76 : i32
    %add3A_78 = arith.constant 256 : i32
    %add3A_79 = arith.addi %mul3A_77, %add3A_78 : i32
    "tpu.region"() ({
      %run_scoped3A = tpu.sem_alloc : memref<!tpu.dma_semaphore, #tpu.memory_space<semaphore_mem>>
      %dma_start3A = arith.constant 0 : i32
      %dma_start3A_181 = tpu.memref_slice %arg7[%add3A_79, %dma_start3A] : memref<10240x128xf32, #tpu.memory_space<vmem_shared>> -> memref<16x128xf32, #tpu.memory_space<vmem_shared>>
      %dma_start3A_182 = arith.constant 0 : i32
      %dma_start3A_183 = tpu.memref_slice %arg7[%add3A_79, %dma_start3A_182] : memref<10240x128xf32, #tpu.memory_space<vmem_shared>> -> memref<16x128xf32, #tpu.memory_space<vmem_shared>>
      tpu.enqueue_dma source(%arg6 : memref<16x128xf32, #tpu.memory_space<vmem>>) target(%dma_start3A_183 : memref<16x128xf32, #tpu.memory_space<vmem_shared>>) target_semaphore(%run_scoped3A : memref<!tpu.dma_semaphore, #tpu.memory_space<semaphore_mem>>)
      %dma_wait3A = arith.constant 0 : i32
      %dma_wait3A_184 = tpu.memref_slice %arg7[%add3A_79, %dma_wait3A] : memref<10240x128xf32, #tpu.memory_space<vmem_shared>> -> memref<16x128xf32, #tpu.memory_space<vmem_shared>>
      %dma_wait3A_185 = arith.constant 0 : i32
      %dma_wait3A_186 = tpu.memref_slice %arg7[%add3A_79, %dma_wait3A_185] : memref<10240x128xf32, #tpu.memory_space<vmem_shared>> -> memref<16x128xf32, #tpu.memory_space<vmem_shared>>
      tpu.wait_dma2 semaphore(%run_scoped3A : memref<!tpu.dma_semaphore, #tpu.memory_space<semaphore_mem>>) src(%arg6 : memref<16x128xf32, #tpu.memory_space<vmem>>) dst(%dma_wait3A_186 : memref<16x128xf32, #tpu.memory_space<vmem_shared>>)
      tpu.yield
    }) : () -> ()
    %mul3A_80 = arith.constant 640 : i32
    %mul3A_81 = arith.muli %arg1, %mul3A_80 : i32
    %add3A_82 = arith.constant 272 : i32
    %add3A_83 = arith.addi %mul3A_81, %add3A_82 : i32
    "tpu.region"() ({
      %run_scoped3A = tpu.sem_alloc : memref<!tpu.dma_semaphore, #tpu.memory_space<semaphore_mem>>
      %dma_start3A = arith.constant 0 : i32
      %dma_start3A_181 = tpu.memref_slice %arg7[%add3A_83, %dma_start3A] : memref<10240x128xf32, #tpu.memory_space<vmem_shared>> -> memref<16x128xf32, #tpu.memory_space<vmem_shared>>
      %dma_start3A_182 = arith.constant 0 : i32
      %dma_start3A_183 = tpu.memref_slice %arg7[%add3A_83, %dma_start3A_182] : memref<10240x128xf32, #tpu.memory_space<vmem_shared>> -> memref<16x128xf32, #tpu.memory_space<vmem_shared>>
      tpu.enqueue_dma source(%arg6 : memref<16x128xf32, #tpu.memory_space<vmem>>) target(%dma_start3A_183 : memref<16x128xf32, #tpu.memory_space<vmem_shared>>) target_semaphore(%run_scoped3A : memref<!tpu.dma_semaphore, #tpu.memory_space<semaphore_mem>>)
      %dma_wait3A = arith.constant 0 : i32
      %dma_wait3A_184 = tpu.memref_slice %arg7[%add3A_83, %dma_wait3A] : memref<10240x128xf32, #tpu.memory_space<vmem_shared>> -> memref<16x128xf32, #tpu.memory_space<vmem_shared>>
      %dma_wait3A_185 = arith.constant 0 : i32
      %dma_wait3A_186 = tpu.memref_slice %arg7[%add3A_83, %dma_wait3A_185] : memref<10240x128xf32, #tpu.memory_space<vmem_shared>> -> memref<16x128xf32, #tpu.memory_space<vmem_shared>>
      tpu.wait_dma2 semaphore(%run_scoped3A : memref<!tpu.dma_semaphore, #tpu.memory_space<semaphore_mem>>) src(%arg6 : memref<16x128xf32, #tpu.memory_space<vmem>>) dst(%dma_wait3A_186 : memref<16x128xf32, #tpu.memory_space<vmem_shared>>)
      tpu.yield
    }) : () -> ()
    %mul3A_84 = arith.constant 640 : i32
    %mul3A_85 = arith.muli %arg1, %mul3A_84 : i32
    %add3A_86 = arith.constant 288 : i32
    %add3A_87 = arith.addi %mul3A_85, %add3A_86 : i32
    "tpu.region"() ({
      %run_scoped3A = tpu.sem_alloc : memref<!tpu.dma_semaphore, #tpu.memory_space<semaphore_mem>>
      %dma_start3A = arith.constant 0 : i32
      %dma_start3A_181 = tpu.memref_slice %arg7[%add3A_87, %dma_start3A] : memref<10240x128xf32, #tpu.memory_space<vmem_shared>> -> memref<16x128xf32, #tpu.memory_space<vmem_shared>>
      %dma_start3A_182 = arith.constant 0 : i32
      %dma_start3A_183 = tpu.memref_slice %arg7[%add3A_87, %dma_start3A_182] : memref<10240x128xf32, #tpu.memory_space<vmem_shared>> -> memref<16x128xf32, #tpu.memory_space<vmem_shared>>
      tpu.enqueue_dma source(%arg6 : memref<16x128xf32, #tpu.memory_space<vmem>>) target(%dma_start3A_183 : memref<16x128xf32, #tpu.memory_space<vmem_shared>>) target_semaphore(%run_scoped3A : memref<!tpu.dma_semaphore, #tpu.memory_space<semaphore_mem>>)
      %dma_wait3A = arith.constant 0 : i32
      %dma_wait3A_184 = tpu.memref_slice %arg7[%add3A_87, %dma_wait3A] : memref<10240x128xf32, #tpu.memory_space<vmem_shared>> -> memref<16x128xf32, #tpu.memory_space<vmem_shared>>
      %dma_wait3A_185 = arith.constant 0 : i32
      %dma_wait3A_186 = tpu.memref_slice %arg7[%add3A_87, %dma_wait3A_185] : memref<10240x128xf32, #tpu.memory_space<vmem_shared>> -> memref<16x128xf32, #tpu.memory_space<vmem_shared>>
      tpu.wait_dma2 semaphore(%run_scoped3A : memref<!tpu.dma_semaphore, #tpu.memory_space<semaphore_mem>>) src(%arg6 : memref<16x128xf32, #tpu.memory_space<vmem>>) dst(%dma_wait3A_186 : memref<16x128xf32, #tpu.memory_space<vmem_shared>>)
      tpu.yield
    }) : () -> ()
    %mul3A_88 = arith.constant 640 : i32
    %mul3A_89 = arith.muli %arg1, %mul3A_88 : i32
    %add3A_90 = arith.constant 304 : i32
    %add3A_91 = arith.addi %mul3A_89, %add3A_90 : i32
    "tpu.region"() ({
      %run_scoped3A = tpu.sem_alloc : memref<!tpu.dma_semaphore, #tpu.memory_space<semaphore_mem>>
      %dma_start3A = arith.constant 0 : i32
      %dma_start3A_181 = tpu.memref_slice %arg7[%add3A_91, %dma_start3A] : memref<10240x128xf32, #tpu.memory_space<vmem_shared>> -> memref<16x128xf32, #tpu.memory_space<vmem_shared>>
      %dma_start3A_182 = arith.constant 0 : i32
      %dma_start3A_183 = tpu.memref_slice %arg7[%add3A_91, %dma_start3A_182] : memref<10240x128xf32, #tpu.memory_space<vmem_shared>> -> memref<16x128xf32, #tpu.memory_space<vmem_shared>>
      tpu.enqueue_dma source(%arg6 : memref<16x128xf32, #tpu.memory_space<vmem>>) target(%dma_start3A_183 : memref<16x128xf32, #tpu.memory_space<vmem_shared>>) target_semaphore(%run_scoped3A : memref<!tpu.dma_semaphore, #tpu.memory_space<semaphore_mem>>)
      %dma_wait3A = arith.constant 0 : i32
      %dma_wait3A_184 = tpu.memref_slice %arg7[%add3A_91, %dma_wait3A] : memref<10240x128xf32, #tpu.memory_space<vmem_shared>> -> memref<16x128xf32, #tpu.memory_space<vmem_shared>>
      %dma_wait3A_185 = arith.constant 0 : i32
      %dma_wait3A_186 = tpu.memref_slice %arg7[%add3A_91, %dma_wait3A_185] : memref<10240x128xf32, #tpu.memory_space<vmem_shared>> -> memref<16x128xf32, #tpu.memory_space<vmem_shared>>
      tpu.wait_dma2 semaphore(%run_scoped3A : memref<!tpu.dma_semaphore, #tpu.memory_space<semaphore_mem>>) src(%arg6 : memref<16x128xf32, #tpu.memory_space<vmem>>) dst(%dma_wait3A_186 : memref<16x128xf32, #tpu.memory_space<vmem_shared>>)
      tpu.yield
    }) : () -> ()
    %mul3A_92 = arith.constant 640 : i32
    %mul3A_93 = arith.muli %arg1, %mul3A_92 : i32
    %add3A_94 = arith.constant 320 : i32
    %add3A_95 = arith.addi %mul3A_93, %add3A_94 : i32
    "tpu.region"() ({
      %run_scoped3A = tpu.sem_alloc : memref<!tpu.dma_semaphore, #tpu.memory_space<semaphore_mem>>
      %dma_start3A = arith.constant 0 : i32
      %dma_start3A_181 = tpu.memref_slice %arg7[%add3A_95, %dma_start3A] : memref<10240x128xf32, #tpu.memory_space<vmem_shared>> -> memref<16x128xf32, #tpu.memory_space<vmem_shared>>
      %dma_start3A_182 = arith.constant 0 : i32
      %dma_start3A_183 = tpu.memref_slice %arg7[%add3A_95, %dma_start3A_182] : memref<10240x128xf32, #tpu.memory_space<vmem_shared>> -> memref<16x128xf32, #tpu.memory_space<vmem_shared>>
      tpu.enqueue_dma source(%arg6 : memref<16x128xf32, #tpu.memory_space<vmem>>) target(%dma_start3A_183 : memref<16x128xf32, #tpu.memory_space<vmem_shared>>) target_semaphore(%run_scoped3A : memref<!tpu.dma_semaphore, #tpu.memory_space<semaphore_mem>>)
      %dma_wait3A = arith.constant 0 : i32
      %dma_wait3A_184 = tpu.memref_slice %arg7[%add3A_95, %dma_wait3A] : memref<10240x128xf32, #tpu.memory_space<vmem_shared>> -> memref<16x128xf32, #tpu.memory_space<vmem_shared>>
      %dma_wait3A_185 = arith.constant 0 : i32
      %dma_wait3A_186 = tpu.memref_slice %arg7[%add3A_95, %dma_wait3A_185] : memref<10240x128xf32, #tpu.memory_space<vmem_shared>> -> memref<16x128xf32, #tpu.memory_space<vmem_shared>>
      tpu.wait_dma2 semaphore(%run_scoped3A : memref<!tpu.dma_semaphore, #tpu.memory_space<semaphore_mem>>) src(%arg6 : memref<16x128xf32, #tpu.memory_space<vmem>>) dst(%dma_wait3A_186 : memref<16x128xf32, #tpu.memory_space<vmem_shared>>)
      tpu.yield
    }) : () -> ()
    %mul3A_96 = arith.constant 640 : i32
    %mul3A_97 = arith.muli %arg1, %mul3A_96 : i32
    %add3A_98 = arith.constant 336 : i32
    %add3A_99 = arith.addi %mul3A_97, %add3A_98 : i32
    "tpu.region"() ({
      %run_scoped3A = tpu.sem_alloc : memref<!tpu.dma_semaphore, #tpu.memory_space<semaphore_mem>>
      %dma_start3A = arith.constant 0 : i32
      %dma_start3A_181 = tpu.memref_slice %arg7[%add3A_99, %dma_start3A] : memref<10240x128xf32, #tpu.memory_space<vmem_shared>> -> memref<16x128xf32, #tpu.memory_space<vmem_shared>>
      %dma_start3A_182 = arith.constant 0 : i32
      %dma_start3A_183 = tpu.memref_slice %arg7[%add3A_99, %dma_start3A_182] : memref<10240x128xf32, #tpu.memory_space<vmem_shared>> -> memref<16x128xf32, #tpu.memory_space<vmem_shared>>
      tpu.enqueue_dma source(%arg6 : memref<16x128xf32, #tpu.memory_space<vmem>>) target(%dma_start3A_183 : memref<16x128xf32, #tpu.memory_space<vmem_shared>>) target_semaphore(%run_scoped3A : memref<!tpu.dma_semaphore, #tpu.memory_space<semaphore_mem>>)
      %dma_wait3A = arith.constant 0 : i32
      %dma_wait3A_184 = tpu.memref_slice %arg7[%add3A_99, %dma_wait3A] : memref<10240x128xf32, #tpu.memory_space<vmem_shared>> -> memref<16x128xf32, #tpu.memory_space<vmem_shared>>
      %dma_wait3A_185 = arith.constant 0 : i32
      %dma_wait3A_186 = tpu.memref_slice %arg7[%add3A_99, %dma_wait3A_185] : memref<10240x128xf32, #tpu.memory_space<vmem_shared>> -> memref<16x128xf32, #tpu.memory_space<vmem_shared>>
      tpu.wait_dma2 semaphore(%run_scoped3A : memref<!tpu.dma_semaphore, #tpu.memory_space<semaphore_mem>>) src(%arg6 : memref<16x128xf32, #tpu.memory_space<vmem>>) dst(%dma_wait3A_186 : memref<16x128xf32, #tpu.memory_space<vmem_shared>>)
      tpu.yield
    }) : () -> ()
    %mul3A_100 = arith.constant 640 : i32
    %mul3A_101 = arith.muli %arg1, %mul3A_100 : i32
    %add3A_102 = arith.constant 352 : i32
    %add3A_103 = arith.addi %mul3A_101, %add3A_102 : i32
    "tpu.region"() ({
      %run_scoped3A = tpu.sem_alloc : memref<!tpu.dma_semaphore, #tpu.memory_space<semaphore_mem>>
      %dma_start3A = arith.constant 0 : i32
      %dma_start3A_181 = tpu.memref_slice %arg7[%add3A_103, %dma_start3A] : memref<10240x128xf32, #tpu.memory_space<vmem_shared>> -> memref<16x128xf32, #tpu.memory_space<vmem_shared>>
      %dma_start3A_182 = arith.constant 0 : i32
      %dma_start3A_183 = tpu.memref_slice %arg7[%add3A_103, %dma_start3A_182] : memref<10240x128xf32, #tpu.memory_space<vmem_shared>> -> memref<16x128xf32, #tpu.memory_space<vmem_shared>>
      tpu.enqueue_dma source(%arg6 : memref<16x128xf32, #tpu.memory_space<vmem>>) target(%dma_start3A_183 : memref<16x128xf32, #tpu.memory_space<vmem_shared>>) target_semaphore(%run_scoped3A : memref<!tpu.dma_semaphore, #tpu.memory_space<semaphore_mem>>)
      %dma_wait3A = arith.constant 0 : i32
      %dma_wait3A_184 = tpu.memref_slice %arg7[%add3A_103, %dma_wait3A] : memref<10240x128xf32, #tpu.memory_space<vmem_shared>> -> memref<16x128xf32, #tpu.memory_space<vmem_shared>>
      %dma_wait3A_185 = arith.constant 0 : i32
      %dma_wait3A_186 = tpu.memref_slice %arg7[%add3A_103, %dma_wait3A_185] : memref<10240x128xf32, #tpu.memory_space<vmem_shared>> -> memref<16x128xf32, #tpu.memory_space<vmem_shared>>
      tpu.wait_dma2 semaphore(%run_scoped3A : memref<!tpu.dma_semaphore, #tpu.memory_space<semaphore_mem>>) src(%arg6 : memref<16x128xf32, #tpu.memory_space<vmem>>) dst(%dma_wait3A_186 : memref<16x128xf32, #tpu.memory_space<vmem_shared>>)
      tpu.yield
    }) : () -> ()
    %mul3A_104 = arith.constant 640 : i32
    %mul3A_105 = arith.muli %arg1, %mul3A_104 : i32
    %add3A_106 = arith.constant 368 : i32
    %add3A_107 = arith.addi %mul3A_105, %add3A_106 : i32
    "tpu.region"() ({
      %run_scoped3A = tpu.sem_alloc : memref<!tpu.dma_semaphore, #tpu.memory_space<semaphore_mem>>
      %dma_start3A = arith.constant 0 : i32
      %dma_start3A_181 = tpu.memref_slice %arg7[%add3A_107, %dma_start3A] : memref<10240x128xf32, #tpu.memory_space<vmem_shared>> -> memref<16x128xf32, #tpu.memory_space<vmem_shared>>
      %dma_start3A_182 = arith.constant 0 : i32
      %dma_start3A_183 = tpu.memref_slice %arg7[%add3A_107, %dma_start3A_182] : memref<10240x128xf32, #tpu.memory_space<vmem_shared>> -> memref<16x128xf32, #tpu.memory_space<vmem_shared>>
      tpu.enqueue_dma source(%arg6 : memref<16x128xf32, #tpu.memory_space<vmem>>) target(%dma_start3A_183 : memref<16x128xf32, #tpu.memory_space<vmem_shared>>) target_semaphore(%run_scoped3A : memref<!tpu.dma_semaphore, #tpu.memory_space<semaphore_mem>>)
      %dma_wait3A = arith.constant 0 : i32
      %dma_wait3A_184 = tpu.memref_slice %arg7[%add3A_107, %dma_wait3A] : memref<10240x128xf32, #tpu.memory_space<vmem_shared>> -> memref<16x128xf32, #tpu.memory_space<vmem_shared>>
      %dma_wait3A_185 = arith.constant 0 : i32
      %dma_wait3A_186 = tpu.memref_slice %arg7[%add3A_107, %dma_wait3A_185] : memref<10240x128xf32, #tpu.memory_space<vmem_shared>> -> memref<16x128xf32, #tpu.memory_space<vmem_shared>>
      tpu.wait_dma2 semaphore(%run_scoped3A : memref<!tpu.dma_semaphore, #tpu.memory_space<semaphore_mem>>) src(%arg6 : memref<16x128xf32, #tpu.memory_space<vmem>>) dst(%dma_wait3A_186 : memref<16x128xf32, #tpu.memory_space<vmem_shared>>)
      tpu.yield
    }) : () -> ()
    %mul3A_108 = arith.constant 640 : i32
    %mul3A_109 = arith.muli %arg1, %mul3A_108 : i32
    %add3A_110 = arith.constant 384 : i32
    %add3A_111 = arith.addi %mul3A_109, %add3A_110 : i32
    "tpu.region"() ({
      %run_scoped3A = tpu.sem_alloc : memref<!tpu.dma_semaphore, #tpu.memory_space<semaphore_mem>>
      %dma_start3A = arith.constant 0 : i32
      %dma_start3A_181 = tpu.memref_slice %arg7[%add3A_111, %dma_start3A] : memref<10240x128xf32, #tpu.memory_space<vmem_shared>> -> memref<16x128xf32, #tpu.memory_space<vmem_shared>>
      %dma_start3A_182 = arith.constant 0 : i32
      %dma_start3A_183 = tpu.memref_slice %arg7[%add3A_111, %dma_start3A_182] : memref<10240x128xf32, #tpu.memory_space<vmem_shared>> -> memref<16x128xf32, #tpu.memory_space<vmem_shared>>
      tpu.enqueue_dma source(%arg6 : memref<16x128xf32, #tpu.memory_space<vmem>>) target(%dma_start3A_183 : memref<16x128xf32, #tpu.memory_space<vmem_shared>>) target_semaphore(%run_scoped3A : memref<!tpu.dma_semaphore, #tpu.memory_space<semaphore_mem>>)
      %dma_wait3A = arith.constant 0 : i32
      %dma_wait3A_184 = tpu.memref_slice %arg7[%add3A_111, %dma_wait3A] : memref<10240x128xf32, #tpu.memory_space<vmem_shared>> -> memref<16x128xf32, #tpu.memory_space<vmem_shared>>
      %dma_wait3A_185 = arith.constant 0 : i32
      %dma_wait3A_186 = tpu.memref_slice %arg7[%add3A_111, %dma_wait3A_185] : memref<10240x128xf32, #tpu.memory_space<vmem_shared>> -> memref<16x128xf32, #tpu.memory_space<vmem_shared>>
      tpu.wait_dma2 semaphore(%run_scoped3A : memref<!tpu.dma_semaphore, #tpu.memory_space<semaphore_mem>>) src(%arg6 : memref<16x128xf32, #tpu.memory_space<vmem>>) dst(%dma_wait3A_186 : memref<16x128xf32, #tpu.memory_space<vmem_shared>>)
      tpu.yield
    }) : () -> ()
    %mul3A_112 = arith.constant 640 : i32
    %mul3A_113 = arith.muli %arg1, %mul3A_112 : i32
    %add3A_114 = arith.constant 400 : i32
    %add3A_115 = arith.addi %mul3A_113, %add3A_114 : i32
    "tpu.region"() ({
      %run_scoped3A = tpu.sem_alloc : memref<!tpu.dma_semaphore, #tpu.memory_space<semaphore_mem>>
      %dma_start3A = arith.constant 0 : i32
      %dma_start3A_181 = tpu.memref_slice %arg7[%add3A_115, %dma_start3A] : memref<10240x128xf32, #tpu.memory_space<vmem_shared>> -> memref<16x128xf32, #tpu.memory_space<vmem_shared>>
      %dma_start3A_182 = arith.constant 0 : i32
      %dma_start3A_183 = tpu.memref_slice %arg7[%add3A_115, %dma_start3A_182] : memref<10240x128xf32, #tpu.memory_space<vmem_shared>> -> memref<16x128xf32, #tpu.memory_space<vmem_shared>>
      tpu.enqueue_dma source(%arg6 : memref<16x128xf32, #tpu.memory_space<vmem>>) target(%dma_start3A_183 : memref<16x128xf32, #tpu.memory_space<vmem_shared>>) target_semaphore(%run_scoped3A : memref<!tpu.dma_semaphore, #tpu.memory_space<semaphore_mem>>)
      %dma_wait3A = arith.constant 0 : i32
      %dma_wait3A_184 = tpu.memref_slice %arg7[%add3A_115, %dma_wait3A] : memref<10240x128xf32, #tpu.memory_space<vmem_shared>> -> memref<16x128xf32, #tpu.memory_space<vmem_shared>>
      %dma_wait3A_185 = arith.constant 0 : i32
      %dma_wait3A_186 = tpu.memref_slice %arg7[%add3A_115, %dma_wait3A_185] : memref<10240x128xf32, #tpu.memory_space<vmem_shared>> -> memref<16x128xf32, #tpu.memory_space<vmem_shared>>
      tpu.wait_dma2 semaphore(%run_scoped3A : memref<!tpu.dma_semaphore, #tpu.memory_space<semaphore_mem>>) src(%arg6 : memref<16x128xf32, #tpu.memory_space<vmem>>) dst(%dma_wait3A_186 : memref<16x128xf32, #tpu.memory_space<vmem_shared>>)
      tpu.yield
    }) : () -> ()
    %mul3A_116 = arith.constant 640 : i32
    %mul3A_117 = arith.muli %arg1, %mul3A_116 : i32
    %add3A_118 = arith.constant 416 : i32
    %add3A_119 = arith.addi %mul3A_117, %add3A_118 : i32
    "tpu.region"() ({
      %run_scoped3A = tpu.sem_alloc : memref<!tpu.dma_semaphore, #tpu.memory_space<semaphore_mem>>
      %dma_start3A = arith.constant 0 : i32
      %dma_start3A_181 = tpu.memref_slice %arg7[%add3A_119, %dma_start3A] : memref<10240x128xf32, #tpu.memory_space<vmem_shared>> -> memref<16x128xf32, #tpu.memory_space<vmem_shared>>
      %dma_start3A_182 = arith.constant 0 : i32
      %dma_start3A_183 = tpu.memref_slice %arg7[%add3A_119, %dma_start3A_182] : memref<10240x128xf32, #tpu.memory_space<vmem_shared>> -> memref<16x128xf32, #tpu.memory_space<vmem_shared>>
      tpu.enqueue_dma source(%arg6 : memref<16x128xf32, #tpu.memory_space<vmem>>) target(%dma_start3A_183 : memref<16x128xf32, #tpu.memory_space<vmem_shared>>) target_semaphore(%run_scoped3A : memref<!tpu.dma_semaphore, #tpu.memory_space<semaphore_mem>>)
      %dma_wait3A = arith.constant 0 : i32
      %dma_wait3A_184 = tpu.memref_slice %arg7[%add3A_119, %dma_wait3A] : memref<10240x128xf32, #tpu.memory_space<vmem_shared>> -> memref<16x128xf32, #tpu.memory_space<vmem_shared>>
      %dma_wait3A_185 = arith.constant 0 : i32
      %dma_wait3A_186 = tpu.memref_slice %arg7[%add3A_119, %dma_wait3A_185] : memref<10240x128xf32, #tpu.memory_space<vmem_shared>> -> memref<16x128xf32, #tpu.memory_space<vmem_shared>>
      tpu.wait_dma2 semaphore(%run_scoped3A : memref<!tpu.dma_semaphore, #tpu.memory_space<semaphore_mem>>) src(%arg6 : memref<16x128xf32, #tpu.memory_space<vmem>>) dst(%dma_wait3A_186 : memref<16x128xf32, #tpu.memory_space<vmem_shared>>)
      tpu.yield
    }) : () -> ()
    %mul3A_120 = arith.constant 640 : i32
    %mul3A_121 = arith.muli %arg1, %mul3A_120 : i32
    %add3A_122 = arith.constant 432 : i32
    %add3A_123 = arith.addi %mul3A_121, %add3A_122 : i32
    "tpu.region"() ({
      %run_scoped3A = tpu.sem_alloc : memref<!tpu.dma_semaphore, #tpu.memory_space<semaphore_mem>>
      %dma_start3A = arith.constant 0 : i32
      %dma_start3A_181 = tpu.memref_slice %arg7[%add3A_123, %dma_start3A] : memref<10240x128xf32, #tpu.memory_space<vmem_shared>> -> memref<16x128xf32, #tpu.memory_space<vmem_shared>>
      %dma_start3A_182 = arith.constant 0 : i32
      %dma_start3A_183 = tpu.memref_slice %arg7[%add3A_123, %dma_start3A_182] : memref<10240x128xf32, #tpu.memory_space<vmem_shared>> -> memref<16x128xf32, #tpu.memory_space<vmem_shared>>
      tpu.enqueue_dma source(%arg6 : memref<16x128xf32, #tpu.memory_space<vmem>>) target(%dma_start3A_183 : memref<16x128xf32, #tpu.memory_space<vmem_shared>>) target_semaphore(%run_scoped3A : memref<!tpu.dma_semaphore, #tpu.memory_space<semaphore_mem>>)
      %dma_wait3A = arith.constant 0 : i32
      %dma_wait3A_184 = tpu.memref_slice %arg7[%add3A_123, %dma_wait3A] : memref<10240x128xf32, #tpu.memory_space<vmem_shared>> -> memref<16x128xf32, #tpu.memory_space<vmem_shared>>
      %dma_wait3A_185 = arith.constant 0 : i32
      %dma_wait3A_186 = tpu.memref_slice %arg7[%add3A_123, %dma_wait3A_185] : memref<10240x128xf32, #tpu.memory_space<vmem_shared>> -> memref<16x128xf32, #tpu.memory_space<vmem_shared>>
      tpu.wait_dma2 semaphore(%run_scoped3A : memref<!tpu.dma_semaphore, #tpu.memory_space<semaphore_mem>>) src(%arg6 : memref<16x128xf32, #tpu.memory_space<vmem>>) dst(%dma_wait3A_186 : memref<16x128xf32, #tpu.memory_space<vmem_shared>>)
      tpu.yield
    }) : () -> ()
    %mul3A_124 = arith.constant 640 : i32
    %mul3A_125 = arith.muli %arg1, %mul3A_124 : i32
    %add3A_126 = arith.constant 448 : i32
    %add3A_127 = arith.addi %mul3A_125, %add3A_126 : i32
    "tpu.region"() ({
      %run_scoped3A = tpu.sem_alloc : memref<!tpu.dma_semaphore, #tpu.memory_space<semaphore_mem>>
      %dma_start3A = arith.constant 0 : i32
      %dma_start3A_181 = tpu.memref_slice %arg7[%add3A_127, %dma_start3A] : memref<10240x128xf32, #tpu.memory_space<vmem_shared>> -> memref<16x128xf32, #tpu.memory_space<vmem_shared>>
      %dma_start3A_182 = arith.constant 0 : i32
      %dma_start3A_183 = tpu.memref_slice %arg7[%add3A_127, %dma_start3A_182] : memref<10240x128xf32, #tpu.memory_space<vmem_shared>> -> memref<16x128xf32, #tpu.memory_space<vmem_shared>>
      tpu.enqueue_dma source(%arg6 : memref<16x128xf32, #tpu.memory_space<vmem>>) target(%dma_start3A_183 : memref<16x128xf32, #tpu.memory_space<vmem_shared>>) target_semaphore(%run_scoped3A : memref<!tpu.dma_semaphore, #tpu.memory_space<semaphore_mem>>)
      %dma_wait3A = arith.constant 0 : i32
      %dma_wait3A_184 = tpu.memref_slice %arg7[%add3A_127, %dma_wait3A] : memref<10240x128xf32, #tpu.memory_space<vmem_shared>> -> memref<16x128xf32, #tpu.memory_space<vmem_shared>>
      %dma_wait3A_185 = arith.constant 0 : i32
      %dma_wait3A_186 = tpu.memref_slice %arg7[%add3A_127, %dma_wait3A_185] : memref<10240x128xf32, #tpu.memory_space<vmem_shared>> -> memref<16x128xf32, #tpu.memory_space<vmem_shared>>
      tpu.wait_dma2 semaphore(%run_scoped3A : memref<!tpu.dma_semaphore, #tpu.memory_space<semaphore_mem>>) src(%arg6 : memref<16x128xf32, #tpu.memory_space<vmem>>) dst(%dma_wait3A_186 : memref<16x128xf32, #tpu.memory_space<vmem_shared>>)
      tpu.yield
    }) : () -> ()
    %mul3A_128 = arith.constant 640 : i32
    %mul3A_129 = arith.muli %arg1, %mul3A_128 : i32
    %add3A_130 = arith.constant 464 : i32
    %add3A_131 = arith.addi %mul3A_129, %add3A_130 : i32
    "tpu.region"() ({
      %run_scoped3A = tpu.sem_alloc : memref<!tpu.dma_semaphore, #tpu.memory_space<semaphore_mem>>
      %dma_start3A = arith.constant 0 : i32
      %dma_start3A_181 = tpu.memref_slice %arg7[%add3A_131, %dma_start3A] : memref<10240x128xf32, #tpu.memory_space<vmem_shared>> -> memref<16x128xf32, #tpu.memory_space<vmem_shared>>
      %dma_start3A_182 = arith.constant 0 : i32
      %dma_start3A_183 = tpu.memref_slice %arg7[%add3A_131, %dma_start3A_182] : memref<10240x128xf32, #tpu.memory_space<vmem_shared>> -> memref<16x128xf32, #tpu.memory_space<vmem_shared>>
      tpu.enqueue_dma source(%arg6 : memref<16x128xf32, #tpu.memory_space<vmem>>) target(%dma_start3A_183 : memref<16x128xf32, #tpu.memory_space<vmem_shared>>) target_semaphore(%run_scoped3A : memref<!tpu.dma_semaphore, #tpu.memory_space<semaphore_mem>>)
      %dma_wait3A = arith.constant 0 : i32
      %dma_wait3A_184 = tpu.memref_slice %arg7[%add3A_131, %dma_wait3A] : memref<10240x128xf32, #tpu.memory_space<vmem_shared>> -> memref<16x128xf32, #tpu.memory_space<vmem_shared>>
      %dma_wait3A_185 = arith.constant 0 : i32
      %dma_wait3A_186 = tpu.memref_slice %arg7[%add3A_131, %dma_wait3A_185] : memref<10240x128xf32, #tpu.memory_space<vmem_shared>> -> memref<16x128xf32, #tpu.memory_space<vmem_shared>>
      tpu.wait_dma2 semaphore(%run_scoped3A : memref<!tpu.dma_semaphore, #tpu.memory_space<semaphore_mem>>) src(%arg6 : memref<16x128xf32, #tpu.memory_space<vmem>>) dst(%dma_wait3A_186 : memref<16x128xf32, #tpu.memory_space<vmem_shared>>)
      tpu.yield
    }) : () -> ()
    %mul3A_132 = arith.constant 640 : i32
    %mul3A_133 = arith.muli %arg1, %mul3A_132 : i32
    %add3A_134 = arith.constant 480 : i32
    %add3A_135 = arith.addi %mul3A_133, %add3A_134 : i32
    "tpu.region"() ({
      %run_scoped3A = tpu.sem_alloc : memref<!tpu.dma_semaphore, #tpu.memory_space<semaphore_mem>>
      %dma_start3A = arith.constant 0 : i32
      %dma_start3A_181 = tpu.memref_slice %arg7[%add3A_135, %dma_start3A] : memref<10240x128xf32, #tpu.memory_space<vmem_shared>> -> memref<16x128xf32, #tpu.memory_space<vmem_shared>>
      %dma_start3A_182 = arith.constant 0 : i32
      %dma_start3A_183 = tpu.memref_slice %arg7[%add3A_135, %dma_start3A_182] : memref<10240x128xf32, #tpu.memory_space<vmem_shared>> -> memref<16x128xf32, #tpu.memory_space<vmem_shared>>
      tpu.enqueue_dma source(%arg6 : memref<16x128xf32, #tpu.memory_space<vmem>>) target(%dma_start3A_183 : memref<16x128xf32, #tpu.memory_space<vmem_shared>>) target_semaphore(%run_scoped3A : memref<!tpu.dma_semaphore, #tpu.memory_space<semaphore_mem>>)
      %dma_wait3A = arith.constant 0 : i32
      %dma_wait3A_184 = tpu.memref_slice %arg7[%add3A_135, %dma_wait3A] : memref<10240x128xf32, #tpu.memory_space<vmem_shared>> -> memref<16x128xf32, #tpu.memory_space<vmem_shared>>
      %dma_wait3A_185 = arith.constant 0 : i32
      %dma_wait3A_186 = tpu.memref_slice %arg7[%add3A_135, %dma_wait3A_185] : memref<10240x128xf32, #tpu.memory_space<vmem_shared>> -> memref<16x128xf32, #tpu.memory_space<vmem_shared>>
      tpu.wait_dma2 semaphore(%run_scoped3A : memref<!tpu.dma_semaphore, #tpu.memory_space<semaphore_mem>>) src(%arg6 : memref<16x128xf32, #tpu.memory_space<vmem>>) dst(%dma_wait3A_186 : memref<16x128xf32, #tpu.memory_space<vmem_shared>>)
      tpu.yield
    }) : () -> ()
    %mul3A_136 = arith.constant 640 : i32
    %mul3A_137 = arith.muli %arg1, %mul3A_136 : i32
    %add3A_138 = arith.constant 496 : i32
    %add3A_139 = arith.addi %mul3A_137, %add3A_138 : i32
    "tpu.region"() ({
      %run_scoped3A = tpu.sem_alloc : memref<!tpu.dma_semaphore, #tpu.memory_space<semaphore_mem>>
      %dma_start3A = arith.constant 0 : i32
      %dma_start3A_181 = tpu.memref_slice %arg7[%add3A_139, %dma_start3A] : memref<10240x128xf32, #tpu.memory_space<vmem_shared>> -> memref<16x128xf32, #tpu.memory_space<vmem_shared>>
      %dma_start3A_182 = arith.constant 0 : i32
      %dma_start3A_183 = tpu.memref_slice %arg7[%add3A_139, %dma_start3A_182] : memref<10240x128xf32, #tpu.memory_space<vmem_shared>> -> memref<16x128xf32, #tpu.memory_space<vmem_shared>>
      tpu.enqueue_dma source(%arg6 : memref<16x128xf32, #tpu.memory_space<vmem>>) target(%dma_start3A_183 : memref<16x128xf32, #tpu.memory_space<vmem_shared>>) target_semaphore(%run_scoped3A : memref<!tpu.dma_semaphore, #tpu.memory_space<semaphore_mem>>)
      %dma_wait3A = arith.constant 0 : i32
      %dma_wait3A_184 = tpu.memref_slice %arg7[%add3A_139, %dma_wait3A] : memref<10240x128xf32, #tpu.memory_space<vmem_shared>> -> memref<16x128xf32, #tpu.memory_space<vmem_shared>>
      %dma_wait3A_185 = arith.constant 0 : i32
      %dma_wait3A_186 = tpu.memref_slice %arg7[%add3A_139, %dma_wait3A_185] : memref<10240x128xf32, #tpu.memory_space<vmem_shared>> -> memref<16x128xf32, #tpu.memory_space<vmem_shared>>
      tpu.wait_dma2 semaphore(%run_scoped3A : memref<!tpu.dma_semaphore, #tpu.memory_space<semaphore_mem>>) src(%arg6 : memref<16x128xf32, #tpu.memory_space<vmem>>) dst(%dma_wait3A_186 : memref<16x128xf32, #tpu.memory_space<vmem_shared>>)
      tpu.yield
    }) : () -> ()
    %mul3A_140 = arith.constant 640 : i32
    %mul3A_141 = arith.muli %arg1, %mul3A_140 : i32
    %add3A_142 = arith.constant 512 : i32
    %add3A_143 = arith.addi %mul3A_141, %add3A_142 : i32
    "tpu.region"() ({
      %run_scoped3A = tpu.sem_alloc : memref<!tpu.dma_semaphore, #tpu.memory_space<semaphore_mem>>
      %dma_start3A = arith.constant 0 : i32
      %dma_start3A_181 = tpu.memref_slice %arg7[%add3A_143, %dma_start3A] : memref<10240x128xf32, #tpu.memory_space<vmem_shared>> -> memref<16x128xf32, #tpu.memory_space<vmem_shared>>
      %dma_start3A_182 = arith.constant 0 : i32
      %dma_start3A_183 = tpu.memref_slice %arg7[%add3A_143, %dma_start3A_182] : memref<10240x128xf32, #tpu.memory_space<vmem_shared>> -> memref<16x128xf32, #tpu.memory_space<vmem_shared>>
      tpu.enqueue_dma source(%arg6 : memref<16x128xf32, #tpu.memory_space<vmem>>) target(%dma_start3A_183 : memref<16x128xf32, #tpu.memory_space<vmem_shared>>) target_semaphore(%run_scoped3A : memref<!tpu.dma_semaphore, #tpu.memory_space<semaphore_mem>>)
      %dma_wait3A = arith.constant 0 : i32
      %dma_wait3A_184 = tpu.memref_slice %arg7[%add3A_143, %dma_wait3A] : memref<10240x128xf32, #tpu.memory_space<vmem_shared>> -> memref<16x128xf32, #tpu.memory_space<vmem_shared>>
      %dma_wait3A_185 = arith.constant 0 : i32
      %dma_wait3A_186 = tpu.memref_slice %arg7[%add3A_143, %dma_wait3A_185] : memref<10240x128xf32, #tpu.memory_space<vmem_shared>> -> memref<16x128xf32, #tpu.memory_space<vmem_shared>>
      tpu.wait_dma2 semaphore(%run_scoped3A : memref<!tpu.dma_semaphore, #tpu.memory_space<semaphore_mem>>) src(%arg6 : memref<16x128xf32, #tpu.memory_space<vmem>>) dst(%dma_wait3A_186 : memref<16x128xf32, #tpu.memory_space<vmem_shared>>)
      tpu.yield
    }) : () -> ()
    %mul3A_144 = arith.constant 640 : i32
    %mul3A_145 = arith.muli %arg1, %mul3A_144 : i32
    %add3A_146 = arith.constant 528 : i32
    %add3A_147 = arith.addi %mul3A_145, %add3A_146 : i32
    "tpu.region"() ({
      %run_scoped3A = tpu.sem_alloc : memref<!tpu.dma_semaphore, #tpu.memory_space<semaphore_mem>>
      %dma_start3A = arith.constant 0 : i32
      %dma_start3A_181 = tpu.memref_slice %arg7[%add3A_147, %dma_start3A] : memref<10240x128xf32, #tpu.memory_space<vmem_shared>> -> memref<16x128xf32, #tpu.memory_space<vmem_shared>>
      %dma_start3A_182 = arith.constant 0 : i32
      %dma_start3A_183 = tpu.memref_slice %arg7[%add3A_147, %dma_start3A_182] : memref<10240x128xf32, #tpu.memory_space<vmem_shared>> -> memref<16x128xf32, #tpu.memory_space<vmem_shared>>
      tpu.enqueue_dma source(%arg6 : memref<16x128xf32, #tpu.memory_space<vmem>>) target(%dma_start3A_183 : memref<16x128xf32, #tpu.memory_space<vmem_shared>>) target_semaphore(%run_scoped3A : memref<!tpu.dma_semaphore, #tpu.memory_space<semaphore_mem>>)
      %dma_wait3A = arith.constant 0 : i32
      %dma_wait3A_184 = tpu.memref_slice %arg7[%add3A_147, %dma_wait3A] : memref<10240x128xf32, #tpu.memory_space<vmem_shared>> -> memref<16x128xf32, #tpu.memory_space<vmem_shared>>
      %dma_wait3A_185 = arith.constant 0 : i32
      %dma_wait3A_186 = tpu.memref_slice %arg7[%add3A_147, %dma_wait3A_185] : memref<10240x128xf32, #tpu.memory_space<vmem_shared>> -> memref<16x128xf32, #tpu.memory_space<vmem_shared>>
      tpu.wait_dma2 semaphore(%run_scoped3A : memref<!tpu.dma_semaphore, #tpu.memory_space<semaphore_mem>>) src(%arg6 : memref<16x128xf32, #tpu.memory_space<vmem>>) dst(%dma_wait3A_186 : memref<16x128xf32, #tpu.memory_space<vmem_shared>>)
      tpu.yield
    }) : () -> ()
    %mul3A_148 = arith.constant 640 : i32
    %mul3A_149 = arith.muli %arg1, %mul3A_148 : i32
    %add3A_150 = arith.constant 544 : i32
    %add3A_151 = arith.addi %mul3A_149, %add3A_150 : i32
    "tpu.region"() ({
      %run_scoped3A = tpu.sem_alloc : memref<!tpu.dma_semaphore, #tpu.memory_space<semaphore_mem>>
      %dma_start3A = arith.constant 0 : i32
      %dma_start3A_181 = tpu.memref_slice %arg7[%add3A_151, %dma_start3A] : memref<10240x128xf32, #tpu.memory_space<vmem_shared>> -> memref<16x128xf32, #tpu.memory_space<vmem_shared>>
      %dma_start3A_182 = arith.constant 0 : i32
      %dma_start3A_183 = tpu.memref_slice %arg7[%add3A_151, %dma_start3A_182] : memref<10240x128xf32, #tpu.memory_space<vmem_shared>> -> memref<16x128xf32, #tpu.memory_space<vmem_shared>>
      tpu.enqueue_dma source(%arg6 : memref<16x128xf32, #tpu.memory_space<vmem>>) target(%dma_start3A_183 : memref<16x128xf32, #tpu.memory_space<vmem_shared>>) target_semaphore(%run_scoped3A : memref<!tpu.dma_semaphore, #tpu.memory_space<semaphore_mem>>)
      %dma_wait3A = arith.constant 0 : i32
      %dma_wait3A_184 = tpu.memref_slice %arg7[%add3A_151, %dma_wait3A] : memref<10240x128xf32, #tpu.memory_space<vmem_shared>> -> memref<16x128xf32, #tpu.memory_space<vmem_shared>>
      %dma_wait3A_185 = arith.constant 0 : i32
      %dma_wait3A_186 = tpu.memref_slice %arg7[%add3A_151, %dma_wait3A_185] : memref<10240x128xf32, #tpu.memory_space<vmem_shared>> -> memref<16x128xf32, #tpu.memory_space<vmem_shared>>
      tpu.wait_dma2 semaphore(%run_scoped3A : memref<!tpu.dma_semaphore, #tpu.memory_space<semaphore_mem>>) src(%arg6 : memref<16x128xf32, #tpu.memory_space<vmem>>) dst(%dma_wait3A_186 : memref<16x128xf32, #tpu.memory_space<vmem_shared>>)
      tpu.yield
    }) : () -> ()
    %mul3A_152 = arith.constant 640 : i32
    %mul3A_153 = arith.muli %arg1, %mul3A_152 : i32
    %add3A_154 = arith.constant 560 : i32
    %add3A_155 = arith.addi %mul3A_153, %add3A_154 : i32
    "tpu.region"() ({
      %run_scoped3A = tpu.sem_alloc : memref<!tpu.dma_semaphore, #tpu.memory_space<semaphore_mem>>
      %dma_start3A = arith.constant 0 : i32
      %dma_start3A_181 = tpu.memref_slice %arg7[%add3A_155, %dma_start3A] : memref<10240x128xf32, #tpu.memory_space<vmem_shared>> -> memref<16x128xf32, #tpu.memory_space<vmem_shared>>
      %dma_start3A_182 = arith.constant 0 : i32
      %dma_start3A_183 = tpu.memref_slice %arg7[%add3A_155, %dma_start3A_182] : memref<10240x128xf32, #tpu.memory_space<vmem_shared>> -> memref<16x128xf32, #tpu.memory_space<vmem_shared>>
      tpu.enqueue_dma source(%arg6 : memref<16x128xf32, #tpu.memory_space<vmem>>) target(%dma_start3A_183 : memref<16x128xf32, #tpu.memory_space<vmem_shared>>) target_semaphore(%run_scoped3A : memref<!tpu.dma_semaphore, #tpu.memory_space<semaphore_mem>>)
      %dma_wait3A = arith.constant 0 : i32
      %dma_wait3A_184 = tpu.memref_slice %arg7[%add3A_155, %dma_wait3A] : memref<10240x128xf32, #tpu.memory_space<vmem_shared>> -> memref<16x128xf32, #tpu.memory_space<vmem_shared>>
      %dma_wait3A_185 = arith.constant 0 : i32
      %dma_wait3A_186 = tpu.memref_slice %arg7[%add3A_155, %dma_wait3A_185] : memref<10240x128xf32, #tpu.memory_space<vmem_shared>> -> memref<16x128xf32, #tpu.memory_space<vmem_shared>>
      tpu.wait_dma2 semaphore(%run_scoped3A : memref<!tpu.dma_semaphore, #tpu.memory_space<semaphore_mem>>) src(%arg6 : memref<16x128xf32, #tpu.memory_space<vmem>>) dst(%dma_wait3A_186 : memref<16x128xf32, #tpu.memory_space<vmem_shared>>)
      tpu.yield
    }) : () -> ()
    %mul3A_156 = arith.constant 640 : i32
    %mul3A_157 = arith.muli %arg1, %mul3A_156 : i32
    %add3A_158 = arith.constant 576 : i32
    %add3A_159 = arith.addi %mul3A_157, %add3A_158 : i32
    "tpu.region"() ({
      %run_scoped3A = tpu.sem_alloc : memref<!tpu.dma_semaphore, #tpu.memory_space<semaphore_mem>>
      %dma_start3A = arith.constant 0 : i32
      %dma_start3A_181 = tpu.memref_slice %arg7[%add3A_159, %dma_start3A] : memref<10240x128xf32, #tpu.memory_space<vmem_shared>> -> memref<16x128xf32, #tpu.memory_space<vmem_shared>>
      %dma_start3A_182 = arith.constant 0 : i32
      %dma_start3A_183 = tpu.memref_slice %arg7[%add3A_159, %dma_start3A_182] : memref<10240x128xf32, #tpu.memory_space<vmem_shared>> -> memref<16x128xf32, #tpu.memory_space<vmem_shared>>
      tpu.enqueue_dma source(%arg6 : memref<16x128xf32, #tpu.memory_space<vmem>>) target(%dma_start3A_183 : memref<16x128xf32, #tpu.memory_space<vmem_shared>>) target_semaphore(%run_scoped3A : memref<!tpu.dma_semaphore, #tpu.memory_space<semaphore_mem>>)
      %dma_wait3A = arith.constant 0 : i32
      %dma_wait3A_184 = tpu.memref_slice %arg7[%add3A_159, %dma_wait3A] : memref<10240x128xf32, #tpu.memory_space<vmem_shared>> -> memref<16x128xf32, #tpu.memory_space<vmem_shared>>
      %dma_wait3A_185 = arith.constant 0 : i32
      %dma_wait3A_186 = tpu.memref_slice %arg7[%add3A_159, %dma_wait3A_185] : memref<10240x128xf32, #tpu.memory_space<vmem_shared>> -> memref<16x128xf32, #tpu.memory_space<vmem_shared>>
      tpu.wait_dma2 semaphore(%run_scoped3A : memref<!tpu.dma_semaphore, #tpu.memory_space<semaphore_mem>>) src(%arg6 : memref<16x128xf32, #tpu.memory_space<vmem>>) dst(%dma_wait3A_186 : memref<16x128xf32, #tpu.memory_space<vmem_shared>>)
      tpu.yield
    }) : () -> ()
    %mul3A_160 = arith.constant 640 : i32
    %mul3A_161 = arith.muli %arg1, %mul3A_160 : i32
    %add3A_162 = arith.constant 592 : i32
    %add3A_163 = arith.addi %mul3A_161, %add3A_162 : i32
    "tpu.region"() ({
      %run_scoped3A = tpu.sem_alloc : memref<!tpu.dma_semaphore, #tpu.memory_space<semaphore_mem>>
      %dma_start3A = arith.constant 0 : i32
      %dma_start3A_181 = tpu.memref_slice %arg7[%add3A_163, %dma_start3A] : memref<10240x128xf32, #tpu.memory_space<vmem_shared>> -> memref<16x128xf32, #tpu.memory_space<vmem_shared>>
      %dma_start3A_182 = arith.constant 0 : i32
      %dma_start3A_183 = tpu.memref_slice %arg7[%add3A_163, %dma_start3A_182] : memref<10240x128xf32, #tpu.memory_space<vmem_shared>> -> memref<16x128xf32, #tpu.memory_space<vmem_shared>>
      tpu.enqueue_dma source(%arg6 : memref<16x128xf32, #tpu.memory_space<vmem>>) target(%dma_start3A_183 : memref<16x128xf32, #tpu.memory_space<vmem_shared>>) target_semaphore(%run_scoped3A : memref<!tpu.dma_semaphore, #tpu.memory_space<semaphore_mem>>)
      %dma_wait3A = arith.constant 0 : i32
      %dma_wait3A_184 = tpu.memref_slice %arg7[%add3A_163, %dma_wait3A] : memref<10240x128xf32, #tpu.memory_space<vmem_shared>> -> memref<16x128xf32, #tpu.memory_space<vmem_shared>>
      %dma_wait3A_185 = arith.constant 0 : i32
      %dma_wait3A_186 = tpu.memref_slice %arg7[%add3A_163, %dma_wait3A_185] : memref<10240x128xf32, #tpu.memory_space<vmem_shared>> -> memref<16x128xf32, #tpu.memory_space<vmem_shared>>
      tpu.wait_dma2 semaphore(%run_scoped3A : memref<!tpu.dma_semaphore, #tpu.memory_space<semaphore_mem>>) src(%arg6 : memref<16x128xf32, #tpu.memory_space<vmem>>) dst(%dma_wait3A_186 : memref<16x128xf32, #tpu.memory_space<vmem_shared>>)
      tpu.yield
    }) : () -> ()
    %mul3A_164 = arith.constant 640 : i32
    %mul3A_165 = arith.muli %arg1, %mul3A_164 : i32
    %add3A_166 = arith.constant 608 : i32
    %add3A_167 = arith.addi %mul3A_165, %add3A_166 : i32
    "tpu.region"() ({
      %run_scoped3A = tpu.sem_alloc : memref<!tpu.dma_semaphore, #tpu.memory_space<semaphore_mem>>
      %dma_start3A = arith.constant 0 : i32
      %dma_start3A_181 = tpu.memref_slice %arg7[%add3A_167, %dma_start3A] : memref<10240x128xf32, #tpu.memory_space<vmem_shared>> -> memref<16x128xf32, #tpu.memory_space<vmem_shared>>
      %dma_start3A_182 = arith.constant 0 : i32
      %dma_start3A_183 = tpu.memref_slice %arg7[%add3A_167, %dma_start3A_182] : memref<10240x128xf32, #tpu.memory_space<vmem_shared>> -> memref<16x128xf32, #tpu.memory_space<vmem_shared>>
      tpu.enqueue_dma source(%arg6 : memref<16x128xf32, #tpu.memory_space<vmem>>) target(%dma_start3A_183 : memref<16x128xf32, #tpu.memory_space<vmem_shared>>) target_semaphore(%run_scoped3A : memref<!tpu.dma_semaphore, #tpu.memory_space<semaphore_mem>>)
      %dma_wait3A = arith.constant 0 : i32
      %dma_wait3A_184 = tpu.memref_slice %arg7[%add3A_167, %dma_wait3A] : memref<10240x128xf32, #tpu.memory_space<vmem_shared>> -> memref<16x128xf32, #tpu.memory_space<vmem_shared>>
      %dma_wait3A_185 = arith.constant 0 : i32
      %dma_wait3A_186 = tpu.memref_slice %arg7[%add3A_167, %dma_wait3A_185] : memref<10240x128xf32, #tpu.memory_space<vmem_shared>> -> memref<16x128xf32, #tpu.memory_space<vmem_shared>>
      tpu.wait_dma2 semaphore(%run_scoped3A : memref<!tpu.dma_semaphore, #tpu.memory_space<semaphore_mem>>) src(%arg6 : memref<16x128xf32, #tpu.memory_space<vmem>>) dst(%dma_wait3A_186 : memref<16x128xf32, #tpu.memory_space<vmem_shared>>)
      tpu.yield
    }) : () -> ()
    %mul3A_168 = arith.constant 640 : i32
    %mul3A_169 = arith.muli %arg1, %mul3A_168 : i32
    %add3A_170 = arith.constant 624 : i32
    %add3A_171 = arith.addi %mul3A_169, %add3A_170 : i32
    "tpu.region"() ({
      %run_scoped3A = tpu.sem_alloc : memref<!tpu.dma_semaphore, #tpu.memory_space<semaphore_mem>>
      %dma_start3A = arith.constant 0 : i32
      %dma_start3A_181 = tpu.memref_slice %arg7[%add3A_171, %dma_start3A] : memref<10240x128xf32, #tpu.memory_space<vmem_shared>> -> memref<16x128xf32, #tpu.memory_space<vmem_shared>>
      %dma_start3A_182 = arith.constant 0 : i32
      %dma_start3A_183 = tpu.memref_slice %arg7[%add3A_171, %dma_start3A_182] : memref<10240x128xf32, #tpu.memory_space<vmem_shared>> -> memref<16x128xf32, #tpu.memory_space<vmem_shared>>
      tpu.enqueue_dma source(%arg6 : memref<16x128xf32, #tpu.memory_space<vmem>>) target(%dma_start3A_183 : memref<16x128xf32, #tpu.memory_space<vmem_shared>>) target_semaphore(%run_scoped3A : memref<!tpu.dma_semaphore, #tpu.memory_space<semaphore_mem>>)
      %dma_wait3A = arith.constant 0 : i32
      %dma_wait3A_184 = tpu.memref_slice %arg7[%add3A_171, %dma_wait3A] : memref<10240x128xf32, #tpu.memory_space<vmem_shared>> -> memref<16x128xf32, #tpu.memory_space<vmem_shared>>
      %dma_wait3A_185 = arith.constant 0 : i32
      %dma_wait3A_186 = tpu.memref_slice %arg7[%add3A_171, %dma_wait3A_185] : memref<10240x128xf32, #tpu.memory_space<vmem_shared>> -> memref<16x128xf32, #tpu.memory_space<vmem_shared>>
      tpu.wait_dma2 semaphore(%run_scoped3A : memref<!tpu.dma_semaphore, #tpu.memory_space<semaphore_mem>>) src(%arg6 : memref<16x128xf32, #tpu.memory_space<vmem>>) dst(%dma_wait3A_186 : memref<16x128xf32, #tpu.memory_space<vmem_shared>>)
      tpu.yield
    }) : () -> ()
    %barrier3A = arith.constant 0 : index
    tpu.barrier barrier_id(%barrier3A)
    "tpu.region"() ({
      %run_scoped3A = tpu.sem_alloc : memref<!tpu.dma_semaphore, #tpu.memory_space<semaphore_mem>>
      %dma_start3A = arith.constant 0 : i32
      %dma_start3A_181 = arith.constant 0 : i32
      %dma_start3A_182 = tpu.memref_slice %arg2[%add3A, %dma_start3A, %dma_start3A_181] : memref<32x80x128xi32, #tpu.memory_space<hbm>> -> memref<1x80x128xi32, #tpu.memory_space<hbm>>
      %dma_start3A_183 = tpu.memref_squeeze %dma_start3A_182 : memref<1x80x128xi32, #tpu.memory_space<hbm>> -> memref<80x128xi32, #tpu.memory_space<hbm>>
      %dma_start3A_184 = arith.constant 0 : i32
      %dma_start3A_185 = arith.constant 0 : i32
      %dma_start3A_186 = tpu.memref_slice %arg2[%add3A, %dma_start3A_184, %dma_start3A_185] : memref<32x80x128xi32, #tpu.memory_space<hbm>> -> memref<1x80x128xi32, #tpu.memory_space<hbm>>
      %dma_start3A_187 = tpu.memref_squeeze %dma_start3A_186 : memref<1x80x128xi32, #tpu.memory_space<hbm>> -> memref<80x128xi32, #tpu.memory_space<hbm>>
      tpu.enqueue_dma source(%dma_start3A_187 : memref<80x128xi32, #tpu.memory_space<hbm>>) target(%arg4 : memref<80x128xi32, #tpu.memory_space<vmem>>) target_semaphore(%run_scoped3A : memref<!tpu.dma_semaphore, #tpu.memory_space<semaphore_mem>>)
      %dma_wait3A = arith.constant 0 : i32
      %dma_wait3A_188 = arith.constant 0 : i32
      %dma_wait3A_189 = tpu.memref_slice %arg2[%add3A, %dma_wait3A, %dma_wait3A_188] : memref<32x80x128xi32, #tpu.memory_space<hbm>> -> memref<1x80x128xi32, #tpu.memory_space<hbm>>
      %dma_wait3A_190 = tpu.memref_squeeze %dma_wait3A_189 : memref<1x80x128xi32, #tpu.memory_space<hbm>> -> memref<80x128xi32, #tpu.memory_space<hbm>>
      %dma_wait3A_191 = arith.constant 0 : i32
      %dma_wait3A_192 = arith.constant 0 : i32
      %dma_wait3A_193 = tpu.memref_slice %arg2[%add3A, %dma_wait3A_191, %dma_wait3A_192] : memref<32x80x128xi32, #tpu.memory_space<hbm>> -> memref<1x80x128xi32, #tpu.memory_space<hbm>>
      %dma_wait3A_194 = tpu.memref_squeeze %dma_wait3A_193 : memref<1x80x128xi32, #tpu.memory_space<hbm>> -> memref<80x128xi32, #tpu.memory_space<hbm>>
      tpu.wait_dma2 semaphore(%run_scoped3A : memref<!tpu.dma_semaphore, #tpu.memory_space<semaphore_mem>>) src(%dma_wait3A_194 : memref<80x128xi32, #tpu.memory_space<hbm>>) dst(%arg4 : memref<80x128xi32, #tpu.memory_space<vmem>>)
      tpu.yield
    }) : () -> ()
    %scan3A_172 = arith.constant 0 : i32
    %scan3A_173 = arith.constant 0 : i32
    %scan3A_174 = arith.constant 80 : i32
    %scan3A_175 = arith.addi %scan3A_173, %scan3A_174 : i32
    %scan3A_176 = arith.constant 1 : i32
    scf.for %scan3A_181 = %scan3A_173 to %scan3A_175 step %scan3A_176  : i32 {
      "tpu.region"() ({
        %run_scoped3A = tpu.sem_alloc : memref<!tpu.dma_semaphore, #tpu.memory_space<semaphore_mem>>
        %dma_start3A = arith.constant 0 : i32
        %dma_start3A_182 = tpu.memref_slice %arg4[%scan3A_181, %dma_start3A] : memref<80x128xi32, #tpu.memory_space<vmem>> -> memref<1x128xi32, #tpu.memory_space<vmem>>
        %dma_start3A_183 = tpu.memref_squeeze %dma_start3A_182 : memref<1x128xi32, #tpu.memory_space<vmem>> -> memref<128xi32, #tpu.memory_space<vmem>>
        %dma_start3A_184 = arith.constant 0 : i32
        %dma_start3A_185 = arith.constant 0 : i32
        %dma_start3A_186 = tpu.memref_slice %arg7[%dma_start3A_184, %dma_start3A_185] : memref<10240x128xf32, #tpu.memory_space<vmem_shared>> -> memref<10240x128xf32, #tpu.memory_space<vmem_shared>>
        tpu.enqueue_indirect_dma source(%arg5 : memref<128x128xf32, #tpu.memory_space<vmem>>) target(%dma_start3A_186 : memref<10240x128xf32, #tpu.memory_space<vmem_shared>>) offsets(%dma_start3A_183 : memref<128xi32, #tpu.memory_space<vmem>>) semaphore(%run_scoped3A : memref<!tpu.dma_semaphore, #tpu.memory_space<semaphore_mem>>) {add = true}
        %dma_wait3A = arith.constant 0 : i32
        %dma_wait3A_187 = tpu.memref_slice %arg4[%scan3A_181, %dma_wait3A] : memref<80x128xi32, #tpu.memory_space<vmem>> -> memref<1x128xi32, #tpu.memory_space<vmem>>
        %dma_wait3A_188 = tpu.memref_squeeze %dma_wait3A_187 : memref<1x128xi32, #tpu.memory_space<vmem>> -> memref<128xi32, #tpu.memory_space<vmem>>
        %dma_wait3A_189 = arith.constant 0 : i32
        %dma_wait3A_190 = arith.constant 0 : i32
        %dma_wait3A_191 = tpu.memref_slice %arg7[%dma_wait3A_189, %dma_wait3A_190] : memref<10240x128xf32, #tpu.memory_space<vmem_shared>> -> memref<10240x128xf32, #tpu.memory_space<vmem_shared>>
        tpu.wait_indirect_dma semaphore(%run_scoped3A : memref<!tpu.dma_semaphore, #tpu.memory_space<semaphore_mem>>) src(%arg5 : memref<128x128xf32, #tpu.memory_space<vmem>>) dst(%dma_wait3A_191 : memref<10240x128xf32, #tpu.memory_space<vmem_shared>>)
        tpu.yield
      }) : () -> ()
    }
    %scan3A_177 = arith.constant 80 : i32
    %barrier3A_178 = arith.constant 0 : index
    tpu.barrier barrier_id(%barrier3A_178)
    %mul3A_179 = arith.constant 640 : i32
    %mul3A_180 = arith.muli %arg1, %mul3A_179 : i32
    "tpu.region"() ({
      %run_scoped3A = tpu.sem_alloc : memref<!tpu.dma_semaphore, #tpu.memory_space<semaphore_mem>>
      %dma_start3A = arith.constant 0 : i32
      %dma_start3A_181 = arith.constant 0 : i32
      %dma_start3A_182 = tpu.memref_slice %arg3[%arg0, %arg1, %dma_start3A, %dma_start3A_181] : memref<2x16x640x128xf32, #tpu.memory_space<hbm>> -> memref<1x1x640x128xf32, #tpu.memory_space<hbm>>
      %dma_start3A_183 = tpu.memref_squeeze %dma_start3A_182 : memref<1x1x640x128xf32, #tpu.memory_space<hbm>> -> memref<640x128xf32, #tpu.memory_space<hbm>>
      %dma_start3A_184 = arith.constant 0 : i32
      %dma_start3A_185 = tpu.memref_slice %arg7[%mul3A_180, %dma_start3A_184] : memref<10240x128xf32, #tpu.memory_space<vmem_shared>> -> memref<640x128xf32, #tpu.memory_space<vmem_shared>>
      tpu.enqueue_dma source(%dma_start3A_185 : memref<640x128xf32, #tpu.memory_space<vmem_shared>>) target(%dma_start3A_183 : memref<640x128xf32, #tpu.memory_space<hbm>>) target_semaphore(%run_scoped3A : memref<!tpu.dma_semaphore, #tpu.memory_space<semaphore_mem>>)
      %dma_wait3A = arith.constant 0 : i32
      %dma_wait3A_186 = arith.constant 0 : i32
      %dma_wait3A_187 = tpu.memref_slice %arg3[%arg0, %arg1, %dma_wait3A, %dma_wait3A_186] : memref<2x16x640x128xf32, #tpu.memory_space<hbm>> -> memref<1x1x640x128xf32, #tpu.memory_space<hbm>>
      %dma_wait3A_188 = tpu.memref_squeeze %dma_wait3A_187 : memref<1x1x640x128xf32, #tpu.memory_space<hbm>> -> memref<640x128xf32, #tpu.memory_space<hbm>>
      %dma_wait3A_189 = arith.constant 0 : i32
      %dma_wait3A_190 = tpu.memref_slice %arg7[%mul3A_180, %dma_wait3A_189] : memref<10240x128xf32, #tpu.memory_space<vmem_shared>> -> memref<640x128xf32, #tpu.memory_space<vmem_shared>>
      tpu.wait_dma2 semaphore(%run_scoped3A : memref<!tpu.dma_semaphore, #tpu.memory_space<semaphore_mem>>) src(%dma_wait3A_190 : memref<640x128xf32, #tpu.memory_space<vmem_shared>>) dst(%dma_wait3A_188 : memref<640x128xf32, #tpu.memory_space<hbm>>)
      tpu.yield
    }) : () -> ()
    return
  }
}

#map = affine_map<(d0, d1) -> (0, 0)>
#map1 = affine_map<(d0, d1) -> (0, 0, 0)>
#map2 = affine_map<(d0, d1) -> (0, 0, 0, 0)>
module attributes {stable_mosaic.version = 14 : i64} {
  func.func @_edge_kernel(%arg0: i32, %arg1: i32, %arg2: memref<10000x128xf32, #tpu.memory_space<hbm>>, %arg3: memref<32x80x128xi32, #tpu.memory_space<hbm>>, %arg4: memref<32x80x128xi32, #tpu.memory_space<hbm>>, %arg5: memref<2x16x640x128xf32, #tpu.memory_space<hbm>>, %arg6: memref<80x128xi32, #tpu.memory_space<vmem>>, %arg7: memref<80x128xi32, #tpu.memory_space<vmem>>, %arg8: memref<128x128xf32, #tpu.memory_space<vmem>>, %arg9: memref<16x128xf32, #tpu.memory_space<vmem>>, %arg10: memref<10240x128xf32, #tpu.memory_space<vmem_shared>>, %arg11: memref<!tpu.dma_semaphore, #tpu.memory_space<semaphore_mem>>) attributes {dimension_semantics = [#tpu.dimension_semantics<core_parallel>, #tpu.dimension_semantics<subcore_parallel>], iteration_bounds = array<i64: 2, 16>, scalar_prefetch = 0 : i64, scratch_operands = 6 : i64, tpu.core_type = #tpu.core_type<sc_vector_subcore>, window_params = [{transform_indices = #map}, {transform_indices = #map1}, {transform_indices = #map1}, {transform_indices = #map2}]} {
    %mul3A = arith.constant 16 : i32
    %mul3A_0 = arith.muli %arg0, %mul3A : i32
    %add3A = arith.addi %mul3A_0, %arg1 : i32
    %scan3A = arith.constant 0 : i32
    %scan3A_1 = arith.constant 0 : i32
    %scan3A_2 = arith.constant 16 : i32
    %scan3A_3 = arith.addi %scan3A_1, %scan3A_2 : i32
    %scan3A_4 = arith.constant 1 : i32
    scf.for %scan3A_175 = %scan3A_1 to %scan3A_3 step %scan3A_4  : i32 {
      %broadcast_in_dim3A = arith.constant 0.000000e+00 : f32
      %broadcast_in_dim3A_176 = vector.broadcast %broadcast_in_dim3A : f32 to vector<16xf32>
      %swap3A = arith.index_cast %scan3A_175 : i32 to index
      %swap3A_177 = arith.constant 0 : index
      %swap3A_178 = tpu.vector_load %arg9[%swap3A, %swap3A_177] {strides = array<i32>} : memref<16x128xf32, #tpu.memory_space<vmem>>, vector<1x16xf32>,
      %swap3A_179 = vector.shape_cast %swap3A_178 : vector<1x16xf32> to vector<16xf32>
      %swap3A_180 = vector.shape_cast %broadcast_in_dim3A_176 : vector<16xf32> to vector<1x16xf32>
      tpu.vector_store %arg9[%swap3A, %swap3A_177], %swap3A_180 {strides = array<i32>} : memref<16x128xf32, #tpu.memory_space<vmem>>, vector<1x16xf32>,
      %broadcast_in_dim3A_181 = arith.constant 0.000000e+00 : f32
      %broadcast_in_dim3A_182 = vector.broadcast %broadcast_in_dim3A_181 : f32 to vector<16xf32>
      %swap3A_183 = arith.index_cast %scan3A_175 : i32 to index
      %swap3A_184 = arith.constant 16 : index
      %swap3A_185 = tpu.vector_load %arg9[%swap3A_183, %swap3A_184] {strides = array<i32>} : memref<16x128xf32, #tpu.memory_space<vmem>>, vector<1x16xf32>,
      %swap3A_186 = vector.shape_cast %swap3A_185 : vector<1x16xf32> to vector<16xf32>
      %swap3A_187 = vector.shape_cast %broadcast_in_dim3A_182 : vector<16xf32> to vector<1x16xf32>
      tpu.vector_store %arg9[%swap3A_183, %swap3A_184], %swap3A_187 {strides = array<i32>} : memref<16x128xf32, #tpu.memory_space<vmem>>, vector<1x16xf32>,
      %broadcast_in_dim3A_188 = arith.constant 0.000000e+00 : f32
      %broadcast_in_dim3A_189 = vector.broadcast %broadcast_in_dim3A_188 : f32 to vector<16xf32>
      %swap3A_190 = arith.index_cast %scan3A_175 : i32 to index
      %swap3A_191 = arith.constant 32 : index
      %swap3A_192 = tpu.vector_load %arg9[%swap3A_190, %swap3A_191] {strides = array<i32>} : memref<16x128xf32, #tpu.memory_space<vmem>>, vector<1x16xf32>,
      %swap3A_193 = vector.shape_cast %swap3A_192 : vector<1x16xf32> to vector<16xf32>
      %swap3A_194 = vector.shape_cast %broadcast_in_dim3A_189 : vector<16xf32> to vector<1x16xf32>
      tpu.vector_store %arg9[%swap3A_190, %swap3A_191], %swap3A_194 {strides = array<i32>} : memref<16x128xf32, #tpu.memory_space<vmem>>, vector<1x16xf32>,
      %broadcast_in_dim3A_195 = arith.constant 0.000000e+00 : f32
      %broadcast_in_dim3A_196 = vector.broadcast %broadcast_in_dim3A_195 : f32 to vector<16xf32>
      %swap3A_197 = arith.index_cast %scan3A_175 : i32 to index
      %swap3A_198 = arith.constant 48 : index
      %swap3A_199 = tpu.vector_load %arg9[%swap3A_197, %swap3A_198] {strides = array<i32>} : memref<16x128xf32, #tpu.memory_space<vmem>>, vector<1x16xf32>,
      %swap3A_200 = vector.shape_cast %swap3A_199 : vector<1x16xf32> to vector<16xf32>
      %swap3A_201 = vector.shape_cast %broadcast_in_dim3A_196 : vector<16xf32> to vector<1x16xf32>
      tpu.vector_store %arg9[%swap3A_197, %swap3A_198], %swap3A_201 {strides = array<i32>} : memref<16x128xf32, #tpu.memory_space<vmem>>, vector<1x16xf32>,
      %broadcast_in_dim3A_202 = arith.constant 0.000000e+00 : f32
      %broadcast_in_dim3A_203 = vector.broadcast %broadcast_in_dim3A_202 : f32 to vector<16xf32>
      %swap3A_204 = arith.index_cast %scan3A_175 : i32 to index
      %swap3A_205 = arith.constant 64 : index
      %swap3A_206 = tpu.vector_load %arg9[%swap3A_204, %swap3A_205] {strides = array<i32>} : memref<16x128xf32, #tpu.memory_space<vmem>>, vector<1x16xf32>,
      %swap3A_207 = vector.shape_cast %swap3A_206 : vector<1x16xf32> to vector<16xf32>
      %swap3A_208 = vector.shape_cast %broadcast_in_dim3A_203 : vector<16xf32> to vector<1x16xf32>
      tpu.vector_store %arg9[%swap3A_204, %swap3A_205], %swap3A_208 {strides = array<i32>} : memref<16x128xf32, #tpu.memory_space<vmem>>, vector<1x16xf32>,
      %broadcast_in_dim3A_209 = arith.constant 0.000000e+00 : f32
      %broadcast_in_dim3A_210 = vector.broadcast %broadcast_in_dim3A_209 : f32 to vector<16xf32>
      %swap3A_211 = arith.index_cast %scan3A_175 : i32 to index
      %swap3A_212 = arith.constant 80 : index
      %swap3A_213 = tpu.vector_load %arg9[%swap3A_211, %swap3A_212] {strides = array<i32>} : memref<16x128xf32, #tpu.memory_space<vmem>>, vector<1x16xf32>,
      %swap3A_214 = vector.shape_cast %swap3A_213 : vector<1x16xf32> to vector<16xf32>
      %swap3A_215 = vector.shape_cast %broadcast_in_dim3A_210 : vector<16xf32> to vector<1x16xf32>
      tpu.vector_store %arg9[%swap3A_211, %swap3A_212], %swap3A_215 {strides = array<i32>} : memref<16x128xf32, #tpu.memory_space<vmem>>, vector<1x16xf32>,
      %broadcast_in_dim3A_216 = arith.constant 0.000000e+00 : f32
      %broadcast_in_dim3A_217 = vector.broadcast %broadcast_in_dim3A_216 : f32 to vector<16xf32>
      %swap3A_218 = arith.index_cast %scan3A_175 : i32 to index
      %swap3A_219 = arith.constant 96 : index
      %swap3A_220 = tpu.vector_load %arg9[%swap3A_218, %swap3A_219] {strides = array<i32>} : memref<16x128xf32, #tpu.memory_space<vmem>>, vector<1x16xf32>,
      %swap3A_221 = vector.shape_cast %swap3A_220 : vector<1x16xf32> to vector<16xf32>
      %swap3A_222 = vector.shape_cast %broadcast_in_dim3A_217 : vector<16xf32> to vector<1x16xf32>
      tpu.vector_store %arg9[%swap3A_218, %swap3A_219], %swap3A_222 {strides = array<i32>} : memref<16x128xf32, #tpu.memory_space<vmem>>, vector<1x16xf32>,
      %broadcast_in_dim3A_223 = arith.constant 0.000000e+00 : f32
      %broadcast_in_dim3A_224 = vector.broadcast %broadcast_in_dim3A_223 : f32 to vector<16xf32>
      %swap3A_225 = arith.index_cast %scan3A_175 : i32 to index
      %swap3A_226 = arith.constant 112 : index
      %swap3A_227 = tpu.vector_load %arg9[%swap3A_225, %swap3A_226] {strides = array<i32>} : memref<16x128xf32, #tpu.memory_space<vmem>>, vector<1x16xf32>,
      %swap3A_228 = vector.shape_cast %swap3A_227 : vector<1x16xf32> to vector<16xf32>
      %swap3A_229 = vector.shape_cast %broadcast_in_dim3A_224 : vector<16xf32> to vector<1x16xf32>
      tpu.vector_store %arg9[%swap3A_225, %swap3A_226], %swap3A_229 {strides = array<i32>} : memref<16x128xf32, #tpu.memory_space<vmem>>, vector<1x16xf32>,
    }
    %scan3A_5 = arith.constant 16 : i32
    %mul3A_6 = arith.constant 640 : i32
    %mul3A_7 = arith.muli %arg1, %mul3A_6 : i32
    %add3A_8 = arith.constant 0 : i32
    %add3A_9 = arith.addi %mul3A_7, %add3A_8 : i32
    "tpu.region"() ({
      %run_scoped3A = tpu.sem_alloc : memref<!tpu.dma_semaphore, #tpu.memory_space<semaphore_mem>>
      %dma_start3A = arith.constant 0 : i32
      %dma_start3A_175 = tpu.memref_slice %arg10[%add3A_9, %dma_start3A] : memref<10240x128xf32, #tpu.memory_space<vmem_shared>> -> memref<16x128xf32, #tpu.memory_space<vmem_shared>>
      %dma_start3A_176 = arith.constant 0 : i32
      %dma_start3A_177 = tpu.memref_slice %arg10[%add3A_9, %dma_start3A_176] : memref<10240x128xf32, #tpu.memory_space<vmem_shared>> -> memref<16x128xf32, #tpu.memory_space<vmem_shared>>
      tpu.enqueue_dma source(%arg9 : memref<16x128xf32, #tpu.memory_space<vmem>>) target(%dma_start3A_177 : memref<16x128xf32, #tpu.memory_space<vmem_shared>>) target_semaphore(%run_scoped3A : memref<!tpu.dma_semaphore, #tpu.memory_space<semaphore_mem>>)
      %dma_wait3A = arith.constant 0 : i32
      %dma_wait3A_178 = tpu.memref_slice %arg10[%add3A_9, %dma_wait3A] : memref<10240x128xf32, #tpu.memory_space<vmem_shared>> -> memref<16x128xf32, #tpu.memory_space<vmem_shared>>
      %dma_wait3A_179 = arith.constant 0 : i32
      %dma_wait3A_180 = tpu.memref_slice %arg10[%add3A_9, %dma_wait3A_179] : memref<10240x128xf32, #tpu.memory_space<vmem_shared>> -> memref<16x128xf32, #tpu.memory_space<vmem_shared>>
      tpu.wait_dma2 semaphore(%run_scoped3A : memref<!tpu.dma_semaphore, #tpu.memory_space<semaphore_mem>>) src(%arg9 : memref<16x128xf32, #tpu.memory_space<vmem>>) dst(%dma_wait3A_180 : memref<16x128xf32, #tpu.memory_space<vmem_shared>>)
      tpu.yield
    }) : () -> ()
    %mul3A_10 = arith.constant 640 : i32
    %mul3A_11 = arith.muli %arg1, %mul3A_10 : i32
    %add3A_12 = arith.constant 16 : i32
    %add3A_13 = arith.addi %mul3A_11, %add3A_12 : i32
    "tpu.region"() ({
      %run_scoped3A = tpu.sem_alloc : memref<!tpu.dma_semaphore, #tpu.memory_space<semaphore_mem>>
      %dma_start3A = arith.constant 0 : i32
      %dma_start3A_175 = tpu.memref_slice %arg10[%add3A_13, %dma_start3A] : memref<10240x128xf32, #tpu.memory_space<vmem_shared>> -> memref<16x128xf32, #tpu.memory_space<vmem_shared>>
      %dma_start3A_176 = arith.constant 0 : i32
      %dma_start3A_177 = tpu.memref_slice %arg10[%add3A_13, %dma_start3A_176] : memref<10240x128xf32, #tpu.memory_space<vmem_shared>> -> memref<16x128xf32, #tpu.memory_space<vmem_shared>>
      tpu.enqueue_dma source(%arg9 : memref<16x128xf32, #tpu.memory_space<vmem>>) target(%dma_start3A_177 : memref<16x128xf32, #tpu.memory_space<vmem_shared>>) target_semaphore(%run_scoped3A : memref<!tpu.dma_semaphore, #tpu.memory_space<semaphore_mem>>)
      %dma_wait3A = arith.constant 0 : i32
      %dma_wait3A_178 = tpu.memref_slice %arg10[%add3A_13, %dma_wait3A] : memref<10240x128xf32, #tpu.memory_space<vmem_shared>> -> memref<16x128xf32, #tpu.memory_space<vmem_shared>>
      %dma_wait3A_179 = arith.constant 0 : i32
      %dma_wait3A_180 = tpu.memref_slice %arg10[%add3A_13, %dma_wait3A_179] : memref<10240x128xf32, #tpu.memory_space<vmem_shared>> -> memref<16x128xf32, #tpu.memory_space<vmem_shared>>
      tpu.wait_dma2 semaphore(%run_scoped3A : memref<!tpu.dma_semaphore, #tpu.memory_space<semaphore_mem>>) src(%arg9 : memref<16x128xf32, #tpu.memory_space<vmem>>) dst(%dma_wait3A_180 : memref<16x128xf32, #tpu.memory_space<vmem_shared>>)
      tpu.yield
    }) : () -> ()
    %mul3A_14 = arith.constant 640 : i32
    %mul3A_15 = arith.muli %arg1, %mul3A_14 : i32
    %add3A_16 = arith.constant 32 : i32
    %add3A_17 = arith.addi %mul3A_15, %add3A_16 : i32
    "tpu.region"() ({
      %run_scoped3A = tpu.sem_alloc : memref<!tpu.dma_semaphore, #tpu.memory_space<semaphore_mem>>
      %dma_start3A = arith.constant 0 : i32
      %dma_start3A_175 = tpu.memref_slice %arg10[%add3A_17, %dma_start3A] : memref<10240x128xf32, #tpu.memory_space<vmem_shared>> -> memref<16x128xf32, #tpu.memory_space<vmem_shared>>
      %dma_start3A_176 = arith.constant 0 : i32
      %dma_start3A_177 = tpu.memref_slice %arg10[%add3A_17, %dma_start3A_176] : memref<10240x128xf32, #tpu.memory_space<vmem_shared>> -> memref<16x128xf32, #tpu.memory_space<vmem_shared>>
      tpu.enqueue_dma source(%arg9 : memref<16x128xf32, #tpu.memory_space<vmem>>) target(%dma_start3A_177 : memref<16x128xf32, #tpu.memory_space<vmem_shared>>) target_semaphore(%run_scoped3A : memref<!tpu.dma_semaphore, #tpu.memory_space<semaphore_mem>>)
      %dma_wait3A = arith.constant 0 : i32
      %dma_wait3A_178 = tpu.memref_slice %arg10[%add3A_17, %dma_wait3A] : memref<10240x128xf32, #tpu.memory_space<vmem_shared>> -> memref<16x128xf32, #tpu.memory_space<vmem_shared>>
      %dma_wait3A_179 = arith.constant 0 : i32
      %dma_wait3A_180 = tpu.memref_slice %arg10[%add3A_17, %dma_wait3A_179] : memref<10240x128xf32, #tpu.memory_space<vmem_shared>> -> memref<16x128xf32, #tpu.memory_space<vmem_shared>>
      tpu.wait_dma2 semaphore(%run_scoped3A : memref<!tpu.dma_semaphore, #tpu.memory_space<semaphore_mem>>) src(%arg9 : memref<16x128xf32, #tpu.memory_space<vmem>>) dst(%dma_wait3A_180 : memref<16x128xf32, #tpu.memory_space<vmem_shared>>)
      tpu.yield
    }) : () -> ()
    %mul3A_18 = arith.constant 640 : i32
    %mul3A_19 = arith.muli %arg1, %mul3A_18 : i32
    %add3A_20 = arith.constant 48 : i32
    %add3A_21 = arith.addi %mul3A_19, %add3A_20 : i32
    "tpu.region"() ({
      %run_scoped3A = tpu.sem_alloc : memref<!tpu.dma_semaphore, #tpu.memory_space<semaphore_mem>>
      %dma_start3A = arith.constant 0 : i32
      %dma_start3A_175 = tpu.memref_slice %arg10[%add3A_21, %dma_start3A] : memref<10240x128xf32, #tpu.memory_space<vmem_shared>> -> memref<16x128xf32, #tpu.memory_space<vmem_shared>>
      %dma_start3A_176 = arith.constant 0 : i32
      %dma_start3A_177 = tpu.memref_slice %arg10[%add3A_21, %dma_start3A_176] : memref<10240x128xf32, #tpu.memory_space<vmem_shared>> -> memref<16x128xf32, #tpu.memory_space<vmem_shared>>
      tpu.enqueue_dma source(%arg9 : memref<16x128xf32, #tpu.memory_space<vmem>>) target(%dma_start3A_177 : memref<16x128xf32, #tpu.memory_space<vmem_shared>>) target_semaphore(%run_scoped3A : memref<!tpu.dma_semaphore, #tpu.memory_space<semaphore_mem>>)
      %dma_wait3A = arith.constant 0 : i32
      %dma_wait3A_178 = tpu.memref_slice %arg10[%add3A_21, %dma_wait3A] : memref<10240x128xf32, #tpu.memory_space<vmem_shared>> -> memref<16x128xf32, #tpu.memory_space<vmem_shared>>
      %dma_wait3A_179 = arith.constant 0 : i32
      %dma_wait3A_180 = tpu.memref_slice %arg10[%add3A_21, %dma_wait3A_179] : memref<10240x128xf32, #tpu.memory_space<vmem_shared>> -> memref<16x128xf32, #tpu.memory_space<vmem_shared>>
      tpu.wait_dma2 semaphore(%run_scoped3A : memref<!tpu.dma_semaphore, #tpu.memory_space<semaphore_mem>>) src(%arg9 : memref<16x128xf32, #tpu.memory_space<vmem>>) dst(%dma_wait3A_180 : memref<16x128xf32, #tpu.memory_space<vmem_shared>>)
      tpu.yield
    }) : () -> ()
    %mul3A_22 = arith.constant 640 : i32
    %mul3A_23 = arith.muli %arg1, %mul3A_22 : i32
    %add3A_24 = arith.constant 64 : i32
    %add3A_25 = arith.addi %mul3A_23, %add3A_24 : i32
    "tpu.region"() ({
      %run_scoped3A = tpu.sem_alloc : memref<!tpu.dma_semaphore, #tpu.memory_space<semaphore_mem>>
      %dma_start3A = arith.constant 0 : i32
      %dma_start3A_175 = tpu.memref_slice %arg10[%add3A_25, %dma_start3A] : memref<10240x128xf32, #tpu.memory_space<vmem_shared>> -> memref<16x128xf32, #tpu.memory_space<vmem_shared>>
      %dma_start3A_176 = arith.constant 0 : i32
      %dma_start3A_177 = tpu.memref_slice %arg10[%add3A_25, %dma_start3A_176] : memref<10240x128xf32, #tpu.memory_space<vmem_shared>> -> memref<16x128xf32, #tpu.memory_space<vmem_shared>>
      tpu.enqueue_dma source(%arg9 : memref<16x128xf32, #tpu.memory_space<vmem>>) target(%dma_start3A_177 : memref<16x128xf32, #tpu.memory_space<vmem_shared>>) target_semaphore(%run_scoped3A : memref<!tpu.dma_semaphore, #tpu.memory_space<semaphore_mem>>)
      %dma_wait3A = arith.constant 0 : i32
      %dma_wait3A_178 = tpu.memref_slice %arg10[%add3A_25, %dma_wait3A] : memref<10240x128xf32, #tpu.memory_space<vmem_shared>> -> memref<16x128xf32, #tpu.memory_space<vmem_shared>>
      %dma_wait3A_179 = arith.constant 0 : i32
      %dma_wait3A_180 = tpu.memref_slice %arg10[%add3A_25, %dma_wait3A_179] : memref<10240x128xf32, #tpu.memory_space<vmem_shared>> -> memref<16x128xf32, #tpu.memory_space<vmem_shared>>
      tpu.wait_dma2 semaphore(%run_scoped3A : memref<!tpu.dma_semaphore, #tpu.memory_space<semaphore_mem>>) src(%arg9 : memref<16x128xf32, #tpu.memory_space<vmem>>) dst(%dma_wait3A_180 : memref<16x128xf32, #tpu.memory_space<vmem_shared>>)
      tpu.yield
    }) : () -> ()
    %mul3A_26 = arith.constant 640 : i32
    %mul3A_27 = arith.muli %arg1, %mul3A_26 : i32
    %add3A_28 = arith.constant 80 : i32
    %add3A_29 = arith.addi %mul3A_27, %add3A_28 : i32
    "tpu.region"() ({
      %run_scoped3A = tpu.sem_alloc : memref<!tpu.dma_semaphore, #tpu.memory_space<semaphore_mem>>
      %dma_start3A = arith.constant 0 : i32
      %dma_start3A_175 = tpu.memref_slice %arg10[%add3A_29, %dma_start3A] : memref<10240x128xf32, #tpu.memory_space<vmem_shared>> -> memref<16x128xf32, #tpu.memory_space<vmem_shared>>
      %dma_start3A_176 = arith.constant 0 : i32
      %dma_start3A_177 = tpu.memref_slice %arg10[%add3A_29, %dma_start3A_176] : memref<10240x128xf32, #tpu.memory_space<vmem_shared>> -> memref<16x128xf32, #tpu.memory_space<vmem_shared>>
      tpu.enqueue_dma source(%arg9 : memref<16x128xf32, #tpu.memory_space<vmem>>) target(%dma_start3A_177 : memref<16x128xf32, #tpu.memory_space<vmem_shared>>) target_semaphore(%run_scoped3A : memref<!tpu.dma_semaphore, #tpu.memory_space<semaphore_mem>>)
      %dma_wait3A = arith.constant 0 : i32
      %dma_wait3A_178 = tpu.memref_slice %arg10[%add3A_29, %dma_wait3A] : memref<10240x128xf32, #tpu.memory_space<vmem_shared>> -> memref<16x128xf32, #tpu.memory_space<vmem_shared>>
      %dma_wait3A_179 = arith.constant 0 : i32
      %dma_wait3A_180 = tpu.memref_slice %arg10[%add3A_29, %dma_wait3A_179] : memref<10240x128xf32, #tpu.memory_space<vmem_shared>> -> memref<16x128xf32, #tpu.memory_space<vmem_shared>>
      tpu.wait_dma2 semaphore(%run_scoped3A : memref<!tpu.dma_semaphore, #tpu.memory_space<semaphore_mem>>) src(%arg9 : memref<16x128xf32, #tpu.memory_space<vmem>>) dst(%dma_wait3A_180 : memref<16x128xf32, #tpu.memory_space<vmem_shared>>)
      tpu.yield
    }) : () -> ()
    %mul3A_30 = arith.constant 640 : i32
    %mul3A_31 = arith.muli %arg1, %mul3A_30 : i32
    %add3A_32 = arith.constant 96 : i32
    %add3A_33 = arith.addi %mul3A_31, %add3A_32 : i32
    "tpu.region"() ({
      %run_scoped3A = tpu.sem_alloc : memref<!tpu.dma_semaphore, #tpu.memory_space<semaphore_mem>>
      %dma_start3A = arith.constant 0 : i32
      %dma_start3A_175 = tpu.memref_slice %arg10[%add3A_33, %dma_start3A] : memref<10240x128xf32, #tpu.memory_space<vmem_shared>> -> memref<16x128xf32, #tpu.memory_space<vmem_shared>>
      %dma_start3A_176 = arith.constant 0 : i32
      %dma_start3A_177 = tpu.memref_slice %arg10[%add3A_33, %dma_start3A_176] : memref<10240x128xf32, #tpu.memory_space<vmem_shared>> -> memref<16x128xf32, #tpu.memory_space<vmem_shared>>
      tpu.enqueue_dma source(%arg9 : memref<16x128xf32, #tpu.memory_space<vmem>>) target(%dma_start3A_177 : memref<16x128xf32, #tpu.memory_space<vmem_shared>>) target_semaphore(%run_scoped3A : memref<!tpu.dma_semaphore, #tpu.memory_space<semaphore_mem>>)
      %dma_wait3A = arith.constant 0 : i32
      %dma_wait3A_178 = tpu.memref_slice %arg10[%add3A_33, %dma_wait3A] : memref<10240x128xf32, #tpu.memory_space<vmem_shared>> -> memref<16x128xf32, #tpu.memory_space<vmem_shared>>
      %dma_wait3A_179 = arith.constant 0 : i32
      %dma_wait3A_180 = tpu.memref_slice %arg10[%add3A_33, %dma_wait3A_179] : memref<10240x128xf32, #tpu.memory_space<vmem_shared>> -> memref<16x128xf32, #tpu.memory_space<vmem_shared>>
      tpu.wait_dma2 semaphore(%run_scoped3A : memref<!tpu.dma_semaphore, #tpu.memory_space<semaphore_mem>>) src(%arg9 : memref<16x128xf32, #tpu.memory_space<vmem>>) dst(%dma_wait3A_180 : memref<16x128xf32, #tpu.memory_space<vmem_shared>>)
      tpu.yield
    }) : () -> ()
    %mul3A_34 = arith.constant 640 : i32
    %mul3A_35 = arith.muli %arg1, %mul3A_34 : i32
    %add3A_36 = arith.constant 112 : i32
    %add3A_37 = arith.addi %mul3A_35, %add3A_36 : i32
    "tpu.region"() ({
      %run_scoped3A = tpu.sem_alloc : memref<!tpu.dma_semaphore, #tpu.memory_space<semaphore_mem>>
      %dma_start3A = arith.constant 0 : i32
      %dma_start3A_175 = tpu.memref_slice %arg10[%add3A_37, %dma_start3A] : memref<10240x128xf32, #tpu.memory_space<vmem_shared>> -> memref<16x128xf32, #tpu.memory_space<vmem_shared>>
      %dma_start3A_176 = arith.constant 0 : i32
      %dma_start3A_177 = tpu.memref_slice %arg10[%add3A_37, %dma_start3A_176] : memref<10240x128xf32, #tpu.memory_space<vmem_shared>> -> memref<16x128xf32, #tpu.memory_space<vmem_shared>>
      tpu.enqueue_dma source(%arg9 : memref<16x128xf32, #tpu.memory_space<vmem>>) target(%dma_start3A_177 : memref<16x128xf32, #tpu.memory_space<vmem_shared>>) target_semaphore(%run_scoped3A : memref<!tpu.dma_semaphore, #tpu.memory_space<semaphore_mem>>)
      %dma_wait3A = arith.constant 0 : i32
      %dma_wait3A_178 = tpu.memref_slice %arg10[%add3A_37, %dma_wait3A] : memref<10240x128xf32, #tpu.memory_space<vmem_shared>> -> memref<16x128xf32, #tpu.memory_space<vmem_shared>>
      %dma_wait3A_179 = arith.constant 0 : i32
      %dma_wait3A_180 = tpu.memref_slice %arg10[%add3A_37, %dma_wait3A_179] : memref<10240x128xf32, #tpu.memory_space<vmem_shared>> -> memref<16x128xf32, #tpu.memory_space<vmem_shared>>
      tpu.wait_dma2 semaphore(%run_scoped3A : memref<!tpu.dma_semaphore, #tpu.memory_space<semaphore_mem>>) src(%arg9 : memref<16x128xf32, #tpu.memory_space<vmem>>) dst(%dma_wait3A_180 : memref<16x128xf32, #tpu.memory_space<vmem_shared>>)
      tpu.yield
    }) : () -> ()
    %mul3A_38 = arith.constant 640 : i32
    %mul3A_39 = arith.muli %arg1, %mul3A_38 : i32
    %add3A_40 = arith.constant 128 : i32
    %add3A_41 = arith.addi %mul3A_39, %add3A_40 : i32
    "tpu.region"() ({
      %run_scoped3A = tpu.sem_alloc : memref<!tpu.dma_semaphore, #tpu.memory_space<semaphore_mem>>
      %dma_start3A = arith.constant 0 : i32
      %dma_start3A_175 = tpu.memref_slice %arg10[%add3A_41, %dma_start3A] : memref<10240x128xf32, #tpu.memory_space<vmem_shared>> -> memref<16x128xf32, #tpu.memory_space<vmem_shared>>
      %dma_start3A_176 = arith.constant 0 : i32
      %dma_start3A_177 = tpu.memref_slice %arg10[%add3A_41, %dma_start3A_176] : memref<10240x128xf32, #tpu.memory_space<vmem_shared>> -> memref<16x128xf32, #tpu.memory_space<vmem_shared>>
      tpu.enqueue_dma source(%arg9 : memref<16x128xf32, #tpu.memory_space<vmem>>) target(%dma_start3A_177 : memref<16x128xf32, #tpu.memory_space<vmem_shared>>) target_semaphore(%run_scoped3A : memref<!tpu.dma_semaphore, #tpu.memory_space<semaphore_mem>>)
      %dma_wait3A = arith.constant 0 : i32
      %dma_wait3A_178 = tpu.memref_slice %arg10[%add3A_41, %dma_wait3A] : memref<10240x128xf32, #tpu.memory_space<vmem_shared>> -> memref<16x128xf32, #tpu.memory_space<vmem_shared>>
      %dma_wait3A_179 = arith.constant 0 : i32
      %dma_wait3A_180 = tpu.memref_slice %arg10[%add3A_41, %dma_wait3A_179] : memref<10240x128xf32, #tpu.memory_space<vmem_shared>> -> memref<16x128xf32, #tpu.memory_space<vmem_shared>>
      tpu.wait_dma2 semaphore(%run_scoped3A : memref<!tpu.dma_semaphore, #tpu.memory_space<semaphore_mem>>) src(%arg9 : memref<16x128xf32, #tpu.memory_space<vmem>>) dst(%dma_wait3A_180 : memref<16x128xf32, #tpu.memory_space<vmem_shared>>)
      tpu.yield
    }) : () -> ()
    %mul3A_42 = arith.constant 640 : i32
    %mul3A_43 = arith.muli %arg1, %mul3A_42 : i32
    %add3A_44 = arith.constant 144 : i32
    %add3A_45 = arith.addi %mul3A_43, %add3A_44 : i32
    "tpu.region"() ({
      %run_scoped3A = tpu.sem_alloc : memref<!tpu.dma_semaphore, #tpu.memory_space<semaphore_mem>>
      %dma_start3A = arith.constant 0 : i32
      %dma_start3A_175 = tpu.memref_slice %arg10[%add3A_45, %dma_start3A] : memref<10240x128xf32, #tpu.memory_space<vmem_shared>> -> memref<16x128xf32, #tpu.memory_space<vmem_shared>>
      %dma_start3A_176 = arith.constant 0 : i32
      %dma_start3A_177 = tpu.memref_slice %arg10[%add3A_45, %dma_start3A_176] : memref<10240x128xf32, #tpu.memory_space<vmem_shared>> -> memref<16x128xf32, #tpu.memory_space<vmem_shared>>
      tpu.enqueue_dma source(%arg9 : memref<16x128xf32, #tpu.memory_space<vmem>>) target(%dma_start3A_177 : memref<16x128xf32, #tpu.memory_space<vmem_shared>>) target_semaphore(%run_scoped3A : memref<!tpu.dma_semaphore, #tpu.memory_space<semaphore_mem>>)
      %dma_wait3A = arith.constant 0 : i32
      %dma_wait3A_178 = tpu.memref_slice %arg10[%add3A_45, %dma_wait3A] : memref<10240x128xf32, #tpu.memory_space<vmem_shared>> -> memref<16x128xf32, #tpu.memory_space<vmem_shared>>
      %dma_wait3A_179 = arith.constant 0 : i32
      %dma_wait3A_180 = tpu.memref_slice %arg10[%add3A_45, %dma_wait3A_179] : memref<10240x128xf32, #tpu.memory_space<vmem_shared>> -> memref<16x128xf32, #tpu.memory_space<vmem_shared>>
      tpu.wait_dma2 semaphore(%run_scoped3A : memref<!tpu.dma_semaphore, #tpu.memory_space<semaphore_mem>>) src(%arg9 : memref<16x128xf32, #tpu.memory_space<vmem>>) dst(%dma_wait3A_180 : memref<16x128xf32, #tpu.memory_space<vmem_shared>>)
      tpu.yield
    }) : () -> ()
    %mul3A_46 = arith.constant 640 : i32
    %mul3A_47 = arith.muli %arg1, %mul3A_46 : i32
    %add3A_48 = arith.constant 160 : i32
    %add3A_49 = arith.addi %mul3A_47, %add3A_48 : i32
    "tpu.region"() ({
      %run_scoped3A = tpu.sem_alloc : memref<!tpu.dma_semaphore, #tpu.memory_space<semaphore_mem>>
      %dma_start3A = arith.constant 0 : i32
      %dma_start3A_175 = tpu.memref_slice %arg10[%add3A_49, %dma_start3A] : memref<10240x128xf32, #tpu.memory_space<vmem_shared>> -> memref<16x128xf32, #tpu.memory_space<vmem_shared>>
      %dma_start3A_176 = arith.constant 0 : i32
      %dma_start3A_177 = tpu.memref_slice %arg10[%add3A_49, %dma_start3A_176] : memref<10240x128xf32, #tpu.memory_space<vmem_shared>> -> memref<16x128xf32, #tpu.memory_space<vmem_shared>>
      tpu.enqueue_dma source(%arg9 : memref<16x128xf32, #tpu.memory_space<vmem>>) target(%dma_start3A_177 : memref<16x128xf32, #tpu.memory_space<vmem_shared>>) target_semaphore(%run_scoped3A : memref<!tpu.dma_semaphore, #tpu.memory_space<semaphore_mem>>)
      %dma_wait3A = arith.constant 0 : i32
      %dma_wait3A_178 = tpu.memref_slice %arg10[%add3A_49, %dma_wait3A] : memref<10240x128xf32, #tpu.memory_space<vmem_shared>> -> memref<16x128xf32, #tpu.memory_space<vmem_shared>>
      %dma_wait3A_179 = arith.constant 0 : i32
      %dma_wait3A_180 = tpu.memref_slice %arg10[%add3A_49, %dma_wait3A_179] : memref<10240x128xf32, #tpu.memory_space<vmem_shared>> -> memref<16x128xf32, #tpu.memory_space<vmem_shared>>
      tpu.wait_dma2 semaphore(%run_scoped3A : memref<!tpu.dma_semaphore, #tpu.memory_space<semaphore_mem>>) src(%arg9 : memref<16x128xf32, #tpu.memory_space<vmem>>) dst(%dma_wait3A_180 : memref<16x128xf32, #tpu.memory_space<vmem_shared>>)
      tpu.yield
    }) : () -> ()
    %mul3A_50 = arith.constant 640 : i32
    %mul3A_51 = arith.muli %arg1, %mul3A_50 : i32
    %add3A_52 = arith.constant 176 : i32
    %add3A_53 = arith.addi %mul3A_51, %add3A_52 : i32
    "tpu.region"() ({
      %run_scoped3A = tpu.sem_alloc : memref<!tpu.dma_semaphore, #tpu.memory_space<semaphore_mem>>
      %dma_start3A = arith.constant 0 : i32
      %dma_start3A_175 = tpu.memref_slice %arg10[%add3A_53, %dma_start3A] : memref<10240x128xf32, #tpu.memory_space<vmem_shared>> -> memref<16x128xf32, #tpu.memory_space<vmem_shared>>
      %dma_start3A_176 = arith.constant 0 : i32
      %dma_start3A_177 = tpu.memref_slice %arg10[%add3A_53, %dma_start3A_176] : memref<10240x128xf32, #tpu.memory_space<vmem_shared>> -> memref<16x128xf32, #tpu.memory_space<vmem_shared>>
      tpu.enqueue_dma source(%arg9 : memref<16x128xf32, #tpu.memory_space<vmem>>) target(%dma_start3A_177 : memref<16x128xf32, #tpu.memory_space<vmem_shared>>) target_semaphore(%run_scoped3A : memref<!tpu.dma_semaphore, #tpu.memory_space<semaphore_mem>>)
      %dma_wait3A = arith.constant 0 : i32
      %dma_wait3A_178 = tpu.memref_slice %arg10[%add3A_53, %dma_wait3A] : memref<10240x128xf32, #tpu.memory_space<vmem_shared>> -> memref<16x128xf32, #tpu.memory_space<vmem_shared>>
      %dma_wait3A_179 = arith.constant 0 : i32
      %dma_wait3A_180 = tpu.memref_slice %arg10[%add3A_53, %dma_wait3A_179] : memref<10240x128xf32, #tpu.memory_space<vmem_shared>> -> memref<16x128xf32, #tpu.memory_space<vmem_shared>>
      tpu.wait_dma2 semaphore(%run_scoped3A : memref<!tpu.dma_semaphore, #tpu.memory_space<semaphore_mem>>) src(%arg9 : memref<16x128xf32, #tpu.memory_space<vmem>>) dst(%dma_wait3A_180 : memref<16x128xf32, #tpu.memory_space<vmem_shared>>)
      tpu.yield
    }) : () -> ()
    %mul3A_54 = arith.constant 640 : i32
    %mul3A_55 = arith.muli %arg1, %mul3A_54 : i32
    %add3A_56 = arith.constant 192 : i32
    %add3A_57 = arith.addi %mul3A_55, %add3A_56 : i32
    "tpu.region"() ({
      %run_scoped3A = tpu.sem_alloc : memref<!tpu.dma_semaphore, #tpu.memory_space<semaphore_mem>>
      %dma_start3A = arith.constant 0 : i32
      %dma_start3A_175 = tpu.memref_slice %arg10[%add3A_57, %dma_start3A] : memref<10240x128xf32, #tpu.memory_space<vmem_shared>> -> memref<16x128xf32, #tpu.memory_space<vmem_shared>>
      %dma_start3A_176 = arith.constant 0 : i32
      %dma_start3A_177 = tpu.memref_slice %arg10[%add3A_57, %dma_start3A_176] : memref<10240x128xf32, #tpu.memory_space<vmem_shared>> -> memref<16x128xf32, #tpu.memory_space<vmem_shared>>
      tpu.enqueue_dma source(%arg9 : memref<16x128xf32, #tpu.memory_space<vmem>>) target(%dma_start3A_177 : memref<16x128xf32, #tpu.memory_space<vmem_shared>>) target_semaphore(%run_scoped3A : memref<!tpu.dma_semaphore, #tpu.memory_space<semaphore_mem>>)
      %dma_wait3A = arith.constant 0 : i32
      %dma_wait3A_178 = tpu.memref_slice %arg10[%add3A_57, %dma_wait3A] : memref<10240x128xf32, #tpu.memory_space<vmem_shared>> -> memref<16x128xf32, #tpu.memory_space<vmem_shared>>
      %dma_wait3A_179 = arith.constant 0 : i32
      %dma_wait3A_180 = tpu.memref_slice %arg10[%add3A_57, %dma_wait3A_179] : memref<10240x128xf32, #tpu.memory_space<vmem_shared>> -> memref<16x128xf32, #tpu.memory_space<vmem_shared>>
      tpu.wait_dma2 semaphore(%run_scoped3A : memref<!tpu.dma_semaphore, #tpu.memory_space<semaphore_mem>>) src(%arg9 : memref<16x128xf32, #tpu.memory_space<vmem>>) dst(%dma_wait3A_180 : memref<16x128xf32, #tpu.memory_space<vmem_shared>>)
      tpu.yield
    }) : () -> ()
    %mul3A_58 = arith.constant 640 : i32
    %mul3A_59 = arith.muli %arg1, %mul3A_58 : i32
    %add3A_60 = arith.constant 208 : i32
    %add3A_61 = arith.addi %mul3A_59, %add3A_60 : i32
    "tpu.region"() ({
      %run_scoped3A = tpu.sem_alloc : memref<!tpu.dma_semaphore, #tpu.memory_space<semaphore_mem>>
      %dma_start3A = arith.constant 0 : i32
      %dma_start3A_175 = tpu.memref_slice %arg10[%add3A_61, %dma_start3A] : memref<10240x128xf32, #tpu.memory_space<vmem_shared>> -> memref<16x128xf32, #tpu.memory_space<vmem_shared>>
      %dma_start3A_176 = arith.constant 0 : i32
      %dma_start3A_177 = tpu.memref_slice %arg10[%add3A_61, %dma_start3A_176] : memref<10240x128xf32, #tpu.memory_space<vmem_shared>> -> memref<16x128xf32, #tpu.memory_space<vmem_shared>>
      tpu.enqueue_dma source(%arg9 : memref<16x128xf32, #tpu.memory_space<vmem>>) target(%dma_start3A_177 : memref<16x128xf32, #tpu.memory_space<vmem_shared>>) target_semaphore(%run_scoped3A : memref<!tpu.dma_semaphore, #tpu.memory_space<semaphore_mem>>)
      %dma_wait3A = arith.constant 0 : i32
      %dma_wait3A_178 = tpu.memref_slice %arg10[%add3A_61, %dma_wait3A] : memref<10240x128xf32, #tpu.memory_space<vmem_shared>> -> memref<16x128xf32, #tpu.memory_space<vmem_shared>>
      %dma_wait3A_179 = arith.constant 0 : i32
      %dma_wait3A_180 = tpu.memref_slice %arg10[%add3A_61, %dma_wait3A_179] : memref<10240x128xf32, #tpu.memory_space<vmem_shared>> -> memref<16x128xf32, #tpu.memory_space<vmem_shared>>
      tpu.wait_dma2 semaphore(%run_scoped3A : memref<!tpu.dma_semaphore, #tpu.memory_space<semaphore_mem>>) src(%arg9 : memref<16x128xf32, #tpu.memory_space<vmem>>) dst(%dma_wait3A_180 : memref<16x128xf32, #tpu.memory_space<vmem_shared>>)
      tpu.yield
    }) : () -> ()
    %mul3A_62 = arith.constant 640 : i32
    %mul3A_63 = arith.muli %arg1, %mul3A_62 : i32
    %add3A_64 = arith.constant 224 : i32
    %add3A_65 = arith.addi %mul3A_63, %add3A_64 : i32
    "tpu.region"() ({
      %run_scoped3A = tpu.sem_alloc : memref<!tpu.dma_semaphore, #tpu.memory_space<semaphore_mem>>
      %dma_start3A = arith.constant 0 : i32
      %dma_start3A_175 = tpu.memref_slice %arg10[%add3A_65, %dma_start3A] : memref<10240x128xf32, #tpu.memory_space<vmem_shared>> -> memref<16x128xf32, #tpu.memory_space<vmem_shared>>
      %dma_start3A_176 = arith.constant 0 : i32
      %dma_start3A_177 = tpu.memref_slice %arg10[%add3A_65, %dma_start3A_176] : memref<10240x128xf32, #tpu.memory_space<vmem_shared>> -> memref<16x128xf32, #tpu.memory_space<vmem_shared>>
      tpu.enqueue_dma source(%arg9 : memref<16x128xf32, #tpu.memory_space<vmem>>) target(%dma_start3A_177 : memref<16x128xf32, #tpu.memory_space<vmem_shared>>) target_semaphore(%run_scoped3A : memref<!tpu.dma_semaphore, #tpu.memory_space<semaphore_mem>>)
      %dma_wait3A = arith.constant 0 : i32
      %dma_wait3A_178 = tpu.memref_slice %arg10[%add3A_65, %dma_wait3A] : memref<10240x128xf32, #tpu.memory_space<vmem_shared>> -> memref<16x128xf32, #tpu.memory_space<vmem_shared>>
      %dma_wait3A_179 = arith.constant 0 : i32
      %dma_wait3A_180 = tpu.memref_slice %arg10[%add3A_65, %dma_wait3A_179] : memref<10240x128xf32, #tpu.memory_space<vmem_shared>> -> memref<16x128xf32, #tpu.memory_space<vmem_shared>>
      tpu.wait_dma2 semaphore(%run_scoped3A : memref<!tpu.dma_semaphore, #tpu.memory_space<semaphore_mem>>) src(%arg9 : memref<16x128xf32, #tpu.memory_space<vmem>>) dst(%dma_wait3A_180 : memref<16x128xf32, #tpu.memory_space<vmem_shared>>)
      tpu.yield
    }) : () -> ()
    %mul3A_66 = arith.constant 640 : i32
    %mul3A_67 = arith.muli %arg1, %mul3A_66 : i32
    %add3A_68 = arith.constant 240 : i32
    %add3A_69 = arith.addi %mul3A_67, %add3A_68 : i32
    "tpu.region"() ({
      %run_scoped3A = tpu.sem_alloc : memref<!tpu.dma_semaphore, #tpu.memory_space<semaphore_mem>>
      %dma_start3A = arith.constant 0 : i32
      %dma_start3A_175 = tpu.memref_slice %arg10[%add3A_69, %dma_start3A] : memref<10240x128xf32, #tpu.memory_space<vmem_shared>> -> memref<16x128xf32, #tpu.memory_space<vmem_shared>>
      %dma_start3A_176 = arith.constant 0 : i32
      %dma_start3A_177 = tpu.memref_slice %arg10[%add3A_69, %dma_start3A_176] : memref<10240x128xf32, #tpu.memory_space<vmem_shared>> -> memref<16x128xf32, #tpu.memory_space<vmem_shared>>
      tpu.enqueue_dma source(%arg9 : memref<16x128xf32, #tpu.memory_space<vmem>>) target(%dma_start3A_177 : memref<16x128xf32, #tpu.memory_space<vmem_shared>>) target_semaphore(%run_scoped3A : memref<!tpu.dma_semaphore, #tpu.memory_space<semaphore_mem>>)
      %dma_wait3A = arith.constant 0 : i32
      %dma_wait3A_178 = tpu.memref_slice %arg10[%add3A_69, %dma_wait3A] : memref<10240x128xf32, #tpu.memory_space<vmem_shared>> -> memref<16x128xf32, #tpu.memory_space<vmem_shared>>
      %dma_wait3A_179 = arith.constant 0 : i32
      %dma_wait3A_180 = tpu.memref_slice %arg10[%add3A_69, %dma_wait3A_179] : memref<10240x128xf32, #tpu.memory_space<vmem_shared>> -> memref<16x128xf32, #tpu.memory_space<vmem_shared>>
      tpu.wait_dma2 semaphore(%run_scoped3A : memref<!tpu.dma_semaphore, #tpu.memory_space<semaphore_mem>>) src(%arg9 : memref<16x128xf32, #tpu.memory_space<vmem>>) dst(%dma_wait3A_180 : memref<16x128xf32, #tpu.memory_space<vmem_shared>>)
      tpu.yield
    }) : () -> ()
    %mul3A_70 = arith.constant 640 : i32
    %mul3A_71 = arith.muli %arg1, %mul3A_70 : i32
    %add3A_72 = arith.constant 256 : i32
    %add3A_73 = arith.addi %mul3A_71, %add3A_72 : i32
    "tpu.region"() ({
      %run_scoped3A = tpu.sem_alloc : memref<!tpu.dma_semaphore, #tpu.memory_space<semaphore_mem>>
      %dma_start3A = arith.constant 0 : i32
      %dma_start3A_175 = tpu.memref_slice %arg10[%add3A_73, %dma_start3A] : memref<10240x128xf32, #tpu.memory_space<vmem_shared>> -> memref<16x128xf32, #tpu.memory_space<vmem_shared>>
      %dma_start3A_176 = arith.constant 0 : i32
      %dma_start3A_177 = tpu.memref_slice %arg10[%add3A_73, %dma_start3A_176] : memref<10240x128xf32, #tpu.memory_space<vmem_shared>> -> memref<16x128xf32, #tpu.memory_space<vmem_shared>>
      tpu.enqueue_dma source(%arg9 : memref<16x128xf32, #tpu.memory_space<vmem>>) target(%dma_start3A_177 : memref<16x128xf32, #tpu.memory_space<vmem_shared>>) target_semaphore(%run_scoped3A : memref<!tpu.dma_semaphore, #tpu.memory_space<semaphore_mem>>)
      %dma_wait3A = arith.constant 0 : i32
      %dma_wait3A_178 = tpu.memref_slice %arg10[%add3A_73, %dma_wait3A] : memref<10240x128xf32, #tpu.memory_space<vmem_shared>> -> memref<16x128xf32, #tpu.memory_space<vmem_shared>>
      %dma_wait3A_179 = arith.constant 0 : i32
      %dma_wait3A_180 = tpu.memref_slice %arg10[%add3A_73, %dma_wait3A_179] : memref<10240x128xf32, #tpu.memory_space<vmem_shared>> -> memref<16x128xf32, #tpu.memory_space<vmem_shared>>
      tpu.wait_dma2 semaphore(%run_scoped3A : memref<!tpu.dma_semaphore, #tpu.memory_space<semaphore_mem>>) src(%arg9 : memref<16x128xf32, #tpu.memory_space<vmem>>) dst(%dma_wait3A_180 : memref<16x128xf32, #tpu.memory_space<vmem_shared>>)
      tpu.yield
    }) : () -> ()
    %mul3A_74 = arith.constant 640 : i32
    %mul3A_75 = arith.muli %arg1, %mul3A_74 : i32
    %add3A_76 = arith.constant 272 : i32
    %add3A_77 = arith.addi %mul3A_75, %add3A_76 : i32
    "tpu.region"() ({
      %run_scoped3A = tpu.sem_alloc : memref<!tpu.dma_semaphore, #tpu.memory_space<semaphore_mem>>
      %dma_start3A = arith.constant 0 : i32
      %dma_start3A_175 = tpu.memref_slice %arg10[%add3A_77, %dma_start3A] : memref<10240x128xf32, #tpu.memory_space<vmem_shared>> -> memref<16x128xf32, #tpu.memory_space<vmem_shared>>
      %dma_start3A_176 = arith.constant 0 : i32
      %dma_start3A_177 = tpu.memref_slice %arg10[%add3A_77, %dma_start3A_176] : memref<10240x128xf32, #tpu.memory_space<vmem_shared>> -> memref<16x128xf32, #tpu.memory_space<vmem_shared>>
      tpu.enqueue_dma source(%arg9 : memref<16x128xf32, #tpu.memory_space<vmem>>) target(%dma_start3A_177 : memref<16x128xf32, #tpu.memory_space<vmem_shared>>) target_semaphore(%run_scoped3A : memref<!tpu.dma_semaphore, #tpu.memory_space<semaphore_mem>>)
      %dma_wait3A = arith.constant 0 : i32
      %dma_wait3A_178 = tpu.memref_slice %arg10[%add3A_77, %dma_wait3A] : memref<10240x128xf32, #tpu.memory_space<vmem_shared>> -> memref<16x128xf32, #tpu.memory_space<vmem_shared>>
      %dma_wait3A_179 = arith.constant 0 : i32
      %dma_wait3A_180 = tpu.memref_slice %arg10[%add3A_77, %dma_wait3A_179] : memref<10240x128xf32, #tpu.memory_space<vmem_shared>> -> memref<16x128xf32, #tpu.memory_space<vmem_shared>>
      tpu.wait_dma2 semaphore(%run_scoped3A : memref<!tpu.dma_semaphore, #tpu.memory_space<semaphore_mem>>) src(%arg9 : memref<16x128xf32, #tpu.memory_space<vmem>>) dst(%dma_wait3A_180 : memref<16x128xf32, #tpu.memory_space<vmem_shared>>)
      tpu.yield
    }) : () -> ()
    %mul3A_78 = arith.constant 640 : i32
    %mul3A_79 = arith.muli %arg1, %mul3A_78 : i32
    %add3A_80 = arith.constant 288 : i32
    %add3A_81 = arith.addi %mul3A_79, %add3A_80 : i32
    "tpu.region"() ({
      %run_scoped3A = tpu.sem_alloc : memref<!tpu.dma_semaphore, #tpu.memory_space<semaphore_mem>>
      %dma_start3A = arith.constant 0 : i32
      %dma_start3A_175 = tpu.memref_slice %arg10[%add3A_81, %dma_start3A] : memref<10240x128xf32, #tpu.memory_space<vmem_shared>> -> memref<16x128xf32, #tpu.memory_space<vmem_shared>>
      %dma_start3A_176 = arith.constant 0 : i32
      %dma_start3A_177 = tpu.memref_slice %arg10[%add3A_81, %dma_start3A_176] : memref<10240x128xf32, #tpu.memory_space<vmem_shared>> -> memref<16x128xf32, #tpu.memory_space<vmem_shared>>
      tpu.enqueue_dma source(%arg9 : memref<16x128xf32, #tpu.memory_space<vmem>>) target(%dma_start3A_177 : memref<16x128xf32, #tpu.memory_space<vmem_shared>>) target_semaphore(%run_scoped3A : memref<!tpu.dma_semaphore, #tpu.memory_space<semaphore_mem>>)
      %dma_wait3A = arith.constant 0 : i32
      %dma_wait3A_178 = tpu.memref_slice %arg10[%add3A_81, %dma_wait3A] : memref<10240x128xf32, #tpu.memory_space<vmem_shared>> -> memref<16x128xf32, #tpu.memory_space<vmem_shared>>
      %dma_wait3A_179 = arith.constant 0 : i32
      %dma_wait3A_180 = tpu.memref_slice %arg10[%add3A_81, %dma_wait3A_179] : memref<10240x128xf32, #tpu.memory_space<vmem_shared>> -> memref<16x128xf32, #tpu.memory_space<vmem_shared>>
      tpu.wait_dma2 semaphore(%run_scoped3A : memref<!tpu.dma_semaphore, #tpu.memory_space<semaphore_mem>>) src(%arg9 : memref<16x128xf32, #tpu.memory_space<vmem>>) dst(%dma_wait3A_180 : memref<16x128xf32, #tpu.memory_space<vmem_shared>>)
      tpu.yield
    }) : () -> ()
    %mul3A_82 = arith.constant 640 : i32
    %mul3A_83 = arith.muli %arg1, %mul3A_82 : i32
    %add3A_84 = arith.constant 304 : i32
    %add3A_85 = arith.addi %mul3A_83, %add3A_84 : i32
    "tpu.region"() ({
      %run_scoped3A = tpu.sem_alloc : memref<!tpu.dma_semaphore, #tpu.memory_space<semaphore_mem>>
      %dma_start3A = arith.constant 0 : i32
      %dma_start3A_175 = tpu.memref_slice %arg10[%add3A_85, %dma_start3A] : memref<10240x128xf32, #tpu.memory_space<vmem_shared>> -> memref<16x128xf32, #tpu.memory_space<vmem_shared>>
      %dma_start3A_176 = arith.constant 0 : i32
      %dma_start3A_177 = tpu.memref_slice %arg10[%add3A_85, %dma_start3A_176] : memref<10240x128xf32, #tpu.memory_space<vmem_shared>> -> memref<16x128xf32, #tpu.memory_space<vmem_shared>>
      tpu.enqueue_dma source(%arg9 : memref<16x128xf32, #tpu.memory_space<vmem>>) target(%dma_start3A_177 : memref<16x128xf32, #tpu.memory_space<vmem_shared>>) target_semaphore(%run_scoped3A : memref<!tpu.dma_semaphore, #tpu.memory_space<semaphore_mem>>)
      %dma_wait3A = arith.constant 0 : i32
      %dma_wait3A_178 = tpu.memref_slice %arg10[%add3A_85, %dma_wait3A] : memref<10240x128xf32, #tpu.memory_space<vmem_shared>> -> memref<16x128xf32, #tpu.memory_space<vmem_shared>>
      %dma_wait3A_179 = arith.constant 0 : i32
      %dma_wait3A_180 = tpu.memref_slice %arg10[%add3A_85, %dma_wait3A_179] : memref<10240x128xf32, #tpu.memory_space<vmem_shared>> -> memref<16x128xf32, #tpu.memory_space<vmem_shared>>
      tpu.wait_dma2 semaphore(%run_scoped3A : memref<!tpu.dma_semaphore, #tpu.memory_space<semaphore_mem>>) src(%arg9 : memref<16x128xf32, #tpu.memory_space<vmem>>) dst(%dma_wait3A_180 : memref<16x128xf32, #tpu.memory_space<vmem_shared>>)
      tpu.yield
    }) : () -> ()
    %mul3A_86 = arith.constant 640 : i32
    %mul3A_87 = arith.muli %arg1, %mul3A_86 : i32
    %add3A_88 = arith.constant 320 : i32
    %add3A_89 = arith.addi %mul3A_87, %add3A_88 : i32
    "tpu.region"() ({
      %run_scoped3A = tpu.sem_alloc : memref<!tpu.dma_semaphore, #tpu.memory_space<semaphore_mem>>
      %dma_start3A = arith.constant 0 : i32
      %dma_start3A_175 = tpu.memref_slice %arg10[%add3A_89, %dma_start3A] : memref<10240x128xf32, #tpu.memory_space<vmem_shared>> -> memref<16x128xf32, #tpu.memory_space<vmem_shared>>
      %dma_start3A_176 = arith.constant 0 : i32
      %dma_start3A_177 = tpu.memref_slice %arg10[%add3A_89, %dma_start3A_176] : memref<10240x128xf32, #tpu.memory_space<vmem_shared>> -> memref<16x128xf32, #tpu.memory_space<vmem_shared>>
      tpu.enqueue_dma source(%arg9 : memref<16x128xf32, #tpu.memory_space<vmem>>) target(%dma_start3A_177 : memref<16x128xf32, #tpu.memory_space<vmem_shared>>) target_semaphore(%run_scoped3A : memref<!tpu.dma_semaphore, #tpu.memory_space<semaphore_mem>>)
      %dma_wait3A = arith.constant 0 : i32
      %dma_wait3A_178 = tpu.memref_slice %arg10[%add3A_89, %dma_wait3A] : memref<10240x128xf32, #tpu.memory_space<vmem_shared>> -> memref<16x128xf32, #tpu.memory_space<vmem_shared>>
      %dma_wait3A_179 = arith.constant 0 : i32
      %dma_wait3A_180 = tpu.memref_slice %arg10[%add3A_89, %dma_wait3A_179] : memref<10240x128xf32, #tpu.memory_space<vmem_shared>> -> memref<16x128xf32, #tpu.memory_space<vmem_shared>>
      tpu.wait_dma2 semaphore(%run_scoped3A : memref<!tpu.dma_semaphore, #tpu.memory_space<semaphore_mem>>) src(%arg9 : memref<16x128xf32, #tpu.memory_space<vmem>>) dst(%dma_wait3A_180 : memref<16x128xf32, #tpu.memory_space<vmem_shared>>)
      tpu.yield
    }) : () -> ()
    %mul3A_90 = arith.constant 640 : i32
    %mul3A_91 = arith.muli %arg1, %mul3A_90 : i32
    %add3A_92 = arith.constant 336 : i32
    %add3A_93 = arith.addi %mul3A_91, %add3A_92 : i32
    "tpu.region"() ({
      %run_scoped3A = tpu.sem_alloc : memref<!tpu.dma_semaphore, #tpu.memory_space<semaphore_mem>>
      %dma_start3A = arith.constant 0 : i32
      %dma_start3A_175 = tpu.memref_slice %arg10[%add3A_93, %dma_start3A] : memref<10240x128xf32, #tpu.memory_space<vmem_shared>> -> memref<16x128xf32, #tpu.memory_space<vmem_shared>>
      %dma_start3A_176 = arith.constant 0 : i32
      %dma_start3A_177 = tpu.memref_slice %arg10[%add3A_93, %dma_start3A_176] : memref<10240x128xf32, #tpu.memory_space<vmem_shared>> -> memref<16x128xf32, #tpu.memory_space<vmem_shared>>
      tpu.enqueue_dma source(%arg9 : memref<16x128xf32, #tpu.memory_space<vmem>>) target(%dma_start3A_177 : memref<16x128xf32, #tpu.memory_space<vmem_shared>>) target_semaphore(%run_scoped3A : memref<!tpu.dma_semaphore, #tpu.memory_space<semaphore_mem>>)
      %dma_wait3A = arith.constant 0 : i32
      %dma_wait3A_178 = tpu.memref_slice %arg10[%add3A_93, %dma_wait3A] : memref<10240x128xf32, #tpu.memory_space<vmem_shared>> -> memref<16x128xf32, #tpu.memory_space<vmem_shared>>
      %dma_wait3A_179 = arith.constant 0 : i32
      %dma_wait3A_180 = tpu.memref_slice %arg10[%add3A_93, %dma_wait3A_179] : memref<10240x128xf32, #tpu.memory_space<vmem_shared>> -> memref<16x128xf32, #tpu.memory_space<vmem_shared>>
      tpu.wait_dma2 semaphore(%run_scoped3A : memref<!tpu.dma_semaphore, #tpu.memory_space<semaphore_mem>>) src(%arg9 : memref<16x128xf32, #tpu.memory_space<vmem>>) dst(%dma_wait3A_180 : memref<16x128xf32, #tpu.memory_space<vmem_shared>>)
      tpu.yield
    }) : () -> ()
    %mul3A_94 = arith.constant 640 : i32
    %mul3A_95 = arith.muli %arg1, %mul3A_94 : i32
    %add3A_96 = arith.constant 352 : i32
    %add3A_97 = arith.addi %mul3A_95, %add3A_96 : i32
    "tpu.region"() ({
      %run_scoped3A = tpu.sem_alloc : memref<!tpu.dma_semaphore, #tpu.memory_space<semaphore_mem>>
      %dma_start3A = arith.constant 0 : i32
      %dma_start3A_175 = tpu.memref_slice %arg10[%add3A_97, %dma_start3A] : memref<10240x128xf32, #tpu.memory_space<vmem_shared>> -> memref<16x128xf32, #tpu.memory_space<vmem_shared>>
      %dma_start3A_176 = arith.constant 0 : i32
      %dma_start3A_177 = tpu.memref_slice %arg10[%add3A_97, %dma_start3A_176] : memref<10240x128xf32, #tpu.memory_space<vmem_shared>> -> memref<16x128xf32, #tpu.memory_space<vmem_shared>>
      tpu.enqueue_dma source(%arg9 : memref<16x128xf32, #tpu.memory_space<vmem>>) target(%dma_start3A_177 : memref<16x128xf32, #tpu.memory_space<vmem_shared>>) target_semaphore(%run_scoped3A : memref<!tpu.dma_semaphore, #tpu.memory_space<semaphore_mem>>)
      %dma_wait3A = arith.constant 0 : i32
      %dma_wait3A_178 = tpu.memref_slice %arg10[%add3A_97, %dma_wait3A] : memref<10240x128xf32, #tpu.memory_space<vmem_shared>> -> memref<16x128xf32, #tpu.memory_space<vmem_shared>>
      %dma_wait3A_179 = arith.constant 0 : i32
      %dma_wait3A_180 = tpu.memref_slice %arg10[%add3A_97, %dma_wait3A_179] : memref<10240x128xf32, #tpu.memory_space<vmem_shared>> -> memref<16x128xf32, #tpu.memory_space<vmem_shared>>
      tpu.wait_dma2 semaphore(%run_scoped3A : memref<!tpu.dma_semaphore, #tpu.memory_space<semaphore_mem>>) src(%arg9 : memref<16x128xf32, #tpu.memory_space<vmem>>) dst(%dma_wait3A_180 : memref<16x128xf32, #tpu.memory_space<vmem_shared>>)
      tpu.yield
    }) : () -> ()
    %mul3A_98 = arith.constant 640 : i32
    %mul3A_99 = arith.muli %arg1, %mul3A_98 : i32
    %add3A_100 = arith.constant 368 : i32
    %add3A_101 = arith.addi %mul3A_99, %add3A_100 : i32
    "tpu.region"() ({
      %run_scoped3A = tpu.sem_alloc : memref<!tpu.dma_semaphore, #tpu.memory_space<semaphore_mem>>
      %dma_start3A = arith.constant 0 : i32
      %dma_start3A_175 = tpu.memref_slice %arg10[%add3A_101, %dma_start3A] : memref<10240x128xf32, #tpu.memory_space<vmem_shared>> -> memref<16x128xf32, #tpu.memory_space<vmem_shared>>
      %dma_start3A_176 = arith.constant 0 : i32
      %dma_start3A_177 = tpu.memref_slice %arg10[%add3A_101, %dma_start3A_176] : memref<10240x128xf32, #tpu.memory_space<vmem_shared>> -> memref<16x128xf32, #tpu.memory_space<vmem_shared>>
      tpu.enqueue_dma source(%arg9 : memref<16x128xf32, #tpu.memory_space<vmem>>) target(%dma_start3A_177 : memref<16x128xf32, #tpu.memory_space<vmem_shared>>) target_semaphore(%run_scoped3A : memref<!tpu.dma_semaphore, #tpu.memory_space<semaphore_mem>>)
      %dma_wait3A = arith.constant 0 : i32
      %dma_wait3A_178 = tpu.memref_slice %arg10[%add3A_101, %dma_wait3A] : memref<10240x128xf32, #tpu.memory_space<vmem_shared>> -> memref<16x128xf32, #tpu.memory_space<vmem_shared>>
      %dma_wait3A_179 = arith.constant 0 : i32
      %dma_wait3A_180 = tpu.memref_slice %arg10[%add3A_101, %dma_wait3A_179] : memref<10240x128xf32, #tpu.memory_space<vmem_shared>> -> memref<16x128xf32, #tpu.memory_space<vmem_shared>>
      tpu.wait_dma2 semaphore(%run_scoped3A : memref<!tpu.dma_semaphore, #tpu.memory_space<semaphore_mem>>) src(%arg9 : memref<16x128xf32, #tpu.memory_space<vmem>>) dst(%dma_wait3A_180 : memref<16x128xf32, #tpu.memory_space<vmem_shared>>)
      tpu.yield
    }) : () -> ()
    %mul3A_102 = arith.constant 640 : i32
    %mul3A_103 = arith.muli %arg1, %mul3A_102 : i32
    %add3A_104 = arith.constant 384 : i32
    %add3A_105 = arith.addi %mul3A_103, %add3A_104 : i32
    "tpu.region"() ({
      %run_scoped3A = tpu.sem_alloc : memref<!tpu.dma_semaphore, #tpu.memory_space<semaphore_mem>>
      %dma_start3A = arith.constant 0 : i32
      %dma_start3A_175 = tpu.memref_slice %arg10[%add3A_105, %dma_start3A] : memref<10240x128xf32, #tpu.memory_space<vmem_shared>> -> memref<16x128xf32, #tpu.memory_space<vmem_shared>>
      %dma_start3A_176 = arith.constant 0 : i32
      %dma_start3A_177 = tpu.memref_slice %arg10[%add3A_105, %dma_start3A_176] : memref<10240x128xf32, #tpu.memory_space<vmem_shared>> -> memref<16x128xf32, #tpu.memory_space<vmem_shared>>
      tpu.enqueue_dma source(%arg9 : memref<16x128xf32, #tpu.memory_space<vmem>>) target(%dma_start3A_177 : memref<16x128xf32, #tpu.memory_space<vmem_shared>>) target_semaphore(%run_scoped3A : memref<!tpu.dma_semaphore, #tpu.memory_space<semaphore_mem>>)
      %dma_wait3A = arith.constant 0 : i32
      %dma_wait3A_178 = tpu.memref_slice %arg10[%add3A_105, %dma_wait3A] : memref<10240x128xf32, #tpu.memory_space<vmem_shared>> -> memref<16x128xf32, #tpu.memory_space<vmem_shared>>
      %dma_wait3A_179 = arith.constant 0 : i32
      %dma_wait3A_180 = tpu.memref_slice %arg10[%add3A_105, %dma_wait3A_179] : memref<10240x128xf32, #tpu.memory_space<vmem_shared>> -> memref<16x128xf32, #tpu.memory_space<vmem_shared>>
      tpu.wait_dma2 semaphore(%run_scoped3A : memref<!tpu.dma_semaphore, #tpu.memory_space<semaphore_mem>>) src(%arg9 : memref<16x128xf32, #tpu.memory_space<vmem>>) dst(%dma_wait3A_180 : memref<16x128xf32, #tpu.memory_space<vmem_shared>>)
      tpu.yield
    }) : () -> ()
    %mul3A_106 = arith.constant 640 : i32
    %mul3A_107 = arith.muli %arg1, %mul3A_106 : i32
    %add3A_108 = arith.constant 400 : i32
    %add3A_109 = arith.addi %mul3A_107, %add3A_108 : i32
    "tpu.region"() ({
      %run_scoped3A = tpu.sem_alloc : memref<!tpu.dma_semaphore, #tpu.memory_space<semaphore_mem>>
      %dma_start3A = arith.constant 0 : i32
      %dma_start3A_175 = tpu.memref_slice %arg10[%add3A_109, %dma_start3A] : memref<10240x128xf32, #tpu.memory_space<vmem_shared>> -> memref<16x128xf32, #tpu.memory_space<vmem_shared>>
      %dma_start3A_176 = arith.constant 0 : i32
      %dma_start3A_177 = tpu.memref_slice %arg10[%add3A_109, %dma_start3A_176] : memref<10240x128xf32, #tpu.memory_space<vmem_shared>> -> memref<16x128xf32, #tpu.memory_space<vmem_shared>>
      tpu.enqueue_dma source(%arg9 : memref<16x128xf32, #tpu.memory_space<vmem>>) target(%dma_start3A_177 : memref<16x128xf32, #tpu.memory_space<vmem_shared>>) target_semaphore(%run_scoped3A : memref<!tpu.dma_semaphore, #tpu.memory_space<semaphore_mem>>)
      %dma_wait3A = arith.constant 0 : i32
      %dma_wait3A_178 = tpu.memref_slice %arg10[%add3A_109, %dma_wait3A] : memref<10240x128xf32, #tpu.memory_space<vmem_shared>> -> memref<16x128xf32, #tpu.memory_space<vmem_shared>>
      %dma_wait3A_179 = arith.constant 0 : i32
      %dma_wait3A_180 = tpu.memref_slice %arg10[%add3A_109, %dma_wait3A_179] : memref<10240x128xf32, #tpu.memory_space<vmem_shared>> -> memref<16x128xf32, #tpu.memory_space<vmem_shared>>
      tpu.wait_dma2 semaphore(%run_scoped3A : memref<!tpu.dma_semaphore, #tpu.memory_space<semaphore_mem>>) src(%arg9 : memref<16x128xf32, #tpu.memory_space<vmem>>) dst(%dma_wait3A_180 : memref<16x128xf32, #tpu.memory_space<vmem_shared>>)
      tpu.yield
    }) : () -> ()
    %mul3A_110 = arith.constant 640 : i32
    %mul3A_111 = arith.muli %arg1, %mul3A_110 : i32
    %add3A_112 = arith.constant 416 : i32
    %add3A_113 = arith.addi %mul3A_111, %add3A_112 : i32
    "tpu.region"() ({
      %run_scoped3A = tpu.sem_alloc : memref<!tpu.dma_semaphore, #tpu.memory_space<semaphore_mem>>
      %dma_start3A = arith.constant 0 : i32
      %dma_start3A_175 = tpu.memref_slice %arg10[%add3A_113, %dma_start3A] : memref<10240x128xf32, #tpu.memory_space<vmem_shared>> -> memref<16x128xf32, #tpu.memory_space<vmem_shared>>
      %dma_start3A_176 = arith.constant 0 : i32
      %dma_start3A_177 = tpu.memref_slice %arg10[%add3A_113, %dma_start3A_176] : memref<10240x128xf32, #tpu.memory_space<vmem_shared>> -> memref<16x128xf32, #tpu.memory_space<vmem_shared>>
      tpu.enqueue_dma source(%arg9 : memref<16x128xf32, #tpu.memory_space<vmem>>) target(%dma_start3A_177 : memref<16x128xf32, #tpu.memory_space<vmem_shared>>) target_semaphore(%run_scoped3A : memref<!tpu.dma_semaphore, #tpu.memory_space<semaphore_mem>>)
      %dma_wait3A = arith.constant 0 : i32
      %dma_wait3A_178 = tpu.memref_slice %arg10[%add3A_113, %dma_wait3A] : memref<10240x128xf32, #tpu.memory_space<vmem_shared>> -> memref<16x128xf32, #tpu.memory_space<vmem_shared>>
      %dma_wait3A_179 = arith.constant 0 : i32
      %dma_wait3A_180 = tpu.memref_slice %arg10[%add3A_113, %dma_wait3A_179] : memref<10240x128xf32, #tpu.memory_space<vmem_shared>> -> memref<16x128xf32, #tpu.memory_space<vmem_shared>>
      tpu.wait_dma2 semaphore(%run_scoped3A : memref<!tpu.dma_semaphore, #tpu.memory_space<semaphore_mem>>) src(%arg9 : memref<16x128xf32, #tpu.memory_space<vmem>>) dst(%dma_wait3A_180 : memref<16x128xf32, #tpu.memory_space<vmem_shared>>)
      tpu.yield
    }) : () -> ()
    %mul3A_114 = arith.constant 640 : i32
    %mul3A_115 = arith.muli %arg1, %mul3A_114 : i32
    %add3A_116 = arith.constant 432 : i32
    %add3A_117 = arith.addi %mul3A_115, %add3A_116 : i32
    "tpu.region"() ({
      %run_scoped3A = tpu.sem_alloc : memref<!tpu.dma_semaphore, #tpu.memory_space<semaphore_mem>>
      %dma_start3A = arith.constant 0 : i32
      %dma_start3A_175 = tpu.memref_slice %arg10[%add3A_117, %dma_start3A] : memref<10240x128xf32, #tpu.memory_space<vmem_shared>> -> memref<16x128xf32, #tpu.memory_space<vmem_shared>>
      %dma_start3A_176 = arith.constant 0 : i32
      %dma_start3A_177 = tpu.memref_slice %arg10[%add3A_117, %dma_start3A_176] : memref<10240x128xf32, #tpu.memory_space<vmem_shared>> -> memref<16x128xf32, #tpu.memory_space<vmem_shared>>
      tpu.enqueue_dma source(%arg9 : memref<16x128xf32, #tpu.memory_space<vmem>>) target(%dma_start3A_177 : memref<16x128xf32, #tpu.memory_space<vmem_shared>>) target_semaphore(%run_scoped3A : memref<!tpu.dma_semaphore, #tpu.memory_space<semaphore_mem>>)
      %dma_wait3A = arith.constant 0 : i32
      %dma_wait3A_178 = tpu.memref_slice %arg10[%add3A_117, %dma_wait3A] : memref<10240x128xf32, #tpu.memory_space<vmem_shared>> -> memref<16x128xf32, #tpu.memory_space<vmem_shared>>
      %dma_wait3A_179 = arith.constant 0 : i32
      %dma_wait3A_180 = tpu.memref_slice %arg10[%add3A_117, %dma_wait3A_179] : memref<10240x128xf32, #tpu.memory_space<vmem_shared>> -> memref<16x128xf32, #tpu.memory_space<vmem_shared>>
      tpu.wait_dma2 semaphore(%run_scoped3A : memref<!tpu.dma_semaphore, #tpu.memory_space<semaphore_mem>>) src(%arg9 : memref<16x128xf32, #tpu.memory_space<vmem>>) dst(%dma_wait3A_180 : memref<16x128xf32, #tpu.memory_space<vmem_shared>>)
      tpu.yield
    }) : () -> ()
    %mul3A_118 = arith.constant 640 : i32
    %mul3A_119 = arith.muli %arg1, %mul3A_118 : i32
    %add3A_120 = arith.constant 448 : i32
    %add3A_121 = arith.addi %mul3A_119, %add3A_120 : i32
    "tpu.region"() ({
      %run_scoped3A = tpu.sem_alloc : memref<!tpu.dma_semaphore, #tpu.memory_space<semaphore_mem>>
      %dma_start3A = arith.constant 0 : i32
      %dma_start3A_175 = tpu.memref_slice %arg10[%add3A_121, %dma_start3A] : memref<10240x128xf32, #tpu.memory_space<vmem_shared>> -> memref<16x128xf32, #tpu.memory_space<vmem_shared>>
      %dma_start3A_176 = arith.constant 0 : i32
      %dma_start3A_177 = tpu.memref_slice %arg10[%add3A_121, %dma_start3A_176] : memref<10240x128xf32, #tpu.memory_space<vmem_shared>> -> memref<16x128xf32, #tpu.memory_space<vmem_shared>>
      tpu.enqueue_dma source(%arg9 : memref<16x128xf32, #tpu.memory_space<vmem>>) target(%dma_start3A_177 : memref<16x128xf32, #tpu.memory_space<vmem_shared>>) target_semaphore(%run_scoped3A : memref<!tpu.dma_semaphore, #tpu.memory_space<semaphore_mem>>)
      %dma_wait3A = arith.constant 0 : i32
      %dma_wait3A_178 = tpu.memref_slice %arg10[%add3A_121, %dma_wait3A] : memref<10240x128xf32, #tpu.memory_space<vmem_shared>> -> memref<16x128xf32, #tpu.memory_space<vmem_shared>>
      %dma_wait3A_179 = arith.constant 0 : i32
      %dma_wait3A_180 = tpu.memref_slice %arg10[%add3A_121, %dma_wait3A_179] : memref<10240x128xf32, #tpu.memory_space<vmem_shared>> -> memref<16x128xf32, #tpu.memory_space<vmem_shared>>
      tpu.wait_dma2 semaphore(%run_scoped3A : memref<!tpu.dma_semaphore, #tpu.memory_space<semaphore_mem>>) src(%arg9 : memref<16x128xf32, #tpu.memory_space<vmem>>) dst(%dma_wait3A_180 : memref<16x128xf32, #tpu.memory_space<vmem_shared>>)
      tpu.yield
    }) : () -> ()
    %mul3A_122 = arith.constant 640 : i32
    %mul3A_123 = arith.muli %arg1, %mul3A_122 : i32
    %add3A_124 = arith.constant 464 : i32
    %add3A_125 = arith.addi %mul3A_123, %add3A_124 : i32
    "tpu.region"() ({
      %run_scoped3A = tpu.sem_alloc : memref<!tpu.dma_semaphore, #tpu.memory_space<semaphore_mem>>
      %dma_start3A = arith.constant 0 : i32
      %dma_start3A_175 = tpu.memref_slice %arg10[%add3A_125, %dma_start3A] : memref<10240x128xf32, #tpu.memory_space<vmem_shared>> -> memref<16x128xf32, #tpu.memory_space<vmem_shared>>
      %dma_start3A_176 = arith.constant 0 : i32
      %dma_start3A_177 = tpu.memref_slice %arg10[%add3A_125, %dma_start3A_176] : memref<10240x128xf32, #tpu.memory_space<vmem_shared>> -> memref<16x128xf32, #tpu.memory_space<vmem_shared>>
      tpu.enqueue_dma source(%arg9 : memref<16x128xf32, #tpu.memory_space<vmem>>) target(%dma_start3A_177 : memref<16x128xf32, #tpu.memory_space<vmem_shared>>) target_semaphore(%run_scoped3A : memref<!tpu.dma_semaphore, #tpu.memory_space<semaphore_mem>>)
      %dma_wait3A = arith.constant 0 : i32
      %dma_wait3A_178 = tpu.memref_slice %arg10[%add3A_125, %dma_wait3A] : memref<10240x128xf32, #tpu.memory_space<vmem_shared>> -> memref<16x128xf32, #tpu.memory_space<vmem_shared>>
      %dma_wait3A_179 = arith.constant 0 : i32
      %dma_wait3A_180 = tpu.memref_slice %arg10[%add3A_125, %dma_wait3A_179] : memref<10240x128xf32, #tpu.memory_space<vmem_shared>> -> memref<16x128xf32, #tpu.memory_space<vmem_shared>>
      tpu.wait_dma2 semaphore(%run_scoped3A : memref<!tpu.dma_semaphore, #tpu.memory_space<semaphore_mem>>) src(%arg9 : memref<16x128xf32, #tpu.memory_space<vmem>>) dst(%dma_wait3A_180 : memref<16x128xf32, #tpu.memory_space<vmem_shared>>)
      tpu.yield
    }) : () -> ()
    %mul3A_126 = arith.constant 640 : i32
    %mul3A_127 = arith.muli %arg1, %mul3A_126 : i32
    %add3A_128 = arith.constant 480 : i32
    %add3A_129 = arith.addi %mul3A_127, %add3A_128 : i32
    "tpu.region"() ({
      %run_scoped3A = tpu.sem_alloc : memref<!tpu.dma_semaphore, #tpu.memory_space<semaphore_mem>>
      %dma_start3A = arith.constant 0 : i32
      %dma_start3A_175 = tpu.memref_slice %arg10[%add3A_129, %dma_start3A] : memref<10240x128xf32, #tpu.memory_space<vmem_shared>> -> memref<16x128xf32, #tpu.memory_space<vmem_shared>>
      %dma_start3A_176 = arith.constant 0 : i32
      %dma_start3A_177 = tpu.memref_slice %arg10[%add3A_129, %dma_start3A_176] : memref<10240x128xf32, #tpu.memory_space<vmem_shared>> -> memref<16x128xf32, #tpu.memory_space<vmem_shared>>
      tpu.enqueue_dma source(%arg9 : memref<16x128xf32, #tpu.memory_space<vmem>>) target(%dma_start3A_177 : memref<16x128xf32, #tpu.memory_space<vmem_shared>>) target_semaphore(%run_scoped3A : memref<!tpu.dma_semaphore, #tpu.memory_space<semaphore_mem>>)
      %dma_wait3A = arith.constant 0 : i32
      %dma_wait3A_178 = tpu.memref_slice %arg10[%add3A_129, %dma_wait3A] : memref<10240x128xf32, #tpu.memory_space<vmem_shared>> -> memref<16x128xf32, #tpu.memory_space<vmem_shared>>
      %dma_wait3A_179 = arith.constant 0 : i32
      %dma_wait3A_180 = tpu.memref_slice %arg10[%add3A_129, %dma_wait3A_179] : memref<10240x128xf32, #tpu.memory_space<vmem_shared>> -> memref<16x128xf32, #tpu.memory_space<vmem_shared>>
      tpu.wait_dma2 semaphore(%run_scoped3A : memref<!tpu.dma_semaphore, #tpu.memory_space<semaphore_mem>>) src(%arg9 : memref<16x128xf32, #tpu.memory_space<vmem>>) dst(%dma_wait3A_180 : memref<16x128xf32, #tpu.memory_space<vmem_shared>>)
      tpu.yield
    }) : () -> ()
    %mul3A_130 = arith.constant 640 : i32
    %mul3A_131 = arith.muli %arg1, %mul3A_130 : i32
    %add3A_132 = arith.constant 496 : i32
    %add3A_133 = arith.addi %mul3A_131, %add3A_132 : i32
    "tpu.region"() ({
      %run_scoped3A = tpu.sem_alloc : memref<!tpu.dma_semaphore, #tpu.memory_space<semaphore_mem>>
      %dma_start3A = arith.constant 0 : i32
      %dma_start3A_175 = tpu.memref_slice %arg10[%add3A_133, %dma_start3A] : memref<10240x128xf32, #tpu.memory_space<vmem_shared>> -> memref<16x128xf32, #tpu.memory_space<vmem_shared>>
      %dma_start3A_176 = arith.constant 0 : i32
      %dma_start3A_177 = tpu.memref_slice %arg10[%add3A_133, %dma_start3A_176] : memref<10240x128xf32, #tpu.memory_space<vmem_shared>> -> memref<16x128xf32, #tpu.memory_space<vmem_shared>>
      tpu.enqueue_dma source(%arg9 : memref<16x128xf32, #tpu.memory_space<vmem>>) target(%dma_start3A_177 : memref<16x128xf32, #tpu.memory_space<vmem_shared>>) target_semaphore(%run_scoped3A : memref<!tpu.dma_semaphore, #tpu.memory_space<semaphore_mem>>)
      %dma_wait3A = arith.constant 0 : i32
      %dma_wait3A_178 = tpu.memref_slice %arg10[%add3A_133, %dma_wait3A] : memref<10240x128xf32, #tpu.memory_space<vmem_shared>> -> memref<16x128xf32, #tpu.memory_space<vmem_shared>>
      %dma_wait3A_179 = arith.constant 0 : i32
      %dma_wait3A_180 = tpu.memref_slice %arg10[%add3A_133, %dma_wait3A_179] : memref<10240x128xf32, #tpu.memory_space<vmem_shared>> -> memref<16x128xf32, #tpu.memory_space<vmem_shared>>
      tpu.wait_dma2 semaphore(%run_scoped3A : memref<!tpu.dma_semaphore, #tpu.memory_space<semaphore_mem>>) src(%arg9 : memref<16x128xf32, #tpu.memory_space<vmem>>) dst(%dma_wait3A_180 : memref<16x128xf32, #tpu.memory_space<vmem_shared>>)
      tpu.yield
    }) : () -> ()
    %mul3A_134 = arith.constant 640 : i32
    %mul3A_135 = arith.muli %arg1, %mul3A_134 : i32
    %add3A_136 = arith.constant 512 : i32
    %add3A_137 = arith.addi %mul3A_135, %add3A_136 : i32
    "tpu.region"() ({
      %run_scoped3A = tpu.sem_alloc : memref<!tpu.dma_semaphore, #tpu.memory_space<semaphore_mem>>
      %dma_start3A = arith.constant 0 : i32
      %dma_start3A_175 = tpu.memref_slice %arg10[%add3A_137, %dma_start3A] : memref<10240x128xf32, #tpu.memory_space<vmem_shared>> -> memref<16x128xf32, #tpu.memory_space<vmem_shared>>
      %dma_start3A_176 = arith.constant 0 : i32
      %dma_start3A_177 = tpu.memref_slice %arg10[%add3A_137, %dma_start3A_176] : memref<10240x128xf32, #tpu.memory_space<vmem_shared>> -> memref<16x128xf32, #tpu.memory_space<vmem_shared>>
      tpu.enqueue_dma source(%arg9 : memref<16x128xf32, #tpu.memory_space<vmem>>) target(%dma_start3A_177 : memref<16x128xf32, #tpu.memory_space<vmem_shared>>) target_semaphore(%run_scoped3A : memref<!tpu.dma_semaphore, #tpu.memory_space<semaphore_mem>>)
      %dma_wait3A = arith.constant 0 : i32
      %dma_wait3A_178 = tpu.memref_slice %arg10[%add3A_137, %dma_wait3A] : memref<10240x128xf32, #tpu.memory_space<vmem_shared>> -> memref<16x128xf32, #tpu.memory_space<vmem_shared>>
      %dma_wait3A_179 = arith.constant 0 : i32
      %dma_wait3A_180 = tpu.memref_slice %arg10[%add3A_137, %dma_wait3A_179] : memref<10240x128xf32, #tpu.memory_space<vmem_shared>> -> memref<16x128xf32, #tpu.memory_space<vmem_shared>>
      tpu.wait_dma2 semaphore(%run_scoped3A : memref<!tpu.dma_semaphore, #tpu.memory_space<semaphore_mem>>) src(%arg9 : memref<16x128xf32, #tpu.memory_space<vmem>>) dst(%dma_wait3A_180 : memref<16x128xf32, #tpu.memory_space<vmem_shared>>)
      tpu.yield
    }) : () -> ()
    %mul3A_138 = arith.constant 640 : i32
    %mul3A_139 = arith.muli %arg1, %mul3A_138 : i32
    %add3A_140 = arith.constant 528 : i32
    %add3A_141 = arith.addi %mul3A_139, %add3A_140 : i32
    "tpu.region"() ({
      %run_scoped3A = tpu.sem_alloc : memref<!tpu.dma_semaphore, #tpu.memory_space<semaphore_mem>>
      %dma_start3A = arith.constant 0 : i32
      %dma_start3A_175 = tpu.memref_slice %arg10[%add3A_141, %dma_start3A] : memref<10240x128xf32, #tpu.memory_space<vmem_shared>> -> memref<16x128xf32, #tpu.memory_space<vmem_shared>>
      %dma_start3A_176 = arith.constant 0 : i32
      %dma_start3A_177 = tpu.memref_slice %arg10[%add3A_141, %dma_start3A_176] : memref<10240x128xf32, #tpu.memory_space<vmem_shared>> -> memref<16x128xf32, #tpu.memory_space<vmem_shared>>
      tpu.enqueue_dma source(%arg9 : memref<16x128xf32, #tpu.memory_space<vmem>>) target(%dma_start3A_177 : memref<16x128xf32, #tpu.memory_space<vmem_shared>>) target_semaphore(%run_scoped3A : memref<!tpu.dma_semaphore, #tpu.memory_space<semaphore_mem>>)
      %dma_wait3A = arith.constant 0 : i32
      %dma_wait3A_178 = tpu.memref_slice %arg10[%add3A_141, %dma_wait3A] : memref<10240x128xf32, #tpu.memory_space<vmem_shared>> -> memref<16x128xf32, #tpu.memory_space<vmem_shared>>
      %dma_wait3A_179 = arith.constant 0 : i32
      %dma_wait3A_180 = tpu.memref_slice %arg10[%add3A_141, %dma_wait3A_179] : memref<10240x128xf32, #tpu.memory_space<vmem_shared>> -> memref<16x128xf32, #tpu.memory_space<vmem_shared>>
      tpu.wait_dma2 semaphore(%run_scoped3A : memref<!tpu.dma_semaphore, #tpu.memory_space<semaphore_mem>>) src(%arg9 : memref<16x128xf32, #tpu.memory_space<vmem>>) dst(%dma_wait3A_180 : memref<16x128xf32, #tpu.memory_space<vmem_shared>>)
      tpu.yield
    }) : () -> ()
    %mul3A_142 = arith.constant 640 : i32
    %mul3A_143 = arith.muli %arg1, %mul3A_142 : i32
    %add3A_144 = arith.constant 544 : i32
    %add3A_145 = arith.addi %mul3A_143, %add3A_144 : i32
    "tpu.region"() ({
      %run_scoped3A = tpu.sem_alloc : memref<!tpu.dma_semaphore, #tpu.memory_space<semaphore_mem>>
      %dma_start3A = arith.constant 0 : i32
      %dma_start3A_175 = tpu.memref_slice %arg10[%add3A_145, %dma_start3A] : memref<10240x128xf32, #tpu.memory_space<vmem_shared>> -> memref<16x128xf32, #tpu.memory_space<vmem_shared>>
      %dma_start3A_176 = arith.constant 0 : i32
      %dma_start3A_177 = tpu.memref_slice %arg10[%add3A_145, %dma_start3A_176] : memref<10240x128xf32, #tpu.memory_space<vmem_shared>> -> memref<16x128xf32, #tpu.memory_space<vmem_shared>>
      tpu.enqueue_dma source(%arg9 : memref<16x128xf32, #tpu.memory_space<vmem>>) target(%dma_start3A_177 : memref<16x128xf32, #tpu.memory_space<vmem_shared>>) target_semaphore(%run_scoped3A : memref<!tpu.dma_semaphore, #tpu.memory_space<semaphore_mem>>)
      %dma_wait3A = arith.constant 0 : i32
      %dma_wait3A_178 = tpu.memref_slice %arg10[%add3A_145, %dma_wait3A] : memref<10240x128xf32, #tpu.memory_space<vmem_shared>> -> memref<16x128xf32, #tpu.memory_space<vmem_shared>>
      %dma_wait3A_179 = arith.constant 0 : i32
      %dma_wait3A_180 = tpu.memref_slice %arg10[%add3A_145, %dma_wait3A_179] : memref<10240x128xf32, #tpu.memory_space<vmem_shared>> -> memref<16x128xf32, #tpu.memory_space<vmem_shared>>
      tpu.wait_dma2 semaphore(%run_scoped3A : memref<!tpu.dma_semaphore, #tpu.memory_space<semaphore_mem>>) src(%arg9 : memref<16x128xf32, #tpu.memory_space<vmem>>) dst(%dma_wait3A_180 : memref<16x128xf32, #tpu.memory_space<vmem_shared>>)
      tpu.yield
    }) : () -> ()
    %mul3A_146 = arith.constant 640 : i32
    %mul3A_147 = arith.muli %arg1, %mul3A_146 : i32
    %add3A_148 = arith.constant 560 : i32
    %add3A_149 = arith.addi %mul3A_147, %add3A_148 : i32
    "tpu.region"() ({
      %run_scoped3A = tpu.sem_alloc : memref<!tpu.dma_semaphore, #tpu.memory_space<semaphore_mem>>
      %dma_start3A = arith.constant 0 : i32
      %dma_start3A_175 = tpu.memref_slice %arg10[%add3A_149, %dma_start3A] : memref<10240x128xf32, #tpu.memory_space<vmem_shared>> -> memref<16x128xf32, #tpu.memory_space<vmem_shared>>
      %dma_start3A_176 = arith.constant 0 : i32
      %dma_start3A_177 = tpu.memref_slice %arg10[%add3A_149, %dma_start3A_176] : memref<10240x128xf32, #tpu.memory_space<vmem_shared>> -> memref<16x128xf32, #tpu.memory_space<vmem_shared>>
      tpu.enqueue_dma source(%arg9 : memref<16x128xf32, #tpu.memory_space<vmem>>) target(%dma_start3A_177 : memref<16x128xf32, #tpu.memory_space<vmem_shared>>) target_semaphore(%run_scoped3A : memref<!tpu.dma_semaphore, #tpu.memory_space<semaphore_mem>>)
      %dma_wait3A = arith.constant 0 : i32
      %dma_wait3A_178 = tpu.memref_slice %arg10[%add3A_149, %dma_wait3A] : memref<10240x128xf32, #tpu.memory_space<vmem_shared>> -> memref<16x128xf32, #tpu.memory_space<vmem_shared>>
      %dma_wait3A_179 = arith.constant 0 : i32
      %dma_wait3A_180 = tpu.memref_slice %arg10[%add3A_149, %dma_wait3A_179] : memref<10240x128xf32, #tpu.memory_space<vmem_shared>> -> memref<16x128xf32, #tpu.memory_space<vmem_shared>>
      tpu.wait_dma2 semaphore(%run_scoped3A : memref<!tpu.dma_semaphore, #tpu.memory_space<semaphore_mem>>) src(%arg9 : memref<16x128xf32, #tpu.memory_space<vmem>>) dst(%dma_wait3A_180 : memref<16x128xf32, #tpu.memory_space<vmem_shared>>)
      tpu.yield
    }) : () -> ()
    %mul3A_150 = arith.constant 640 : i32
    %mul3A_151 = arith.muli %arg1, %mul3A_150 : i32
    %add3A_152 = arith.constant 576 : i32
    %add3A_153 = arith.addi %mul3A_151, %add3A_152 : i32
    "tpu.region"() ({
      %run_scoped3A = tpu.sem_alloc : memref<!tpu.dma_semaphore, #tpu.memory_space<semaphore_mem>>
      %dma_start3A = arith.constant 0 : i32
      %dma_start3A_175 = tpu.memref_slice %arg10[%add3A_153, %dma_start3A] : memref<10240x128xf32, #tpu.memory_space<vmem_shared>> -> memref<16x128xf32, #tpu.memory_space<vmem_shared>>
      %dma_start3A_176 = arith.constant 0 : i32
      %dma_start3A_177 = tpu.memref_slice %arg10[%add3A_153, %dma_start3A_176] : memref<10240x128xf32, #tpu.memory_space<vmem_shared>> -> memref<16x128xf32, #tpu.memory_space<vmem_shared>>
      tpu.enqueue_dma source(%arg9 : memref<16x128xf32, #tpu.memory_space<vmem>>) target(%dma_start3A_177 : memref<16x128xf32, #tpu.memory_space<vmem_shared>>) target_semaphore(%run_scoped3A : memref<!tpu.dma_semaphore, #tpu.memory_space<semaphore_mem>>)
      %dma_wait3A = arith.constant 0 : i32
      %dma_wait3A_178 = tpu.memref_slice %arg10[%add3A_153, %dma_wait3A] : memref<10240x128xf32, #tpu.memory_space<vmem_shared>> -> memref<16x128xf32, #tpu.memory_space<vmem_shared>>
      %dma_wait3A_179 = arith.constant 0 : i32
      %dma_wait3A_180 = tpu.memref_slice %arg10[%add3A_153, %dma_wait3A_179] : memref<10240x128xf32, #tpu.memory_space<vmem_shared>> -> memref<16x128xf32, #tpu.memory_space<vmem_shared>>
      tpu.wait_dma2 semaphore(%run_scoped3A : memref<!tpu.dma_semaphore, #tpu.memory_space<semaphore_mem>>) src(%arg9 : memref<16x128xf32, #tpu.memory_space<vmem>>) dst(%dma_wait3A_180 : memref<16x128xf32, #tpu.memory_space<vmem_shared>>)
      tpu.yield
    }) : () -> ()
    %mul3A_154 = arith.constant 640 : i32
    %mul3A_155 = arith.muli %arg1, %mul3A_154 : i32
    %add3A_156 = arith.constant 592 : i32
    %add3A_157 = arith.addi %mul3A_155, %add3A_156 : i32
    "tpu.region"() ({
      %run_scoped3A = tpu.sem_alloc : memref<!tpu.dma_semaphore, #tpu.memory_space<semaphore_mem>>
      %dma_start3A = arith.constant 0 : i32
      %dma_start3A_175 = tpu.memref_slice %arg10[%add3A_157, %dma_start3A] : memref<10240x128xf32, #tpu.memory_space<vmem_shared>> -> memref<16x128xf32, #tpu.memory_space<vmem_shared>>
      %dma_start3A_176 = arith.constant 0 : i32
      %dma_start3A_177 = tpu.memref_slice %arg10[%add3A_157, %dma_start3A_176] : memref<10240x128xf32, #tpu.memory_space<vmem_shared>> -> memref<16x128xf32, #tpu.memory_space<vmem_shared>>
      tpu.enqueue_dma source(%arg9 : memref<16x128xf32, #tpu.memory_space<vmem>>) target(%dma_start3A_177 : memref<16x128xf32, #tpu.memory_space<vmem_shared>>) target_semaphore(%run_scoped3A : memref<!tpu.dma_semaphore, #tpu.memory_space<semaphore_mem>>)
      %dma_wait3A = arith.constant 0 : i32
      %dma_wait3A_178 = tpu.memref_slice %arg10[%add3A_157, %dma_wait3A] : memref<10240x128xf32, #tpu.memory_space<vmem_shared>> -> memref<16x128xf32, #tpu.memory_space<vmem_shared>>
      %dma_wait3A_179 = arith.constant 0 : i32
      %dma_wait3A_180 = tpu.memref_slice %arg10[%add3A_157, %dma_wait3A_179] : memref<10240x128xf32, #tpu.memory_space<vmem_shared>> -> memref<16x128xf32, #tpu.memory_space<vmem_shared>>
      tpu.wait_dma2 semaphore(%run_scoped3A : memref<!tpu.dma_semaphore, #tpu.memory_space<semaphore_mem>>) src(%arg9 : memref<16x128xf32, #tpu.memory_space<vmem>>) dst(%dma_wait3A_180 : memref<16x128xf32, #tpu.memory_space<vmem_shared>>)
      tpu.yield
    }) : () -> ()
    %mul3A_158 = arith.constant 640 : i32
    %mul3A_159 = arith.muli %arg1, %mul3A_158 : i32
    %add3A_160 = arith.constant 608 : i32
    %add3A_161 = arith.addi %mul3A_159, %add3A_160 : i32
    "tpu.region"() ({
      %run_scoped3A = tpu.sem_alloc : memref<!tpu.dma_semaphore, #tpu.memory_space<semaphore_mem>>
      %dma_start3A = arith.constant 0 : i32
      %dma_start3A_175 = tpu.memref_slice %arg10[%add3A_161, %dma_start3A] : memref<10240x128xf32, #tpu.memory_space<vmem_shared>> -> memref<16x128xf32, #tpu.memory_space<vmem_shared>>
      %dma_start3A_176 = arith.constant 0 : i32
      %dma_start3A_177 = tpu.memref_slice %arg10[%add3A_161, %dma_start3A_176] : memref<10240x128xf32, #tpu.memory_space<vmem_shared>> -> memref<16x128xf32, #tpu.memory_space<vmem_shared>>
      tpu.enqueue_dma source(%arg9 : memref<16x128xf32, #tpu.memory_space<vmem>>) target(%dma_start3A_177 : memref<16x128xf32, #tpu.memory_space<vmem_shared>>) target_semaphore(%run_scoped3A : memref<!tpu.dma_semaphore, #tpu.memory_space<semaphore_mem>>)
      %dma_wait3A = arith.constant 0 : i32
      %dma_wait3A_178 = tpu.memref_slice %arg10[%add3A_161, %dma_wait3A] : memref<10240x128xf32, #tpu.memory_space<vmem_shared>> -> memref<16x128xf32, #tpu.memory_space<vmem_shared>>
      %dma_wait3A_179 = arith.constant 0 : i32
      %dma_wait3A_180 = tpu.memref_slice %arg10[%add3A_161, %dma_wait3A_179] : memref<10240x128xf32, #tpu.memory_space<vmem_shared>> -> memref<16x128xf32, #tpu.memory_space<vmem_shared>>
      tpu.wait_dma2 semaphore(%run_scoped3A : memref<!tpu.dma_semaphore, #tpu.memory_space<semaphore_mem>>) src(%arg9 : memref<16x128xf32, #tpu.memory_space<vmem>>) dst(%dma_wait3A_180 : memref<16x128xf32, #tpu.memory_space<vmem_shared>>)
      tpu.yield
    }) : () -> ()
    %mul3A_162 = arith.constant 640 : i32
    %mul3A_163 = arith.muli %arg1, %mul3A_162 : i32
    %add3A_164 = arith.constant 624 : i32
    %add3A_165 = arith.addi %mul3A_163, %add3A_164 : i32
    "tpu.region"() ({
      %run_scoped3A = tpu.sem_alloc : memref<!tpu.dma_semaphore, #tpu.memory_space<semaphore_mem>>
      %dma_start3A = arith.constant 0 : i32
      %dma_start3A_175 = tpu.memref_slice %arg10[%add3A_165, %dma_start3A] : memref<10240x128xf32, #tpu.memory_space<vmem_shared>> -> memref<16x128xf32, #tpu.memory_space<vmem_shared>>
      %dma_start3A_176 = arith.constant 0 : i32
      %dma_start3A_177 = tpu.memref_slice %arg10[%add3A_165, %dma_start3A_176] : memref<10240x128xf32, #tpu.memory_space<vmem_shared>> -> memref<16x128xf32, #tpu.memory_space<vmem_shared>>
      tpu.enqueue_dma source(%arg9 : memref<16x128xf32, #tpu.memory_space<vmem>>) target(%dma_start3A_177 : memref<16x128xf32, #tpu.memory_space<vmem_shared>>) target_semaphore(%run_scoped3A : memref<!tpu.dma_semaphore, #tpu.memory_space<semaphore_mem>>)
      %dma_wait3A = arith.constant 0 : i32
      %dma_wait3A_178 = tpu.memref_slice %arg10[%add3A_165, %dma_wait3A] : memref<10240x128xf32, #tpu.memory_space<vmem_shared>> -> memref<16x128xf32, #tpu.memory_space<vmem_shared>>
      %dma_wait3A_179 = arith.constant 0 : i32
      %dma_wait3A_180 = tpu.memref_slice %arg10[%add3A_165, %dma_wait3A_179] : memref<10240x128xf32, #tpu.memory_space<vmem_shared>> -> memref<16x128xf32, #tpu.memory_space<vmem_shared>>
      tpu.wait_dma2 semaphore(%run_scoped3A : memref<!tpu.dma_semaphore, #tpu.memory_space<semaphore_mem>>) src(%arg9 : memref<16x128xf32, #tpu.memory_space<vmem>>) dst(%dma_wait3A_180 : memref<16x128xf32, #tpu.memory_space<vmem_shared>>)
      tpu.yield
    }) : () -> ()
    %barrier3A = arith.constant 0 : index
    tpu.barrier barrier_id(%barrier3A)
    "tpu.region"() ({
      %run_scoped3A = tpu.sem_alloc : memref<!tpu.dma_semaphore, #tpu.memory_space<semaphore_mem>>
      %dma_start3A = arith.constant 0 : i32
      %dma_start3A_175 = arith.constant 0 : i32
      %dma_start3A_176 = tpu.memref_slice %arg3[%add3A, %dma_start3A, %dma_start3A_175] : memref<32x80x128xi32, #tpu.memory_space<hbm>> -> memref<1x80x128xi32, #tpu.memory_space<hbm>>
      %dma_start3A_177 = tpu.memref_squeeze %dma_start3A_176 : memref<1x80x128xi32, #tpu.memory_space<hbm>> -> memref<80x128xi32, #tpu.memory_space<hbm>>
      %dma_start3A_178 = arith.constant 0 : i32
      %dma_start3A_179 = arith.constant 0 : i32
      %dma_start3A_180 = tpu.memref_slice %arg3[%add3A, %dma_start3A_178, %dma_start3A_179] : memref<32x80x128xi32, #tpu.memory_space<hbm>> -> memref<1x80x128xi32, #tpu.memory_space<hbm>>
      %dma_start3A_181 = tpu.memref_squeeze %dma_start3A_180 : memref<1x80x128xi32, #tpu.memory_space<hbm>> -> memref<80x128xi32, #tpu.memory_space<hbm>>
      tpu.enqueue_dma source(%dma_start3A_181 : memref<80x128xi32, #tpu.memory_space<hbm>>) target(%arg6 : memref<80x128xi32, #tpu.memory_space<vmem>>) target_semaphore(%run_scoped3A : memref<!tpu.dma_semaphore, #tpu.memory_space<semaphore_mem>>)
      %dma_wait3A = arith.constant 0 : i32
      %dma_wait3A_182 = arith.constant 0 : i32
      %dma_wait3A_183 = tpu.memref_slice %arg3[%add3A, %dma_wait3A, %dma_wait3A_182] : memref<32x80x128xi32, #tpu.memory_space<hbm>> -> memref<1x80x128xi32, #tpu.memory_space<hbm>>
      %dma_wait3A_184 = tpu.memref_squeeze %dma_wait3A_183 : memref<1x80x128xi32, #tpu.memory_space<hbm>> -> memref<80x128xi32, #tpu.memory_space<hbm>>
      %dma_wait3A_185 = arith.constant 0 : i32
      %dma_wait3A_186 = arith.constant 0 : i32
      %dma_wait3A_187 = tpu.memref_slice %arg3[%add3A, %dma_wait3A_185, %dma_wait3A_186] : memref<32x80x128xi32, #tpu.memory_space<hbm>> -> memref<1x80x128xi32, #tpu.memory_space<hbm>>
      %dma_wait3A_188 = tpu.memref_squeeze %dma_wait3A_187 : memref<1x80x128xi32, #tpu.memory_space<hbm>> -> memref<80x128xi32, #tpu.memory_space<hbm>>
      tpu.wait_dma2 semaphore(%run_scoped3A : memref<!tpu.dma_semaphore, #tpu.memory_space<semaphore_mem>>) src(%dma_wait3A_188 : memref<80x128xi32, #tpu.memory_space<hbm>>) dst(%arg6 : memref<80x128xi32, #tpu.memory_space<vmem>>)
      tpu.yield
    }) : () -> ()
    "tpu.region"() ({
      %run_scoped3A = tpu.sem_alloc : memref<!tpu.dma_semaphore, #tpu.memory_space<semaphore_mem>>
      %dma_start3A = arith.constant 0 : i32
      %dma_start3A_175 = arith.constant 0 : i32
      %dma_start3A_176 = tpu.memref_slice %arg4[%add3A, %dma_start3A, %dma_start3A_175] : memref<32x80x128xi32, #tpu.memory_space<hbm>> -> memref<1x80x128xi32, #tpu.memory_space<hbm>>
      %dma_start3A_177 = tpu.memref_squeeze %dma_start3A_176 : memref<1x80x128xi32, #tpu.memory_space<hbm>> -> memref<80x128xi32, #tpu.memory_space<hbm>>
      %dma_start3A_178 = arith.constant 0 : i32
      %dma_start3A_179 = arith.constant 0 : i32
      %dma_start3A_180 = tpu.memref_slice %arg4[%add3A, %dma_start3A_178, %dma_start3A_179] : memref<32x80x128xi32, #tpu.memory_space<hbm>> -> memref<1x80x128xi32, #tpu.memory_space<hbm>>
      %dma_start3A_181 = tpu.memref_squeeze %dma_start3A_180 : memref<1x80x128xi32, #tpu.memory_space<hbm>> -> memref<80x128xi32, #tpu.memory_space<hbm>>
      tpu.enqueue_dma source(%dma_start3A_181 : memref<80x128xi32, #tpu.memory_space<hbm>>) target(%arg7 : memref<80x128xi32, #tpu.memory_space<vmem>>) target_semaphore(%run_scoped3A : memref<!tpu.dma_semaphore, #tpu.memory_space<semaphore_mem>>)
      %dma_wait3A = arith.constant 0 : i32
      %dma_wait3A_182 = arith.constant 0 : i32
      %dma_wait3A_183 = tpu.memref_slice %arg4[%add3A, %dma_wait3A, %dma_wait3A_182] : memref<32x80x128xi32, #tpu.memory_space<hbm>> -> memref<1x80x128xi32, #tpu.memory_space<hbm>>
      %dma_wait3A_184 = tpu.memref_squeeze %dma_wait3A_183 : memref<1x80x128xi32, #tpu.memory_space<hbm>> -> memref<80x128xi32, #tpu.memory_space<hbm>>
      %dma_wait3A_185 = arith.constant 0 : i32
      %dma_wait3A_186 = arith.constant 0 : i32
      %dma_wait3A_187 = tpu.memref_slice %arg4[%add3A, %dma_wait3A_185, %dma_wait3A_186] : memref<32x80x128xi32, #tpu.memory_space<hbm>> -> memref<1x80x128xi32, #tpu.memory_space<hbm>>
      %dma_wait3A_188 = tpu.memref_squeeze %dma_wait3A_187 : memref<1x80x128xi32, #tpu.memory_space<hbm>> -> memref<80x128xi32, #tpu.memory_space<hbm>>
      tpu.wait_dma2 semaphore(%run_scoped3A : memref<!tpu.dma_semaphore, #tpu.memory_space<semaphore_mem>>) src(%dma_wait3A_188 : memref<80x128xi32, #tpu.memory_space<hbm>>) dst(%arg7 : memref<80x128xi32, #tpu.memory_space<vmem>>)
      tpu.yield
    }) : () -> ()
    %scan3A_166 = arith.constant 0 : i32
    %scan3A_167 = arith.constant 0 : i32
    %scan3A_168 = arith.constant 80 : i32
    %scan3A_169 = arith.addi %scan3A_167, %scan3A_168 : i32
    %scan3A_170 = arith.constant 1 : i32
    scf.for %scan3A_175 = %scan3A_167 to %scan3A_169 step %scan3A_170  : i32 {
      %dma_start3A = arith.constant 0 : i32
      %dma_start3A_176 = tpu.memref_slice %arg6[%scan3A_175, %dma_start3A] : memref<80x128xi32, #tpu.memory_space<vmem>> -> memref<1x128xi32, #tpu.memory_space<vmem>>
      %dma_start3A_177 = tpu.memref_squeeze %dma_start3A_176 : memref<1x128xi32, #tpu.memory_space<vmem>> -> memref<128xi32, #tpu.memory_space<vmem>>
      %dma_start3A_178 = arith.constant 0 : i32
      %dma_start3A_179 = arith.constant 0 : i32
      %dma_start3A_180 = tpu.memref_slice %arg2[%dma_start3A_178, %dma_start3A_179] : memref<10000x128xf32, #tpu.memory_space<hbm>> -> memref<10000x128xf32, #tpu.memory_space<hbm>>
      tpu.enqueue_indirect_dma source(%dma_start3A_180 : memref<10000x128xf32, #tpu.memory_space<hbm>>) target(%arg8 : memref<128x128xf32, #tpu.memory_space<vmem>>) offsets(%dma_start3A_177 : memref<128xi32, #tpu.memory_space<vmem>>) semaphore(%arg11 : memref<!tpu.dma_semaphore, #tpu.memory_space<semaphore_mem>>)
      %dma_wait3A = arith.constant 0 : i32
      %dma_wait3A_181 = tpu.memref_slice %arg6[%scan3A_175, %dma_wait3A] : memref<80x128xi32, #tpu.memory_space<vmem>> -> memref<1x128xi32, #tpu.memory_space<vmem>>
      %dma_wait3A_182 = tpu.memref_squeeze %dma_wait3A_181 : memref<1x128xi32, #tpu.memory_space<vmem>> -> memref<128xi32, #tpu.memory_space<vmem>>
      %dma_wait3A_183 = arith.constant 0 : i32
      %dma_wait3A_184 = arith.constant 0 : i32
      %dma_wait3A_185 = tpu.memref_slice %arg2[%dma_wait3A_183, %dma_wait3A_184] : memref<10000x128xf32, #tpu.memory_space<hbm>> -> memref<10000x128xf32, #tpu.memory_space<hbm>>
      tpu.wait_indirect_dma semaphore(%arg11 : memref<!tpu.dma_semaphore, #tpu.memory_space<semaphore_mem>>) src(%dma_wait3A_185 : memref<10000x128xf32, #tpu.memory_space<hbm>>) dst(%arg8 : memref<128x128xf32, #tpu.memory_space<vmem>>)
      "tpu.region"() ({
        %run_scoped3A = tpu.sem_alloc : memref<!tpu.dma_semaphore, #tpu.memory_space<semaphore_mem>>
        %dma_start3A_186 = arith.constant 0 : i32
        %dma_start3A_187 = tpu.memref_slice %arg7[%scan3A_175, %dma_start3A_186] : memref<80x128xi32, #tpu.memory_space<vmem>> -> memref<1x128xi32, #tpu.memory_space<vmem>>
        %dma_start3A_188 = tpu.memref_squeeze %dma_start3A_187 : memref<1x128xi32, #tpu.memory_space<vmem>> -> memref<128xi32, #tpu.memory_space<vmem>>
        %dma_start3A_189 = arith.constant 0 : i32
        %dma_start3A_190 = arith.constant 0 : i32
        %dma_start3A_191 = tpu.memref_slice %arg10[%dma_start3A_189, %dma_start3A_190] : memref<10240x128xf32, #tpu.memory_space<vmem_shared>> -> memref<10240x128xf32, #tpu.memory_space<vmem_shared>>
        tpu.enqueue_indirect_dma source(%arg8 : memref<128x128xf32, #tpu.memory_space<vmem>>) target(%dma_start3A_191 : memref<10240x128xf32, #tpu.memory_space<vmem_shared>>) offsets(%dma_start3A_188 : memref<128xi32, #tpu.memory_space<vmem>>) semaphore(%run_scoped3A : memref<!tpu.dma_semaphore, #tpu.memory_space<semaphore_mem>>) {add = true}
        %dma_wait3A_192 = arith.constant 0 : i32
        %dma_wait3A_193 = tpu.memref_slice %arg7[%scan3A_175, %dma_wait3A_192] : memref<80x128xi32, #tpu.memory_space<vmem>> -> memref<1x128xi32, #tpu.memory_space<vmem>>
        %dma_wait3A_194 = tpu.memref_squeeze %dma_wait3A_193 : memref<1x128xi32, #tpu.memory_space<vmem>> -> memref<128xi32, #tpu.memory_space<vmem>>
        %dma_wait3A_195 = arith.constant 0 : i32
        %dma_wait3A_196 = arith.constant 0 : i32
        %dma_wait3A_197 = tpu.memref_slice %arg10[%dma_wait3A_195, %dma_wait3A_196] : memref<10240x128xf32, #tpu.memory_space<vmem_shared>> -> memref<10240x128xf32, #tpu.memory_space<vmem_shared>>
        tpu.wait_indirect_dma semaphore(%run_scoped3A : memref<!tpu.dma_semaphore, #tpu.memory_space<semaphore_mem>>) src(%arg8 : memref<128x128xf32, #tpu.memory_space<vmem>>) dst(%dma_wait3A_197 : memref<10240x128xf32, #tpu.memory_space<vmem_shared>>)
        tpu.yield
      }) : () -> ()
    }
    %scan3A_171 = arith.constant 80 : i32
    %barrier3A_172 = arith.constant 0 : index
    tpu.barrier barrier_id(%barrier3A_172)
    %mul3A_173 = arith.constant 640 : i32
    %mul3A_174 = arith.muli %arg1, %mul3A_173 : i32
    "tpu.region"() ({
      %run_scoped3A = tpu.sem_alloc : memref<!tpu.dma_semaphore, #tpu.memory_space<semaphore_mem>>
      %dma_start3A = arith.constant 0 : i32
      %dma_start3A_175 = arith.constant 0 : i32
      %dma_start3A_176 = tpu.memref_slice %arg5[%arg0, %arg1, %dma_start3A, %dma_start3A_175] : memref<2x16x640x128xf32, #tpu.memory_space<hbm>> -> memref<1x1x640x128xf32, #tpu.memory_space<hbm>>
      %dma_start3A_177 = tpu.memref_squeeze %dma_start3A_176 : memref<1x1x640x128xf32, #tpu.memory_space<hbm>> -> memref<640x128xf32, #tpu.memory_space<hbm>>
      %dma_start3A_178 = arith.constant 0 : i32
      %dma_start3A_179 = tpu.memref_slice %arg10[%mul3A_174, %dma_start3A_178] : memref<10240x128xf32, #tpu.memory_space<vmem_shared>> -> memref<640x128xf32, #tpu.memory_space<vmem_shared>>
      tpu.enqueue_dma source(%dma_start3A_179 : memref<640x128xf32, #tpu.memory_space<vmem_shared>>) target(%dma_start3A_177 : memref<640x128xf32, #tpu.memory_space<hbm>>) target_semaphore(%run_scoped3A : memref<!tpu.dma_semaphore, #tpu.memory_space<semaphore_mem>>)
      %dma_wait3A = arith.constant 0 : i32
      %dma_wait3A_180 = arith.constant 0 : i32
      %dma_wait3A_181 = tpu.memref_slice %arg5[%arg0, %arg1, %dma_wait3A, %dma_wait3A_180] : memref<2x16x640x128xf32, #tpu.memory_space<hbm>> -> memref<1x1x640x128xf32, #tpu.memory_space<hbm>>
      %dma_wait3A_182 = tpu.memref_squeeze %dma_wait3A_181 : memref<1x1x640x128xf32, #tpu.memory_space<hbm>> -> memref<640x128xf32, #tpu.memory_space<hbm>>
      %dma_wait3A_183 = arith.constant 0 : i32
      %dma_wait3A_184 = tpu.memref_slice %arg10[%mul3A_174, %dma_wait3A_183] : memref<10240x128xf32, #tpu.memory_space<vmem_shared>> -> memref<640x128xf32, #tpu.memory_space<vmem_shared>>
      tpu.wait_dma2 semaphore(%run_scoped3A : memref<!tpu.dma_semaphore, #tpu.memory_space<semaphore_mem>>) src(%dma_wait3A_184 : memref<640x128xf32, #tpu.memory_space<vmem_shared>>) dst(%dma_wait3A_182 : memref<640x128xf32, #tpu.memory_space<hbm>>)
      tpu.yield
    }) : () -> ()
    return
  }
}

module attributes {stable_mosaic.version = 14 : i64} {
  func.func @_mm_body(%arg0: i32, %arg1: memref<1000x128xf32, #tpu.memory_space<vmem>>, %arg2: memref<128x128xf32, #tpu.memory_space<vmem>>, %arg3: memref<1000x128xf32, #tpu.memory_space<vmem>>) attributes {dimension_semantics = [#tpu.dimension_semantics<arbitrary>], iteration_bounds = array<i64: 10>, scalar_prefetch = 0 : i64, scratch_operands = 0 : i64, tpu.core_type = #tpu.core_type<tc>, window_params = [{transform_indices = @transform_0, window_bounds = array<i64: 1000, 128>}, {pipeline_mode = #tpu.pipeline_mode<synchronous>, transform_indices = @transform_1, window_bounds = array<i64: 128, 128>}, {transform_indices = @transform_2, window_bounds = array<i64: 1000, 128>}]} {
    %get3A = arith.constant 0 : index
    %get3A_0 = arith.constant 0 : index
    %get3A_1 = vector.load %arg1[%get3A, %get3A_0] : memref<1000x128xf32, #tpu.memory_space<vmem>>, vector<1000x128xf32>
    %get3A_2 = arith.constant 0 : index
    %get3A_3 = arith.constant 0 : index
    %get3A_4 = vector.load %arg2[%get3A_2, %get3A_3] : memref<128x128xf32, #tpu.memory_space<vmem>>, vector<128x128xf32>
    %dot_general3A = arith.constant dense<0.000000e+00> : vector<1000x128xf32>
    %dot_general3A_5 = tpu.matmul %get3A_1, %get3A_4, %dot_general3A {dimension_numbers = #tpu.dot_dimension_numbers<[1], [0], [0], [1], [0, 0, 1, 1], [], []>, transpose_lhs_hint = false} : vector<1000x128xf32>, vector<128x128xf32>, vector<1000x128xf32> -> vector<1000x128xf32>
    %swap3A = arith.constant 0 : index
    %swap3A_6 = arith.constant 0 : index
    %swap3A_7 = vector.load %arg3[%swap3A, %swap3A_6] : memref<1000x128xf32, #tpu.memory_space<vmem>>, vector<1000x128xf32>
    tpu.vector_store %arg3[%swap3A, %swap3A_6], %dot_general3A_5 {strides = array<i32>} : memref<1000x128xf32, #tpu.memory_space<vmem>>, vector<1000x128xf32>,
    return
  }
  func.func @transform_0(%arg0: i32) -> (i32, i32) {
    %c0_i32 = arith.constant 0 : i32
    %c0_i32_0 = arith.constant 0 : i32
    return %arg0, %c0_i32 : i32, i32
  }
  func.func @transform_1(%arg0: i32) -> (i32, i32) {
    %c0_i32 = arith.constant 0 : i32
    %c0_i32_0 = arith.constant 0 : i32
    %c0_i32_1 = arith.constant 0 : i32
    return %c0_i32, %c0_i32_0 : i32, i32
  }
  func.func @transform_2(%arg0: i32) -> (i32, i32) {
    %c0_i32 = arith.constant 0 : i32
    %c0_i32_0 = arith.constant 0 : i32
    return %arg0, %c0_i32 : i32, i32
  }
}

module attributes {stable_mosaic.version = 14 : i64} {
  func.func @_scale_body(%arg0: i32, %arg1: memref<1000x128xf32, #tpu.memory_space<vmem>>, %arg2: memref<1000x128xf32, #tpu.memory_space<vmem>>, %arg3: memref<1000x128xf32, #tpu.memory_space<vmem>>, %arg4: memref<1000x128xf32, #tpu.memory_space<vmem>>, %arg5: memref<1000x128xf32, #tpu.memory_space<vmem>>) attributes {dimension_semantics = [#tpu.dimension_semantics<arbitrary>], iteration_bounds = array<i64: 10>, scalar_prefetch = 0 : i64, scratch_operands = 0 : i64, tpu.core_type = #tpu.core_type<tc>, window_params = [{transform_indices = @transform_0, window_bounds = array<i64: 1000, 128>}, {transform_indices = @transform_1, window_bounds = array<i64: 1000, 128>}, {transform_indices = @transform_2, window_bounds = array<i64: 1000, 128>}, {transform_indices = @transform_3, window_bounds = array<i64: 1000, 128>}, {transform_indices = @transform_4, window_bounds = array<i64: 1000, 128>}]} {
    %get3A = arith.constant 0 : index
    %get3A_0 = arith.constant 0 : index
    %get3A_1 = vector.load %arg1[%get3A, %get3A_0] : memref<1000x128xf32, #tpu.memory_space<vmem>>, vector<1000x128xf32>
    %get3A_2 = arith.constant 0 : index
    %get3A_3 = arith.constant 0 : index
    %get3A_4 = vector.load %arg2[%get3A_2, %get3A_3] : memref<1000x128xf32, #tpu.memory_space<vmem>>, vector<1000x128xf32>
    %add3A = arith.addf %get3A_1, %get3A_4 : vector<1000x128xf32>
    %add3A_5 = arith.constant 1.000000e+00 : f32
    %add3A_6 = vector.broadcast %add3A_5 : f32 to vector<1000x128xf32>
    %add3A_7 = arith.addf %add3A, %add3A_6 : vector<1000x128xf32>
    %max3A = arith.constant 1.000000e+00 : f32
    %max3A_8 = vector.broadcast %max3A : f32 to vector<1000x128xf32>
    %max3A_9 = arith.maximumf %add3A_7, %max3A_8 : vector<1000x128xf32>
    %rsqrt3A = math.rsqrt %max3A_9 : vector<1000x128xf32>
    %swap3A = arith.constant 0 : index
    %swap3A_10 = arith.constant 0 : index
    %swap3A_11 = vector.load %arg4[%swap3A, %swap3A_10] : memref<1000x128xf32, #tpu.memory_space<vmem>>, vector<1000x128xf32>
    tpu.vector_store %arg4[%swap3A, %swap3A_10], %rsqrt3A {strides = array<i32>} : memref<1000x128xf32, #tpu.memory_space<vmem>>, vector<1000x128xf32>,
    %get3A_12 = arith.constant 0 : index
    %get3A_13 = arith.constant 0 : index
    %get3A_14 = vector.load %arg3[%get3A_12, %get3A_13] : memref<1000x128xf32, #tpu.memory_space<vmem>>, vector<1000x128xf32>
    %mul3A = arith.mulf %get3A_14, %rsqrt3A : vector<1000x128xf32>
    %swap3A_15 = arith.constant 0 : index
    %swap3A_16 = arith.constant 0 : index
    %swap3A_17 = vector.load %arg5[%swap3A_15, %swap3A_16] : memref<1000x128xf32, #tpu.memory_space<vmem>>, vector<1000x128xf32>
    tpu.vector_store %arg5[%swap3A_15, %swap3A_16], %mul3A {strides = array<i32>} : memref<1000x128xf32, #tpu.memory_space<vmem>>, vector<1000x128xf32>,
    return
  }
  func.func @transform_0(%arg0: i32) -> (i32, i32) {
    %c0_i32 = arith.constant 0 : i32
    %c0_i32_0 = arith.constant 0 : i32
    return %arg0, %c0_i32 : i32, i32
  }
  func.func @transform_1(%arg0: i32) -> (i32, i32) {
    %c0_i32 = arith.constant 0 : i32
    %c0_i32_0 = arith.constant 0 : i32
    return %arg0, %c0_i32 : i32, i32
  }
  func.func @transform_2(%arg0: i32) -> (i32, i32) {
    %c0_i32 = arith.constant 0 : i32
    %c0_i32_0 = arith.constant 0 : i32
    return %arg0, %c0_i32 : i32, i32
  }
  func.func @transform_3(%arg0: i32) -> (i32, i32) {
    %c0_i32 = arith.constant 0 : i32
    %c0_i32_0 = arith.constant 0 : i32
    return %arg0, %c0_i32 : i32, i32
  }
  func.func @transform_4(%arg0: i32) -> (i32, i32) {
    %c0_i32 = arith.constant 0 : i32
    %c0_i32_0 = arith.constant 0 : i32
    return %arg0, %c0_i32 : i32, i32
  }
}

module attributes {stable_mosaic.version = 14 : i64} {
  func.func @_tc2_body(%arg0: i32, %arg1: memref<1000x128xf32, #tpu.memory_space<vmem>>, %arg2: memref<1000x128xf32, #tpu.memory_space<vmem>>, %arg3: memref<1000x128xf32, #tpu.memory_space<vmem>>, %arg4: memref<1000x128xf32, #tpu.memory_space<vmem>>, %arg5: memref<1x128xf32, #tpu.memory_space<vmem>>, %arg6: memref<128x128xf32, #tpu.memory_space<vmem>>, %arg7: memref<1000x128xf32, #tpu.memory_space<vmem>>) attributes {dimension_semantics = [#tpu.dimension_semantics<arbitrary>], iteration_bounds = array<i64: 10>, scalar_prefetch = 0 : i64, scratch_operands = 0 : i64, tpu.core_type = #tpu.core_type<tc>, window_params = [{transform_indices = @transform_0, window_bounds = array<i64: 1000, 128>}, {transform_indices = @transform_1, window_bounds = array<i64: 1000, 128>}, {transform_indices = @transform_2, window_bounds = array<i64: 1000, 128>}, {transform_indices = @transform_3, window_bounds = array<i64: 1000, 128>}, {pipeline_mode = #tpu.pipeline_mode<synchronous>, transform_indices = @transform_4, window_bounds = array<i64: 1, 128>}, {pipeline_mode = #tpu.pipeline_mode<synchronous>, transform_indices = @transform_5, window_bounds = array<i64: 128, 128>}, {transform_indices = @transform_6, window_bounds = array<i64: 1000, 128>}]} {
    %get3A = arith.constant 0 : index
    %get3A_0 = arith.constant 0 : index
    %get3A_1 = vector.load %arg1[%get3A, %get3A_0] : memref<1000x128xf32, #tpu.memory_space<vmem>>, vector<1000x128xf32>
    %get3A_2 = arith.constant 0 : index
    %get3A_3 = arith.constant 0 : index
    %get3A_4 = vector.load %arg2[%get3A_2, %get3A_3] : memref<1000x128xf32, #tpu.memory_space<vmem>>, vector<1000x128xf32>
    %add3A = arith.addf %get3A_1, %get3A_4 : vector<1000x128xf32>
    %get3A_5 = arith.constant 0 : index
    %get3A_6 = arith.constant 0 : index
    %get3A_7 = vector.load %arg3[%get3A_5, %get3A_6] : memref<1000x128xf32, #tpu.memory_space<vmem>>, vector<1000x128xf32>
    %add3A_8 = arith.addf %add3A, %get3A_7 : vector<1000x128xf32>
    %get3A_9 = arith.constant 0 : index
    %get3A_10 = arith.constant 0 : index
    %get3A_11 = vector.load %arg4[%get3A_9, %get3A_10] : memref<1000x128xf32, #tpu.memory_space<vmem>>, vector<1000x128xf32>
    %mul3A = arith.mulf %add3A_8, %get3A_11 : vector<1000x128xf32>
    %get3A_12 = arith.constant 0 : index
    %get3A_13 = arith.constant 0 : index
    %get3A_14 = vector.load %arg5[%get3A_12, %get3A_13] : memref<1x128xf32, #tpu.memory_space<vmem>>, vector<1x128xf32>
    %add3A_15 = vector.broadcast %get3A_14 : vector<1x128xf32> to vector<1000x128xf32>
    %add3A_16 = arith.addf %mul3A, %add3A_15 : vector<1000x128xf32>
    %max3A = arith.constant 0.000000e+00 : f32
    %max3A_17 = vector.broadcast %max3A : f32 to vector<1000x128xf32>
    %max3A_18 = arith.maximumf %add3A_16, %max3A_17 : vector<1000x128xf32>
    %get3A_19 = arith.constant 0 : index
    %get3A_20 = arith.constant 0 : index
    %get3A_21 = vector.load %arg6[%get3A_19, %get3A_20] : memref<128x128xf32, #tpu.memory_space<vmem>>, vector<128x128xf32>
    %dot_general3A = arith.constant dense<0.000000e+00> : vector<1000x128xf32>
    %dot_general3A_22 = tpu.matmul %max3A_18, %get3A_21, %dot_general3A {dimension_numbers = #tpu.dot_dimension_numbers<[1], [0], [0], [1], [0, 0, 1, 1], [], []>, transpose_lhs_hint = false} : vector<1000x128xf32>, vector<128x128xf32>, vector<1000x128xf32> -> vector<1000x128xf32>
    %get3A_23 = arith.constant 0 : index
    %get3A_24 = arith.constant 0 : index
    %get3A_25 = vector.load %arg4[%get3A_23, %get3A_24] : memref<1000x128xf32, #tpu.memory_space<vmem>>, vector<1000x128xf32>
    %mul3A_26 = arith.mulf %dot_general3A_22, %get3A_25 : vector<1000x128xf32>
    %swap3A = arith.constant 0 : index
    %swap3A_27 = arith.constant 0 : index
    %swap3A_28 = vector.load %arg7[%swap3A, %swap3A_27] : memref<1000x128xf32, #tpu.memory_space<vmem>>, vector<1000x128xf32>
    tpu.vector_store %arg7[%swap3A, %swap3A_27], %mul3A_26 {strides = array<i32>} : memref<1000x128xf32, #tpu.memory_space<vmem>>, vector<1000x128xf32>,
    return
  }
  func.func @transform_0(%arg0: i32) -> (i32, i32) {
    %c0_i32 = arith.constant 0 : i32
    %c0_i32_0 = arith.constant 0 : i32
    return %arg0, %c0_i32 : i32, i32
  }
  func.func @transform_1(%arg0: i32) -> (i32, i32) {
    %c0_i32 = arith.constant 0 : i32
    %c0_i32_0 = arith.constant 0 : i32
    return %arg0, %c0_i32 : i32, i32
  }
  func.func @transform_2(%arg0: i32) -> (i32, i32) {
    %c0_i32 = arith.constant 0 : i32
    %c0_i32_0 = arith.constant 0 : i32
    return %arg0, %c0_i32 : i32, i32
  }
  func.func @transform_3(%arg0: i32) -> (i32, i32) {
    %c0_i32 = arith.constant 0 : i32
    %c0_i32_0 = arith.constant 0 : i32
    return %arg0, %c0_i32 : i32, i32
  }
  func.func @transform_4(%arg0: i32) -> (i32, i32) {
    %c0_i32 = arith.constant 0 : i32
    %c0_i32_0 = arith.constant 0 : i32
    %c0_i32_1 = arith.constant 0 : i32
    return %c0_i32, %c0_i32_0 : i32, i32
  }
  func.func @transform_5(%arg0: i32) -> (i32, i32) {
    %c0_i32 = arith.constant 0 : i32
    %c0_i32_0 = arith.constant 0 : i32
    %c0_i32_1 = arith.constant 0 : i32
    return %c0_i32, %c0_i32_0 : i32, i32
  }
  func.func @transform_6(%arg0: i32) -> (i32, i32) {
    %c0_i32 = arith.constant 0 : i32
    %c0_i32_0 = arith.constant 0 : i32
    return %arg0, %c0_i32 : i32, i32
  }
}

module attributes {stable_mosaic.version = 14 : i64} {
  func.func @_tc3_body(%arg0: i32, %arg1: memref<1000x128xf32, #tpu.memory_space<vmem>>, %arg2: memref<1000x128xf32, #tpu.memory_space<vmem>>, %arg3: memref<1000x128xf32, #tpu.memory_space<vmem>>, %arg4: memref<1000x128xf32, #tpu.memory_space<vmem>>, %arg5: memref<1x128xf32, #tpu.memory_space<vmem>>, %arg6: memref<128x128xf32, #tpu.memory_space<vmem>>, %arg7: memref<1x128xf32, #tpu.memory_space<vmem>>, %arg8: memref<1000x128xf32, #tpu.memory_space<vmem>>) attributes {dimension_semantics = [#tpu.dimension_semantics<arbitrary>], iteration_bounds = array<i64: 10>, scalar_prefetch = 0 : i64, scratch_operands = 0 : i64, tpu.core_type = #tpu.core_type<tc>, window_params = [{transform_indices = @transform_0, window_bounds = array<i64: 1000, 128>}, {transform_indices = @transform_1, window_bounds = array<i64: 1000, 128>}, {transform_indices = @transform_2, window_bounds = array<i64: 1000, 128>}, {transform_indices = @transform_3, window_bounds = array<i64: 1000, 128>}, {pipeline_mode = #tpu.pipeline_mode<synchronous>, transform_indices = @transform_4, window_bounds = array<i64: 1, 128>}, {pipeline_mode = #tpu.pipeline_mode<synchronous>, transform_indices = @transform_5, window_bounds = array<i64: 128, 128>}, {pipeline_mode = #tpu.pipeline_mode<synchronous>, transform_indices = @transform_6, window_bounds = array<i64: 1, 128>}, {transform_indices = @transform_7, window_bounds = array<i64: 1000, 128>}]} {
    %get3A = arith.constant 0 : index
    %get3A_0 = arith.constant 0 : index
    %get3A_1 = vector.load %arg1[%get3A, %get3A_0] : memref<1000x128xf32, #tpu.memory_space<vmem>>, vector<1000x128xf32>
    %get3A_2 = arith.constant 0 : index
    %get3A_3 = arith.constant 0 : index
    %get3A_4 = vector.load %arg2[%get3A_2, %get3A_3] : memref<1000x128xf32, #tpu.memory_space<vmem>>, vector<1000x128xf32>
    %add3A = arith.addf %get3A_1, %get3A_4 : vector<1000x128xf32>
    %get3A_5 = arith.constant 0 : index
    %get3A_6 = arith.constant 0 : index
    %get3A_7 = vector.load %arg3[%get3A_5, %get3A_6] : memref<1000x128xf32, #tpu.memory_space<vmem>>, vector<1000x128xf32>
    %add3A_8 = arith.addf %add3A, %get3A_7 : vector<1000x128xf32>
    %get3A_9 = arith.constant 0 : index
    %get3A_10 = arith.constant 0 : index
    %get3A_11 = vector.load %arg4[%get3A_9, %get3A_10] : memref<1000x128xf32, #tpu.memory_space<vmem>>, vector<1000x128xf32>
    %mul3A = arith.mulf %add3A_8, %get3A_11 : vector<1000x128xf32>
    %get3A_12 = arith.constant 0 : index
    %get3A_13 = arith.constant 0 : index
    %get3A_14 = vector.load %arg5[%get3A_12, %get3A_13] : memref<1x128xf32, #tpu.memory_space<vmem>>, vector<1x128xf32>
    %add3A_15 = vector.broadcast %get3A_14 : vector<1x128xf32> to vector<1000x128xf32>
    %add3A_16 = arith.addf %mul3A, %add3A_15 : vector<1000x128xf32>
    %max3A = arith.constant 0.000000e+00 : f32
    %max3A_17 = vector.broadcast %max3A : f32 to vector<1000x128xf32>
    %max3A_18 = arith.maximumf %add3A_16, %max3A_17 : vector<1000x128xf32>
    %get3A_19 = arith.constant 0 : index
    %get3A_20 = arith.constant 0 : index
    %get3A_21 = vector.load %arg6[%get3A_19, %get3A_20] : memref<128x128xf32, #tpu.memory_space<vmem>>, vector<128x128xf32>
    %dot_general3A = arith.constant dense<0.000000e+00> : vector<1000x128xf32>
    %dot_general3A_22 = tpu.matmul %max3A_18, %get3A_21, %dot_general3A {dimension_numbers = #tpu.dot_dimension_numbers<[1], [0], [0], [1], [0, 0, 1, 1], [], []>, transpose_lhs_hint = false} : vector<1000x128xf32>, vector<128x128xf32>, vector<1000x128xf32> -> vector<1000x128xf32>
    %get3A_23 = arith.constant 0 : index
    %get3A_24 = arith.constant 0 : index
    %get3A_25 = vector.load %arg7[%get3A_23, %get3A_24] : memref<1x128xf32, #tpu.memory_space<vmem>>, vector<1x128xf32>
    %add3A_26 = vector.broadcast %get3A_25 : vector<1x128xf32> to vector<1000x128xf32>
    %add3A_27 = arith.addf %dot_general3A_22, %add3A_26 : vector<1000x128xf32>
    %swap3A = arith.constant 0 : index
    %swap3A_28 = arith.constant 0 : index
    %swap3A_29 = vector.load %arg8[%swap3A, %swap3A_28] : memref<1000x128xf32, #tpu.memory_space<vmem>>, vector<1000x128xf32>
    tpu.vector_store %arg8[%swap3A, %swap3A_28], %add3A_27 {strides = array<i32>} : memref<1000x128xf32, #tpu.memory_space<vmem>>, vector<1000x128xf32>,
    return
  }
  func.func @transform_0(%arg0: i32) -> (i32, i32) {
    %c0_i32 = arith.constant 0 : i32
    %c0_i32_0 = arith.constant 0 : i32
    return %arg0, %c0_i32 : i32, i32
  }
  func.func @transform_1(%arg0: i32) -> (i32, i32) {
    %c0_i32 = arith.constant 0 : i32
    %c0_i32_0 = arith.constant 0 : i32
    return %arg0, %c0_i32 : i32, i32
  }
  func.func @transform_2(%arg0: i32) -> (i32, i32) {
    %c0_i32 = arith.constant 0 : i32
    %c0_i32_0 = arith.constant 0 : i32
    return %arg0, %c0_i32 : i32, i32
  }
  func.func @transform_3(%arg0: i32) -> (i32, i32) {
    %c0_i32 = arith.constant 0 : i32
    %c0_i32_0 = arith.constant 0 : i32
    return %arg0, %c0_i32 : i32, i32
  }
  func.func @transform_4(%arg0: i32) -> (i32, i32) {
    %c0_i32 = arith.constant 0 : i32
    %c0_i32_0 = arith.constant 0 : i32
    %c0_i32_1 = arith.constant 0 : i32
    return %c0_i32, %c0_i32_0 : i32, i32
  }
  func.func @transform_5(%arg0: i32) -> (i32, i32) {
    %c0_i32 = arith.constant 0 : i32
    %c0_i32_0 = arith.constant 0 : i32
    %c0_i32_1 = arith.constant 0 : i32
    return %c0_i32, %c0_i32_0 : i32, i32
  }
  func.func @transform_6(%arg0: i32) -> (i32, i32) {
    %c0_i32 = arith.constant 0 : i32
    %c0_i32_0 = arith.constant 0 : i32
    %c0_i32_1 = arith.constant 0 : i32
    return %c0_i32, %c0_i32_0 : i32, i32
  }
  func.func @transform_7(%arg0: i32) -> (i32, i32) {
    %c0_i32 = arith.constant 0 : i32
    %c0_i32_0 = arith.constant 0 : i32
    return %arg0, %c0_i32 : i32, i32
  }
}

</mosaic_0001>

<sc_bundles>
// kernel: kernel.12.cloned.1.call-start
scs
__scs_entry_jumppad:
0x0: {  	(pc) =	sbr.rel $0x88, $3  }
0x1: {  	(tag) =	ssettag $0x0;
	lr =	simm.s32 $0x1  }
0x2: {  	[smem:$0x3F99] =	sst lr;
	_ =	strace $0xD0000000  }
0x3: {  	_ = 	snop  }
0x4: {  	_ = 	snop  }
0x5: {  	_ = 	snop  }
0x6: {  	_ = 	snop  }
0x7: {  	_ = 	snop  }
__scs_overlays_trampoline_lowered:
0x8: {  	[smem:$0x3FA8] =	sst s0  }
0x9: {  	[smem:$0x3FA9] =	sst s1  }
0xa: {  	[smem:$0x3FAA] =	sst s2  }
0xb: {  	[smem:$0x3FAB] =	sst s3  }
0xc: {  	[smem:$0x3FAC] =	sst s4  }
0xd: {  	[smem:$0x3FAD] =	sst s5  }
0xe: {  	[smem:$0x3FAE] =	sst s6  }
0xf: {  	[smem:$0x3FAF] =	sst s7  }
0x10: {  	[smem:$0x3FB0] =	sst s8  }
0x11: {  	[smem:$0x3FB1] =	sst s9;
	s0 =	simm.s32 @!p0 $0x0  }
0x12: {  	s1 =	sld [smem:$0x3F97];
	s0 =	simm.s32 @p0 $0x1  }
0x13: {  	[smem:$0x3FB2] =	sst s0;
	s0 =	simm.s32 @!p1 $0x0  }
0x14: {  	s2 =	sld [smem:$0x3F96];
	s0 =	simm.s32 @p1 $0x1  }
0x15: {  	[smem:$0x3FB3] =	sst s0;
	s0 =	simm.s32 @!p2 $0x0  }
0x16: {  	s3 =	sld [smem:$0x3FDB];
	s0 =	simm.s32 @p2 $0x1  }
0x17: {  	s4 =	simm.s32 $0x1BF5;
	[smem:$0x3FB5] =	sst s0  }
0x18: {  	s0 =	sld [smem:$0x3F98];
	_ =	swait.ge [sflag:s4], $0x0  }
0x19: {  	s7 =	sld [smem:$0x3F99]  }
0x1a: {  	s8 =	sadd.s32 $0xFFFFE003, lr  }
0x1b: {  	s9 =	sadd.s32 $0xFFFFFEF7, lr;
	s5 =	simm.s32 $0xFFFFFFFF;
	p2 =	slt.u32 s8, $0xFFFFF086  }
0x1c: {  	p1 =	slt.u32 s9, $0xF7A;
	s5 =	simm.s32 @!p2 $0x0  }
0x1d: {  	s5 =	simm.s32 @p1 $0x1;
	p0 =	seq.s32 s7, s2  }
0x1e: {  	s7 =	smul.u32 @!p0 $0xF7A, s2;
	p2 =	seq.s32 @!p0 s5, $0x0  }
0x1f: {  	s9 =	smul.u32 $0xF7A, s1;
	s8 =	simm.s32 @!p0 $0x1BF5;
	p2 =	por !p2, p0  }
0x20: {  	[sflag:s8] =	ssyncset.s32 @!p0 $0xFFFFF086;
	s6 =	sadd.s32 @!p0 s3, s7;
	s7 =	simm.s32 @!p0 $0x108  }
0x21: {  	s3 =	sadd.s32 s3, s9;
	s6 =	sadd.s32 @!p0 $0x88, s6;
	s7 =	simm.s32 @p2 $0x1082  }
0x22: {  	[simem:s7], [sflag:s8] =	dma.local @!p0 [hbm:s6], $0xF7A  }
0x23: {  	s9 =	sor.u32 $0xD0000000, s2;
	s6 =	simm.s32 $0x108;
	_ =	swait.ge @!p0 [sflag:s8], $0x0  }
0x24: {  	s3 =	sadd.s32 $0x88, s3;
	s6 =	simm.s32 @!p1 $0x1082;
	[sflag:s4] =	ssyncset.s32 $0xFFFFF086  }
0x25: {  	[simem:s6], [sflag:s4] =	dma.local [hbm:s3], $0xF7A  }
0x26: {  	[smem:$0x3F99] =	sst s1;
	(tag) =	ssettag s2;
	_ =	strace s9  }
0x27: {  	s1 =	sld [smem:$0x3FA9]  }
0x28: {  	s2 =	sld [smem:$0x3FAA]  }
0x29: {  	s4 =	sld [smem:$0x3FAC]  }
0x2a: {  	p0 =	seq.s32 s5, $0x0;
	s5 =	sld [smem:$0x3FAD]  }
0x2b: {  	s6 =	sld [smem:$0x3FAE]  }
0x2c: {  	s7 =	sld [smem:$0x3FAF]  }
0x2d: {  	s3 =	simm.s32 $0x108;
	s8 =	sld [smem:$0x3FB0]  }
0x2e: {  	s3 =	simm.s32 @!p0 $0x1082;
	s9 =	sld [smem:$0x3FB1]  }
0x2f: {  	lr =	sadd.s32 s0, s3;
	s0 =	sld [smem:$0x3FA8]  }
0x30: {  	s3 =	sld [smem:$0x3FAB]  }
0x31: {  	[smem:$0x3FB4] =	sst s10  }
0x32: {  	s10 =	sld [smem:$0x3FB2];
	_ =	sdelay $0x3  }
0x33: {  	p0 =	seq.s32 s10, $0x1;
	s10 =	sld [smem:$0x3FB4];
	_ =	sdelay $0x3  }
0x34: {  	[smem:$0x3FB4] =	sst s10  }
0x35: {  	s10 =	sld [smem:$0x3FB3];
	_ =	sdelay $0x3  }
0x36: {  	p1 =	seq.s32 s10, $0x1;
	s10 =	sld [smem:$0x3FB4];
	_ =	sdelay $0x3  }
0x37: {  	[smem:$0x3FB4] =	sst s10  }
0x38: {  	s10 =	sld [smem:$0x3FB5]  }
0x39: {  	_ = 	snop;
	(pc) =	sbr.ind lr, $3  }
0x3a: {  	_ = 	snop  }
0x3b: {  	_ = 	snop  }
0x3c: {  	p2 =	seq.s32 s10, $0x1;
	s10 =	sld [smem:$0x3FB4]  }
0x3d: {  	_ =	shalt  }
0x3e: {  	_ =	shalt  }
0x3f: {  	_ =	shalt  }
0x40: {  	_ =	shalt  }
0x41: {  	_ =	shalt  }
0x42: {  	_ =	shalt  }
0x43: {  	_ =	shalt  }
0x44: {  	_ =	shalt  }
0x45: {  	_ =	shalt  }
0x46: {  	_ =	shalt  }
0x47: {  	_ =	shalt  }
0x48: {  	_ =	shalt  }
0x49: {  	_ =	shalt  }
0x4a: {  	_ =	shalt  }
0x4b: {  	_ =	shalt  }
0x4c: {  	_ =	shalt  }
0x4d: {  	_ =	shalt  }
0x4e: {  	_ =	shalt  }
0x4f: {  	_ =	shalt  }
0x50: {  	_ =	shalt  }
0x51: {  	_ =	shalt  }
0x52: {  	_ =	shalt  }
0x53: {  	_ =	shalt  }
0x54: {  	_ =	shalt  }
0x55: {  	_ =	shalt  }
0x56: {  	_ =	shalt  }
0x57: {  	_ =	shalt  }
0x58: {  	_ =	shalt  }
0x59: {  	_ =	shalt  }
0x5a: {  	_ =	shalt  }
0x5b: {  	_ =	shalt  }
0x5c: {  	_ =	shalt  }
0x5d: {  	_ =	shalt  }
0x5e: {  	_ =	shalt  }
0x5f: {  	_ =	shalt  }
0x60: {  	_ =	shalt  }
0x61: {  	_ =	shalt  }
0x62: {  	_ =	shalt  }
0x63: {  	_ =	shalt  }
0x64: {  	_ =	shalt  }
0x65: {  	_ =	shalt  }
0x66: {  	_ =	shalt  }
0x67: {  	_ =	shalt  }
0x68: {  	_ =	shalt  }
0x69: {  	_ =	shalt  }
0x6a: {  	_ =	shalt  }
0x6b: {  	_ =	shalt  }
0x6c: {  	_ =	shalt  }
0x6d: {  	_ =	shalt  }
0x6e: {  	_ =	shalt  }
0x6f: {  	_ =	shalt  }
0x70: {  	_ =	shalt  }
0x71: {  	_ =	shalt  }
0x72: {  	_ =	shalt  }
0x73: {  	_ =	shalt  }
0x74: {  	_ =	shalt  }
0x75: {  	_ =	shalt  }
0x76: {  	_ =	shalt  }
0x77: {  	_ =	shalt  }
0x78: {  	_ =	shalt  }
0x79: {  	_ =	shalt  }
0x7a: {  	_ =	shalt  }
0x7b: {  	_ =	shalt  }
0x7c: {  	_ =	shalt  }
0x7d: {  	_ =	shalt  }
0x7e: {  	_ =	shalt  }
0x7f: {  	_ =	shalt  }
0x80: {  	_ =	shalt  }
0x81: {  	_ =	shalt  }
0x82: {  	_ =	shalt  }
0x83: {  	_ =	shalt  }
0x84: {  	_ =	shalt  }
0x85: {  	_ =	shalt  }
0x86: {  	_ =	shalt  }
0x87: {  	_ =	shalt  }
.Lfunc_end0:
.L_simem_size_0:
called_computation.1_lowered:
.L_overlay_start_0:
0x88: {  	s2 =	sld [smem:$0x3FD9]  }
0x89: {  	s3 =	sld [smem:$0x3FFE];
	_ =	sdelay $0x1  }
0x8a: {  	s1 =	srdreg.scid  }
0x8b: {  	s0 =	sand.u32 $0x1, s1  }
0x8c: {  	s17 =	sshll.u32 s0, $0xA;
	s2 =	sadd.s32 s3, s2  }
0x8d: {  	s2 =	sadd.s32 s2, s17  }
0x8e: {  	[smem:$0x3FC0] =	sst s2  }
0x8f: {  	_ = 	snop  }
0x90: {  	s2 =	sld [smem:$0x3FD0];
	(tm) =	ssettm $0x1  }
0x91: {  	s18 =	sld [smem:$0x3FFB];
	_ =	sdelay $0x3  }
0x92: {  	_ =	strace s18  }
0x93: {  	s3 =	sld [smem:$0x3FFC];
	_ =	sdelay $0x3  }
0x94: {  	_ =	strace s3  }
0x95: {  	s3 =	sld [smem:$0x3FFD];
	_ =	sdelay $0x3  }
0x96: {  	_ =	strace s3  }
0x97: {  	_ =	strace $0x8FFFFFFF  }
0x98: {  	s19 =	sld [smem:$0x3FDB];
	_ =	sdelay $0x1  }
0x99: {  	s4 =	simm.s32 $_scs_section_size  }
0x9a: {  	s5 =	simm.s32 $_size__tile_overlayer_lowered;
	s6 =	simm.s32 $_tile_overlayer_lowered  }
0x9b: {  	s22 =	simm.s32 $0x1BFF;
	s21 =	sshll.u32 s6, $0x1;
	s3 =	sadd.s32 s4, s19  }
0x9c: {  	s7 =	simm.s32 $0x0;
	s20 =	sshll.u32 s5, $0x1;
	s5 =	sadd.s32 s21, s3  }
0x9d: {  	[timem:s7], [sflag:s22] =	dma.local [hbm:s5], s20  }
0x9e: {  	_ =	swait.ge [sflag:s22], s20  }
0x9f: {  	s4 =	ssub.s32 $0x0, s20;
	[sflag:s22] =	ssyncset.done $0x0  }
0xa0: {  	[sflag:s22] =	ssyncadd.s32 s4;
	_ =	sdelay $0x1  }
0xa1: {  	s23 =	simm.s32 $0x1B8B  }
0xa2: {  	_ =	swait.ge [sflag:s23], $0x1  }
0xa3: {  	[sflag:s23] =	ssyncset.done $0x0  }
0xa4: {  	s25 =	simm.s32 $0x1B8E;
	s24 =	sld [smem:$0x3FFE];
	[sflag:s23] =	ssyncadd.s32 $0xFFFFFFFF  }
0xa5: {  	s26 =	simm.s32 $execute0_lowered;
	[smem:$0x3FD2] =	sst s25  }
0xa6: {  	s5 =	sshll.u32 s26, $0x1;
	_ =	strace $0x80000049;
	[dreg:$0x1] =	wrdreg $0xFFFFFFFF  }
0xa7: {  	s28 =	simm.s32 $_size_execute0_lowered;
	s3 =	sadd.s32 s3, s5;
	[dreg:$0x0] =	wrdreg $0x0  }
0xa8: {  	s5 =	sshll.u32 s28, $0x1;
	[dreg:$0x2] =	wrdreg s3  }
0xa9: {  	[dreg:$0x3] =	wrdreg s5  }
0xaa: {  	[dreg:$0x4] =	wrdreg $0xC0  }
0xab: {  	_ =	task [dreg:s7], $0x5FFFF  }
0xac: {  	[dreg:$0x1] =	wrdreg $0xFFFFFFFF  }
0xad: {  	[dreg:$0x0] =	wrdreg $0x60  }
0xae: {  	[dreg:$0x2] =	wrdreg s2  }
0xaf: {  	[dreg:$0x3] =	wrdreg s24  }
0xb0: {  	[dreg:$0x4] =	wrdreg $0x98000  }
0xb1: {  	[dreg:$0x5] =	wrdreg $0x9  }
0xb2: {  	_ =	task.clear_ibuf [dreg:s7], $0x6FFFF;
	_ =	strace $0x90000049  }
0xb3: {  	s29 =	simm.s32 $0x9;
	_ =	strace $0x8000004B  }
0xb4: {  	_ =	swait.ge [sflag:s29], $0x1  }
0xb5: {  	[sflag:s29] =	ssyncadd.s32 $0xFFFFFFFF  }
0xb6: {  	_ =	strace $0x9000004B  }
0xb7: {  	_ =	sfence  }
0xb8: {  	s30 =	sld [smem:$0x0];
	_ =	sdelay $0x2  }
0xb9: {  	s31 =	sshll.u32 s1, $0xD;
	s1 =	sshrl.u32 s1, $0x2  }
0xba: {  	s3 =	sand.u32 $0x4000, s31;
	s1 =	sadd.s32 s1, s30  }
0xbb: {  	s0 =	sor.u32 s3, s0;
	s1 =	sshll.u32 s1, $0x11  }
0xbc: {  	s0 =	sor.u32 s1, s0  }
0xbd: {  	s0 =	sadd.s32 $0x8F2B, s0  }
0xbe: {  	[sflag:s0] =	ssyncadd.remote.s32 $0x1  }
0xbf: {  	_ =	sfence.sel $0xFFFF  }
0xc0: {  	[dreg:$0x0] =	wrdreg $0xFFFFFFFF;
	(pc) =	sbr.abs _section_cstart, $3  }
0xc1: {  	[dreg:$0x1] =	wrdreg $0xFFFFFFFF  }
0xc2: {  	_ =	task.clear_ibuf [dreg:s7], $0x2FFFF;
	_ =	strace $0x9FFFFFFF  }
0xc3: {  	(tm) =	ssettm $0x7FFFFFFF  }
tec
execute0_lowered:
.L_overlay_start_1:
0x0: {  	(tag) =	ssettag $0x1  }
0x1: {  	s0 =	srdreg.scid;
	s2 =	rddreg [dreg:$0x0]  }
0x2: {  	s8 =	stileid.u32;
	s6 =	rddreg [dreg:$0x1]  }
0x3: {  	s3 =	rddreg [dreg:$0x2];
	s0 =	sand.u32 $0x1, s0;
	s7 =	smul.u32 $0x14000, s8  }
0x4: {  	s4 =	simm.s32 $0x0;
	s1 =	sshll.u32 s0, $0x4;
	s5 =	smul.u32 $0x140000, s0  }
0x5: {  	s0 =	ssub.s32 $0x2, s0;
	s1 =	sor.u32 s8, s1;
	s8 =	smul.u32 $0x50000, s8  }
0x6: {  	[smem:$0x7FF] =	sst s4;
	s9 =	sshrl.u32 s0, $0x1  }
0x7: {  	s5 =	sadd.s32 s7, s5;
	s0 =	ssub.s32 s0, s9;
	s30 =	sshrl.u32 s8, $0x2  }
0x8: {  	s31 =	sshrl.u32 s5, $0x3;
	s0 =	smax.u32 s0, $0x1;
	s5 =	sadd.s32 s30, s3  }
0x9: {  	_ =	strace $0x8000004A;
	[dreg:$0x17] =	wrdreg s0;
	s7 =	sadd.s32 $0x800, s5  }
0xa: {  	s9 =	sadd.s32 $0x1000, s5;
	[dreg:$0x4] =	wrdreg s7  }
0xb: {  	s10 =	sadd.s32 $0x1800, s5;
	[dreg:$0x5] =	wrdreg s9  }
0xc: {  	s11 =	sadd.s32 $0x2000, s5;
	[dreg:$0x6] =	wrdreg s10  }
0xd: {  	s12 =	sadd.s32 $0x2800, s5;
	[dreg:$0x7] =	wrdreg s11  }
0xe: {  	s13 =	sadd.s32 $0x3000, s5;
	[dreg:$0x8] =	wrdreg s12  }
0xf: {  	s14 =	sadd.s32 $0x3800, s5;
	[dreg:$0x9] =	wrdreg s13  }
0x10: {  	s15 =	sadd.s32 $0x4000, s5;
	[dreg:$0xa] =	wrdreg s14  }
0x11: {  	s16 =	sadd.s32 $0x4800, s5;
	[dreg:$0xb] =	wrdreg s15  }
0x12: {  	s17 =	sadd.s32 $0x5000, s5;
	[dreg:$0xc] =	wrdreg s16  }
0x13: {  	s18 =	sadd.s32 $0x5800, s5;
	[dreg:$0xd] =	wrdreg s17  }
0x14: {  	s19 =	sadd.s32 $0x6000, s5;
	[dreg:$0xe] =	wrdreg s18  }
0x15: {  	s20 =	sadd.s32 $0x6800, s5;
	[dreg:$0xf] =	wrdreg s19  }
0x16: {  	s1 =	smul.u32 $0x500, s1;
	s21 =	sadd.s32 $0x7000, s5;
	[dreg:$0x10] =	wrdreg s20  }
0x17: {  	s22 =	sadd.s32 $0x7800, s5;
	[dreg:$0x11] =	wrdreg s21  }
0x18: {  	s1 =	sadd.s32 s1, s6;
	s23 =	sadd.s32 $0x8000, s5;
	[dreg:$0x12] =	wrdreg s22  }
0x19: {  	s24 =	sadd.s32 $0x5D000, s1;
	[dreg:$0x13] =	wrdreg s23  }
0x1a: {  	s6 =	sadd.s32 s31, s6;
	s1 =	sadd.s32 $0x3000, s1;
	[dreg:$0x14] =	wrdreg s24  }
0x1b: {  	s25 =	sadd.s32 $0xD000, s6;
	[dreg:$0x15] =	wrdreg s1  }
0x1c: {  	s26 =	sadd.s32 $0x8800, s5;
	[dreg:$0x16] =	wrdreg s25  }
0x1d: {  	s28 =	sadd.s32 $0x9000, s5;
	[dreg:$0x18] =	wrdreg s26  }
0x1e: {  	s29 =	sadd.s32 $0x9800, s5;
	s30 =	sadd.s32 $0xA000, s5;
	[dreg:$0x19] =	wrdreg s28  }
0x1f: {  	s31 =	sadd.s32 $0xA800, s5;
	s0 =	sadd.s32 $0xB800, s5;
	[dreg:$0x1a] =	wrdreg s29  }
0x20: {  	s6 =	sadd.s32 $0xC000, s5;
	s8 =	sadd.s32 $0xD000, s5;
	[dreg:$0x1b] =	wrdreg s30  }
0x21: {  	[dreg:$0x1c] =	wrdreg s31;
	s1 =	sadd.s32 $0xB000, s5;
	s7 =	sadd.s32 $0xC800, s5  }
0x22: {  	s9 =	sadd.s32 $0xD800, s5;
	s10 =	sadd.s32 $0xE000, s5;
	s11 =	sadd.s32 $0xE800, s5  }
0x23: {  	s12 =	sadd.s32 $0xF000, s5;
	s13 =	sadd.s32 $0xF800, s5;
	s14 =	sadd.s32 $0x10000, s5  }
0x24: {  	s15 =	sadd.s32 $0x10800, s5;
	s16 =	sadd.s32 $0x11000, s5;
	s17 =	sadd.s32 $0x11800, s5  }
0x25: {  	s18 =	sadd.s32 $0x12000, s5;
	s19 =	sadd.s32 $0x12800, s5;
	s20 =	sadd.s32 $0x13000, s5  }
0x26: {  	s21 =	sadd.s32 $0x13800, s5;
	s22 =	simm.s32 $0x9000;
	s23 =	simm.s32 $0x2  }
0x27: {  	v0 =	vimm.f32 $0.0e+00;
	s24 =	simm.s32 $0x80;
	s25 =	simm.s32 $0x5000;
	s26 =	simm.s32 $0x1  }
.LBB2_1:
0x28: {  	s28 =	simm.s32 $0x0;
	s29 =	simm.s32 $0x200  }
.LBB2_2:
0x29: {  	p0 =	sne.s32 s29, $0x1E00;
	[tilespmem:s28+$0x9070] =	vst v0  }
0x2a: {  	[tilespmem:s28+$0x9000] =	vst v0  }
0x2b: {  	[tilespmem:s28+$0x9010] =	vst v0  }
.Ltmp0:
0x2c: {  	[tilespmem:s28+$0x9020] =	vst v0;
	(pc) =	sbr.rel @p0 .LBB2_2-.Ltmp0, $4  }
0x2d: {  	[tilespmem:s28+$0x9030] =	vst v0  }
0x2e: {  	[tilespmem:s28+$0x9040] =	vst v0  }
0x2f: {  	[tilespmem:s28+$0x9050] =	vst v0  }
0x30: {  	[tilespmem:s28+$0x9060] =	vst v0;
	s28 =	sshra.s32 s29, $0x2;
	s29 =	sadd.s32 $0x200, s29  }
0x31: {  	[tilespmem:s28+$0x9070] =	vst v0  }
0x32: {  	[tilespmem:s28+$0x9000] =	vst v0  }
0x33: {  	[tilespmem:s28+$0x9010] =	vst v0  }
0x34: {  	[tilespmem:s28+$0x9020] =	vst v0  }
0x35: {  	[tilespmem:s28+$0x9030] =	vst v0  }
0x36: {  	[tilespmem:s28+$0x9040] =	vst v0  }
0x37: {  	[tilespmem:s28+$0x9050] =	vst v0  }
0x38: {  	[tilespmem:s28+$0x9060] =	vst v0  }
0x39: {  	[spmem:s5] =	stream.linear.scatter [tilespmem:s22], [sflag:$0x2], $0x800, $0x38;
	[tilespmem:$0x1D800] =	vst v63  }
0x3a: {  	_ =	swait.ge [sflag:s23], $0x800  }
0x3b: {  	[sflag:s23] =	ssyncset.done $0x0  }
0x3c: {  	s28 =	rddreg [dreg:$0x4];
	[sflag:s23] =	ssyncadd.s32 $0xFFFFF800  }
0x3d: {  	[spmem:s28] =	stream.linear.scatter [tilespmem:s22], [sflag:$0x2], $0x800, $0x38;
	[tilespmem:$0x1D800] =	vst v63  }
0x3e: {  	_ =	swait.ge [sflag:s23], $0x800  }
0x3f: {  	[sflag:s23] =	ssyncset.done $0x0  }
0x40: {  	s28 =	rddreg [dreg:$0x5];
	[sflag:s23] =	ssyncadd.s32 $0xFFFFF800  }
0x41: {  	[spmem:s28] =	stream.linear.scatter [tilespmem:s22], [sflag:$0x2], $0x800, $0x38;
	[tilespmem:$0x1D800] =	vst v63  }
0x42: {  	_ =	swait.ge [sflag:s23], $0x800  }
0x43: {  	[sflag:s23] =	ssyncset.done $0x0  }
0x44: {  	s28 =	rddreg [dreg:$0x6];
	[sflag:s23] =	ssyncadd.s32 $0xFFFFF800  }
0x45: {  	[spmem:s28] =	stream.linear.scatter [tilespmem:s22], [sflag:$0x2], $0x800, $0x38;
	[tilespmem:$0x1D800] =	vst v63  }
0x46: {  	_ =	swait.ge [sflag:s23], $0x800  }
0x47: {  	[sflag:s23] =	ssyncset.done $0x0  }
0x48: {  	s28 =	rddreg [dreg:$0x7];
	[sflag:s23] =	ssyncadd.s32 $0xFFFFF800  }
0x49: {  	[spmem:s28] =	stream.linear.scatter [tilespmem:s22], [sflag:$0x2], $0x800, $0x38;
	[tilespmem:$0x1D800] =	vst v63  }
0x4a: {  	_ =	swait.ge [sflag:s23], $0x800  }
0x4b: {  	[sflag:s23] =	ssyncset.done $0x0  }
0x4c: {  	s28 =	rddreg [dreg:$0x8];
	[sflag:s23] =	ssyncadd.s32 $0xFFFFF800  }
0x4d: {  	[spmem:s28] =	stream.linear.scatter [tilespmem:s22], [sflag:$0x2], $0x800, $0x38;
	[tilespmem:$0x1D800] =	vst v63  }
0x4e: {  	_ =	swait.ge [sflag:s23], $0x800  }
0x4f: {  	[sflag:s23] =	ssyncset.done $0x0  }
0x50: {  	s28 =	rddreg [dreg:$0x9];
	[sflag:s23] =	ssyncadd.s32 $0xFFFFF800  }
0x51: {  	[spmem:s28] =	stream.linear.scatter [tilespmem:s22], [sflag:$0x2], $0x800, $0x38;
	[tilespmem:$0x1D800] =	vst v63  }
0x52: {  	_ =	swait.ge [sflag:s23], $0x800  }
0x53: {  	[sflag:s23] =	ssyncset.done $0x0  }
0x54: {  	s28 =	rddreg [dreg:$0xa];
	[sflag:s23] =	ssyncadd.s32 $0xFFFFF800  }
0x55: {  	[spmem:s28] =	stream.linear.scatter [tilespmem:s22], [sflag:$0x2], $0x800, $0x38;
	[tilespmem:$0x1D800] =	vst v63  }
0x56: {  	_ =	swait.ge [sflag:s23], $0x800  }
0x57: {  	[sflag:s23] =	ssyncset.done $0x0  }
0x58: {  	s28 =	rddreg [dreg:$0xb];
	[sflag:s23] =	ssyncadd.s32 $0xFFFFF800  }
0x59: {  	[spmem:s28] =	stream.linear.scatter [tilespmem:s22], [sflag:$0x2], $0x800, $0x38;
	[tilespmem:$0x1D800] =	vst v63  }
0x5a: {  	_ =	swait.ge [sflag:s23], $0x800  }
0x5b: {  	[sflag:s23] =	ssyncset.done $0x0  }
0x5c: {  	s28 =	rddreg [dreg:$0xc];
	[sflag:s23] =	ssyncadd.s32 $0xFFFFF800  }
0x5d: {  	[spmem:s28] =	stream.linear.scatter [tilespmem:s22], [sflag:$0x2], $0x800, $0x38;
	[tilespmem:$0x1D800] =	vst v63  }
0x5e: {  	_ =	swait.ge [sflag:s23], $0x800  }
0x5f: {  	[sflag:s23] =	ssyncset.done $0x0  }
0x60: {  	s28 =	rddreg [dreg:$0xd];
	[sflag:s23] =	ssyncadd.s32 $0xFFFFF800  }
0x61: {  	[spmem:s28] =	stream.linear.scatter [tilespmem:s22], [sflag:$0x2], $0x800, $0x38;
	[tilespmem:$0x1D800] =	vst v63  }
0x62: {  	_ =	swait.ge [sflag:s23], $0x800  }
0x63: {  	[sflag:s23] =	ssyncset.done $0x0  }
0x64: {  	s28 =	rddreg [dreg:$0xe];
	[sflag:s23] =	ssyncadd.s32 $0xFFFFF800  }
0x65: {  	[spmem:s28] =	stream.linear.scatter [tilespmem:s22], [sflag:$0x2], $0x800, $0x38;
	[tilespmem:$0x1D800] =	vst v63  }
0x66: {  	_ =	swait.ge [sflag:s23], $0x800  }
0x67: {  	[sflag:s23] =	ssyncset.done $0x0  }
0x68: {  	s28 =	rddreg [dreg:$0xf];
	[sflag:s23] =	ssyncadd.s32 $0xFFFFF800  }
0x69: {  	[spmem:s28] =	stream.linear.scatter [tilespmem:s22], [sflag:$0x2], $0x800, $0x38;
	[tilespmem:$0x1D800] =	vst v63  }
0x6a: {  	_ =	swait.ge [sflag:s23], $0x800  }
0x6b: {  	[sflag:s23] =	ssyncset.done $0x0  }
0x6c: {  	s28 =	rddreg [dreg:$0x10];
	[sflag:s23] =	ssyncadd.s32 $0xFFFFF800  }
0x6d: {  	[spmem:s28] =	stream.linear.scatter [tilespmem:s22], [sflag:$0x2], $0x800, $0x38;
	[tilespmem:$0x1D800] =	vst v63  }
0x6e: {  	_ =	swait.ge [sflag:s23], $0x800  }
0x6f: {  	[sflag:s23] =	ssyncset.done $0x0  }
0x70: {  	s28 =	rddreg [dreg:$0x11];
	[sflag:s23] =	ssyncadd.s32 $0xFFFFF800  }
0x71: {  	[spmem:s28] =	stream.linear.scatter [tilespmem:s22], [sflag:$0x2], $0x800, $0x38;
	[tilespmem:$0x1D800] =	vst v63  }
0x72: {  	_ =	swait.ge [sflag:s23], $0x800  }
0x73: {  	[sflag:s23] =	ssyncset.done $0x0  }
0x74: {  	s28 =	rddreg [dreg:$0x12];
	[sflag:s23] =	ssyncadd.s32 $0xFFFFF800  }
0x75: {  	[spmem:s28] =	stream.linear.scatter [tilespmem:s22], [sflag:$0x2], $0x800, $0x38;
	[tilespmem:$0x1D800] =	vst v63  }
0x76: {  	_ =	swait.ge [sflag:s23], $0x800  }
0x77: {  	[sflag:s23] =	ssyncset.done $0x0  }
0x78: {  	s28 =	rddreg [dreg:$0x13];
	[sflag:s23] =	ssyncadd.s32 $0xFFFFF800  }
0x79: {  	[spmem:s28] =	stream.linear.scatter [tilespmem:s22], [sflag:$0x2], $0x800, $0x38;
	[tilespmem:$0x1D800] =	vst v63  }
0x7a: {  	_ =	swait.ge [sflag:s23], $0x800  }
0x7b: {  	[sflag:s23] =	ssyncset.done $0x0  }
0x7c: {  	s28 =	rddreg [dreg:$0x18];
	[sflag:s23] =	ssyncadd.s32 $0xFFFFF800  }
0x7d: {  	[spmem:s28] =	stream.linear.scatter [tilespmem:s22], [sflag:$0x2], $0x800, $0x38;
	[tilespmem:$0x1D800] =	vst v63  }
0x7e: {  	_ =	swait.ge [sflag:s23], $0x800  }
0x7f: {  	[sflag:s23] =	ssyncset.done $0x0  }
0x80: {  	s28 =	rddreg [dreg:$0x19];
	[sflag:s23] =	ssyncadd.s32 $0xFFFFF800  }
0x81: {  	[spmem:s28] =	stream.linear.scatter [tilespmem:s22], [sflag:$0x2], $0x800, $0x38;
	[tilespmem:$0x1D800] =	vst v63  }
0x82: {  	_ =	swait.ge [sflag:s23], $0x800  }
0x83: {  	[sflag:s23] =	ssyncset.done $0x0  }
0x84: {  	s28 =	rddreg [dreg:$0x1a];
	[sflag:s23] =	ssyncadd.s32 $0xFFFFF800  }
0x85: {  	[spmem:s28] =	stream.linear.scatter [tilespmem:s22], [sflag:$0x2], $0x800, $0x38;
	[tilespmem:$0x1D800] =	vst v63  }
0x86: {  	_ =	swait.ge [sflag:s23], $0x800  }
0x87: {  	[sflag:s23] =	ssyncset.done $0x0  }
0x88: {  	s28 =	rddreg [dreg:$0x1b];
	[sflag:s23] =	ssyncadd.s32 $0xFFFFF800  }
0x89: {  	[spmem:s28] =	stream.linear.scatter [tilespmem:s22], [sflag:$0x2], $0x800, $0x38;
	[tilespmem:$0x1D800] =	vst v63  }
0x8a: {  	_ =	swait.ge [sflag:s23], $0x800  }
0x8b: {  	[sflag:s23] =	ssyncset.done $0x0  }
0x8c: {  	s28 =	rddreg [dreg:$0x1c];
	[sflag:s23] =	ssyncadd.s32 $0xFFFFF800  }
0x8d: {  	[spmem:s28] =	stream.linear.scatter [tilespmem:s22], [sflag:$0x2], $0x800, $0x38;
	[tilespmem:$0x1D800] =	vst v63  }
0x8e: {  	_ =	swait.ge [sflag:s23], $0x800  }
0x8f: {  	[sflag:s23] =	ssyncset.done $0x0  }
0x90: {  	[sflag:s23] =	ssyncadd.s32 $0xFFFFF800  }
0x91: {  	[spmem:s1] =	stream.linear.scatter [tilespmem:s22], [sflag:$0x2], $0x800, $0x38;
	[tilespmem:$0x1D800] =	vst v63  }
0x92: {  	_ =	swait.ge [sflag:s23], $0x800  }
0x93: {  	[sflag:s23] =	ssyncset.done $0x0  }
0x94: {  	[sflag:s23] =	ssyncadd.s32 $0xFFFFF800  }
0x95: {  	[spmem:s0] =	stream.linear.scatter [tilespmem:s22], [sflag:$0x2], $0x800, $0x38;
	[tilespmem:$0x1D800] =	vst v63  }
0x96: {  	_ =	swait.ge [sflag:s23], $0x800  }
0x97: {  	[sflag:s23] =	ssyncset.done $0x0  }
0x98: {  	[sflag:s23] =	ssyncadd.s32 $0xFFFFF800  }
0x99: {  	[spmem:s6] =	stream.linear.scatter [tilespmem:s22], [sflag:$0x2], $0x800, $0x38;
	[tilespmem:$0x1D800] =	vst v63  }
0x9a: {  	_ =	swait.ge [sflag:s23], $0x800  }
0x9b: {  	[sflag:s23] =	ssyncset.done $0x0  }
0x9c: {  	[sflag:s23] =	ssyncadd.s32 $0xFFFFF800  }
0x9d: {  	[spmem:s7] =	stream.linear.scatter [tilespmem:s22], [sflag:$0x2], $0x800, $0x38;
	[tilespmem:$0x1D800] =	vst v63  }
0x9e: {  	_ =	swait.ge [sflag:s23], $0x800  }
0x9f: {  	[sflag:s23] =	ssyncset.done $0x0  }
0xa0: {  	[sflag:s23] =	ssyncadd.s32 $0xFFFFF800  }
0xa1: {  	[spmem:s8] =	stream.linear.scatter [tilespmem:s22], [sflag:$0x2], $0x800, $0x38;
	[tilespmem:$0x1D800] =	vst v63  }
0xa2: {  	_ =	swait.ge [sflag:s23], $0x800  }
0xa3: {  	[sflag:s23] =	ssyncset.done $0x0  }
0xa4: {  	[sflag:s23] =	ssyncadd.s32 $0xFFFFF800  }
0xa5: {  	[spmem:s9] =	stream.linear.scatter [tilespmem:s22], [sflag:$0x2], $0x800, $0x38;
	[tilespmem:$0x1D800] =	vst v63  }
0xa6: {  	_ =	swait.ge [sflag:s23], $0x800  }
0xa7: {  	[sflag:s23] =	ssyncset.done $0x0  }
0xa8: {  	[sflag:s23] =	ssyncadd.s32 $0xFFFFF800  }
0xa9: {  	[spmem:s10] =	stream.linear.scatter [tilespmem:s22], [sflag:$0x2], $0x800, $0x38;
	[tilespmem:$0x1D800] =	vst v63  }
0xaa: {  	_ =	swait.ge [sflag:s23], $0x800  }
0xab: {  	[sflag:s23] =	ssyncset.done $0x0  }
0xac: {  	[sflag:s23] =	ssyncadd.s32 $0xFFFFF800  }
0xad: {  	[spmem:s11] =	stream.linear.scatter [tilespmem:s22], [sflag:$0x2], $0x800, $0x38;
	[tilespmem:$0x1D800] =	vst v63  }
0xae: {  	_ =	swait.ge [sflag:s23], $0x800  }
0xaf: {  	[sflag:s23] =	ssyncset.done $0x0  }
0xb0: {  	[sflag:s23] =	ssyncadd.s32 $0xFFFFF800  }
0xb1: {  	[spmem:s12] =	stream.linear.scatter [tilespmem:s22], [sflag:$0x2], $0x800, $0x38;
	[tilespmem:$0x1D800] =	vst v63  }
0xb2: {  	_ =	swait.ge [sflag:s23], $0x800  }
0xb3: {  	[sflag:s23] =	ssyncset.done $0x0  }
0xb4: {  	[sflag:s23] =	ssyncadd.s32 $0xFFFFF800  }
0xb5: {  	[spmem:s13] =	stream.linear.scatter [tilespmem:s22], [sflag:$0x2], $0x800, $0x38;
	[tilespmem:$0x1D800] =	vst v63  }
0xb6: {  	_ =	swait.ge [sflag:s23], $0x800  }
0xb7: {  	[sflag:s23] =	ssyncset.done $0x0  }
0xb8: {  	[sflag:s23] =	ssyncadd.s32 $0xFFFFF800  }
0xb9: {  	[spmem:s14] =	stream.linear.scatter [tilespmem:s22], [sflag:$0x2], $0x800, $0x38;
	[tilespmem:$0x1D800] =	vst v63  }
0xba: {  	_ =	swait.ge [sflag:s23], $0x800  }
0xbb: {  	[sflag:s23] =	ssyncset.done $0x0  }
0xbc: {  	[sflag:s23] =	ssyncadd.s32 $0xFFFFF800  }
0xbd: {  	[spmem:s15] =	stream.linear.scatter [tilespmem:s22], [sflag:$0x2], $0x800, $0x38;
	[tilespmem:$0x1D800] =	vst v63  }
0xbe: {  	_ =	swait.ge [sflag:s23], $0x800  }
0xbf: {  	[sflag:s23] =	ssyncset.done $0x0  }
0xc0: {  	[sflag:s23] =	ssyncadd.s32 $0xFFFFF800  }
0xc1: {  	[spmem:s16] =	stream.linear.scatter [tilespmem:s22], [sflag:$0x2], $0x800, $0x38;
	[tilespmem:$0x1D800] =	vst v63  }
0xc2: {  	_ =	swait.ge [sflag:s23], $0x800  }
0xc3: {  	[sflag:s23] =	ssyncset.done $0x0  }
0xc4: {  	[sflag:s23] =	ssyncadd.s32 $0xFFFFF800  }
0xc5: {  	[spmem:s17] =	stream.linear.scatter [tilespmem:s22], [sflag:$0x2], $0x800, $0x38;
	[tilespmem:$0x1D800] =	vst v63  }
0xc6: {  	_ =	swait.ge [sflag:s23], $0x800  }
0xc7: {  	[sflag:s23] =	ssyncset.done $0x0  }
0xc8: {  	[sflag:s23] =	ssyncadd.s32 $0xFFFFF800  }
0xc9: {  	[spmem:s18] =	stream.linear.scatter [tilespmem:s22], [sflag:$0x2], $0x800, $0x38;
	[tilespmem:$0x1D800] =	vst v63  }
0xca: {  	_ =	swait.ge [sflag:s23], $0x800  }
0xcb: {  	[sflag:s23] =	ssyncset.done $0x0  }
0xcc: {  	[sflag:s23] =	ssyncadd.s32 $0xFFFFF800  }
0xcd: {  	[spmem:s19] =	stream.linear.scatter [tilespmem:s22], [sflag:$0x2], $0x800, $0x38;
	[tilespmem:$0x1D800] =	vst v63  }
0xce: {  	_ =	swait.ge [sflag:s23], $0x800  }
0xcf: {  	[sflag:s23] =	ssyncset.done $0x0  }
0xd0: {  	[sflag:s23] =	ssyncadd.s32 $0xFFFFF800  }
0xd1: {  	[spmem:s20] =	stream.linear.scatter [tilespmem:s22], [sflag:$0x2], $0x800, $0x38;
	[tilespmem:$0x1D800] =	vst v63  }
0xd2: {  	_ =	swait.ge [sflag:s23], $0x800  }
0xd3: {  	[sflag:s23] =	ssyncset.done $0x0  }
0xd4: {  	[sflag:s23] =	ssyncadd.s32 $0xFFFFF800  }
0xd5: {  	[spmem:s21] =	stream.linear.scatter [tilespmem:s22], [sflag:$0x2], $0x800, $0x38;
	[tilespmem:$0x1D800] =	vst v63  }
0xd6: {  	_ =	swait.ge [sflag:s23], $0x800  }
0xd7: {  	[sflag:s23] =	ssyncset.done $0x0  }
0xd8: {  	[sflag:s23] =	ssyncadd.s32 $0xFFFFF800  }
0xd9: {  	[bflag:$0x0] =	sbarrier.arrive $0xFFFF  }
0xda: {  	s28 =	simm.s32 $0x0;
	s29 =	rddreg [dreg:$0x14]  }
0xdb: {  	[tilespmem:s28], [sflag:$0x2] =	stream.linear.gather [hbm4b:s29+s28], $0x2800, $0x38;
	[tilespmem:$0x1D800] =	vst v63  }
0xdc: {  	_ =	swait.ge [sflag:s23], $0x2800  }
0xdd: {  	[sflag:s23] =	ssyncset.done $0x0  }
0xde: {  	s30 =	simm.s32 $0x2800;
	s29 =	rddreg [dreg:$0x15];
	[sflag:s23] =	ssyncadd.s32 $0xFFFFD800  }
0xdf: {  	[tilespmem:s30], [sflag:$0x2] =	stream.linear.gather [hbm4b:s29+s28], $0x2800, $0x38;
	[tilespmem:$0x1D800] =	vst v63  }
0xe0: {  	_ =	swait.ge [sflag:s23], $0x2800  }
0xe1: {  	[sflag:s23] =	ssyncset.done $0x0  }
0xe2: {  	s28 =	simm.s32 $0x0;
	[sflag:s23] =	ssyncadd.s32 $0xFFFFD800  }
0xe3: {  	[tilespmem:s25], [sflag:$0x1] =	stream.indirect.gather [hbm4b:s2+s24], $0x80, s28, s24, $0xb8;
	[tilespmem:$0x1D800] =	vst v63  }
0xe4: {  	_ =	swait.ge [sflag:s26], $0x4000  }
0xe5: {  	[sflag:s26] =	ssyncset.done $0x0  }
0xe6: {  	s28 =	simm.s32 $0x2800;
	[sflag:s26] =	ssyncadd.s32 $0xFFFFC000  }
0xe7: {  	[spmem:s3] =	stream.indirect.scatter.add.f32 [tilespmem:s25], [sflag:$0x2], $0x80, s28, s24, $0xb8;
	[tilespmem:$0x1D800] =	vst v63  }
0xe8: {  	_ =	swait.ge [sflag:s23], $0x4000  }
0xe9: {  	s29 =	simm.s32 $0x400;
	s28 =	simm.s32 $0x200;
	[sflag:s23] =	ssyncset.done $0x0  }
.LBB2_4:
0xea: {  	s30 =	sshra.s32 s28, $0x2  }
0xeb: {  	[sflag:s23] =	ssyncadd.s32 $0xFFFFC000;
	s28 =	smov.u32 s29;
	s31 =	sadd.s32 $0x200, s29  }
0xec: {  	[tilespmem:s25], [sflag:$0x1] =	stream.indirect.gather [hbm4b:s2+s24], $0x80, s30, s24, $0xb8;
	[tilespmem:$0x1D800] =	vst v63  }
0xed: {  	p0 =	sne.s32 s29, $0x9E00;
	_ =	swait.ge [sflag:s26], $0x4000  }
.Ltmp1:
0xee: {  	[sflag:s26] =	ssyncset.done $0x0;
	(pc) =	sbr.rel @p0 .LBB2_4-.Ltmp1, $4  }
0xef: {  	s29 =	sadd.s32 $0x2800, s30;
	[sflag:s26] =	ssyncadd.s32 $0xFFFFC000  }
0xf0: {  	[spmem:s3] =	stream.indirect.scatter.add.f32 [tilespmem:s25], [sflag:$0x2], $0x80, s29, s24, $0xb8;
	[tilespmem:$0x1D800] =	vst v63  }
0xf1: {  	_ =	swait.ge [sflag:s23], $0x4000  }
0xf2: {  	s29 =	smov.u32 s31;
	[sflag:s23] =	ssyncset.done $0x0  }
0xf3: {  	s28 =	sshra.s32 s28, $0x2;
	[sflag:s23] =	ssyncadd.s32 $0xFFFFC000  }
0xf4: {  	[tilespmem:s25], [sflag:$0x1] =	stream.indirect.gather [hbm4b:s2+s24], $0x80, s28, s24, $0xb8;
	[tilespmem:$0x1D800] =	vst v63  }
0xf5: {  	_ =	swait.ge [sflag:s26], $0x4000  }
0xf6: {  	[sflag:s26] =	ssyncset.done $0x0  }
0xf7: {  	s28 =	sadd.s32 $0x2800, s28;
	[sflag:s26] =	ssyncadd.s32 $0xFFFFC000  }
0xf8: {  	[spmem:s3] =	stream.indirect.scatter.add.f32 [tilespmem:s25], [sflag:$0x2], $0x80, s28, s24, $0xb8;
	[tilespmem:$0x1D800] =	vst v63  }
0xf9: {  	_ =	swait.ge [sflag:s23], $0x4000  }
0xfa: {  	[sflag:s23] =	ssyncset.done $0x0  }
0xfb: {  	s30 =	stileid.u32;
	[sflag:s23] =	ssyncadd.s32 $0xFFFFC000  }
0xfc: {  	s28 =	sshll.u32 s30, $0x6;
	[bflag:$0x0] =	sbarrier.arrive $0xFFFF  }
0xfd: {  	s29 =	sshrl.u32 s5, $0x3;
	s28 =	sor.u32 $0x1C02, s28;
	s30 =	rddreg [dreg:$0x16]  }
0xfe: {  	[hbm:s30], [sflag:s28] =	dma.local [spmem:s29], $0x2800  }
0xff: {  	_ =	swait.ge [sflag:s23], $0x2800  }
0x100: {  	s4 =	sadd.s32 $0x1, s4;
	s31 =	rddreg [dreg:$0x17]  }
0x101: {  	p0 =	sne.s32 s4, s31  }
.Ltmp2:
0x102: {  	_ = 	snop;
	(pc) =	sbr.rel @p0 .LBB2_1-.Ltmp2, $3  }
0x103: {  	_ =	sdelay $0x1  }
0x104: {  	[sflag:s23] =	ssyncset.done $0x0  }
0x105: {  	[sflag:s23] =	ssyncadd.s32 $0xFFFFD800  }
0x106: {  	_ =	sfence.sel $0x180000  }
0x107: {  	[bflag:$0x0] =	sbarrier.arrive $0xFFFF  }
0x108: {  	_ =	strace $0x9000004A  }
0x109: {  	s0 =	stileid.u32;
	[bflag:$0x2] =	sbarrier.arrive $0xFFFF  }
0x10a: {  	p0 =	sne.s32 s0, $0x0;
	s0 =	rddreg [dreg:$0x3]  }
0x10b: {  	s0 =	sadd.s32 @!p0 $0x100000, s0  }
0x10c: {  	[sflag:s0] =	ssyncadd.tile.s32 @!p0 $0x1;
	_ =	shalt  }
.Lfunc_end2:
_tile_overlayer_lowered:
.L_overlay_start_2:
0x10d: {  	(tag) =	ssettag $0x2  }
0x10e: {  	s0 =	rddreg [dreg:$0x0];
	s2 =	stileid.u32  }
0x10f: {  	s1 =	rddreg [dreg:$0x1];
	p0 =	sne.s32 s2, $0x0  }
0x110: {  	s3 =	rddreg [dreg:$0x2];
	[bflag:$0x3] =	sbarrier.arrive $0xFFFF;
	s2 =	simm.s32 @!p0 $0x1C02  }
0x111: {  	[timem:s3], [sflag:s2] =	dma.local @!p0 [hbm:s0], s1  }
0x112: {  	s0 =	simm.s32 @!p0 $0x2  }
0x113: {  	_ =	swait.ge @!p0 [sflag:s0], s1  }
0x114: {  	s1 =	ssub.s32 @!p0 $0x0, s1;
	[sflag:s0] =	ssyncset.done @!p0 $0x0  }
0x115: {  	[sflag:s0] =	ssyncadd.s32 @!p0 s1  }
0x116: {  	[bflag:$0x3] =	sbarrier.arrive $0xFFFF  }
0x117: {  	_ =	shalt  }

// kernel: kernel.15.cloned.1.call-start
scs
__scs_entry_jumppad:
0x0: {  	(pc) =	sbr.rel $0x88, $3  }
0x1: {  	(tag) =	ssettag $0x0;
	lr =	simm.s32 $0x1  }
0x2: {  	[smem:$0x3F99] =	sst lr;
	_ =	strace $0xD0000000  }
0x3: {  	_ = 	snop  }
0x4: {  	_ = 	snop  }
0x5: {  	_ = 	snop  }
0x6: {  	_ = 	snop  }
0x7: {  	_ = 	snop  }
__scs_overlays_trampoline_lowered:
0x8: {  	[smem:$0x3FA8] =	sst s0  }
0x9: {  	[smem:$0x3FA9] =	sst s1  }
0xa: {  	[smem:$0x3FAA] =	sst s2  }
0xb: {  	[smem:$0x3FAB] =	sst s3  }
0xc: {  	[smem:$0x3FAC] =	sst s4  }
0xd: {  	[smem:$0x3FAD] =	sst s5  }
0xe: {  	[smem:$0x3FAE] =	sst s6  }
0xf: {  	[smem:$0x3FAF] =	sst s7  }
0x10: {  	[smem:$0x3FB0] =	sst s8  }
0x11: {  	[smem:$0x3FB1] =	sst s9;
	s0 =	simm.s32 @!p0 $0x0  }
0x12: {  	s1 =	sld [smem:$0x3F97];
	s0 =	simm.s32 @p0 $0x1  }
0x13: {  	[smem:$0x3FB2] =	sst s0;
	s0 =	simm.s32 @!p1 $0x0  }
0x14: {  	s2 =	sld [smem:$0x3F96];
	s0 =	simm.s32 @p1 $0x1  }
0x15: {  	[smem:$0x3FB3] =	sst s0;
	s0 =	simm.s32 @!p2 $0x0  }
0x16: {  	s3 =	sld [smem:$0x3FDB];
	s0 =	simm.s32 @p2 $0x1  }
0x17: {  	s4 =	simm.s32 $0x1BF5;
	[smem:$0x3FB5] =	sst s0  }
0x18: {  	s0 =	sld [smem:$0x3F98];
	_ =	swait.ge [sflag:s4], $0x0  }
0x19: {  	s7 =	sld [smem:$0x3F99]  }
0x1a: {  	s8 =	sadd.s32 $0xFFFFE003, lr  }
0x1b: {  	s9 =	sadd.s32 $0xFFFFFEF7, lr;
	s5 =	simm.s32 $0xFFFFFFFF;
	p2 =	slt.u32 s8, $0xFFFFF086  }
0x1c: {  	p1 =	slt.u32 s9, $0xF7A;
	s5 =	simm.s32 @!p2 $0x0  }
0x1d: {  	s5 =	simm.s32 @p1 $0x1;
	p0 =	seq.s32 s7, s2  }
0x1e: {  	s7 =	smul.u32 @!p0 $0xF7A, s2;
	p2 =	seq.s32 @!p0 s5, $0x0  }
0x1f: {  	s9 =	smul.u32 $0xF7A, s1;
	s8 =	simm.s32 @!p0 $0x1BF5;
	p2 =	por !p2, p0  }
0x20: {  	[sflag:s8] =	ssyncset.s32 @!p0 $0xFFFFF086;
	s6 =	sadd.s32 @!p0 s3, s7;
	s7 =	simm.s32 @!p0 $0x108  }
0x21: {  	s3 =	sadd.s32 s3, s9;
	s6 =	sadd.s32 @!p0 $0x88, s6;
	s7 =	simm.s32 @p2 $0x1082  }
0x22: {  	[simem:s7], [sflag:s8] =	dma.local @!p0 [hbm:s6], $0xF7A  }
0x23: {  	s9 =	sor.u32 $0xD0000000, s2;
	s6 =	simm.s32 $0x108;
	_ =	swait.ge @!p0 [sflag:s8], $0x0  }
0x24: {  	s3 =	sadd.s32 $0x88, s3;
	s6 =	simm.s32 @!p1 $0x1082;
	[sflag:s4] =	ssyncset.s32 $0xFFFFF086  }
0x25: {  	[simem:s6], [sflag:s4] =	dma.local [hbm:s3], $0xF7A  }
0x26: {  	[smem:$0x3F99] =	sst s1;
	(tag) =	ssettag s2;
	_ =	strace s9  }
0x27: {  	s1 =	sld [smem:$0x3FA9]  }
0x28: {  	s2 =	sld [smem:$0x3FAA]  }
0x29: {  	s4 =	sld [smem:$0x3FAC]  }
0x2a: {  	p0 =	seq.s32 s5, $0x0;
	s5 =	sld [smem:$0x3FAD]  }
0x2b: {  	s6 =	sld [smem:$0x3FAE]  }
0x2c: {  	s7 =	sld [smem:$0x3FAF]  }
0x2d: {  	s3 =	simm.s32 $0x108;
	s8 =	sld [smem:$0x3FB0]  }
0x2e: {  	s3 =	simm.s32 @!p0 $0x1082;
	s9 =	sld [smem:$0x3FB1]  }
0x2f: {  	lr =	sadd.s32 s0, s3;
	s0 =	sld [smem:$0x3FA8]  }
0x30: {  	s3 =	sld [smem:$0x3FAB]  }
0x31: {  	[smem:$0x3FB4] =	sst s10  }
0x32: {  	s10 =	sld [smem:$0x3FB2];
	_ =	sdelay $0x3  }
0x33: {  	p0 =	seq.s32 s10, $0x1;
	s10 =	sld [smem:$0x3FB4];
	_ =	sdelay $0x3  }
0x34: {  	[smem:$0x3FB4] =	sst s10  }
0x35: {  	s10 =	sld [smem:$0x3FB3];
	_ =	sdelay $0x3  }
0x36: {  	p1 =	seq.s32 s10, $0x1;
	s10 =	sld [smem:$0x3FB4];
	_ =	sdelay $0x3  }
0x37: {  	[smem:$0x3FB4] =	sst s10  }
0x38: {  	s10 =	sld [smem:$0x3FB5]  }
0x39: {  	_ = 	snop;
	(pc) =	sbr.ind lr, $3  }
0x3a: {  	_ = 	snop  }
0x3b: {  	_ = 	snop  }
0x3c: {  	p2 =	seq.s32 s10, $0x1;
	s10 =	sld [smem:$0x3FB4]  }
0x3d: {  	_ =	shalt  }
0x3e: {  	_ =	shalt  }
0x3f: {  	_ =	shalt  }
0x40: {  	_ =	shalt  }
0x41: {  	_ =	shalt  }
0x42: {  	_ =	shalt  }
0x43: {  	_ =	shalt  }
0x44: {  	_ =	shalt  }
0x45: {  	_ =	shalt  }
0x46: {  	_ =	shalt  }
0x47: {  	_ =	shalt  }
0x48: {  	_ =	shalt  }
0x49: {  	_ =	shalt  }
0x4a: {  	_ =	shalt  }
0x4b: {  	_ =	shalt  }
0x4c: {  	_ =	shalt  }
0x4d: {  	_ =	shalt  }
0x4e: {  	_ =	shalt  }
0x4f: {  	_ =	shalt  }
0x50: {  	_ =	shalt  }
0x51: {  	_ =	shalt  }
0x52: {  	_ =	shalt  }
0x53: {  	_ =	shalt  }
0x54: {  	_ =	shalt  }
0x55: {  	_ =	shalt  }
0x56: {  	_ =	shalt  }
0x57: {  	_ =	shalt  }
0x58: {  	_ =	shalt  }
0x59: {  	_ =	shalt  }
0x5a: {  	_ =	shalt  }
0x5b: {  	_ =	shalt  }
0x5c: {  	_ =	shalt  }
0x5d: {  	_ =	shalt  }
0x5e: {  	_ =	shalt  }
0x5f: {  	_ =	shalt  }
0x60: {  	_ =	shalt  }
0x61: {  	_ =	shalt  }
0x62: {  	_ =	shalt  }
0x63: {  	_ =	shalt  }
0x64: {  	_ =	shalt  }
0x65: {  	_ =	shalt  }
0x66: {  	_ =	shalt  }
0x67: {  	_ =	shalt  }
0x68: {  	_ =	shalt  }
0x69: {  	_ =	shalt  }
0x6a: {  	_ =	shalt  }
0x6b: {  	_ =	shalt  }
0x6c: {  	_ =	shalt  }
0x6d: {  	_ =	shalt  }
0x6e: {  	_ =	shalt  }
0x6f: {  	_ =	shalt  }
0x70: {  	_ =	shalt  }
0x71: {  	_ =	shalt  }
0x72: {  	_ =	shalt  }
0x73: {  	_ =	shalt  }
0x74: {  	_ =	shalt  }
0x75: {  	_ =	shalt  }
0x76: {  	_ =	shalt  }
0x77: {  	_ =	shalt  }
0x78: {  	_ =	shalt  }
0x79: {  	_ =	shalt  }
0x7a: {  	_ =	shalt  }
0x7b: {  	_ =	shalt  }
0x7c: {  	_ =	shalt  }
0x7d: {  	_ =	shalt  }
0x7e: {  	_ =	shalt  }
0x7f: {  	_ =	shalt  }
0x80: {  	_ =	shalt  }
0x81: {  	_ =	shalt  }
0x82: {  	_ =	shalt  }
0x83: {  	_ =	shalt  }
0x84: {  	_ =	shalt  }
0x85: {  	_ =	shalt  }
0x86: {  	_ =	shalt  }
0x87: {  	_ =	shalt  }
.Lfunc_end0:
.L_simem_size_0:
called_computation.2_lowered:
.L_overlay_start_0:
0x88: {  	s2 =	sld [smem:$0x3FD9]  }
0x89: {  	s3 =	sld [smem:$0x3FFE];
	_ =	sdelay $0x1  }
0x8a: {  	s1 =	srdreg.scid  }
0x8b: {  	s0 =	sand.u32 $0x1, s1  }
0x8c: {  	s17 =	sshll.u32 s0, $0xA;
	s2 =	sadd.s32 s3, s2  }
0x8d: {  	s2 =	sadd.s32 s2, s17  }
0x8e: {  	[smem:$0x3FC0] =	sst s2  }
0x8f: {  	_ = 	snop  }
0x90: {  	s2 =	sld [smem:$0x3FD0];
	(tm) =	ssettm $0x1  }
0x91: {  	s18 =	sld [smem:$0x3FFB];
	_ =	sdelay $0x3  }
0x92: {  	_ =	strace s18  }
0x93: {  	s3 =	sld [smem:$0x3FFC];
	_ =	sdelay $0x3  }
0x94: {  	_ =	strace s3  }
0x95: {  	s3 =	sld [smem:$0x3FFD];
	_ =	sdelay $0x3  }
0x96: {  	_ =	strace s3  }
0x97: {  	_ =	strace $0x8FFFFFFF  }
0x98: {  	s19 =	sld [smem:$0x3FDB];
	_ =	sdelay $0x1  }
0x99: {  	s4 =	simm.s32 $_scs_section_size  }
0x9a: {  	s5 =	simm.s32 $_size__tile_overlayer_lowered;
	s6 =	simm.s32 $_tile_overlayer_lowered  }
0x9b: {  	s22 =	simm.s32 $0x1BFF;
	s21 =	sshll.u32 s6, $0x1;
	s3 =	sadd.s32 s4, s19  }
0x9c: {  	s7 =	simm.s32 $0x0;
	s20 =	sshll.u32 s5, $0x1;
	s5 =	sadd.s32 s21, s3  }
0x9d: {  	[timem:s7], [sflag:s22] =	dma.local [hbm:s5], s20  }
0x9e: {  	_ =	swait.ge [sflag:s22], s20  }
0x9f: {  	s4 =	ssub.s32 $0x0, s20;
	[sflag:s22] =	ssyncset.done $0x0  }
0xa0: {  	[sflag:s22] =	ssyncadd.s32 s4;
	_ =	sdelay $0x1  }
0xa1: {  	s23 =	simm.s32 $0x1B8B  }
0xa2: {  	_ =	swait.ge [sflag:s23], $0x1  }
0xa3: {  	[sflag:s23] =	ssyncset.done $0x0  }
0xa4: {  	s25 =	simm.s32 $0x1B8E;
	s24 =	sld [smem:$0x3FFE];
	[sflag:s23] =	ssyncadd.s32 $0xFFFFFFFF  }
0xa5: {  	s26 =	simm.s32 $execute0_lowered;
	[smem:$0x3FD2] =	sst s25  }
0xa6: {  	s5 =	sshll.u32 s26, $0x1;
	_ =	strace $0x8000004C;
	[dreg:$0x1] =	wrdreg $0xFFFFFFFF  }
0xa7: {  	s28 =	simm.s32 $_size_execute0_lowered;
	s3 =	sadd.s32 s3, s5;
	[dreg:$0x0] =	wrdreg $0x0  }
0xa8: {  	s5 =	sshll.u32 s28, $0x1;
	[dreg:$0x2] =	wrdreg s3  }
0xa9: {  	[dreg:$0x3] =	wrdreg s5  }
0xaa: {  	[dreg:$0x4] =	wrdreg $0xC0  }
0xab: {  	_ =	task [dreg:s7], $0x5FFFF  }
0xac: {  	[dreg:$0x1] =	wrdreg $0xFFFFFFFF  }
0xad: {  	[dreg:$0x0] =	wrdreg $0x60  }
0xae: {  	[dreg:$0x2] =	wrdreg s2  }
0xaf: {  	[dreg:$0x3] =	wrdreg s24  }
0xb0: {  	[dreg:$0x4] =	wrdreg $0x98000  }
0xb1: {  	[dreg:$0x5] =	wrdreg $0x9  }
0xb2: {  	_ =	task.clear_ibuf [dreg:s7], $0x6FFFF;
	_ =	strace $0x9000004C  }
0xb3: {  	s29 =	simm.s32 $0x9;
	_ =	strace $0x8000004E  }
0xb4: {  	_ =	swait.ge [sflag:s29], $0x1  }
0xb5: {  	[sflag:s29] =	ssyncadd.s32 $0xFFFFFFFF  }
0xb6: {  	_ =	strace $0x9000004E  }
0xb7: {  	_ =	sfence  }
0xb8: {  	s30 =	sld [smem:$0x0];
	_ =	sdelay $0x2  }
0xb9: {  	s31 =	sshll.u32 s1, $0xD;
	s1 =	sshrl.u32 s1, $0x2  }
0xba: {  	s3 =	sand.u32 $0x4000, s31;
	s1 =	sadd.s32 s1, s30  }
0xbb: {  	s0 =	sor.u32 s3, s0;
	s1 =	sshll.u32 s1, $0x11  }
0xbc: {  	s0 =	sor.u32 s1, s0  }
0xbd: {  	s0 =	sadd.s32 $0x8F2B, s0  }
0xbe: {  	[sflag:s0] =	ssyncadd.remote.s32 $0x1  }
0xbf: {  	_ =	sfence.sel $0xFFFF  }
0xc0: {  	[dreg:$0x0] =	wrdreg $0xFFFFFFFF;
	(pc) =	sbr.abs _section_cstart, $3  }
0xc1: {  	[dreg:$0x1] =	wrdreg $0xFFFFFFFF  }
0xc2: {  	_ =	task.clear_ibuf [dreg:s7], $0x2FFFF;
	_ =	strace $0x9FFFFFFF  }
0xc3: {  	(tm) =	ssettm $0x7FFFFFFF  }
tec
execute0_lowered:
.L_overlay_start_1:
0x0: {  	(tag) =	ssettag $0x1  }
0x1: {  	s0 =	srdreg.scid;
	s2 =	rddreg [dreg:$0x0]  }
0x2: {  	s8 =	stileid.u32;
	s6 =	rddreg [dreg:$0x1]  }
0x3: {  	s3 =	rddreg [dreg:$0x2];
	s0 =	sand.u32 $0x1, s0;
	s7 =	smul.u32 $0x14000, s8  }
0x4: {  	s4 =	simm.s32 $0x0;
	s1 =	sshll.u32 s0, $0x4;
	s5 =	smul.u32 $0x140000, s0  }
0x5: {  	s0 =	ssub.s32 $0x2, s0;
	s1 =	sor.u32 s8, s1;
	s8 =	smul.u32 $0x50000, s8  }
0x6: {  	[smem:$0x7FF] =	sst s4;
	s9 =	sshrl.u32 s0, $0x1  }
0x7: {  	s5 =	sadd.s32 s7, s5;
	s0 =	ssub.s32 s0, s9;
	s30 =	sshrl.u32 s8, $0x2  }
0x8: {  	s31 =	sshrl.u32 s5, $0x3;
	s0 =	smax.u32 s0, $0x1;
	s5 =	sadd.s32 s30, s3  }
0x9: {  	_ =	strace $0x8000004D;
	[dreg:$0x17] =	wrdreg s0;
	s7 =	sadd.s32 $0x800, s5  }
0xa: {  	s9 =	sadd.s32 $0x1000, s5;
	[dreg:$0x4] =	wrdreg s7  }
0xb: {  	s10 =	sadd.s32 $0x1800, s5;
	[dreg:$0x5] =	wrdreg s9  }
0xc: {  	s11 =	sadd.s32 $0x2000, s5;
	[dreg:$0x6] =	wrdreg s10  }
0xd: {  	s12 =	sadd.s32 $0x2800, s5;
	[dreg:$0x7] =	wrdreg s11  }
0xe: {  	s13 =	sadd.s32 $0x3000, s5;
	[dreg:$0x8] =	wrdreg s12  }
0xf: {  	s14 =	sadd.s32 $0x3800, s5;
	[dreg:$0x9] =	wrdreg s13  }
0x10: {  	s15 =	sadd.s32 $0x4000, s5;
	[dreg:$0xa] =	wrdreg s14  }
0x11: {  	s16 =	sadd.s32 $0x4800, s5;
	[dreg:$0xb] =	wrdreg s15  }
0x12: {  	s17 =	sadd.s32 $0x5000, s5;
	[dreg:$0xc] =	wrdreg s16  }
0x13: {  	s18 =	sadd.s32 $0x5800, s5;
	[dreg:$0xd] =	wrdreg s17  }
0x14: {  	s19 =	sadd.s32 $0x6000, s5;
	[dreg:$0xe] =	wrdreg s18  }
0x15: {  	s20 =	sadd.s32 $0x6800, s5;
	[dreg:$0xf] =	wrdreg s19  }
0x16: {  	s1 =	smul.u32 $0x500, s1;
	s21 =	sadd.s32 $0x7000, s5;
	[dreg:$0x10] =	wrdreg s20  }
0x17: {  	s22 =	sadd.s32 $0x7800, s5;
	[dreg:$0x11] =	wrdreg s21  }
0x18: {  	s1 =	sadd.s32 s1, s6;
	s23 =	sadd.s32 $0x8000, s5;
	[dreg:$0x12] =	wrdreg s22  }
0x19: {  	s24 =	sadd.s32 $0x5D000, s1;
	[dreg:$0x13] =	wrdreg s23  }
0x1a: {  	s6 =	sadd.s32 s31, s6;
	s1 =	sadd.s32 $0x3000, s1;
	[dreg:$0x14] =	wrdreg s24  }
0x1b: {  	s25 =	sadd.s32 $0xD000, s6;
	[dreg:$0x15] =	wrdreg s1  }
0x1c: {  	s26 =	sadd.s32 $0x8800, s5;
	[dreg:$0x16] =	wrdreg s25  }
0x1d: {  	s28 =	sadd.s32 $0x9000, s5;
	[dreg:$0x18] =	wrdreg s26  }
0x1e: {  	s29 =	sadd.s32 $0x9800, s5;
	s30 =	sadd.s32 $0xA000, s5;
	[dreg:$0x19] =	wrdreg s28  }
0x1f: {  	s31 =	sadd.s32 $0xA800, s5;
	s0 =	sadd.s32 $0xB800, s5;
	[dreg:$0x1a] =	wrdreg s29  }
0x20: {  	s6 =	sadd.s32 $0xC000, s5;
	s8 =	sadd.s32 $0xD000, s5;
	[dreg:$0x1b] =	wrdreg s30  }
0x21: {  	[dreg:$0x1c] =	wrdreg s31;
	s1 =	sadd.s32 $0xB000, s5;
	s7 =	sadd.s32 $0xC800, s5  }
0x22: {  	s9 =	sadd.s32 $0xD800, s5;
	s10 =	sadd.s32 $0xE000, s5;
	s11 =	sadd.s32 $0xE800, s5  }
0x23: {  	s12 =	sadd.s32 $0xF000, s5;
	s13 =	sadd.s32 $0xF800, s5;
	s14 =	sadd.s32 $0x10000, s5  }
0x24: {  	s15 =	sadd.s32 $0x10800, s5;
	s16 =	sadd.s32 $0x11000, s5;
	s17 =	sadd.s32 $0x11800, s5  }
0x25: {  	s18 =	sadd.s32 $0x12000, s5;
	s19 =	sadd.s32 $0x12800, s5;
	s20 =	sadd.s32 $0x13000, s5  }
0x26: {  	s21 =	sadd.s32 $0x13800, s5;
	s22 =	simm.s32 $0x9000;
	s23 =	simm.s32 $0x2  }
0x27: {  	v0 =	vimm.f32 $0.0e+00;
	s24 =	simm.s32 $0x80;
	s25 =	simm.s32 $0x5000;
	s26 =	simm.s32 $0x1  }
.LBB2_1:
0x28: {  	s28 =	simm.s32 $0x0;
	s29 =	simm.s32 $0x200  }
.LBB2_2:
0x29: {  	p0 =	sne.s32 s29, $0x1E00;
	[tilespmem:s28+$0x9070] =	vst v0  }
0x2a: {  	[tilespmem:s28+$0x9000] =	vst v0  }
0x2b: {  	[tilespmem:s28+$0x9010] =	vst v0  }
.Ltmp0:
0x2c: {  	[tilespmem:s28+$0x9020] =	vst v0;
	(pc) =	sbr.rel @p0 .LBB2_2-.Ltmp0, $4  }
0x2d: {  	[tilespmem:s28+$0x9030] =	vst v0  }
0x2e: {  	[tilespmem:s28+$0x9040] =	vst v0  }
0x2f: {  	[tilespmem:s28+$0x9050] =	vst v0  }
0x30: {  	[tilespmem:s28+$0x9060] =	vst v0;
	s28 =	sshra.s32 s29, $0x2;
	s29 =	sadd.s32 $0x200, s29  }
0x31: {  	[tilespmem:s28+$0x9070] =	vst v0  }
0x32: {  	[tilespmem:s28+$0x9000] =	vst v0  }
0x33: {  	[tilespmem:s28+$0x9010] =	vst v0  }
0x34: {  	[tilespmem:s28+$0x9020] =	vst v0  }
0x35: {  	[tilespmem:s28+$0x9030] =	vst v0  }
0x36: {  	[tilespmem:s28+$0x9040] =	vst v0  }
0x37: {  	[tilespmem:s28+$0x9050] =	vst v0  }
0x38: {  	[tilespmem:s28+$0x9060] =	vst v0  }
0x39: {  	[spmem:s5] =	stream.linear.scatter [tilespmem:s22], [sflag:$0x2], $0x800, $0x38;
	[tilespmem:$0x1D800] =	vst v63  }
0x3a: {  	_ =	swait.ge [sflag:s23], $0x800  }
0x3b: {  	[sflag:s23] =	ssyncset.done $0x0  }
0x3c: {  	s28 =	rddreg [dreg:$0x4];
	[sflag:s23] =	ssyncadd.s32 $0xFFFFF800  }
0x3d: {  	[spmem:s28] =	stream.linear.scatter [tilespmem:s22], [sflag:$0x2], $0x800, $0x38;
	[tilespmem:$0x1D800] =	vst v63  }
0x3e: {  	_ =	swait.ge [sflag:s23], $0x800  }
0x3f: {  	[sflag:s23] =	ssyncset.done $0x0  }
0x40: {  	s28 =	rddreg [dreg:$0x5];
	[sflag:s23] =	ssyncadd.s32 $0xFFFFF800  }
0x41: {  	[spmem:s28] =	stream.linear.scatter [tilespmem:s22], [sflag:$0x2], $0x800, $0x38;
	[tilespmem:$0x1D800] =	vst v63  }
0x42: {  	_ =	swait.ge [sflag:s23], $0x800  }
0x43: {  	[sflag:s23] =	ssyncset.done $0x0  }
0x44: {  	s28 =	rddreg [dreg:$0x6];
	[sflag:s23] =	ssyncadd.s32 $0xFFFFF800  }
0x45: {  	[spmem:s28] =	stream.linear.scatter [tilespmem:s22], [sflag:$0x2], $0x800, $0x38;
	[tilespmem:$0x1D800] =	vst v63  }
0x46: {  	_ =	swait.ge [sflag:s23], $0x800  }
0x47: {  	[sflag:s23] =	ssyncset.done $0x0  }
0x48: {  	s28 =	rddreg [dreg:$0x7];
	[sflag:s23] =	ssyncadd.s32 $0xFFFFF800  }
0x49: {  	[spmem:s28] =	stream.linear.scatter [tilespmem:s22], [sflag:$0x2], $0x800, $0x38;
	[tilespmem:$0x1D800] =	vst v63  }
0x4a: {  	_ =	swait.ge [sflag:s23], $0x800  }
0x4b: {  	[sflag:s23] =	ssyncset.done $0x0  }
0x4c: {  	s28 =	rddreg [dreg:$0x8];
	[sflag:s23] =	ssyncadd.s32 $0xFFFFF800  }
0x4d: {  	[spmem:s28] =	stream.linear.scatter [tilespmem:s22], [sflag:$0x2], $0x800, $0x38;
	[tilespmem:$0x1D800] =	vst v63  }
0x4e: {  	_ =	swait.ge [sflag:s23], $0x800  }
0x4f: {  	[sflag:s23] =	ssyncset.done $0x0  }
0x50: {  	s28 =	rddreg [dreg:$0x9];
	[sflag:s23] =	ssyncadd.s32 $0xFFFFF800  }
0x51: {  	[spmem:s28] =	stream.linear.scatter [tilespmem:s22], [sflag:$0x2], $0x800, $0x38;
	[tilespmem:$0x1D800] =	vst v63  }
0x52: {  	_ =	swait.ge [sflag:s23], $0x800  }
0x53: {  	[sflag:s23] =	ssyncset.done $0x0  }
0x54: {  	s28 =	rddreg [dreg:$0xa];
	[sflag:s23] =	ssyncadd.s32 $0xFFFFF800  }
0x55: {  	[spmem:s28] =	stream.linear.scatter [tilespmem:s22], [sflag:$0x2], $0x800, $0x38;
	[tilespmem:$0x1D800] =	vst v63  }
0x56: {  	_ =	swait.ge [sflag:s23], $0x800  }
0x57: {  	[sflag:s23] =	ssyncset.done $0x0  }
0x58: {  	s28 =	rddreg [dreg:$0xb];
	[sflag:s23] =	ssyncadd.s32 $0xFFFFF800  }
0x59: {  	[spmem:s28] =	stream.linear.scatter [tilespmem:s22], [sflag:$0x2], $0x800, $0x38;
	[tilespmem:$0x1D800] =	vst v63  }
0x5a: {  	_ =	swait.ge [sflag:s23], $0x800  }
0x5b: {  	[sflag:s23] =	ssyncset.done $0x0  }
0x5c: {  	s28 =	rddreg [dreg:$0xc];
	[sflag:s23] =	ssyncadd.s32 $0xFFFFF800  }
0x5d: {  	[spmem:s28] =	stream.linear.scatter [tilespmem:s22], [sflag:$0x2], $0x800, $0x38;
	[tilespmem:$0x1D800] =	vst v63  }
0x5e: {  	_ =	swait.ge [sflag:s23], $0x800  }
0x5f: {  	[sflag:s23] =	ssyncset.done $0x0  }
0x60: {  	s28 =	rddreg [dreg:$0xd];
	[sflag:s23] =	ssyncadd.s32 $0xFFFFF800  }
0x61: {  	[spmem:s28] =	stream.linear.scatter [tilespmem:s22], [sflag:$0x2], $0x800, $0x38;
	[tilespmem:$0x1D800] =	vst v63  }
0x62: {  	_ =	swait.ge [sflag:s23], $0x800  }
0x63: {  	[sflag:s23] =	ssyncset.done $0x0  }
0x64: {  	s28 =	rddreg [dreg:$0xe];
	[sflag:s23] =	ssyncadd.s32 $0xFFFFF800  }
0x65: {  	[spmem:s28] =	stream.linear.scatter [tilespmem:s22], [sflag:$0x2], $0x800, $0x38;
	[tilespmem:$0x1D800] =	vst v63  }
0x66: {  	_ =	swait.ge [sflag:s23], $0x800  }
0x67: {  	[sflag:s23] =	ssyncset.done $0x0  }
0x68: {  	s28 =	rddreg [dreg:$0xf];
	[sflag:s23] =	ssyncadd.s32 $0xFFFFF800  }
0x69: {  	[spmem:s28] =	stream.linear.scatter [tilespmem:s22], [sflag:$0x2], $0x800, $0x38;
	[tilespmem:$0x1D800] =	vst v63  }
0x6a: {  	_ =	swait.ge [sflag:s23], $0x800  }
0x6b: {  	[sflag:s23] =	ssyncset.done $0x0  }
0x6c: {  	s28 =	rddreg [dreg:$0x10];
	[sflag:s23] =	ssyncadd.s32 $0xFFFFF800  }
0x6d: {  	[spmem:s28] =	stream.linear.scatter [tilespmem:s22], [sflag:$0x2], $0x800, $0x38;
	[tilespmem:$0x1D800] =	vst v63  }
0x6e: {  	_ =	swait.ge [sflag:s23], $0x800  }
0x6f: {  	[sflag:s23] =	ssyncset.done $0x0  }
0x70: {  	s28 =	rddreg [dreg:$0x11];
	[sflag:s23] =	ssyncadd.s32 $0xFFFFF800  }
0x71: {  	[spmem:s28] =	stream.linear.scatter [tilespmem:s22], [sflag:$0x2], $0x800, $0x38;
	[tilespmem:$0x1D800] =	vst v63  }
0x72: {  	_ =	swait.ge [sflag:s23], $0x800  }
0x73: {  	[sflag:s23] =	ssyncset.done $0x0  }
0x74: {  	s28 =	rddreg [dreg:$0x12];
	[sflag:s23] =	ssyncadd.s32 $0xFFFFF800  }
0x75: {  	[spmem:s28] =	stream.linear.scatter [tilespmem:s22], [sflag:$0x2], $0x800, $0x38;
	[tilespmem:$0x1D800] =	vst v63  }
0x76: {  	_ =	swait.ge [sflag:s23], $0x800  }
0x77: {  	[sflag:s23] =	ssyncset.done $0x0  }
0x78: {  	s28 =	rddreg [dreg:$0x13];
	[sflag:s23] =	ssyncadd.s32 $0xFFFFF800  }
0x79: {  	[spmem:s28] =	stream.linear.scatter [tilespmem:s22], [sflag:$0x2], $0x800, $0x38;
	[tilespmem:$0x1D800] =	vst v63  }
0x7a: {  	_ =	swait.ge [sflag:s23], $0x800  }
0x7b: {  	[sflag:s23] =	ssyncset.done $0x0  }
0x7c: {  	s28 =	rddreg [dreg:$0x18];
	[sflag:s23] =	ssyncadd.s32 $0xFFFFF800  }
0x7d: {  	[spmem:s28] =	stream.linear.scatter [tilespmem:s22], [sflag:$0x2], $0x800, $0x38;
	[tilespmem:$0x1D800] =	vst v63  }
0x7e: {  	_ =	swait.ge [sflag:s23], $0x800  }
0x7f: {  	[sflag:s23] =	ssyncset.done $0x0  }
0x80: {  	s28 =	rddreg [dreg:$0x19];
	[sflag:s23] =	ssyncadd.s32 $0xFFFFF800  }
0x81: {  	[spmem:s28] =	stream.linear.scatter [tilespmem:s22], [sflag:$0x2], $0x800, $0x38;
	[tilespmem:$0x1D800] =	vst v63  }
0x82: {  	_ =	swait.ge [sflag:s23], $0x800  }
0x83: {  	[sflag:s23] =	ssyncset.done $0x0  }
0x84: {  	s28 =	rddreg [dreg:$0x1a];
	[sflag:s23] =	ssyncadd.s32 $0xFFFFF800  }
0x85: {  	[spmem:s28] =	stream.linear.scatter [tilespmem:s22], [sflag:$0x2], $0x800, $0x38;
	[tilespmem:$0x1D800] =	vst v63  }
0x86: {  	_ =	swait.ge [sflag:s23], $0x800  }
0x87: {  	[sflag:s23] =	ssyncset.done $0x0  }
0x88: {  	s28 =	rddreg [dreg:$0x1b];
	[sflag:s23] =	ssyncadd.s32 $0xFFFFF800  }
0x89: {  	[spmem:s28] =	stream.linear.scatter [tilespmem:s22], [sflag:$0x2], $0x800, $0x38;
	[tilespmem:$0x1D800] =	vst v63  }
0x8a: {  	_ =	swait.ge [sflag:s23], $0x800  }
0x8b: {  	[sflag:s23] =	ssyncset.done $0x0  }
0x8c: {  	s28 =	rddreg [dreg:$0x1c];
	[sflag:s23] =	ssyncadd.s32 $0xFFFFF800  }
0x8d: {  	[spmem:s28] =	stream.linear.scatter [tilespmem:s22], [sflag:$0x2], $0x800, $0x38;
	[tilespmem:$0x1D800] =	vst v63  }
0x8e: {  	_ =	swait.ge [sflag:s23], $0x800  }
0x8f: {  	[sflag:s23] =	ssyncset.done $0x0  }
0x90: {  	[sflag:s23] =	ssyncadd.s32 $0xFFFFF800  }
0x91: {  	[spmem:s1] =	stream.linear.scatter [tilespmem:s22], [sflag:$0x2], $0x800, $0x38;
	[tilespmem:$0x1D800] =	vst v63  }
0x92: {  	_ =	swait.ge [sflag:s23], $0x800  }
0x93: {  	[sflag:s23] =	ssyncset.done $0x0  }
0x94: {  	[sflag:s23] =	ssyncadd.s32 $0xFFFFF800  }
0x95: {  	[spmem:s0] =	stream.linear.scatter [tilespmem:s22], [sflag:$0x2], $0x800, $0x38;
	[tilespmem:$0x1D800] =	vst v63  }
0x96: {  	_ =	swait.ge [sflag:s23], $0x800  }
0x97: {  	[sflag:s23] =	ssyncset.done $0x0  }
0x98: {  	[sflag:s23] =	ssyncadd.s32 $0xFFFFF800  }
0x99: {  	[spmem:s6] =	stream.linear.scatter [tilespmem:s22], [sflag:$0x2], $0x800, $0x38;
	[tilespmem:$0x1D800] =	vst v63  }
0x9a: {  	_ =	swait.ge [sflag:s23], $0x800  }
0x9b: {  	[sflag:s23] =	ssyncset.done $0x0  }
0x9c: {  	[sflag:s23] =	ssyncadd.s32 $0xFFFFF800  }
0x9d: {  	[spmem:s7] =	stream.linear.scatter [tilespmem:s22], [sflag:$0x2], $0x800, $0x38;
	[tilespmem:$0x1D800] =	vst v63  }
0x9e: {  	_ =	swait.ge [sflag:s23], $0x800  }
0x9f: {  	[sflag:s23] =	ssyncset.done $0x0  }
0xa0: {  	[sflag:s23] =	ssyncadd.s32 $0xFFFFF800  }
0xa1: {  	[spmem:s8] =	stream.linear.scatter [tilespmem:s22], [sflag:$0x2], $0x800, $0x38;
	[tilespmem:$0x1D800] =	vst v63  }
0xa2: {  	_ =	swait.ge [sflag:s23], $0x800  }
0xa3: {  	[sflag:s23] =	ssyncset.done $0x0  }
0xa4: {  	[sflag:s23] =	ssyncadd.s32 $0xFFFFF800  }
0xa5: {  	[spmem:s9] =	stream.linear.scatter [tilespmem:s22], [sflag:$0x2], $0x800, $0x38;
	[tilespmem:$0x1D800] =	vst v63  }
0xa6: {  	_ =	swait.ge [sflag:s23], $0x800  }
0xa7: {  	[sflag:s23] =	ssyncset.done $0x0  }
0xa8: {  	[sflag:s23] =	ssyncadd.s32 $0xFFFFF800  }
0xa9: {  	[spmem:s10] =	stream.linear.scatter [tilespmem:s22], [sflag:$0x2], $0x800, $0x38;
	[tilespmem:$0x1D800] =	vst v63  }
0xaa: {  	_ =	swait.ge [sflag:s23], $0x800  }
0xab: {  	[sflag:s23] =	ssyncset.done $0x0  }
0xac: {  	[sflag:s23] =	ssyncadd.s32 $0xFFFFF800  }
0xad: {  	[spmem:s11] =	stream.linear.scatter [tilespmem:s22], [sflag:$0x2], $0x800, $0x38;
	[tilespmem:$0x1D800] =	vst v63  }
0xae: {  	_ =	swait.ge [sflag:s23], $0x800  }
0xaf: {  	[sflag:s23] =	ssyncset.done $0x0  }
0xb0: {  	[sflag:s23] =	ssyncadd.s32 $0xFFFFF800  }
0xb1: {  	[spmem:s12] =	stream.linear.scatter [tilespmem:s22], [sflag:$0x2], $0x800, $0x38;
	[tilespmem:$0x1D800] =	vst v63  }
0xb2: {  	_ =	swait.ge [sflag:s23], $0x800  }
0xb3: {  	[sflag:s23] =	ssyncset.done $0x0  }
0xb4: {  	[sflag:s23] =	ssyncadd.s32 $0xFFFFF800  }
0xb5: {  	[spmem:s13] =	stream.linear.scatter [tilespmem:s22], [sflag:$0x2], $0x800, $0x38;
	[tilespmem:$0x1D800] =	vst v63  }
0xb6: {  	_ =	swait.ge [sflag:s23], $0x800  }
0xb7: {  	[sflag:s23] =	ssyncset.done $0x0  }
0xb8: {  	[sflag:s23] =	ssyncadd.s32 $0xFFFFF800  }
0xb9: {  	[spmem:s14] =	stream.linear.scatter [tilespmem:s22], [sflag:$0x2], $0x800, $0x38;
	[tilespmem:$0x1D800] =	vst v63  }
0xba: {  	_ =	swait.ge [sflag:s23], $0x800  }
0xbb: {  	[sflag:s23] =	ssyncset.done $0x0  }
0xbc: {  	[sflag:s23] =	ssyncadd.s32 $0xFFFFF800  }
0xbd: {  	[spmem:s15] =	stream.linear.scatter [tilespmem:s22], [sflag:$0x2], $0x800, $0x38;
	[tilespmem:$0x1D800] =	vst v63  }
0xbe: {  	_ =	swait.ge [sflag:s23], $0x800  }
0xbf: {  	[sflag:s23] =	ssyncset.done $0x0  }
0xc0: {  	[sflag:s23] =	ssyncadd.s32 $0xFFFFF800  }
0xc1: {  	[spmem:s16] =	stream.linear.scatter [tilespmem:s22], [sflag:$0x2], $0x800, $0x38;
	[tilespmem:$0x1D800] =	vst v63  }
0xc2: {  	_ =	swait.ge [sflag:s23], $0x800  }
0xc3: {  	[sflag:s23] =	ssyncset.done $0x0  }
0xc4: {  	[sflag:s23] =	ssyncadd.s32 $0xFFFFF800  }
0xc5: {  	[spmem:s17] =	stream.linear.scatter [tilespmem:s22], [sflag:$0x2], $0x800, $0x38;
	[tilespmem:$0x1D800] =	vst v63  }
0xc6: {  	_ =	swait.ge [sflag:s23], $0x800  }
0xc7: {  	[sflag:s23] =	ssyncset.done $0x0  }
0xc8: {  	[sflag:s23] =	ssyncadd.s32 $0xFFFFF800  }
0xc9: {  	[spmem:s18] =	stream.linear.scatter [tilespmem:s22], [sflag:$0x2], $0x800, $0x38;
	[tilespmem:$0x1D800] =	vst v63  }
0xca: {  	_ =	swait.ge [sflag:s23], $0x800  }
0xcb: {  	[sflag:s23] =	ssyncset.done $0x0  }
0xcc: {  	[sflag:s23] =	ssyncadd.s32 $0xFFFFF800  }
0xcd: {  	[spmem:s19] =	stream.linear.scatter [tilespmem:s22], [sflag:$0x2], $0x800, $0x38;
	[tilespmem:$0x1D800] =	vst v63  }
0xce: {  	_ =	swait.ge [sflag:s23], $0x800  }
0xcf: {  	[sflag:s23] =	ssyncset.done $0x0  }
0xd0: {  	[sflag:s23] =	ssyncadd.s32 $0xFFFFF800  }
0xd1: {  	[spmem:s20] =	stream.linear.scatter [tilespmem:s22], [sflag:$0x2], $0x800, $0x38;
	[tilespmem:$0x1D800] =	vst v63  }
0xd2: {  	_ =	swait.ge [sflag:s23], $0x800  }
0xd3: {  	[sflag:s23] =	ssyncset.done $0x0  }
0xd4: {  	[sflag:s23] =	ssyncadd.s32 $0xFFFFF800  }
0xd5: {  	[spmem:s21] =	stream.linear.scatter [tilespmem:s22], [sflag:$0x2], $0x800, $0x38;
	[tilespmem:$0x1D800] =	vst v63  }
0xd6: {  	_ =	swait.ge [sflag:s23], $0x800  }
0xd7: {  	[sflag:s23] =	ssyncset.done $0x0  }
0xd8: {  	[sflag:s23] =	ssyncadd.s32 $0xFFFFF800  }
0xd9: {  	[bflag:$0x0] =	sbarrier.arrive $0xFFFF  }
0xda: {  	s28 =	simm.s32 $0x0;
	s29 =	rddreg [dreg:$0x14]  }
0xdb: {  	[tilespmem:s28], [sflag:$0x2] =	stream.linear.gather [hbm4b:s29+s28], $0x2800, $0x38;
	[tilespmem:$0x1D800] =	vst v63  }
0xdc: {  	_ =	swait.ge [sflag:s23], $0x2800  }
0xdd: {  	[sflag:s23] =	ssyncset.done $0x0  }
0xde: {  	s30 =	simm.s32 $0x2800;
	s29 =	rddreg [dreg:$0x15];
	[sflag:s23] =	ssyncadd.s32 $0xFFFFD800  }
0xdf: {  	[tilespmem:s30], [sflag:$0x2] =	stream.linear.gather [hbm4b:s29+s28], $0x2800, $0x38;
	[tilespmem:$0x1D800] =	vst v63  }
0xe0: {  	_ =	swait.ge [sflag:s23], $0x2800  }
0xe1: {  	[sflag:s23] =	ssyncset.done $0x0  }
0xe2: {  	s28 =	simm.s32 $0x0;
	[sflag:s23] =	ssyncadd.s32 $0xFFFFD800  }
0xe3: {  	[tilespmem:s25], [sflag:$0x1] =	stream.indirect.gather [hbm4b:s2+s24], $0x80, s28, s24, $0xb8;
	[tilespmem:$0x1D800] =	vst v63  }
0xe4: {  	_ =	swait.ge [sflag:s26], $0x4000  }
0xe5: {  	[sflag:s26] =	ssyncset.done $0x0  }
0xe6: {  	s28 =	simm.s32 $0x2800;
	[sflag:s26] =	ssyncadd.s32 $0xFFFFC000  }
0xe7: {  	[spmem:s3] =	stream.indirect.scatter.add.f32 [tilespmem:s25], [sflag:$0x2], $0x80, s28, s24, $0xb8;
	[tilespmem:$0x1D800] =	vst v63  }
0xe8: {  	_ =	swait.ge [sflag:s23], $0x4000  }
0xe9: {  	s29 =	simm.s32 $0x400;
	s28 =	simm.s32 $0x200;
	[sflag:s23] =	ssyncset.done $0x0  }
.LBB2_4:
0xea: {  	s30 =	sshra.s32 s28, $0x2  }
0xeb: {  	[sflag:s23] =	ssyncadd.s32 $0xFFFFC000;
	s28 =	smov.u32 s29;
	s31 =	sadd.s32 $0x200, s29  }
0xec: {  	[tilespmem:s25], [sflag:$0x1] =	stream.indirect.gather [hbm4b:s2+s24], $0x80, s30, s24, $0xb8;
	[tilespmem:$0x1D800] =	vst v63  }
0xed: {  	p0 =	sne.s32 s29, $0x9E00;
	_ =	swait.ge [sflag:s26], $0x4000  }
.Ltmp1:
0xee: {  	[sflag:s26] =	ssyncset.done $0x0;
	(pc) =	sbr.rel @p0 .LBB2_4-.Ltmp1, $4  }
0xef: {  	s29 =	sadd.s32 $0x2800, s30;
	[sflag:s26] =	ssyncadd.s32 $0xFFFFC000  }
0xf0: {  	[spmem:s3] =	stream.indirect.scatter.add.f32 [tilespmem:s25], [sflag:$0x2], $0x80, s29, s24, $0xb8;
	[tilespmem:$0x1D800] =	vst v63  }
0xf1: {  	_ =	swait.ge [sflag:s23], $0x4000  }
0xf2: {  	s29 =	smov.u32 s31;
	[sflag:s23] =	ssyncset.done $0x0  }
0xf3: {  	s28 =	sshra.s32 s28, $0x2;
	[sflag:s23] =	ssyncadd.s32 $0xFFFFC000  }
0xf4: {  	[tilespmem:s25], [sflag:$0x1] =	stream.indirect.gather [hbm4b:s2+s24], $0x80, s28, s24, $0xb8;
	[tilespmem:$0x1D800] =	vst v63  }
0xf5: {  	_ =	swait.ge [sflag:s26], $0x4000  }
0xf6: {  	[sflag:s26] =	ssyncset.done $0x0  }
0xf7: {  	s28 =	sadd.s32 $0x2800, s28;
	[sflag:s26] =	ssyncadd.s32 $0xFFFFC000  }
0xf8: {  	[spmem:s3] =	stream.indirect.scatter.add.f32 [tilespmem:s25], [sflag:$0x2], $0x80, s28, s24, $0xb8;
	[tilespmem:$0x1D800] =	vst v63  }
0xf9: {  	_ =	swait.ge [sflag:s23], $0x4000  }
0xfa: {  	[sflag:s23] =	ssyncset.done $0x0  }
0xfb: {  	s30 =	stileid.u32;
	[sflag:s23] =	ssyncadd.s32 $0xFFFFC000  }
0xfc: {  	s28 =	sshll.u32 s30, $0x6;
	[bflag:$0x0] =	sbarrier.arrive $0xFFFF  }
0xfd: {  	s29 =	sshrl.u32 s5, $0x3;
	s28 =	sor.u32 $0x1C02, s28;
	s30 =	rddreg [dreg:$0x16]  }
0xfe: {  	[hbm:s30], [sflag:s28] =	dma.local [spmem:s29], $0x2800  }
0xff: {  	_ =	swait.ge [sflag:s23], $0x2800  }
0x100: {  	s4 =	sadd.s32 $0x1, s4;
	s31 =	rddreg [dreg:$0x17]  }
0x101: {  	p0 =	sne.s32 s4, s31  }
.Ltmp2:
0x102: {  	_ = 	snop;
	(pc) =	sbr.rel @p0 .LBB2_1-.Ltmp2, $3  }
0x103: {  	_ =	sdelay $0x1  }
0x104: {  	[sflag:s23] =	ssyncset.done $0x0  }
0x105: {  	[sflag:s23] =	ssyncadd.s32 $0xFFFFD800  }
0x106: {  	_ =	sfence.sel $0x180000  }
0x107: {  	[bflag:$0x0] =	sbarrier.arrive $0xFFFF  }
0x108: {  	_ =	strace $0x9000004D  }
0x109: {  	s0 =	stileid.u32;
	[bflag:$0x2] =	sbarrier.arrive $0xFFFF  }
0x10a: {  	p0 =	sne.s32 s0, $0x0;
	s0 =	rddreg [dreg:$0x3]  }
0x10b: {  	s0 =	sadd.s32 @!p0 $0x100000, s0  }
0x10c: {  	[sflag:s0] =	ssyncadd.tile.s32 @!p0 $0x1;
	_ =	shalt  }
.Lfunc_end2:
_tile_overlayer_lowered:
.L_overlay_start_2:
0x10d: {  	(tag) =	ssettag $0x2  }
0x10e: {  	s0 =	rddreg [dreg:$0x0];
	s2 =	stileid.u32  }
0x10f: {  	s1 =	rddreg [dreg:$0x1];
	p0 =	sne.s32 s2, $0x0  }
0x110: {  	s3 =	rddreg [dreg:$0x2];
	[bflag:$0x3] =	sbarrier.arrive $0xFFFF;
	s2 =	simm.s32 @!p0 $0x1C02  }
0x111: {  	[timem:s3], [sflag:s2] =	dma.local @!p0 [hbm:s0], s1  }
0x112: {  	s0 =	simm.s32 @!p0 $0x2  }
0x113: {  	_ =	swait.ge @!p0 [sflag:s0], s1  }
0x114: {  	s1 =	ssub.s32 @!p0 $0x0, s1;
	[sflag:s0] =	ssyncset.done @!p0 $0x0  }
0x115: {  	[sflag:s0] =	ssyncadd.s32 @!p0 s1  }
0x116: {  	[bflag:$0x3] =	sbarrier.arrive $0xFFFF  }
0x117: {  	_ =	shalt  }

// kernel: kernel.9.cloned.1.call-start
scs
__scs_entry_jumppad:
0x0: {  	(pc) =	sbr.rel $0x88, $3  }
0x1: {  	(tag) =	ssettag $0x0;
	lr =	simm.s32 $0x1  }
0x2: {  	[smem:$0x3F99] =	sst lr;
	_ =	strace $0xD0000000  }
0x3: {  	_ = 	snop  }
0x4: {  	_ = 	snop  }
0x5: {  	_ = 	snop  }
0x6: {  	_ = 	snop  }
0x7: {  	_ = 	snop  }
__scs_overlays_trampoline_lowered:
0x8: {  	[smem:$0x3FA8] =	sst s0  }
0x9: {  	[smem:$0x3FA9] =	sst s1  }
0xa: {  	[smem:$0x3FAA] =	sst s2  }
0xb: {  	[smem:$0x3FAB] =	sst s3  }
0xc: {  	[smem:$0x3FAC] =	sst s4  }
0xd: {  	[smem:$0x3FAD] =	sst s5  }
0xe: {  	[smem:$0x3FAE] =	sst s6  }
0xf: {  	[smem:$0x3FAF] =	sst s7  }
0x10: {  	[smem:$0x3FB0] =	sst s8  }
0x11: {  	[smem:$0x3FB1] =	sst s9;
	s0 =	simm.s32 @!p0 $0x0  }
0x12: {  	s1 =	sld [smem:$0x3F97];
	s0 =	simm.s32 @p0 $0x1  }
0x13: {  	[smem:$0x3FB2] =	sst s0;
	s0 =	simm.s32 @!p1 $0x0  }
0x14: {  	s2 =	sld [smem:$0x3F96];
	s0 =	simm.s32 @p1 $0x1  }
0x15: {  	[smem:$0x3FB3] =	sst s0;
	s0 =	simm.s32 @!p2 $0x0  }
0x16: {  	s3 =	sld [smem:$0x3FDB];
	s0 =	simm.s32 @p2 $0x1  }
0x17: {  	s4 =	simm.s32 $0x1BF5;
	[smem:$0x3FB5] =	sst s0  }
0x18: {  	s0 =	sld [smem:$0x3F98];
	_ =	swait.ge [sflag:s4], $0x0  }
0x19: {  	s7 =	sld [smem:$0x3F99]  }
0x1a: {  	s8 =	sadd.s32 $0xFFFFE003, lr  }
0x1b: {  	s9 =	sadd.s32 $0xFFFFFEF7, lr;
	s5 =	simm.s32 $0xFFFFFFFF;
	p2 =	slt.u32 s8, $0xFFFFF086  }
0x1c: {  	p1 =	slt.u32 s9, $0xF7A;
	s5 =	simm.s32 @!p2 $0x0  }
0x1d: {  	s5 =	simm.s32 @p1 $0x1;
	p0 =	seq.s32 s7, s2  }
0x1e: {  	s7 =	smul.u32 @!p0 $0xF7A, s2;
	p2 =	seq.s32 @!p0 s5, $0x0  }
0x1f: {  	s9 =	smul.u32 $0xF7A, s1;
	s8 =	simm.s32 @!p0 $0x1BF5;
	p2 =	por !p2, p0  }
0x20: {  	[sflag:s8] =	ssyncset.s32 @!p0 $0xFFFFF086;
	s6 =	sadd.s32 @!p0 s3, s7;
	s7 =	simm.s32 @!p0 $0x108  }
0x21: {  	s3 =	sadd.s32 s3, s9;
	s6 =	sadd.s32 @!p0 $0x88, s6;
	s7 =	simm.s32 @p2 $0x1082  }
0x22: {  	[simem:s7], [sflag:s8] =	dma.local @!p0 [hbm:s6], $0xF7A  }
0x23: {  	s9 =	sor.u32 $0xD0000000, s2;
	s6 =	simm.s32 $0x108;
	_ =	swait.ge @!p0 [sflag:s8], $0x0  }
0x24: {  	s3 =	sadd.s32 $0x88, s3;
	s6 =	simm.s32 @!p1 $0x1082;
	[sflag:s4] =	ssyncset.s32 $0xFFFFF086  }
0x25: {  	[simem:s6], [sflag:s4] =	dma.local [hbm:s3], $0xF7A  }
0x26: {  	[smem:$0x3F99] =	sst s1;
	(tag) =	ssettag s2;
	_ =	strace s9  }
0x27: {  	s1 =	sld [smem:$0x3FA9]  }
0x28: {  	s2 =	sld [smem:$0x3FAA]  }
0x29: {  	s4 =	sld [smem:$0x3FAC]  }
0x2a: {  	p0 =	seq.s32 s5, $0x0;
	s5 =	sld [smem:$0x3FAD]  }
0x2b: {  	s6 =	sld [smem:$0x3FAE]  }
0x2c: {  	s7 =	sld [smem:$0x3FAF]  }
0x2d: {  	s3 =	simm.s32 $0x108;
	s8 =	sld [smem:$0x3FB0]  }
0x2e: {  	s3 =	simm.s32 @!p0 $0x1082;
	s9 =	sld [smem:$0x3FB1]  }
0x2f: {  	lr =	sadd.s32 s0, s3;
	s0 =	sld [smem:$0x3FA8]  }
0x30: {  	s3 =	sld [smem:$0x3FAB]  }
0x31: {  	[smem:$0x3FB4] =	sst s10  }
0x32: {  	s10 =	sld [smem:$0x3FB2];
	_ =	sdelay $0x3  }
0x33: {  	p0 =	seq.s32 s10, $0x1;
	s10 =	sld [smem:$0x3FB4];
	_ =	sdelay $0x3  }
0x34: {  	[smem:$0x3FB4] =	sst s10  }
0x35: {  	s10 =	sld [smem:$0x3FB3];
	_ =	sdelay $0x3  }
0x36: {  	p1 =	seq.s32 s10, $0x1;
	s10 =	sld [smem:$0x3FB4];
	_ =	sdelay $0x3  }
0x37: {  	[smem:$0x3FB4] =	sst s10  }
0x38: {  	s10 =	sld [smem:$0x3FB5]  }
0x39: {  	_ = 	snop;
	(pc) =	sbr.ind lr, $3  }
0x3a: {  	_ = 	snop  }
0x3b: {  	_ = 	snop  }
0x3c: {  	p2 =	seq.s32 s10, $0x1;
	s10 =	sld [smem:$0x3FB4]  }
0x3d: {  	_ =	shalt  }
0x3e: {  	_ =	shalt  }
0x3f: {  	_ =	shalt  }
0x40: {  	_ =	shalt  }
0x41: {  	_ =	shalt  }
0x42: {  	_ =	shalt  }
0x43: {  	_ =	shalt  }
0x44: {  	_ =	shalt  }
0x45: {  	_ =	shalt  }
0x46: {  	_ =	shalt  }
0x47: {  	_ =	shalt  }
0x48: {  	_ =	shalt  }
0x49: {  	_ =	shalt  }
0x4a: {  	_ =	shalt  }
0x4b: {  	_ =	shalt  }
0x4c: {  	_ =	shalt  }
0x4d: {  	_ =	shalt  }
0x4e: {  	_ =	shalt  }
0x4f: {  	_ =	shalt  }
0x50: {  	_ =	shalt  }
0x51: {  	_ =	shalt  }
0x52: {  	_ =	shalt  }
0x53: {  	_ =	shalt  }
0x54: {  	_ =	shalt  }
0x55: {  	_ =	shalt  }
0x56: {  	_ =	shalt  }
0x57: {  	_ =	shalt  }
0x58: {  	_ =	shalt  }
0x59: {  	_ =	shalt  }
0x5a: {  	_ =	shalt  }
0x5b: {  	_ =	shalt  }
0x5c: {  	_ =	shalt  }
0x5d: {  	_ =	shalt  }
0x5e: {  	_ =	shalt  }
0x5f: {  	_ =	shalt  }
0x60: {  	_ =	shalt  }
0x61: {  	_ =	shalt  }
0x62: {  	_ =	shalt  }
0x63: {  	_ =	shalt  }
0x64: {  	_ =	shalt  }
0x65: {  	_ =	shalt  }
0x66: {  	_ =	shalt  }
0x67: {  	_ =	shalt  }
0x68: {  	_ =	shalt  }
0x69: {  	_ =	shalt  }
0x6a: {  	_ =	shalt  }
0x6b: {  	_ =	shalt  }
0x6c: {  	_ =	shalt  }
0x6d: {  	_ =	shalt  }
0x6e: {  	_ =	shalt  }
0x6f: {  	_ =	shalt  }
0x70: {  	_ =	shalt  }
0x71: {  	_ =	shalt  }
0x72: {  	_ =	shalt  }
0x73: {  	_ =	shalt  }
0x74: {  	_ =	shalt  }
0x75: {  	_ =	shalt  }
0x76: {  	_ =	shalt  }
0x77: {  	_ =	shalt  }
0x78: {  	_ =	shalt  }
0x79: {  	_ =	shalt  }
0x7a: {  	_ =	shalt  }
0x7b: {  	_ =	shalt  }
0x7c: {  	_ =	shalt  }
0x7d: {  	_ =	shalt  }
0x7e: {  	_ =	shalt  }
0x7f: {  	_ =	shalt  }
0x80: {  	_ =	shalt  }
0x81: {  	_ =	shalt  }
0x82: {  	_ =	shalt  }
0x83: {  	_ =	shalt  }
0x84: {  	_ =	shalt  }
0x85: {  	_ =	shalt  }
0x86: {  	_ =	shalt  }
0x87: {  	_ =	shalt  }
.Lfunc_end0:
.L_simem_size_0:
called_computation_lowered:
.L_overlay_start_0:
0x88: {  	s2 =	sld [smem:$0x3FD9]  }
0x89: {  	s3 =	sld [smem:$0x3FFE];
	_ =	sdelay $0x1  }
0x8a: {  	s1 =	srdreg.scid  }
0x8b: {  	s0 =	sand.u32 $0x1, s1  }
0x8c: {  	s16 =	sshll.u32 s0, $0xA;
	s2 =	sadd.s32 s3, s2  }
0x8d: {  	s2 =	sadd.s32 s2, s16  }
0x8e: {  	[smem:$0x3FC0] =	sst s2  }
0x8f: {  	_ = 	snop  }
0x90: {  	(tm) =	ssettm $0x1  }
0x91: {  	s17 =	sld [smem:$0x3FFB];
	_ =	sdelay $0x3  }
0x92: {  	_ =	strace s17  }
0x93: {  	s2 =	sld [smem:$0x3FFC];
	_ =	sdelay $0x3  }
0x94: {  	_ =	strace s2  }
0x95: {  	s2 =	sld [smem:$0x3FFD];
	_ =	sdelay $0x3  }
0x96: {  	_ =	strace s2  }
0x97: {  	_ =	strace $0x8FFFFFFF  }
0x98: {  	s18 =	sld [smem:$0x3FDB];
	_ =	sdelay $0x1  }
0x99: {  	s19 =	simm.s32 $_scs_section_size  }
0x9a: {  	s4 =	simm.s32 $_size__tile_overlayer_lowered;
	s5 =	simm.s32 $_tile_overlayer_lowered  }
0x9b: {  	s22 =	simm.s32 $0x1BFF;
	s21 =	sshll.u32 s5, $0x1;
	s2 =	sadd.s32 s19, s18  }
0x9c: {  	s6 =	simm.s32 $0x0;
	s20 =	sshll.u32 s4, $0x1;
	s4 =	sadd.s32 s21, s2  }
0x9d: {  	[timem:s6], [sflag:s22] =	dma.local [hbm:s4], s20  }
0x9e: {  	_ =	swait.ge [sflag:s22], s20  }
0x9f: {  	s3 =	ssub.s32 $0x0, s20;
	[sflag:s22] =	ssyncset.done $0x0  }
0xa0: {  	[sflag:s22] =	ssyncadd.s32 s3;
	_ =	sdelay $0x1  }
0xa1: {  	s23 =	simm.s32 $0x1B8B  }
0xa2: {  	_ =	swait.ge [sflag:s23], $0x1  }
0xa3: {  	[sflag:s23] =	ssyncset.done $0x0  }
0xa4: {  	s25 =	simm.s32 $0x1B8E;
	s24 =	sld [smem:$0x3FFE];
	[sflag:s23] =	ssyncadd.s32 $0xFFFFFFFF  }
0xa5: {  	s26 =	simm.s32 $execute0_lowered;
	[smem:$0x3FD2] =	sst s25  }
0xa6: {  	s4 =	sshll.u32 s26, $0x1;
	_ =	strace $0x80000046;
	[dreg:$0x1] =	wrdreg $0xFFFFFFFF  }
0xa7: {  	s28 =	simm.s32 $_size_execute0_lowered;
	s2 =	sadd.s32 s2, s4;
	[dreg:$0x0] =	wrdreg $0x0  }
0xa8: {  	s4 =	sshll.u32 s28, $0x1;
	[dreg:$0x2] =	wrdreg s2  }
0xa9: {  	[dreg:$0x3] =	wrdreg s4  }
0xaa: {  	[dreg:$0x4] =	wrdreg $0xC0  }
0xab: {  	_ =	task [dreg:s6], $0x5FFFF  }
0xac: {  	[dreg:$0x1] =	wrdreg $0xFFFFFFFF  }
0xad: {  	[dreg:$0x0] =	wrdreg $0x60  }
0xae: {  	[dreg:$0x2] =	wrdreg s24  }
0xaf: {  	[dreg:$0x3] =	wrdreg $0x70000  }
0xb0: {  	[dreg:$0x4] =	wrdreg $0x9  }
0xb1: {  	_ =	task.clear_ibuf [dreg:s6], $0x5FFFF;
	_ =	strace $0x90000046  }
0xb2: {  	s29 =	simm.s32 $0x9;
	_ =	strace $0x80000048  }
0xb3: {  	_ =	swait.ge [sflag:s29], $0x1  }
0xb4: {  	[sflag:s29] =	ssyncadd.s32 $0xFFFFFFFF  }
0xb5: {  	_ =	strace $0x90000048  }
0xb6: {  	_ =	sfence  }
0xb7: {  	s30 =	sld [smem:$0x0];
	_ =	sdelay $0x2  }
0xb8: {  	s31 =	sshll.u32 s1, $0xD;
	s1 =	sshrl.u32 s1, $0x2  }
0xb9: {  	s3 =	sand.u32 $0x4000, s31;
	s1 =	sadd.s32 s1, s30  }
0xba: {  	s0 =	sor.u32 s3, s0;
	s1 =	sshll.u32 s1, $0x11  }
0xbb: {  	s0 =	sor.u32 s1, s0  }
0xbc: {  	s0 =	sadd.s32 $0x8F2B, s0  }
0xbd: {  	[sflag:s0] =	ssyncadd.remote.s32 $0x1  }
0xbe: {  	_ =	sfence.sel $0xFFFF  }
0xbf: {  	[dreg:$0x0] =	wrdreg $0xFFFFFFFF;
	(pc) =	sbr.abs _section_cstart, $3  }
0xc0: {  	[dreg:$0x1] =	wrdreg $0xFFFFFFFF  }
0xc1: {  	_ =	task.clear_ibuf [dreg:s6], $0x2FFFF;
	_ =	strace $0x9FFFFFFF  }
0xc2: {  	(tm) =	ssettm $0x7FFFFFFF  }
0xc3: {  	_ =	shalt  }
tec
execute0_lowered:
.L_overlay_start_1:
0x0: {  	(tag) =	ssettag $0x1  }
0x1: {  	s0 =	srdreg.scid  }
0x2: {  	s7 =	stileid.u32;
	s5 =	rddreg [dreg:$0x0]  }
0x3: {  	s2 =	rddreg [dreg:$0x1];
	s0 =	sand.u32 $0x1, s0;
	s6 =	smul.u32 $0x14000, s7  }
0x4: {  	s3 =	simm.s32 $0x0;
	s1 =	sshll.u32 s0, $0x4;
	s4 =	smul.u32 $0x140000, s0  }
0x5: {  	s0 =	ssub.s32 $0x2, s0;
	s1 =	sor.u32 s7, s1;
	s7 =	smul.u32 $0x50000, s7  }
0x6: {  	[smem:$0x7FF] =	sst s3;
	s8 =	sshrl.u32 s0, $0x1  }
0x7: {  	s4 =	sadd.s32 s6, s4;
	s0 =	ssub.s32 s0, s8;
	s25 =	sshrl.u32 s7, $0x2  }
0x8: {  	s26 =	sshrl.u32 s4, $0x3;
	s0 =	smax.u32 s0, $0x1;
	s4 =	sadd.s32 s25, s2  }
0x9: {  	_ =	strace $0x80000047;
	[dreg:$0x17] =	wrdreg s0;
	s6 =	sadd.s32 $0x800, s4  }
0xa: {  	s9 =	sadd.s32 $0x1000, s4;
	[dreg:$0x3] =	wrdreg s6  }
0xb: {  	s10 =	sadd.s32 $0x1800, s4;
	[dreg:$0x4] =	wrdreg s9  }
0xc: {  	s11 =	sadd.s32 $0x2000, s4;
	[dreg:$0x5] =	wrdreg s10  }
0xd: {  	s12 =	sadd.s32 $0x2800, s4;
	[dreg:$0x6] =	wrdreg s11  }
0xe: {  	s13 =	sadd.s32 $0x3000, s4;
	[dreg:$0x7] =	wrdreg s12  }
0xf: {  	s14 =	sadd.s32 $0x3800, s4;
	[dreg:$0x8] =	wrdreg s13  }
0x10: {  	s15 =	sadd.s32 $0x4000, s4;
	[dreg:$0x9] =	wrdreg s14  }
0x11: {  	s1 =	smul.u32 $0x500, s1;
	s16 =	sadd.s32 $0x4800, s4;
	[dreg:$0xa] =	wrdreg s15  }
0x12: {  	s17 =	sadd.s32 $0x5000, s4;
	[dreg:$0xb] =	wrdreg s16  }
0x13: {  	s1 =	sadd.s32 s1, s5;
	s18 =	sadd.s32 $0x5800, s4;
	[dreg:$0xc] =	wrdreg s17  }
0x14: {  	s5 =	sadd.s32 s26, s5;
	s19 =	sadd.s32 $0x6000, s4;
	[dreg:$0xd] =	wrdreg s18  }
0x15: {  	s20 =	sadd.s32 $0x6800, s4;
	s21 =	sadd.s32 $0x7000, s4;
	[dreg:$0xe] =	wrdreg s19  }
0x16: {  	s22 =	sadd.s32 $0x7800, s4;
	s23 =	sadd.s32 $0x8000, s4;
	[dreg:$0xf] =	wrdreg s20  }
0x17: {  	s24 =	sadd.s32 $0x8800, s4;
	s25 =	sadd.s32 $0x9000, s4;
	[dreg:$0x10] =	wrdreg s21  }
0x18: {  	s1 =	sadd.s32 $0x3000, s1;
	s26 =	sadd.s32 $0xD000, s5;
	[dreg:$0x11] =	wrdreg s22  }
0x19: {  	s28 =	sadd.s32 $0xA000, s4;
	s29 =	sadd.s32 $0xA800, s4;
	[dreg:$0x12] =	wrdreg s23  }
0x1a: {  	s30 =	sadd.s32 $0xB000, s4;
	s31 =	sadd.s32 $0xB800, s4;
	[dreg:$0x13] =	wrdreg s24  }
0x1b: {  	s0 =	sadd.s32 $0xC800, s4;
	s5 =	sadd.s32 $0xD000, s4;
	[dreg:$0x14] =	wrdreg s25  }
0x1c: {  	s7 =	sadd.s32 $0xE000, s4;
	s8 =	sadd.s32 $0xE800, s4;
	[dreg:$0x15] =	wrdreg s1  }
0x1d: {  	[dreg:$0x16] =	wrdreg s26;
	s26 =	sadd.s32 $0x9800, s4;
	s1 =	sadd.s32 $0xC000, s4  }
0x1e: {  	s6 =	sadd.s32 $0xD800, s4;
	s9 =	sadd.s32 $0xF000, s4;
	s10 =	sadd.s32 $0xF800, s4  }
0x1f: {  	s11 =	sadd.s32 $0x10000, s4;
	s12 =	sadd.s32 $0x10800, s4;
	s13 =	sadd.s32 $0x11000, s4  }
0x20: {  	s14 =	sadd.s32 $0x11800, s4;
	s15 =	sadd.s32 $0x12000, s4;
	s16 =	sadd.s32 $0x12800, s4  }
0x21: {  	s17 =	sadd.s32 $0x13000, s4;
	s18 =	sadd.s32 $0x13800, s4;
	s19 =	simm.s32 $0x6800  }
0x22: {  	v0 =	vimm.f32 $1.000000000e+00;
	v1 =	vimm.f32 $0.0e+00;
	s20 =	simm.s32 $0x1;
	s21 =	simm.s32 $0x80;
	s22 =	simm.s32 $0x2800  }
.LBB2_1:
0x23: {  	s23 =	simm.s32 $0x0;
	s24 =	simm.s32 $0x200  }
.LBB2_2:
0x24: {  	p0 =	sne.s32 s24, $0xFE00;
	[tilespmem:s23+$0x2870] =	vst v0  }
0x25: {  	[tilespmem:s23+$0x2800] =	vst v0  }
0x26: {  	[tilespmem:s23+$0x2810] =	vst v0  }
.Ltmp0:
0x27: {  	[tilespmem:s23+$0x2820] =	vst v0;
	(pc) =	sbr.rel @p0 .LBB2_2-.Ltmp0, $4  }
0x28: {  	[tilespmem:s23+$0x2830] =	vst v0  }
0x29: {  	[tilespmem:s23+$0x2840] =	vst v0  }
0x2a: {  	[tilespmem:s23+$0x2850] =	vst v0  }
0x2b: {  	[tilespmem:s23+$0x2860] =	vst v0;
	s23 =	sshra.s32 s24, $0x2;
	s24 =	sadd.s32 $0x200, s24  }
0x2c: {  	[tilespmem:s23+$0x2870] =	vst v0  }
0x2d: {  	[tilespmem:s23+$0x2800] =	vst v0  }
0x2e: {  	[tilespmem:s23+$0x2810] =	vst v0  }
0x2f: {  	[tilespmem:s23+$0x2820] =	vst v0  }
0x30: {  	[tilespmem:s23+$0x2830] =	vst v0  }
0x31: {  	[tilespmem:s23+$0x2840] =	vst v0  }
0x32: {  	[tilespmem:s23+$0x2850] =	vst v0  }
0x33: {  	[tilespmem:s23+$0x2860] =	vst v0;
	s23 =	simm.s32 $0x0;
	s24 =	simm.s32 $0x200  }
.LBB2_4:
0x34: {  	p0 =	sne.s32 s24, $0x1E00;
	[tilespmem:s23+$0x6870] =	vst v1  }
0x35: {  	[tilespmem:s23+$0x6800] =	vst v1  }
0x36: {  	[tilespmem:s23+$0x6810] =	vst v1  }
.Ltmp1:
0x37: {  	[tilespmem:s23+$0x6820] =	vst v1;
	(pc) =	sbr.rel @p0 .LBB2_4-.Ltmp1, $4  }
0x38: {  	[tilespmem:s23+$0x6830] =	vst v1  }
0x39: {  	[tilespmem:s23+$0x6840] =	vst v1  }
0x3a: {  	[tilespmem:s23+$0x6850] =	vst v1  }
0x3b: {  	[tilespmem:s23+$0x6860] =	vst v1;
	s23 =	sshra.s32 s24, $0x2;
	s24 =	sadd.s32 $0x200, s24  }
0x3c: {  	[tilespmem:s23+$0x6870] =	vst v1  }
0x3d: {  	[tilespmem:s23+$0x6800] =	vst v1  }
0x3e: {  	[tilespmem:s23+$0x6810] =	vst v1  }
0x3f: {  	[tilespmem:s23+$0x6820] =	vst v1  }
0x40: {  	[tilespmem:s23+$0x6830] =	vst v1  }
0x41: {  	[tilespmem:s23+$0x6840] =	vst v1  }
0x42: {  	[tilespmem:s23+$0x6850] =	vst v1  }
0x43: {  	[tilespmem:s23+$0x6860] =	vst v1  }
0x44: {  	[spmem:s4] =	stream.linear.scatter [tilespmem:s19], [sflag:$0x1], $0x800, $0x38;
	[tilespmem:$0x1B000] =	vst v63  }
0x45: {  	_ =	swait.ge [sflag:s20], $0x800  }
0x46: {  	[sflag:s20] =	ssyncset.done $0x0  }
0x47: {  	s25 =	rddreg [dreg:$0x3];
	[sflag:s20] =	ssyncadd.s32 $0xFFFFF800  }
0x48: {  	[spmem:s25] =	stream.linear.scatter [tilespmem:s19], [sflag:$0x1], $0x800, $0x38;
	[tilespmem:$0x1B000] =	vst v63  }
0x49: {  	_ =	swait.ge [sflag:s20], $0x800  }
0x4a: {  	[sflag:s20] =	ssyncset.done $0x0  }
0x4b: {  	s24 =	rddreg [dreg:$0x4];
	[sflag:s20] =	ssyncadd.s32 $0xFFFFF800  }
0x4c: {  	[spmem:s24] =	stream.linear.scatter [tilespmem:s19], [sflag:$0x1], $0x800, $0x38;
	[tilespmem:$0x1B000] =	vst v63  }
0x4d: {  	_ =	swait.ge [sflag:s20], $0x800  }
0x4e: {  	[sflag:s20] =	ssyncset.done $0x0  }
0x4f: {  	s25 =	rddreg [dreg:$0x5];
	[sflag:s20] =	ssyncadd.s32 $0xFFFFF800  }
0x50: {  	[spmem:s25] =	stream.linear.scatter [tilespmem:s19], [sflag:$0x1], $0x800, $0x38;
	[tilespmem:$0x1B000] =	vst v63  }
0x51: {  	_ =	swait.ge [sflag:s20], $0x800  }
0x52: {  	[sflag:s20] =	ssyncset.done $0x0  }
0x53: {  	s24 =	rddreg [dreg:$0x6];
	[sflag:s20] =	ssyncadd.s32 $0xFFFFF800  }
0x54: {  	[spmem:s24] =	stream.linear.scatter [tilespmem:s19], [sflag:$0x1], $0x800, $0x38;
	[tilespmem:$0x1B000] =	vst v63  }
0x55: {  	_ =	swait.ge [sflag:s20], $0x800  }
0x56: {  	[sflag:s20] =	ssyncset.done $0x0  }
0x57: {  	s25 =	rddreg [dreg:$0x7];
	[sflag:s20] =	ssyncadd.s32 $0xFFFFF800  }
0x58: {  	[spmem:s25] =	stream.linear.scatter [tilespmem:s19], [sflag:$0x1], $0x800, $0x38;
	[tilespmem:$0x1B000] =	vst v63  }
0x59: {  	_ =	swait.ge [sflag:s20], $0x800  }
0x5a: {  	[sflag:s20] =	ssyncset.done $0x0  }
0x5b: {  	s24 =	rddreg [dreg:$0x8];
	[sflag:s20] =	ssyncadd.s32 $0xFFFFF800  }
0x5c: {  	[spmem:s24] =	stream.linear.scatter [tilespmem:s19], [sflag:$0x1], $0x800, $0x38;
	[tilespmem:$0x1B000] =	vst v63  }
0x5d: {  	_ =	swait.ge [sflag:s20], $0x800  }
0x5e: {  	[sflag:s20] =	ssyncset.done $0x0  }
0x5f: {  	s25 =	rddreg [dreg:$0x9];
	[sflag:s20] =	ssyncadd.s32 $0xFFFFF800  }
0x60: {  	[spmem:s25] =	stream.linear.scatter [tilespmem:s19], [sflag:$0x1], $0x800, $0x38;
	[tilespmem:$0x1B000] =	vst v63  }
0x61: {  	_ =	swait.ge [sflag:s20], $0x800  }
0x62: {  	[sflag:s20] =	ssyncset.done $0x0  }
0x63: {  	s24 =	rddreg [dreg:$0xa];
	[sflag:s20] =	ssyncadd.s32 $0xFFFFF800  }
0x64: {  	[spmem:s24] =	stream.linear.scatter [tilespmem:s19], [sflag:$0x1], $0x800, $0x38;
	[tilespmem:$0x1B000] =	vst v63  }
0x65: {  	_ =	swait.ge [sflag:s20], $0x800  }
0x66: {  	[sflag:s20] =	ssyncset.done $0x0  }
0x67: {  	s25 =	rddreg [dreg:$0xb];
	[sflag:s20] =	ssyncadd.s32 $0xFFFFF800  }
0x68: {  	[spmem:s25] =	stream.linear.scatter [tilespmem:s19], [sflag:$0x1], $0x800, $0x38;
	[tilespmem:$0x1B000] =	vst v63  }
0x69: {  	_ =	swait.ge [sflag:s20], $0x800  }
0x6a: {  	[sflag:s20] =	ssyncset.done $0x0  }
0x6b: {  	s24 =	rddreg [dreg:$0xc];
	[sflag:s20] =	ssyncadd.s32 $0xFFFFF800  }
0x6c: {  	[spmem:s24] =	stream.linear.scatter [tilespmem:s19], [sflag:$0x1], $0x800, $0x38;
	[tilespmem:$0x1B000] =	vst v63  }
0x6d: {  	_ =	swait.ge [sflag:s20], $0x800  }
0x6e: {  	[sflag:s20] =	ssyncset.done $0x0  }
0x6f: {  	s25 =	rddreg [dreg:$0xd];
	[sflag:s20] =	ssyncadd.s32 $0xFFFFF800  }
0x70: {  	[spmem:s25] =	stream.linear.scatter [tilespmem:s19], [sflag:$0x1], $0x800, $0x38;
	[tilespmem:$0x1B000] =	vst v63  }
0x71: {  	_ =	swait.ge [sflag:s20], $0x800  }
0x72: {  	[sflag:s20] =	ssyncset.done $0x0  }
0x73: {  	s24 =	rddreg [dreg:$0xe];
	[sflag:s20] =	ssyncadd.s32 $0xFFFFF800  }
0x74: {  	[spmem:s24] =	stream.linear.scatter [tilespmem:s19], [sflag:$0x1], $0x800, $0x38;
	[tilespmem:$0x1B000] =	vst v63  }
0x75: {  	_ =	swait.ge [sflag:s20], $0x800  }
0x76: {  	[sflag:s20] =	ssyncset.done $0x0  }
0x77: {  	s25 =	rddreg [dreg:$0xf];
	[sflag:s20] =	ssyncadd.s32 $0xFFFFF800  }
0x78: {  	[spmem:s25] =	stream.linear.scatter [tilespmem:s19], [sflag:$0x1], $0x800, $0x38;
	[tilespmem:$0x1B000] =	vst v63  }
0x79: {  	_ =	swait.ge [sflag:s20], $0x800  }
0x7a: {  	[sflag:s20] =	ssyncset.done $0x0  }
0x7b: {  	s24 =	rddreg [dreg:$0x10];
	[sflag:s20] =	ssyncadd.s32 $0xFFFFF800  }
0x7c: {  	[spmem:s24] =	stream.linear.scatter [tilespmem:s19], [sflag:$0x1], $0x800, $0x38;
	[tilespmem:$0x1B000] =	vst v63  }
0x7d: {  	_ =	swait.ge [sflag:s20], $0x800  }
0x7e: {  	[sflag:s20] =	ssyncset.done $0x0  }
0x7f: {  	s25 =	rddreg [dreg:$0x11];
	[sflag:s20] =	ssyncadd.s32 $0xFFFFF800  }
0x80: {  	[spmem:s25] =	stream.linear.scatter [tilespmem:s19], [sflag:$0x1], $0x800, $0x38;
	[tilespmem:$0x1B000] =	vst v63  }
0x81: {  	_ =	swait.ge [sflag:s20], $0x800  }
0x82: {  	[sflag:s20] =	ssyncset.done $0x0  }
0x83: {  	s24 =	rddreg [dreg:$0x12];
	[sflag:s20] =	ssyncadd.s32 $0xFFFFF800  }
0x84: {  	[spmem:s24] =	stream.linear.scatter [tilespmem:s19], [sflag:$0x1], $0x800, $0x38;
	[tilespmem:$0x1B000] =	vst v63  }
0x85: {  	_ =	swait.ge [sflag:s20], $0x800  }
0x86: {  	[sflag:s20] =	ssyncset.done $0x0  }
0x87: {  	s25 =	rddreg [dreg:$0x13];
	[sflag:s20] =	ssyncadd.s32 $0xFFFFF800  }
0x88: {  	[spmem:s25] =	stream.linear.scatter [tilespmem:s19], [sflag:$0x1], $0x800, $0x38;
	[tilespmem:$0x1B000] =	vst v63  }
0x89: {  	_ =	swait.ge [sflag:s20], $0x800  }
0x8a: {  	[sflag:s20] =	ssyncset.done $0x0  }
0x8b: {  	s24 =	rddreg [dreg:$0x14];
	[sflag:s20] =	ssyncadd.s32 $0xFFFFF800  }
0x8c: {  	[spmem:s24] =	stream.linear.scatter [tilespmem:s19], [sflag:$0x1], $0x800, $0x38;
	[tilespmem:$0x1B000] =	vst v63  }
0x8d: {  	_ =	swait.ge [sflag:s20], $0x800  }
0x8e: {  	[sflag:s20] =	ssyncset.done $0x0  }
0x8f: {  	[sflag:s20] =	ssyncadd.s32 $0xFFFFF800  }
0x90: {  	[spmem:s26] =	stream.linear.scatter [tilespmem:s19], [sflag:$0x1], $0x800, $0x38;
	[tilespmem:$0x1B000] =	vst v63  }
0x91: {  	_ =	swait.ge [sflag:s20], $0x800  }
0x92: {  	[sflag:s20] =	ssyncset.done $0x0  }
0x93: {  	[sflag:s20] =	ssyncadd.s32 $0xFFFFF800  }
0x94: {  	[spmem:s28] =	stream.linear.scatter [tilespmem:s19], [sflag:$0x1], $0x800, $0x38;
	[tilespmem:$0x1B000] =	vst v63  }
0x95: {  	_ =	swait.ge [sflag:s20], $0x800  }
0x96: {  	[sflag:s20] =	ssyncset.done $0x0  }
0x97: {  	[sflag:s20] =	ssyncadd.s32 $0xFFFFF800  }
0x98: {  	[spmem:s29] =	stream.linear.scatter [tilespmem:s19], [sflag:$0x1], $0x800, $0x38;
	[tilespmem:$0x1B000] =	vst v63  }
0x99: {  	_ =	swait.ge [sflag:s20], $0x800  }
0x9a: {  	[sflag:s20] =	ssyncset.done $0x0  }
0x9b: {  	[sflag:s20] =	ssyncadd.s32 $0xFFFFF800  }
0x9c: {  	[spmem:s30] =	stream.linear.scatter [tilespmem:s19], [sflag:$0x1], $0x800, $0x38;
	[tilespmem:$0x1B000] =	vst v63  }
0x9d: {  	_ =	swait.ge [sflag:s20], $0x800  }
0x9e: {  	[sflag:s20] =	ssyncset.done $0x0  }
0x9f: {  	[sflag:s20] =	ssyncadd.s32 $0xFFFFF800  }
0xa0: {  	[spmem:s31] =	stream.linear.scatter [tilespmem:s19], [sflag:$0x1], $0x800, $0x38;
	[tilespmem:$0x1B000] =	vst v63  }
0xa1: {  	_ =	swait.ge [sflag:s20], $0x800  }
0xa2: {  	[sflag:s20] =	ssyncset.done $0x0  }
0xa3: {  	[sflag:s20] =	ssyncadd.s32 $0xFFFFF800  }
0xa4: {  	[spmem:s1] =	stream.linear.scatter [tilespmem:s19], [sflag:$0x1], $0x800, $0x38;
	[tilespmem:$0x1B000] =	vst v63  }
0xa5: {  	_ =	swait.ge [sflag:s20], $0x800  }
0xa6: {  	[sflag:s20] =	ssyncset.done $0x0  }
0xa7: {  	[sflag:s20] =	ssyncadd.s32 $0xFFFFF800  }
0xa8: {  	[spmem:s0] =	stream.linear.scatter [tilespmem:s19], [sflag:$0x1], $0x800, $0x38;
	[tilespmem:$0x1B000] =	vst v63  }
0xa9: {  	_ =	swait.ge [sflag:s20], $0x800  }
0xaa: {  	[sflag:s20] =	ssyncset.done $0x0  }
0xab: {  	[sflag:s20] =	ssyncadd.s32 $0xFFFFF800  }
0xac: {  	[spmem:s5] =	stream.linear.scatter [tilespmem:s19], [sflag:$0x1], $0x800, $0x38;
	[tilespmem:$0x1B000] =	vst v63  }
0xad: {  	_ =	swait.ge [sflag:s20], $0x800  }
0xae: {  	[sflag:s20] =	ssyncset.done $0x0  }
0xaf: {  	[sflag:s20] =	ssyncadd.s32 $0xFFFFF800  }
0xb0: {  	[spmem:s6] =	stream.linear.scatter [tilespmem:s19], [sflag:$0x1], $0x800, $0x38;
	[tilespmem:$0x1B000] =	vst v63  }
0xb1: {  	_ =	swait.ge [sflag:s20], $0x800  }
0xb2: {  	[sflag:s20] =	ssyncset.done $0x0  }
0xb3: {  	[sflag:s20] =	ssyncadd.s32 $0xFFFFF800  }
0xb4: {  	[spmem:s7] =	stream.linear.scatter [tilespmem:s19], [sflag:$0x1], $0x800, $0x38;
	[tilespmem:$0x1B000] =	vst v63  }
0xb5: {  	_ =	swait.ge [sflag:s20], $0x800  }
0xb6: {  	[sflag:s20] =	ssyncset.done $0x0  }
0xb7: {  	[sflag:s20] =	ssyncadd.s32 $0xFFFFF800  }
0xb8: {  	[spmem:s8] =	stream.linear.scatter [tilespmem:s19], [sflag:$0x1], $0x800, $0x38;
	[tilespmem:$0x1B000] =	vst v63  }
0xb9: {  	_ =	swait.ge [sflag:s20], $0x800  }
0xba: {  	[sflag:s20] =	ssyncset.done $0x0  }
0xbb: {  	[sflag:s20] =	ssyncadd.s32 $0xFFFFF800  }
0xbc: {  	[spmem:s9] =	stream.linear.scatter [tilespmem:s19], [sflag:$0x1], $0x800, $0x38;
	[tilespmem:$0x1B000] =	vst v63  }
0xbd: {  	_ =	swait.ge [sflag:s20], $0x800  }
0xbe: {  	[sflag:s20] =	ssyncset.done $0x0  }
0xbf: {  	[sflag:s20] =	ssyncadd.s32 $0xFFFFF800  }
0xc0: {  	[spmem:s10] =	stream.linear.scatter [tilespmem:s19], [sflag:$0x1], $0x800, $0x38;
	[tilespmem:$0x1B000] =	vst v63  }
0xc1: {  	_ =	swait.ge [sflag:s20], $0x800  }
0xc2: {  	[sflag:s20] =	ssyncset.done $0x0  }
0xc3: {  	[sflag:s20] =	ssyncadd.s32 $0xFFFFF800  }
0xc4: {  	[spmem:s11] =	stream.linear.scatter [tilespmem:s19], [sflag:$0x1], $0x800, $0x38;
	[tilespmem:$0x1B000] =	vst v63  }
0xc5: {  	_ =	swait.ge [sflag:s20], $0x800  }
0xc6: {  	[sflag:s20] =	ssyncset.done $0x0  }
0xc7: {  	[sflag:s20] =	ssyncadd.s32 $0xFFFFF800  }
0xc8: {  	[spmem:s12] =	stream.linear.scatter [tilespmem:s19], [sflag:$0x1], $0x800, $0x38;
	[tilespmem:$0x1B000] =	vst v63  }
0xc9: {  	_ =	swait.ge [sflag:s20], $0x800  }
0xca: {  	[sflag:s20] =	ssyncset.done $0x0  }
0xcb: {  	[sflag:s20] =	ssyncadd.s32 $0xFFFFF800  }
0xcc: {  	[spmem:s13] =	stream.linear.scatter [tilespmem:s19], [sflag:$0x1], $0x800, $0x38;
	[tilespmem:$0x1B000] =	vst v63  }
0xcd: {  	_ =	swait.ge [sflag:s20], $0x800  }
0xce: {  	[sflag:s20] =	ssyncset.done $0x0  }
0xcf: {  	[sflag:s20] =	ssyncadd.s32 $0xFFFFF800  }
0xd0: {  	[spmem:s14] =	stream.linear.scatter [tilespmem:s19], [sflag:$0x1], $0x800, $0x38;
	[tilespmem:$0x1B000] =	vst v63  }
0xd1: {  	_ =	swait.ge [sflag:s20], $0x800  }
0xd2: {  	[sflag:s20] =	ssyncset.done $0x0  }
0xd3: {  	[sflag:s20] =	ssyncadd.s32 $0xFFFFF800  }
0xd4: {  	[spmem:s15] =	stream.linear.scatter [tilespmem:s19], [sflag:$0x1], $0x800, $0x38;
	[tilespmem:$0x1B000] =	vst v63  }
0xd5: {  	_ =	swait.ge [sflag:s20], $0x800  }
0xd6: {  	[sflag:s20] =	ssyncset.done $0x0  }
0xd7: {  	[sflag:s20] =	ssyncadd.s32 $0xFFFFF800  }
0xd8: {  	[spmem:s16] =	stream.linear.scatter [tilespmem:s19], [sflag:$0x1], $0x800, $0x38;
	[tilespmem:$0x1B000] =	vst v63  }
0xd9: {  	_ =	swait.ge [sflag:s20], $0x800  }
0xda: {  	[sflag:s20] =	ssyncset.done $0x0  }
0xdb: {  	[sflag:s20] =	ssyncadd.s32 $0xFFFFF800  }
0xdc: {  	[spmem:s17] =	stream.linear.scatter [tilespmem:s19], [sflag:$0x1], $0x800, $0x38;
	[tilespmem:$0x1B000] =	vst v63  }
0xdd: {  	_ =	swait.ge [sflag:s20], $0x800  }
0xde: {  	[sflag:s20] =	ssyncset.done $0x0  }
0xdf: {  	[sflag:s20] =	ssyncadd.s32 $0xFFFFF800  }
0xe0: {  	[spmem:s18] =	stream.linear.scatter [tilespmem:s19], [sflag:$0x1], $0x800, $0x38;
	[tilespmem:$0x1B000] =	vst v63  }
0xe1: {  	_ =	swait.ge [sflag:s20], $0x800  }
0xe2: {  	[sflag:s20] =	ssyncset.done $0x0  }
0xe3: {  	[sflag:s20] =	ssyncadd.s32 $0xFFFFF800  }
0xe4: {  	[bflag:$0x0] =	sbarrier.arrive $0xFFFF  }
0xe5: {  	s25 =	simm.s32 $0x0;
	s24 =	rddreg [dreg:$0x15]  }
0xe6: {  	[tilespmem:s25], [sflag:$0x1] =	stream.linear.gather [hbm4b:s24+s25], $0x2800, $0x38;
	[tilespmem:$0x1B000] =	vst v63  }
0xe7: {  	_ =	swait.ge [sflag:s20], $0x2800  }
0xe8: {  	[sflag:s20] =	ssyncset.done $0x0  }
0xe9: {  	s25 =	simm.s32 $0x0;
	[sflag:s20] =	ssyncadd.s32 $0xFFFFD800  }
0xea: {  	[spmem:s2] =	stream.indirect.scatter.add.f32 [tilespmem:s22], [sflag:$0x1], $0x80, s25, s21, $0xb8;
	[tilespmem:$0x1B000] =	vst v63  }
0xeb: {  	_ =	swait.ge [sflag:s20], $0x4000  }
0xec: {  	s23 =	simm.s32 $0x200;
	[sflag:s20] =	ssyncset.done $0x0  }
.LBB2_6:
0xed: {  	s24 =	sshra.s32 s23, $0x2;
	[sflag:s20] =	ssyncadd.s32 $0xFFFFC000;
	p0 =	sne.s32 s23, $0x9E00  }
0xee: {  	[spmem:s2] =	stream.indirect.scatter.add.f32 [tilespmem:s22], [sflag:$0x1], $0x80, s24, s21, $0xb8;
	[tilespmem:$0x1B000] =	vst v63  }
.Ltmp2:
0xef: {  	_ = 	snop;
	(pc) =	sbr.rel @p0 .LBB2_6-.Ltmp2, $4  }
0xf0: {  	_ = 	snop  }
0xf1: {  	s23 =	sadd.s32 $0x200, s23  }
0xf2: {  	_ =	swait.ge [sflag:s20], $0x4000  }
0xf3: {  	[sflag:s20] =	ssyncset.done $0x0  }
0xf4: {  	[sflag:s20] =	ssyncadd.s32 $0xFFFFC000;
	s23 =	stileid.u32  }
0xf5: {  	s23 =	sshll.u32 s23, $0x6;
	[bflag:$0x0] =	sbarrier.arrive $0xFFFF  }
0xf6: {  	s24 =	sshrl.u32 s4, $0x3;
	s23 =	sor.u32 $0x1C01, s23;
	s25 =	rddreg [dreg:$0x16]  }
0xf7: {  	[hbm:s25], [sflag:s23] =	dma.local [spmem:s24], $0x2800  }
0xf8: {  	_ =	swait.ge [sflag:s20], $0x2800  }
0xf9: {  	s3 =	sadd.s32 $0x1, s3;
	s25 =	rddreg [dreg:$0x17]  }
0xfa: {  	p0 =	sne.s32 s3, s25  }
.Ltmp3:
0xfb: {  	_ = 	snop;
	(pc) =	sbr.rel @p0 .LBB2_1-.Ltmp3, $3  }
0xfc: {  	_ =	sdelay $0x1  }
0xfd: {  	[sflag:s20] =	ssyncset.done $0x0  }
0xfe: {  	[sflag:s20] =	ssyncadd.s32 $0xFFFFD800  }
0xff: {  	_ =	sfence.sel $0x180000  }
0x100: {  	[bflag:$0x0] =	sbarrier.arrive $0xFFFF  }
0x101: {  	_ =	strace $0x90000047  }
0x102: {  	s0 =	stileid.u32;
	[bflag:$0x2] =	sbarrier.arrive $0xFFFF  }
0x103: {  	p0 =	sne.s32 s0, $0x0;
	s0 =	rddreg [dreg:$0x2]  }
0x104: {  	s0 =	sadd.s32 @!p0 $0x100000, s0  }
0x105: {  	[sflag:s0] =	ssyncadd.tile.s32 @!p0 $0x1;
	_ =	shalt  }
.Lfunc_end2:
_tile_overlayer_lowered:
.L_overlay_start_2:
0x106: {  	(tag) =	ssettag $0x2  }
0x107: {  	s0 =	rddreg [dreg:$0x0];
	s2 =	stileid.u32  }
0x108: {  	s1 =	rddreg [dreg:$0x1];
	p0 =	sne.s32 s2, $0x0  }
0x109: {  	s3 =	rddreg [dreg:$0x2];
	[bflag:$0x3] =	sbarrier.arrive $0xFFFF;
	s2 =	simm.s32 @!p0 $0x1C01  }
0x10a: {  	[timem:s3], [sflag:s2] =	dma.local @!p0 [hbm:s0], s1  }
0x10b: {  	s0 =	simm.s32 @!p0 $0x1  }
0x10c: {  	_ =	swait.ge @!p0 [sflag:s0], s1  }
0x10d: {  	s1 =	ssub.s32 @!p0 $0x0, s1;
	[sflag:s0] =	ssyncset.done @!p0 $0x0  }
0x10e: {  	[sflag:s0] =	ssyncadd.s32 @!p0 s1  }
0x10f: {  	[bflag:$0x3] =	sbarrier.arrive $0xFFFF  }
0x110: {  	_ =	shalt  }

</sc_bundles>
